<compile_context>
chip_gen: v7x
topology: tpu7x:2x2x1
jax: 0.10.2.dev20260603
libtpu: 0.0.44.dev20260713+nightly
codegen_flags: <defaults>
</compile_context>

<pallas_src>
import functools

import jax
import jax.numpy as jnp
from jax import lax
from jax.experimental import pallas as pl
from jax.experimental.pallas import tpu as pltpu
from jax.experimental.pallas import tpu_sc as plsc

N = 10000
E = 320000
D = 128

NC = 2
NS = 16
EPC = E // NC
EPT = EPC // NS
CH = 104
NFULL = EPT // CH
TAIL = EPT - NFULL * CH
IR = 6
RR = 3
ROWS_A = 632
ROWS_LAST = N - (NS - 1) * ROWS_A

_MESH = plsc.VectorSubcoreMesh(core_axis_name="c", subcore_axis_name="s")


@functools.partial(
    pl.kernel,
    mesh=_MESH,
    out_type=jax.ShapeDtypeStruct((NC, N, D), jnp.float32),
    scratch_types=(
        [pltpu.VMEM((CH,), jnp.int32) for _ in range(IR)]
        + [pltpu.VMEM((CH,), jnp.int32) for _ in range(IR)]
        + [pltpu.VMEM((CH, D), jnp.float32) for _ in range(RR)]
        + [pltpu.VMEM((TAIL,), jnp.int32),
           pltpu.VMEM((TAIL,), jnp.int32),
           pltpu.VMEM((TAIL, D), jnp.float32),
           pltpu.VMEM_SHARED((N, D), jnp.float32)]
        + [pltpu.SemaphoreType.DMA for _ in range(IR + 2 * RR)]
    ),
)
def _segsum_sc(y_hbm, src_hbm, dst_hbm, zeros_hbm, out_hbm, *scr):
    sx = scr[0:IR]
    dx = scr[IR:2 * IR]
    rw = scr[2 * IR:2 * IR + RR]
    stx, tdx, trw, acc = scr[2 * IR + RR:2 * IR + RR + 4]
    qi = scr[2 * IR + RR + 4:2 * IR + RR + 4 + IR]
    qg = scr[2 * IR + RR + 4 + IR:2 * IR + RR + 4 + IR + RR]
    qs = scr[2 * IR + RR + 4 + IR + RR:]

    cid = lax.axis_index("c")
    sid = lax.axis_index("s")
    roff = pl.multiple_of(sid * ROWS_A, 8)

    @pl.when(sid < NS - 1)
    def _():
        pltpu.async_copy(zeros_hbm.at[pl.ds(roff, ROWS_A)],
                         acc.at[pl.ds(roff, ROWS_A)], qs[0])

    @pl.when(sid == NS - 1)
    def _():
        pltpu.async_copy(zeros_hbm.at[pl.ds(roff, ROWS_LAST)],
                         acc.at[pl.ds(roff, ROWS_LAST)], qs[0])

    eb = pl.multiple_of((cid * NS + sid) * EPT, 8)

    def fetch_idx(jj, i):
        lo = pl.multiple_of(eb + jj * CH, 8)
        pltpu.async_copy(src_hbm.at[pl.ds(lo, CH)], sx[i], qi[i])
        pltpu.async_copy(dst_hbm.at[pl.ds(lo, CH)], dx[i], qi[i])

    def drain_idx(i):
        pltpu.make_async_copy(src_hbm.at[pl.ds(0, CH)], sx[i], qi[i]).wait()
        pltpu.make_async_copy(dst_hbm.at[pl.ds(0, CH)], dx[i], qi[i]).wait()

    def issue_gather(i, r):
        pltpu.async_copy(y_hbm.at[sx[i]], rw[r], qg[r])

    def drain_gather(r):
        pltpu.make_async_copy(y_hbm.at[pl.ds(0, CH)], rw[r], qg[r]).wait()

    def issue_scatter(i, r):
        pltpu.async_copy(rw[r], acc.at[dx[i]], qs[r], add=True)

    def drain_scatter(i, r):
        pltpu.make_async_copy(rw[r], acc.at[dx[i]], qs[r]).wait()

    fetch_idx(0, 0)
    fetch_idx(1, 1)
    fetch_idx(2, 2)
    fetch_idx(3, 3)
    drain_idx(0)
    issue_gather(0, 0)
    drain_idx(1)
    issue_gather(1, 1)

    @pl.when(sid < NS - 1)
    def _():
        pltpu.make_async_copy(zeros_hbm.at[pl.ds(roff, ROWS_A)],
                              acc.at[pl.ds(roff, ROWS_A)], qs[0]).wait()

    @pl.when(sid == NS - 1)
    def _():
        pltpu.make_async_copy(zeros_hbm.at[pl.ds(roff, ROWS_LAST)],
                              acc.at[pl.ds(roff, ROWS_LAST)], qs[0]).wait()

    plsc.subcore_barrier()

    def body(k, carry):
        for b in range(IR):
            jj = IR * k + b
            drain_gather(b % RR)
            issue_scatter(b, b % RR)

            @pl.when(jj >= 1)
            def _():
                drain_scatter((b + 5) % IR, (b + 2) % RR)

            @pl.when(jj + 2 < NFULL)
            def _():
                drain_idx((b + 2) % IR)
                issue_gather((b + 2) % IR, (b + 2) % RR)

            @pl.when(jj + 4 < NFULL)
            def _():
                fetch_idx(jj + 4, (b + 4) % IR)

        return carry

    lax.fori_loop(0, NFULL // IR, body, 0)

    drain_scatter((NFULL - 1) % IR, (NFULL - 1) % RR)

    lo_t = pl.multiple_of(eb + NFULL * CH, 8)
    pltpu.sync_copy(src_hbm.at[pl.ds(lo_t, TAIL)], stx)
    pltpu.sync_copy(dst_hbm.at[pl.ds(lo_t, TAIL)], tdx)
    pltpu.async_copy(y_hbm.at[stx], trw, qi[0]).wait()
    pltpu.sync_copy(trw, acc.at[tdx], add=True)

    plsc.subcore_barrier()

    @pl.when(sid < NS - 1)
    def _():
        pltpu.sync_copy(acc.at[pl.ds(roff, ROWS_A)],
                        out_hbm.at[cid, pl.ds(roff, ROWS_A)])

    @pl.when(sid == NS - 1)
    def _():
        pltpu.sync_copy(acc.at[pl.ds(roff, ROWS_LAST)],
                        out_hbm.at[cid, pl.ds(roff, ROWS_LAST)])


def _mmb(a, b):
    return jnp.dot(a.astype(jnp.bfloat16), b.astype(jnp.bfloat16),
                   preferred_element_type=jnp.float32)


def _bn_relu(z, g, be):
    m = jnp.mean(z, axis=0, keepdims=True)
    zc = z - m
    v = jnp.mean(zc * zc, axis=0, keepdims=True)
    return jnp.maximum(g * zc * lax.rsqrt(v + 1e-5) + be, 0.0)


def _self_body(h_ref, ws_ref, bl_ref, s_ref):
    s_ref[...] = _mmb(h_ref[...], ws_ref[...]) + bl_ref[...]


def _self_mm(h, ws, bl):
    return pl.pallas_call(
        _self_body,
        out_shape=jax.ShapeDtypeStruct((N, D), jnp.float32),
    )(h, ws, bl.reshape(1, D))


def _combine_body(s_ref, p_ref, wn_ref, g_ref, be_ref, ho_ref):
    agg = p_ref[0] + p_ref[1]
    z = s_ref[...] + _mmb(agg, wn_ref[...])
    ho_ref[...] = _bn_relu(z, g_ref[...], be_ref[...])


def _combine(s, p, wn, g, be):
    return pl.pallas_call(
        _combine_body,
        out_shape=jax.ShapeDtypeStruct((N, D), jnp.float32),
    )(s, p, wn, g.reshape(1, D), be.reshape(1, D))


def _head_body(s_ref, p_ref, wn_ref, g_ref, be_ref, wh_ref, bh_ref, o_ref):
    agg = p_ref[0] + p_ref[1]
    z = s_ref[...] + _mmb(agg, wn_ref[...])
    hn = _bn_relu(z, g_ref[...], be_ref[...])
    o_ref[...] = _mmb(hn, wh_ref[...]) + bh_ref[...]


def _head(s, p, wn, g, be, wh, bh):
    return pl.pallas_call(
        _head_body,
        out_shape=jax.ShapeDtypeStruct((N, D), jnp.float32),
    )(s, p, wn, g.reshape(1, D), be.reshape(1, D), wh, bh.reshape(1, D))


def kernel(x, ei, Ws1, Wn1, bl1, g1, be1, Ws2, Wn2, bl2, g2, be2,
           Ws3, Wn3, bl3, g3, be3, Wh, bh):
    src = ei[0]
    dst = ei[1]
    zeros = jnp.zeros((N, D), jnp.float32)

    s1 = _self_mm(x, Ws1, bl1)
    p1 = _segsum_sc(x, src, dst, zeros)
    h1 = _combine(s1, p1, Wn1, g1, be1)
    s2 = _self_mm(h1, Ws2, bl2)
    p2 = _segsum_sc(h1, src, dst, zeros)
    h2 = _combine(s2, p2, Wn2, g2, be2)
    s3 = _self_mm(h2, Ws3, bl3)
    p3 = _segsum_sc(h2, src, dst, zeros)
    return _head(s3, p3, Wn3, g3, be3, Wh, bh)

# --- scband reference (transcript-rebuilt; emitter-appended) ---
"""Pipeline reference for scband-baseline-gnnmodel-87651692577500 (READ-ONLY COPY).

The authoritative reference and input builder live on the scoring server;
editing this copy changes nothing except your own understanding.
"""

import jax, jax.numpy as jnp
import numpy as np

N = 10000
E = 320000
D = 128
H = 128
OC = 128


def setup_inputs(seed: int = 0) -> dict:
    key = jax.random.key(seed)
    ks = jax.random.split(key, 24)

    def glorot(k, fan_in, fan_out):
        return jax.random.normal(k, (fan_in, fan_out), dtype=jnp.float32) * jnp.sqrt(2.0 / (fan_in + fan_out))

    inp = {}
    inp["x"] = jax.random.normal(ks[0], (N, D), dtype=jnp.float32)
    inp["ei"] = jax.random.randint(ks[1], (2, E), 0, N, dtype=jnp.int32)
    dims = [(D, H), (H, H), (H, H)]
    for i, (fi, fo) in enumerate(dims, start=1):
        inp[f"Ws{i}"] = glorot(ks[2 + 4 * i], fi, fo)
        inp[f"Wn{i}"] = glorot(ks[3 + 4 * i], fi, fo)
        inp[f"bl{i}"] = jnp.zeros((fo,), dtype=jnp.float32)
        inp[f"g{i}"] = jnp.ones((fo,), dtype=jnp.float32)
        inp[f"be{i}"] = jnp.zeros((fo,), dtype=jnp.float32)
    inp["Wh"] = glorot(ks[23], H, OC)
    inp["bh"] = jnp.zeros((OC,), dtype=jnp.float32)
    return inp


def _conv(x, src, dst, Ws, Wn, b):
    # GraphConv-style message passing: self transform + sum-aggregated neighbor transform
    agg = jax.ops.segment_sum(x[src], dst, num_segments=N)
    return x @ Ws + agg @ Wn + b


def _bn(x, g, b):
    m = jnp.mean(x, axis=0)
    v = jnp.var(x, axis=0)
    return g * (x - m) * jax.lax.rsqrt(v + 1e-5) + b


def reference(x, ei, Ws1, Wn1, bl1, g1, be1, Ws2, Wn2, bl2, g2, be2, Ws3, Wn3, bl3, g3, be3, Wh, bh):
    src, dst = ei[0], ei[1]
    h = jax.nn.relu(_bn(_conv(x, src, dst, Ws1, Wn1, bl1), g1, be1))
    h = jax.nn.relu(_bn(_conv(h, src, dst, Ws2, Wn2, bl2), g2, be2))
    h = jax.nn.relu(_bn(_conv(h, src, dst, Ws3, Wn3, bl3), g3, be3))
    return h @ Wh + bh

if __name__ == "__main__":
    import jax
    _d = setup_inputs()
    print(jax.jit(kernel)(*tuple(_d.values())))

</pallas_src>

<mosaic_0001>
#map = affine_map<(d0, d1) -> (0, 0)>
#map1 = affine_map<(d0, d1) -> (0)>
#map2 = affine_map<(d0, d1) -> (0, 0, 0)>
module attributes {stable_mosaic.version = 14 : i64} {
  func.func @_segsum_sc(%arg0: i32, %arg1: i32, %arg2: memref<10000x128xf32, #tpu.memory_space<hbm>>, %arg3: memref<320000xi32, #tpu.memory_space<hbm>>, %arg4: memref<320000xi32, #tpu.memory_space<hbm>>, %arg5: memref<10000x128xf32, #tpu.memory_space<hbm>>, %arg6: memref<2x10000x128xf32, #tpu.memory_space<hbm>>, %arg7: memref<104xi32, #tpu.memory_space<vmem>>, %arg8: memref<104xi32, #tpu.memory_space<vmem>>, %arg9: memref<104xi32, #tpu.memory_space<vmem>>, %arg10: memref<104xi32, #tpu.memory_space<vmem>>, %arg11: memref<104xi32, #tpu.memory_space<vmem>>, %arg12: memref<104xi32, #tpu.memory_space<vmem>>, %arg13: memref<104xi32, #tpu.memory_space<vmem>>, %arg14: memref<104xi32, #tpu.memory_space<vmem>>, %arg15: memref<104xi32, #tpu.memory_space<vmem>>, %arg16: memref<104xi32, #tpu.memory_space<vmem>>, %arg17: memref<104xi32, #tpu.memory_space<vmem>>, %arg18: memref<104xi32, #tpu.memory_space<vmem>>, %arg19: memref<104x128xf32, #tpu.memory_space<vmem>>, %arg20: memref<104x128xf32, #tpu.memory_space<vmem>>, %arg21: memref<104x128xf32, #tpu.memory_space<vmem>>, %arg22: memref<16xi32, #tpu.memory_space<vmem>>, %arg23: memref<16xi32, #tpu.memory_space<vmem>>, %arg24: memref<16x128xf32, #tpu.memory_space<vmem>>, %arg25: memref<10000x128xf32, #tpu.memory_space<vmem_shared>>, %arg26: memref<!tpu.dma_semaphore, #tpu.memory_space<semaphore_mem>>, %arg27: memref<!tpu.dma_semaphore, #tpu.memory_space<semaphore_mem>>, %arg28: memref<!tpu.dma_semaphore, #tpu.memory_space<semaphore_mem>>, %arg29: memref<!tpu.dma_semaphore, #tpu.memory_space<semaphore_mem>>, %arg30: memref<!tpu.dma_semaphore, #tpu.memory_space<semaphore_mem>>, %arg31: memref<!tpu.dma_semaphore, #tpu.memory_space<semaphore_mem>>, %arg32: memref<!tpu.dma_semaphore, #tpu.memory_space<semaphore_mem>>, %arg33: memref<!tpu.dma_semaphore, #tpu.memory_space<semaphore_mem>>, %arg34: memref<!tpu.dma_semaphore, #tpu.memory_space<semaphore_mem>>, %arg35: memref<!tpu.dma_semaphore, #tpu.memory_space<semaphore_mem>>, %arg36: memref<!tpu.dma_semaphore, #tpu.memory_space<semaphore_mem>>, %arg37: memref<!tpu.dma_semaphore, #tpu.memory_space<semaphore_mem>>) attributes {dimension_semantics = [#tpu.dimension_semantics<core_parallel>, #tpu.dimension_semantics<subcore_parallel>], iteration_bounds = array<i64: 2, 16>, scalar_prefetch = 0 : i64, scratch_operands = 31 : i64, tpu.core_type = #tpu.core_type<sc_vector_subcore>, window_params = [{transform_indices = #map}, {transform_indices = #map1}, {transform_indices = #map1}, {transform_indices = #map}, {transform_indices = #map2}]} {
    %mul3A = arith.constant 632 : i32
    %mul3A_0 = arith.muli %arg1, %mul3A : i32
    %multiple_of3A = tpu.assume_multiple %mul3A_0, 8 : i32
    %lt3A = arith.constant 15 : i32
    %lt3A_1 = arith.cmpi slt, %arg1, %lt3A : i32
    %convert_element_type3A = arith.extui %lt3A_1 : i1 to i32
    %cond3A = arith.constant 0 : i32
    %cond3A_2 = arith.cmpi ne, %convert_element_type3A, %cond3A : i32
    scf.if %cond3A_2 {
      %dma_start3A_98 = arith.constant 0 : i32
      %dma_start3A_99 = tpu.memref_slice %arg25[%multiple_of3A, %dma_start3A_98] : memref<10000x128xf32, #tpu.memory_space<vmem_shared>> -> memref<632x128xf32, #tpu.memory_space<vmem_shared>>
      %dma_start3A_100 = arith.constant 0 : i32
      %dma_start3A_101 = tpu.memref_slice %arg5[%multiple_of3A, %dma_start3A_100] : memref<10000x128xf32, #tpu.memory_space<hbm>> -> memref<632x128xf32, #tpu.memory_space<hbm>>
      tpu.enqueue_dma source(%dma_start3A_101 : memref<632x128xf32, #tpu.memory_space<hbm>>) target(%dma_start3A_99 : memref<632x128xf32, #tpu.memory_space<vmem_shared>>) target_semaphore(%arg35 : memref<!tpu.dma_semaphore, #tpu.memory_space<semaphore_mem>>)
    } else {
    }
    %eq3A = arith.constant 15 : i32
    %eq3A_3 = arith.cmpi eq, %arg1, %eq3A : i32
    %convert_element_type3A_4 = arith.extui %eq3A_3 : i1 to i32
    %cond3A_5 = arith.constant 0 : i32
    %cond3A_6 = arith.cmpi ne, %convert_element_type3A_4, %cond3A_5 : i32
    scf.if %cond3A_6 {
      %dma_start3A_98 = arith.constant 0 : i32
      %dma_start3A_99 = tpu.memref_slice %arg25[%multiple_of3A, %dma_start3A_98] : memref<10000x128xf32, #tpu.memory_space<vmem_shared>> -> memref<520x128xf32, #tpu.memory_space<vmem_shared>>
      %dma_start3A_100 = arith.constant 0 : i32
      %dma_start3A_101 = tpu.memref_slice %arg5[%multiple_of3A, %dma_start3A_100] : memref<10000x128xf32, #tpu.memory_space<hbm>> -> memref<520x128xf32, #tpu.memory_space<hbm>>
      tpu.enqueue_dma source(%dma_start3A_101 : memref<520x128xf32, #tpu.memory_space<hbm>>) target(%dma_start3A_99 : memref<520x128xf32, #tpu.memory_space<vmem_shared>>) target_semaphore(%arg35 : memref<!tpu.dma_semaphore, #tpu.memory_space<semaphore_mem>>)
    } else {
    }
    %mul3A_7 = arith.constant 16 : i32
    %mul3A_8 = arith.muli %arg0, %mul3A_7 : i32
    %add3A = arith.addi %mul3A_8, %arg1 : i32
    %mul3A_9 = arith.constant 10000 : i32
    %mul3A_10 = arith.muli %add3A, %mul3A_9 : i32
    %multiple_of3A_11 = tpu.assume_multiple %mul3A_10, 8 : i32
    %add3A_12 = arith.constant 0 : i32
    %add3A_13 = arith.addi %multiple_of3A_11, %add3A_12 : i32
    %multiple_of3A_14 = tpu.assume_multiple %add3A_13, 8 : i32
    %dma_start3A = tpu.memref_slice %arg3[%multiple_of3A_14] : memref<320000xi32, #tpu.memory_space<hbm>> -> memref<104xi32, #tpu.memory_space<hbm>>
    %dma_start3A_15 = tpu.memref_slice %arg3[%multiple_of3A_14] : memref<320000xi32, #tpu.memory_space<hbm>> -> memref<104xi32, #tpu.memory_space<hbm>>
    tpu.enqueue_dma source(%dma_start3A_15 : memref<104xi32, #tpu.memory_space<hbm>>) target(%arg7 : memref<104xi32, #tpu.memory_space<vmem>>) target_semaphore(%arg26 : memref<!tpu.dma_semaphore, #tpu.memory_space<semaphore_mem>>)
    %dma_start3A_16 = tpu.memref_slice %arg4[%multiple_of3A_14] : memref<320000xi32, #tpu.memory_space<hbm>> -> memref<104xi32, #tpu.memory_space<hbm>>
    %dma_start3A_17 = tpu.memref_slice %arg4[%multiple_of3A_14] : memref<320000xi32, #tpu.memory_space<hbm>> -> memref<104xi32, #tpu.memory_space<hbm>>
    tpu.enqueue_dma source(%dma_start3A_17 : memref<104xi32, #tpu.memory_space<hbm>>) target(%arg13 : memref<104xi32, #tpu.memory_space<vmem>>) target_semaphore(%arg26 : memref<!tpu.dma_semaphore, #tpu.memory_space<semaphore_mem>>)
    %add3A_18 = arith.constant 104 : i32
    %add3A_19 = arith.addi %multiple_of3A_11, %add3A_18 : i32
    %multiple_of3A_20 = tpu.assume_multiple %add3A_19, 8 : i32
    %dma_start3A_21 = tpu.memref_slice %arg3[%multiple_of3A_20] : memref<320000xi32, #tpu.memory_space<hbm>> -> memref<104xi32, #tpu.memory_space<hbm>>
    %dma_start3A_22 = tpu.memref_slice %arg3[%multiple_of3A_20] : memref<320000xi32, #tpu.memory_space<hbm>> -> memref<104xi32, #tpu.memory_space<hbm>>
    tpu.enqueue_dma source(%dma_start3A_22 : memref<104xi32, #tpu.memory_space<hbm>>) target(%arg8 : memref<104xi32, #tpu.memory_space<vmem>>) target_semaphore(%arg27 : memref<!tpu.dma_semaphore, #tpu.memory_space<semaphore_mem>>)
    %dma_start3A_23 = tpu.memref_slice %arg4[%multiple_of3A_20] : memref<320000xi32, #tpu.memory_space<hbm>> -> memref<104xi32, #tpu.memory_space<hbm>>
    %dma_start3A_24 = tpu.memref_slice %arg4[%multiple_of3A_20] : memref<320000xi32, #tpu.memory_space<hbm>> -> memref<104xi32, #tpu.memory_space<hbm>>
    tpu.enqueue_dma source(%dma_start3A_24 : memref<104xi32, #tpu.memory_space<hbm>>) target(%arg14 : memref<104xi32, #tpu.memory_space<vmem>>) target_semaphore(%arg27 : memref<!tpu.dma_semaphore, #tpu.memory_space<semaphore_mem>>)
    %add3A_25 = arith.constant 208 : i32
    %add3A_26 = arith.addi %multiple_of3A_11, %add3A_25 : i32
    %multiple_of3A_27 = tpu.assume_multiple %add3A_26, 8 : i32
    %dma_start3A_28 = tpu.memref_slice %arg3[%multiple_of3A_27] : memref<320000xi32, #tpu.memory_space<hbm>> -> memref<104xi32, #tpu.memory_space<hbm>>
    %dma_start3A_29 = tpu.memref_slice %arg3[%multiple_of3A_27] : memref<320000xi32, #tpu.memory_space<hbm>> -> memref<104xi32, #tpu.memory_space<hbm>>
    tpu.enqueue_dma source(%dma_start3A_29 : memref<104xi32, #tpu.memory_space<hbm>>) target(%arg9 : memref<104xi32, #tpu.memory_space<vmem>>) target_semaphore(%arg28 : memref<!tpu.dma_semaphore, #tpu.memory_space<semaphore_mem>>)
    %dma_start3A_30 = tpu.memref_slice %arg4[%multiple_of3A_27] : memref<320000xi32, #tpu.memory_space<hbm>> -> memref<104xi32, #tpu.memory_space<hbm>>
    %dma_start3A_31 = tpu.memref_slice %arg4[%multiple_of3A_27] : memref<320000xi32, #tpu.memory_space<hbm>> -> memref<104xi32, #tpu.memory_space<hbm>>
    tpu.enqueue_dma source(%dma_start3A_31 : memref<104xi32, #tpu.memory_space<hbm>>) target(%arg15 : memref<104xi32, #tpu.memory_space<vmem>>) target_semaphore(%arg28 : memref<!tpu.dma_semaphore, #tpu.memory_space<semaphore_mem>>)
    %add3A_32 = arith.constant 312 : i32
    %add3A_33 = arith.addi %multiple_of3A_11, %add3A_32 : i32
    %multiple_of3A_34 = tpu.assume_multiple %add3A_33, 8 : i32
    %dma_start3A_35 = tpu.memref_slice %arg3[%multiple_of3A_34] : memref<320000xi32, #tpu.memory_space<hbm>> -> memref<104xi32, #tpu.memory_space<hbm>>
    %dma_start3A_36 = tpu.memref_slice %arg3[%multiple_of3A_34] : memref<320000xi32, #tpu.memory_space<hbm>> -> memref<104xi32, #tpu.memory_space<hbm>>
    tpu.enqueue_dma source(%dma_start3A_36 : memref<104xi32, #tpu.memory_space<hbm>>) target(%arg10 : memref<104xi32, #tpu.memory_space<vmem>>) target_semaphore(%arg29 : memref<!tpu.dma_semaphore, #tpu.memory_space<semaphore_mem>>)
    %dma_start3A_37 = tpu.memref_slice %arg4[%multiple_of3A_34] : memref<320000xi32, #tpu.memory_space<hbm>> -> memref<104xi32, #tpu.memory_space<hbm>>
    %dma_start3A_38 = tpu.memref_slice %arg4[%multiple_of3A_34] : memref<320000xi32, #tpu.memory_space<hbm>> -> memref<104xi32, #tpu.memory_space<hbm>>
    tpu.enqueue_dma source(%dma_start3A_38 : memref<104xi32, #tpu.memory_space<hbm>>) target(%arg16 : memref<104xi32, #tpu.memory_space<vmem>>) target_semaphore(%arg29 : memref<!tpu.dma_semaphore, #tpu.memory_space<semaphore_mem>>)
    %dma_wait3A = arith.constant 0 : i32
    %dma_wait3A_39 = tpu.memref_slice %arg3[%dma_wait3A] : memref<320000xi32, #tpu.memory_space<hbm>> -> memref<104xi32, #tpu.memory_space<hbm>>
    %dma_wait3A_40 = arith.constant 0 : i32
    %dma_wait3A_41 = tpu.memref_slice %arg3[%dma_wait3A_40] : memref<320000xi32, #tpu.memory_space<hbm>> -> memref<104xi32, #tpu.memory_space<hbm>>
    tpu.wait_dma2 semaphore(%arg26 : memref<!tpu.dma_semaphore, #tpu.memory_space<semaphore_mem>>) src(%dma_wait3A_41 : memref<104xi32, #tpu.memory_space<hbm>>) dst(%arg7 : memref<104xi32, #tpu.memory_space<vmem>>)
    %dma_wait3A_42 = arith.constant 0 : i32
    %dma_wait3A_43 = tpu.memref_slice %arg4[%dma_wait3A_42] : memref<320000xi32, #tpu.memory_space<hbm>> -> memref<104xi32, #tpu.memory_space<hbm>>
    %dma_wait3A_44 = arith.constant 0 : i32
    %dma_wait3A_45 = tpu.memref_slice %arg4[%dma_wait3A_44] : memref<320000xi32, #tpu.memory_space<hbm>> -> memref<104xi32, #tpu.memory_space<hbm>>
    tpu.wait_dma2 semaphore(%arg26 : memref<!tpu.dma_semaphore, #tpu.memory_space<semaphore_mem>>) src(%dma_wait3A_45 : memref<104xi32, #tpu.memory_space<hbm>>) dst(%arg13 : memref<104xi32, #tpu.memory_space<vmem>>)
    %dma_start3A_46 = arith.constant 0 : i32
    %dma_start3A_47 = arith.constant 0 : i32
    %dma_start3A_48 = tpu.memref_slice %arg2[%dma_start3A_46, %dma_start3A_47] : memref<10000x128xf32, #tpu.memory_space<hbm>> -> memref<10000x128xf32, #tpu.memory_space<hbm>>
    tpu.enqueue_indirect_dma source(%dma_start3A_48 : memref<10000x128xf32, #tpu.memory_space<hbm>>) target(%arg19 : memref<104x128xf32, #tpu.memory_space<vmem>>) offsets(%arg7 : memref<104xi32, #tpu.memory_space<vmem>>) semaphore(%arg32 : memref<!tpu.dma_semaphore, #tpu.memory_space<semaphore_mem>>)
    %dma_wait3A_49 = arith.constant 0 : i32
    %dma_wait3A_50 = tpu.memref_slice %arg3[%dma_wait3A_49] : memref<320000xi32, #tpu.memory_space<hbm>> -> memref<104xi32, #tpu.memory_space<hbm>>
    %dma_wait3A_51 = arith.constant 0 : i32
    %dma_wait3A_52 = tpu.memref_slice %arg3[%dma_wait3A_51] : memref<320000xi32, #tpu.memory_space<hbm>> -> memref<104xi32, #tpu.memory_space<hbm>>
    tpu.wait_dma2 semaphore(%arg27 : memref<!tpu.dma_semaphore, #tpu.memory_space<semaphore_mem>>) src(%dma_wait3A_52 : memref<104xi32, #tpu.memory_space<hbm>>) dst(%arg8 : memref<104xi32, #tpu.memory_space<vmem>>)
    %dma_wait3A_53 = arith.constant 0 : i32
    %dma_wait3A_54 = tpu.memref_slice %arg4[%dma_wait3A_53] : memref<320000xi32, #tpu.memory_space<hbm>> -> memref<104xi32, #tpu.memory_space<hbm>>
    %dma_wait3A_55 = arith.constant 0 : i32
    %dma_wait3A_56 = tpu.memref_slice %arg4[%dma_wait3A_55] : memref<320000xi32, #tpu.memory_space<hbm>> -> memref<104xi32, #tpu.memory_space<hbm>>
    tpu.wait_dma2 semaphore(%arg27 : memref<!tpu.dma_semaphore, #tpu.memory_space<semaphore_mem>>) src(%dma_wait3A_56 : memref<104xi32, #tpu.memory_space<hbm>>) dst(%arg14 : memref<104xi32, #tpu.memory_space<vmem>>)
    %dma_start3A_57 = arith.constant 0 : i32
    %dma_start3A_58 = arith.constant 0 : i32
    %dma_start3A_59 = tpu.memref_slice %arg2[%dma_start3A_57, %dma_start3A_58] : memref<10000x128xf32, #tpu.memory_space<hbm>> -> memref<10000x128xf32, #tpu.memory_space<hbm>>
    tpu.enqueue_indirect_dma source(%dma_start3A_59 : memref<10000x128xf32, #tpu.memory_space<hbm>>) target(%arg20 : memref<104x128xf32, #tpu.memory_space<vmem>>) offsets(%arg8 : memref<104xi32, #tpu.memory_space<vmem>>) semaphore(%arg33 : memref<!tpu.dma_semaphore, #tpu.memory_space<semaphore_mem>>)
    %lt3A_60 = arith.constant 15 : i32
    %lt3A_61 = arith.cmpi slt, %arg1, %lt3A_60 : i32
    %convert_element_type3A_62 = arith.extui %lt3A_61 : i1 to i32
    %cond3A_63 = arith.constant 0 : i32
    %cond3A_64 = arith.cmpi ne, %convert_element_type3A_62, %cond3A_63 : i32
    scf.if %cond3A_64 {
      %dma_wait3A_98 = arith.constant 0 : i32
      %dma_wait3A_99 = tpu.memref_slice %arg25[%multiple_of3A, %dma_wait3A_98] : memref<10000x128xf32, #tpu.memory_space<vmem_shared>> -> memref<632x128xf32, #tpu.memory_space<vmem_shared>>
      %dma_wait3A_100 = arith.constant 0 : i32
      %dma_wait3A_101 = tpu.memref_slice %arg5[%multiple_of3A, %dma_wait3A_100] : memref<10000x128xf32, #tpu.memory_space<hbm>> -> memref<632x128xf32, #tpu.memory_space<hbm>>
      tpu.wait_dma2 semaphore(%arg35 : memref<!tpu.dma_semaphore, #tpu.memory_space<semaphore_mem>>) src(%dma_wait3A_101 : memref<632x128xf32, #tpu.memory_space<hbm>>) dst(%dma_wait3A_99 : memref<632x128xf32, #tpu.memory_space<vmem_shared>>)
    } else {
    }
    %eq3A_65 = arith.constant 15 : i32
    %eq3A_66 = arith.cmpi eq, %arg1, %eq3A_65 : i32
    %convert_element_type3A_67 = arith.extui %eq3A_66 : i1 to i32
    %cond3A_68 = arith.constant 0 : i32
    %cond3A_69 = arith.cmpi ne, %convert_element_type3A_67, %cond3A_68 : i32
    scf.if %cond3A_69 {
      %dma_wait3A_98 = arith.constant 0 : i32
      %dma_wait3A_99 = tpu.memref_slice %arg25[%multiple_of3A, %dma_wait3A_98] : memref<10000x128xf32, #tpu.memory_space<vmem_shared>> -> memref<520x128xf32, #tpu.memory_space<vmem_shared>>
      %dma_wait3A_100 = arith.constant 0 : i32
      %dma_wait3A_101 = tpu.memref_slice %arg5[%multiple_of3A, %dma_wait3A_100] : memref<10000x128xf32, #tpu.memory_space<hbm>> -> memref<520x128xf32, #tpu.memory_space<hbm>>
      tpu.wait_dma2 semaphore(%arg35 : memref<!tpu.dma_semaphore, #tpu.memory_space<semaphore_mem>>) src(%dma_wait3A_101 : memref<520x128xf32, #tpu.memory_space<hbm>>) dst(%dma_wait3A_99 : memref<520x128xf32, #tpu.memory_space<vmem_shared>>)
    } else {
    }
    %barrier3A = arith.constant 0 : index
    tpu.barrier barrier_id(%barrier3A)
    %scan3A = arith.constant 0 : i32
    %scan3A_70 = arith.constant 0 : i32
    %scan3A_71 = arith.constant 16 : i32
    %scan3A_72 = arith.addi %scan3A_70, %scan3A_71 : i32
    %scan3A_73 = arith.constant 1 : i32
    scf.for %scan3A_98 = %scan3A_70 to %scan3A_72 step %scan3A_73  : i32 {
      %mul3A_99 = arith.constant 6 : i32
      %mul3A_100 = arith.muli %mul3A_99, %scan3A_98 : i32
      %add3A_101 = arith.constant 0 : i32
      %add3A_102 = arith.addi %mul3A_100, %add3A_101 : i32
      %dma_wait3A_103 = arith.constant 0 : i32
      %dma_wait3A_104 = arith.constant 0 : i32
      %dma_wait3A_105 = tpu.memref_slice %arg2[%dma_wait3A_103, %dma_wait3A_104] : memref<10000x128xf32, #tpu.memory_space<hbm>> -> memref<104x128xf32, #tpu.memory_space<hbm>>
      %dma_wait3A_106 = arith.constant 0 : i32
      %dma_wait3A_107 = arith.constant 0 : i32
      %dma_wait3A_108 = tpu.memref_slice %arg2[%dma_wait3A_106, %dma_wait3A_107] : memref<10000x128xf32, #tpu.memory_space<hbm>> -> memref<104x128xf32, #tpu.memory_space<hbm>>
      tpu.wait_dma2 semaphore(%arg32 : memref<!tpu.dma_semaphore, #tpu.memory_space<semaphore_mem>>) src(%dma_wait3A_108 : memref<104x128xf32, #tpu.memory_space<hbm>>) dst(%arg19 : memref<104x128xf32, #tpu.memory_space<vmem>>)
      %dma_start3A_109 = arith.constant 0 : i32
      %dma_start3A_110 = arith.constant 0 : i32
      %dma_start3A_111 = tpu.memref_slice %arg25[%dma_start3A_109, %dma_start3A_110] : memref<10000x128xf32, #tpu.memory_space<vmem_shared>> -> memref<10000x128xf32, #tpu.memory_space<vmem_shared>>
      tpu.enqueue_indirect_dma source(%arg19 : memref<104x128xf32, #tpu.memory_space<vmem>>) target(%dma_start3A_111 : memref<10000x128xf32, #tpu.memory_space<vmem_shared>>) offsets(%arg13 : memref<104xi32, #tpu.memory_space<vmem>>) semaphore(%arg35 : memref<!tpu.dma_semaphore, #tpu.memory_space<semaphore_mem>>) {add = true}
      %ge3A = arith.constant 1 : i32
      %ge3A_112 = arith.cmpi sge, %add3A_102, %ge3A : i32
      %convert_element_type3A_113 = arith.extui %ge3A_112 : i1 to i32
      %cond3A_114 = arith.constant 0 : i32
      %cond3A_115 = arith.cmpi ne, %convert_element_type3A_113, %cond3A_114 : i32
      scf.if %cond3A_115 {
        %dma_wait3A_290 = arith.constant 0 : i32
        %dma_wait3A_291 = arith.constant 0 : i32
        %dma_wait3A_292 = tpu.memref_slice %arg25[%dma_wait3A_290, %dma_wait3A_291] : memref<10000x128xf32, #tpu.memory_space<vmem_shared>> -> memref<10000x128xf32, #tpu.memory_space<vmem_shared>>
        tpu.wait_indirect_dma semaphore(%arg37 : memref<!tpu.dma_semaphore, #tpu.memory_space<semaphore_mem>>) src(%arg21 : memref<104x128xf32, #tpu.memory_space<vmem>>) dst(%dma_wait3A_292 : memref<10000x128xf32, #tpu.memory_space<vmem_shared>>)
      } else {
      }
      %add3A_116 = arith.constant 2 : i32
      %add3A_117 = arith.addi %add3A_102, %add3A_116 : i32
      %lt3A_118 = arith.constant 96 : i32
      %lt3A_119 = arith.cmpi slt, %add3A_117, %lt3A_118 : i32
      %convert_element_type3A_120 = arith.extui %lt3A_119 : i1 to i32
      %cond3A_121 = arith.constant 0 : i32
      %cond3A_122 = arith.cmpi ne, %convert_element_type3A_120, %cond3A_121 : i32
      scf.if %cond3A_122 {
        %dma_wait3A_290 = arith.constant 0 : i32
        %dma_wait3A_291 = tpu.memref_slice %arg3[%dma_wait3A_290] : memref<320000xi32, #tpu.memory_space<hbm>> -> memref<104xi32, #tpu.memory_space<hbm>>
        %dma_wait3A_292 = arith.constant 0 : i32
        %dma_wait3A_293 = tpu.memref_slice %arg3[%dma_wait3A_292] : memref<320000xi32, #tpu.memory_space<hbm>> -> memref<104xi32, #tpu.memory_space<hbm>>
        tpu.wait_dma2 semaphore(%arg28 : memref<!tpu.dma_semaphore, #tpu.memory_space<semaphore_mem>>) src(%dma_wait3A_293 : memref<104xi32, #tpu.memory_space<hbm>>) dst(%arg9 : memref<104xi32, #tpu.memory_space<vmem>>)
        %dma_wait3A_294 = arith.constant 0 : i32
        %dma_wait3A_295 = tpu.memref_slice %arg4[%dma_wait3A_294] : memref<320000xi32, #tpu.memory_space<hbm>> -> memref<104xi32, #tpu.memory_space<hbm>>
        %dma_wait3A_296 = arith.constant 0 : i32
        %dma_wait3A_297 = tpu.memref_slice %arg4[%dma_wait3A_296] : memref<320000xi32, #tpu.memory_space<hbm>> -> memref<104xi32, #tpu.memory_space<hbm>>
        tpu.wait_dma2 semaphore(%arg28 : memref<!tpu.dma_semaphore, #tpu.memory_space<semaphore_mem>>) src(%dma_wait3A_297 : memref<104xi32, #tpu.memory_space<hbm>>) dst(%arg15 : memref<104xi32, #tpu.memory_space<vmem>>)
        %dma_start3A_298 = arith.constant 0 : i32
        %dma_start3A_299 = arith.constant 0 : i32
        %dma_start3A_300 = tpu.memref_slice %arg2[%dma_start3A_298, %dma_start3A_299] : memref<10000x128xf32, #tpu.memory_space<hbm>> -> memref<10000x128xf32, #tpu.memory_space<hbm>>
        tpu.enqueue_indirect_dma source(%dma_start3A_300 : memref<10000x128xf32, #tpu.memory_space<hbm>>) target(%arg21 : memref<104x128xf32, #tpu.memory_space<vmem>>) offsets(%arg9 : memref<104xi32, #tpu.memory_space<vmem>>) semaphore(%arg34 : memref<!tpu.dma_semaphore, #tpu.memory_space<semaphore_mem>>)
      } else {
      }
      %add3A_123 = arith.constant 4 : i32
      %add3A_124 = arith.addi %add3A_102, %add3A_123 : i32
      %lt3A_125 = arith.constant 96 : i32
      %lt3A_126 = arith.cmpi slt, %add3A_124, %lt3A_125 : i32
      %convert_element_type3A_127 = arith.extui %lt3A_126 : i1 to i32
      %cond3A_128 = arith.constant 0 : i32
      %cond3A_129 = arith.cmpi ne, %convert_element_type3A_127, %cond3A_128 : i32
      scf.if %cond3A_129 {
        %add3A_290 = arith.constant 4 : i32
        %add3A_291 = arith.addi %add3A_102, %add3A_290 : i32
        %mul3A_292 = arith.constant 104 : i32
        %mul3A_293 = arith.muli %add3A_291, %mul3A_292 : i32
        %add3A_294 = arith.addi %multiple_of3A_11, %mul3A_293 : i32
        %multiple_of3A_295 = tpu.assume_multiple %add3A_294, 8 : i32
        %dma_start3A_296 = tpu.memref_slice %arg3[%multiple_of3A_295] : memref<320000xi32, #tpu.memory_space<hbm>> -> memref<104xi32, #tpu.memory_space<hbm>>
        %dma_start3A_297 = tpu.memref_slice %arg3[%multiple_of3A_295] : memref<320000xi32, #tpu.memory_space<hbm>> -> memref<104xi32, #tpu.memory_space<hbm>>
        tpu.enqueue_dma source(%dma_start3A_297 : memref<104xi32, #tpu.memory_space<hbm>>) target(%arg11 : memref<104xi32, #tpu.memory_space<vmem>>) target_semaphore(%arg30 : memref<!tpu.dma_semaphore, #tpu.memory_space<semaphore_mem>>)
        %dma_start3A_298 = tpu.memref_slice %arg4[%multiple_of3A_295] : memref<320000xi32, #tpu.memory_space<hbm>> -> memref<104xi32, #tpu.memory_space<hbm>>
        %dma_start3A_299 = tpu.memref_slice %arg4[%multiple_of3A_295] : memref<320000xi32, #tpu.memory_space<hbm>> -> memref<104xi32, #tpu.memory_space<hbm>>
        tpu.enqueue_dma source(%dma_start3A_299 : memref<104xi32, #tpu.memory_space<hbm>>) target(%arg17 : memref<104xi32, #tpu.memory_space<vmem>>) target_semaphore(%arg30 : memref<!tpu.dma_semaphore, #tpu.memory_space<semaphore_mem>>)
      } else {
      }
      %mul3A_130 = arith.constant 6 : i32
      %mul3A_131 = arith.muli %mul3A_130, %scan3A_98 : i32
      %add3A_132 = arith.constant 1 : i32
      %add3A_133 = arith.addi %mul3A_131, %add3A_132 : i32
      %dma_wait3A_134 = arith.constant 0 : i32
      %dma_wait3A_135 = arith.constant 0 : i32
      %dma_wait3A_136 = tpu.memref_slice %arg2[%dma_wait3A_134, %dma_wait3A_135] : memref<10000x128xf32, #tpu.memory_space<hbm>> -> memref<104x128xf32, #tpu.memory_space<hbm>>
      %dma_wait3A_137 = arith.constant 0 : i32
      %dma_wait3A_138 = arith.constant 0 : i32
      %dma_wait3A_139 = tpu.memref_slice %arg2[%dma_wait3A_137, %dma_wait3A_138] : memref<10000x128xf32, #tpu.memory_space<hbm>> -> memref<104x128xf32, #tpu.memory_space<hbm>>
      tpu.wait_dma2 semaphore(%arg33 : memref<!tpu.dma_semaphore, #tpu.memory_space<semaphore_mem>>) src(%dma_wait3A_139 : memref<104x128xf32, #tpu.memory_space<hbm>>) dst(%arg20 : memref<104x128xf32, #tpu.memory_space<vmem>>)
      %dma_start3A_140 = arith.constant 0 : i32
      %dma_start3A_141 = arith.constant 0 : i32
      %dma_start3A_142 = tpu.memref_slice %arg25[%dma_start3A_140, %dma_start3A_141] : memref<10000x128xf32, #tpu.memory_space<vmem_shared>> -> memref<10000x128xf32, #tpu.memory_space<vmem_shared>>
      tpu.enqueue_indirect_dma source(%arg20 : memref<104x128xf32, #tpu.memory_space<vmem>>) target(%dma_start3A_142 : memref<10000x128xf32, #tpu.memory_space<vmem_shared>>) offsets(%arg14 : memref<104xi32, #tpu.memory_space<vmem>>) semaphore(%arg36 : memref<!tpu.dma_semaphore, #tpu.memory_space<semaphore_mem>>) {add = true}
      %ge3A_143 = arith.constant 1 : i32
      %ge3A_144 = arith.cmpi sge, %add3A_133, %ge3A_143 : i32
      %convert_element_type3A_145 = arith.extui %ge3A_144 : i1 to i32
      %cond3A_146 = arith.constant 0 : i32
      %cond3A_147 = arith.cmpi ne, %convert_element_type3A_145, %cond3A_146 : i32
      scf.if %cond3A_147 {
        %dma_wait3A_290 = arith.constant 0 : i32
        %dma_wait3A_291 = arith.constant 0 : i32
        %dma_wait3A_292 = tpu.memref_slice %arg25[%dma_wait3A_290, %dma_wait3A_291] : memref<10000x128xf32, #tpu.memory_space<vmem_shared>> -> memref<10000x128xf32, #tpu.memory_space<vmem_shared>>
        tpu.wait_indirect_dma semaphore(%arg35 : memref<!tpu.dma_semaphore, #tpu.memory_space<semaphore_mem>>) src(%arg19 : memref<104x128xf32, #tpu.memory_space<vmem>>) dst(%dma_wait3A_292 : memref<10000x128xf32, #tpu.memory_space<vmem_shared>>)
      } else {
      }
      %add3A_148 = arith.constant 2 : i32
      %add3A_149 = arith.addi %add3A_133, %add3A_148 : i32
      %lt3A_150 = arith.constant 96 : i32
      %lt3A_151 = arith.cmpi slt, %add3A_149, %lt3A_150 : i32
      %convert_element_type3A_152 = arith.extui %lt3A_151 : i1 to i32
      %cond3A_153 = arith.constant 0 : i32
      %cond3A_154 = arith.cmpi ne, %convert_element_type3A_152, %cond3A_153 : i32
      scf.if %cond3A_154 {
        %dma_wait3A_290 = arith.constant 0 : i32
        %dma_wait3A_291 = tpu.memref_slice %arg3[%dma_wait3A_290] : memref<320000xi32, #tpu.memory_space<hbm>> -> memref<104xi32, #tpu.memory_space<hbm>>
        %dma_wait3A_292 = arith.constant 0 : i32
        %dma_wait3A_293 = tpu.memref_slice %arg3[%dma_wait3A_292] : memref<320000xi32, #tpu.memory_space<hbm>> -> memref<104xi32, #tpu.memory_space<hbm>>
        tpu.wait_dma2 semaphore(%arg29 : memref<!tpu.dma_semaphore, #tpu.memory_space<semaphore_mem>>) src(%dma_wait3A_293 : memref<104xi32, #tpu.memory_space<hbm>>) dst(%arg10 : memref<104xi32, #tpu.memory_space<vmem>>)
        %dma_wait3A_294 = arith.constant 0 : i32
        %dma_wait3A_295 = tpu.memref_slice %arg4[%dma_wait3A_294] : memref<320000xi32, #tpu.memory_space<hbm>> -> memref<104xi32, #tpu.memory_space<hbm>>
        %dma_wait3A_296 = arith.constant 0 : i32
        %dma_wait3A_297 = tpu.memref_slice %arg4[%dma_wait3A_296] : memref<320000xi32, #tpu.memory_space<hbm>> -> memref<104xi32, #tpu.memory_space<hbm>>
        tpu.wait_dma2 semaphore(%arg29 : memref<!tpu.dma_semaphore, #tpu.memory_space<semaphore_mem>>) src(%dma_wait3A_297 : memref<104xi32, #tpu.memory_space<hbm>>) dst(%arg16 : memref<104xi32, #tpu.memory_space<vmem>>)
        %dma_start3A_298 = arith.constant 0 : i32
        %dma_start3A_299 = arith.constant 0 : i32
        %dma_start3A_300 = tpu.memref_slice %arg2[%dma_start3A_298, %dma_start3A_299] : memref<10000x128xf32, #tpu.memory_space<hbm>> -> memref<10000x128xf32, #tpu.memory_space<hbm>>
        tpu.enqueue_indirect_dma source(%dma_start3A_300 : memref<10000x128xf32, #tpu.memory_space<hbm>>) target(%arg19 : memref<104x128xf32, #tpu.memory_space<vmem>>) offsets(%arg10 : memref<104xi32, #tpu.memory_space<vmem>>) semaphore(%arg32 : memref<!tpu.dma_semaphore, #tpu.memory_space<semaphore_mem>>)
      } else {
      }
      %add3A_155 = arith.constant 4 : i32
      %add3A_156 = arith.addi %add3A_133, %add3A_155 : i32
      %lt3A_157 = arith.constant 96 : i32
      %lt3A_158 = arith.cmpi slt, %add3A_156, %lt3A_157 : i32
      %convert_element_type3A_159 = arith.extui %lt3A_158 : i1 to i32
      %cond3A_160 = arith.constant 0 : i32
      %cond3A_161 = arith.cmpi ne, %convert_element_type3A_159, %cond3A_160 : i32
      scf.if %cond3A_161 {
        %add3A_290 = arith.constant 4 : i32
        %add3A_291 = arith.addi %add3A_133, %add3A_290 : i32
        %mul3A_292 = arith.constant 104 : i32
        %mul3A_293 = arith.muli %add3A_291, %mul3A_292 : i32
        %add3A_294 = arith.addi %multiple_of3A_11, %mul3A_293 : i32
        %multiple_of3A_295 = tpu.assume_multiple %add3A_294, 8 : i32
        %dma_start3A_296 = tpu.memref_slice %arg3[%multiple_of3A_295] : memref<320000xi32, #tpu.memory_space<hbm>> -> memref<104xi32, #tpu.memory_space<hbm>>
        %dma_start3A_297 = tpu.memref_slice %arg3[%multiple_of3A_295] : memref<320000xi32, #tpu.memory_space<hbm>> -> memref<104xi32, #tpu.memory_space<hbm>>
        tpu.enqueue_dma source(%dma_start3A_297 : memref<104xi32, #tpu.memory_space<hbm>>) target(%arg12 : memref<104xi32, #tpu.memory_space<vmem>>) target_semaphore(%arg31 : memref<!tpu.dma_semaphore, #tpu.memory_space<semaphore_mem>>)
        %dma_start3A_298 = tpu.memref_slice %arg4[%multiple_of3A_295] : memref<320000xi32, #tpu.memory_space<hbm>> -> memref<104xi32, #tpu.memory_space<hbm>>
        %dma_start3A_299 = tpu.memref_slice %arg4[%multiple_of3A_295] : memref<320000xi32, #tpu.memory_space<hbm>> -> memref<104xi32, #tpu.memory_space<hbm>>
        tpu.enqueue_dma source(%dma_start3A_299 : memref<104xi32, #tpu.memory_space<hbm>>) target(%arg18 : memref<104xi32, #tpu.memory_space<vmem>>) target_semaphore(%arg31 : memref<!tpu.dma_semaphore, #tpu.memory_space<semaphore_mem>>)
      } else {
      }
      %mul3A_162 = arith.constant 6 : i32
      %mul3A_163 = arith.muli %mul3A_162, %scan3A_98 : i32
      %add3A_164 = arith.constant 2 : i32
      %add3A_165 = arith.addi %mul3A_163, %add3A_164 : i32
      %dma_wait3A_166 = arith.constant 0 : i32
      %dma_wait3A_167 = arith.constant 0 : i32
      %dma_wait3A_168 = tpu.memref_slice %arg2[%dma_wait3A_166, %dma_wait3A_167] : memref<10000x128xf32, #tpu.memory_space<hbm>> -> memref<104x128xf32, #tpu.memory_space<hbm>>
      %dma_wait3A_169 = arith.constant 0 : i32
      %dma_wait3A_170 = arith.constant 0 : i32
      %dma_wait3A_171 = tpu.memref_slice %arg2[%dma_wait3A_169, %dma_wait3A_170] : memref<10000x128xf32, #tpu.memory_space<hbm>> -> memref<104x128xf32, #tpu.memory_space<hbm>>
      tpu.wait_dma2 semaphore(%arg34 : memref<!tpu.dma_semaphore, #tpu.memory_space<semaphore_mem>>) src(%dma_wait3A_171 : memref<104x128xf32, #tpu.memory_space<hbm>>) dst(%arg21 : memref<104x128xf32, #tpu.memory_space<vmem>>)
      %dma_start3A_172 = arith.constant 0 : i32
      %dma_start3A_173 = arith.constant 0 : i32
      %dma_start3A_174 = tpu.memref_slice %arg25[%dma_start3A_172, %dma_start3A_173] : memref<10000x128xf32, #tpu.memory_space<vmem_shared>> -> memref<10000x128xf32, #tpu.memory_space<vmem_shared>>
      tpu.enqueue_indirect_dma source(%arg21 : memref<104x128xf32, #tpu.memory_space<vmem>>) target(%dma_start3A_174 : memref<10000x128xf32, #tpu.memory_space<vmem_shared>>) offsets(%arg15 : memref<104xi32, #tpu.memory_space<vmem>>) semaphore(%arg37 : memref<!tpu.dma_semaphore, #tpu.memory_space<semaphore_mem>>) {add = true}
      %ge3A_175 = arith.constant 1 : i32
      %ge3A_176 = arith.cmpi sge, %add3A_165, %ge3A_175 : i32
      %convert_element_type3A_177 = arith.extui %ge3A_176 : i1 to i32
      %cond3A_178 = arith.constant 0 : i32
      %cond3A_179 = arith.cmpi ne, %convert_element_type3A_177, %cond3A_178 : i32
      scf.if %cond3A_179 {
        %dma_wait3A_290 = arith.constant 0 : i32
        %dma_wait3A_291 = arith.constant 0 : i32
        %dma_wait3A_292 = tpu.memref_slice %arg25[%dma_wait3A_290, %dma_wait3A_291] : memref<10000x128xf32, #tpu.memory_space<vmem_shared>> -> memref<10000x128xf32, #tpu.memory_space<vmem_shared>>
        tpu.wait_indirect_dma semaphore(%arg36 : memref<!tpu.dma_semaphore, #tpu.memory_space<semaphore_mem>>) src(%arg20 : memref<104x128xf32, #tpu.memory_space<vmem>>) dst(%dma_wait3A_292 : memref<10000x128xf32, #tpu.memory_space<vmem_shared>>)
      } else {
      }
      %add3A_180 = arith.constant 2 : i32
      %add3A_181 = arith.addi %add3A_165, %add3A_180 : i32
      %lt3A_182 = arith.constant 96 : i32
      %lt3A_183 = arith.cmpi slt, %add3A_181, %lt3A_182 : i32
      %convert_element_type3A_184 = arith.extui %lt3A_183 : i1 to i32
      %cond3A_185 = arith.constant 0 : i32
      %cond3A_186 = arith.cmpi ne, %convert_element_type3A_184, %cond3A_185 : i32
      scf.if %cond3A_186 {
        %dma_wait3A_290 = arith.constant 0 : i32
        %dma_wait3A_291 = tpu.memref_slice %arg3[%dma_wait3A_290] : memref<320000xi32, #tpu.memory_space<hbm>> -> memref<104xi32, #tpu.memory_space<hbm>>
        %dma_wait3A_292 = arith.constant 0 : i32
        %dma_wait3A_293 = tpu.memref_slice %arg3[%dma_wait3A_292] : memref<320000xi32, #tpu.memory_space<hbm>> -> memref<104xi32, #tpu.memory_space<hbm>>
        tpu.wait_dma2 semaphore(%arg30 : memref<!tpu.dma_semaphore, #tpu.memory_space<semaphore_mem>>) src(%dma_wait3A_293 : memref<104xi32, #tpu.memory_space<hbm>>) dst(%arg11 : memref<104xi32, #tpu.memory_space<vmem>>)
        %dma_wait3A_294 = arith.constant 0 : i32
        %dma_wait3A_295 = tpu.memref_slice %arg4[%dma_wait3A_294] : memref<320000xi32, #tpu.memory_space<hbm>> -> memref<104xi32, #tpu.memory_space<hbm>>
        %dma_wait3A_296 = arith.constant 0 : i32
        %dma_wait3A_297 = tpu.memref_slice %arg4[%dma_wait3A_296] : memref<320000xi32, #tpu.memory_space<hbm>> -> memref<104xi32, #tpu.memory_space<hbm>>
        tpu.wait_dma2 semaphore(%arg30 : memref<!tpu.dma_semaphore, #tpu.memory_space<semaphore_mem>>) src(%dma_wait3A_297 : memref<104xi32, #tpu.memory_space<hbm>>) dst(%arg17 : memref<104xi32, #tpu.memory_space<vmem>>)
        %dma_start3A_298 = arith.constant 0 : i32
        %dma_start3A_299 = arith.constant 0 : i32
        %dma_start3A_300 = tpu.memref_slice %arg2[%dma_start3A_298, %dma_start3A_299] : memref<10000x128xf32, #tpu.memory_space<hbm>> -> memref<10000x128xf32, #tpu.memory_space<hbm>>
        tpu.enqueue_indirect_dma source(%dma_start3A_300 : memref<10000x128xf32, #tpu.memory_space<hbm>>) target(%arg20 : memref<104x128xf32, #tpu.memory_space<vmem>>) offsets(%arg11 : memref<104xi32, #tpu.memory_space<vmem>>) semaphore(%arg33 : memref<!tpu.dma_semaphore, #tpu.memory_space<semaphore_mem>>)
      } else {
      }
      %add3A_187 = arith.constant 4 : i32
      %add3A_188 = arith.addi %add3A_165, %add3A_187 : i32
      %lt3A_189 = arith.constant 96 : i32
      %lt3A_190 = arith.cmpi slt, %add3A_188, %lt3A_189 : i32
      %convert_element_type3A_191 = arith.extui %lt3A_190 : i1 to i32
      %cond3A_192 = arith.constant 0 : i32
      %cond3A_193 = arith.cmpi ne, %convert_element_type3A_191, %cond3A_192 : i32
      scf.if %cond3A_193 {
        %add3A_290 = arith.constant 4 : i32
        %add3A_291 = arith.addi %add3A_165, %add3A_290 : i32
        %mul3A_292 = arith.constant 104 : i32
        %mul3A_293 = arith.muli %add3A_291, %mul3A_292 : i32
        %add3A_294 = arith.addi %multiple_of3A_11, %mul3A_293 : i32
        %multiple_of3A_295 = tpu.assume_multiple %add3A_294, 8 : i32
        %dma_start3A_296 = tpu.memref_slice %arg3[%multiple_of3A_295] : memref<320000xi32, #tpu.memory_space<hbm>> -> memref<104xi32, #tpu.memory_space<hbm>>
        %dma_start3A_297 = tpu.memref_slice %arg3[%multiple_of3A_295] : memref<320000xi32, #tpu.memory_space<hbm>> -> memref<104xi32, #tpu.memory_space<hbm>>
        tpu.enqueue_dma source(%dma_start3A_297 : memref<104xi32, #tpu.memory_space<hbm>>) target(%arg7 : memref<104xi32, #tpu.memory_space<vmem>>) target_semaphore(%arg26 : memref<!tpu.dma_semaphore, #tpu.memory_space<semaphore_mem>>)
        %dma_start3A_298 = tpu.memref_slice %arg4[%multiple_of3A_295] : memref<320000xi32, #tpu.memory_space<hbm>> -> memref<104xi32, #tpu.memory_space<hbm>>
        %dma_start3A_299 = tpu.memref_slice %arg4[%multiple_of3A_295] : memref<320000xi32, #tpu.memory_space<hbm>> -> memref<104xi32, #tpu.memory_space<hbm>>
        tpu.enqueue_dma source(%dma_start3A_299 : memref<104xi32, #tpu.memory_space<hbm>>) target(%arg13 : memref<104xi32, #tpu.memory_space<vmem>>) target_semaphore(%arg26 : memref<!tpu.dma_semaphore, #tpu.memory_space<semaphore_mem>>)
      } else {
      }
      %mul3A_194 = arith.constant 6 : i32
      %mul3A_195 = arith.muli %mul3A_194, %scan3A_98 : i32
      %add3A_196 = arith.constant 3 : i32
      %add3A_197 = arith.addi %mul3A_195, %add3A_196 : i32
      %dma_wait3A_198 = arith.constant 0 : i32
      %dma_wait3A_199 = arith.constant 0 : i32
      %dma_wait3A_200 = tpu.memref_slice %arg2[%dma_wait3A_198, %dma_wait3A_199] : memref<10000x128xf32, #tpu.memory_space<hbm>> -> memref<104x128xf32, #tpu.memory_space<hbm>>
      %dma_wait3A_201 = arith.constant 0 : i32
      %dma_wait3A_202 = arith.constant 0 : i32
      %dma_wait3A_203 = tpu.memref_slice %arg2[%dma_wait3A_201, %dma_wait3A_202] : memref<10000x128xf32, #tpu.memory_space<hbm>> -> memref<104x128xf32, #tpu.memory_space<hbm>>
      tpu.wait_dma2 semaphore(%arg32 : memref<!tpu.dma_semaphore, #tpu.memory_space<semaphore_mem>>) src(%dma_wait3A_203 : memref<104x128xf32, #tpu.memory_space<hbm>>) dst(%arg19 : memref<104x128xf32, #tpu.memory_space<vmem>>)
      %dma_start3A_204 = arith.constant 0 : i32
      %dma_start3A_205 = arith.constant 0 : i32
      %dma_start3A_206 = tpu.memref_slice %arg25[%dma_start3A_204, %dma_start3A_205] : memref<10000x128xf32, #tpu.memory_space<vmem_shared>> -> memref<10000x128xf32, #tpu.memory_space<vmem_shared>>
      tpu.enqueue_indirect_dma source(%arg19 : memref<104x128xf32, #tpu.memory_space<vmem>>) target(%dma_start3A_206 : memref<10000x128xf32, #tpu.memory_space<vmem_shared>>) offsets(%arg16 : memref<104xi32, #tpu.memory_space<vmem>>) semaphore(%arg35 : memref<!tpu.dma_semaphore, #tpu.memory_space<semaphore_mem>>) {add = true}
      %ge3A_207 = arith.constant 1 : i32
      %ge3A_208 = arith.cmpi sge, %add3A_197, %ge3A_207 : i32
      %convert_element_type3A_209 = arith.extui %ge3A_208 : i1 to i32
      %cond3A_210 = arith.constant 0 : i32
      %cond3A_211 = arith.cmpi ne, %convert_element_type3A_209, %cond3A_210 : i32
      scf.if %cond3A_211 {
        %dma_wait3A_290 = arith.constant 0 : i32
        %dma_wait3A_291 = arith.constant 0 : i32
        %dma_wait3A_292 = tpu.memref_slice %arg25[%dma_wait3A_290, %dma_wait3A_291] : memref<10000x128xf32, #tpu.memory_space<vmem_shared>> -> memref<10000x128xf32, #tpu.memory_space<vmem_shared>>
        tpu.wait_indirect_dma semaphore(%arg37 : memref<!tpu.dma_semaphore, #tpu.memory_space<semaphore_mem>>) src(%arg21 : memref<104x128xf32, #tpu.memory_space<vmem>>) dst(%dma_wait3A_292 : memref<10000x128xf32, #tpu.memory_space<vmem_shared>>)
      } else {
      }
      %add3A_212 = arith.constant 2 : i32
      %add3A_213 = arith.addi %add3A_197, %add3A_212 : i32
      %lt3A_214 = arith.constant 96 : i32
      %lt3A_215 = arith.cmpi slt, %add3A_213, %lt3A_214 : i32
      %convert_element_type3A_216 = arith.extui %lt3A_215 : i1 to i32
      %cond3A_217 = arith.constant 0 : i32
      %cond3A_218 = arith.cmpi ne, %convert_element_type3A_216, %cond3A_217 : i32
      scf.if %cond3A_218 {
        %dma_wait3A_290 = arith.constant 0 : i32
        %dma_wait3A_291 = tpu.memref_slice %arg3[%dma_wait3A_290] : memref<320000xi32, #tpu.memory_space<hbm>> -> memref<104xi32, #tpu.memory_space<hbm>>
        %dma_wait3A_292 = arith.constant 0 : i32
        %dma_wait3A_293 = tpu.memref_slice %arg3[%dma_wait3A_292] : memref<320000xi32, #tpu.memory_space<hbm>> -> memref<104xi32, #tpu.memory_space<hbm>>
        tpu.wait_dma2 semaphore(%arg31 : memref<!tpu.dma_semaphore, #tpu.memory_space<semaphore_mem>>) src(%dma_wait3A_293 : memref<104xi32, #tpu.memory_space<hbm>>) dst(%arg12 : memref<104xi32, #tpu.memory_space<vmem>>)
        %dma_wait3A_294 = arith.constant 0 : i32
        %dma_wait3A_295 = tpu.memref_slice %arg4[%dma_wait3A_294] : memref<320000xi32, #tpu.memory_space<hbm>> -> memref<104xi32, #tpu.memory_space<hbm>>
        %dma_wait3A_296 = arith.constant 0 : i32
        %dma_wait3A_297 = tpu.memref_slice %arg4[%dma_wait3A_296] : memref<320000xi32, #tpu.memory_space<hbm>> -> memref<104xi32, #tpu.memory_space<hbm>>
        tpu.wait_dma2 semaphore(%arg31 : memref<!tpu.dma_semaphore, #tpu.memory_space<semaphore_mem>>) src(%dma_wait3A_297 : memref<104xi32, #tpu.memory_space<hbm>>) dst(%arg18 : memref<104xi32, #tpu.memory_space<vmem>>)
        %dma_start3A_298 = arith.constant 0 : i32
        %dma_start3A_299 = arith.constant 0 : i32
        %dma_start3A_300 = tpu.memref_slice %arg2[%dma_start3A_298, %dma_start3A_299] : memref<10000x128xf32, #tpu.memory_space<hbm>> -> memref<10000x128xf32, #tpu.memory_space<hbm>>
        tpu.enqueue_indirect_dma source(%dma_start3A_300 : memref<10000x128xf32, #tpu.memory_space<hbm>>) target(%arg21 : memref<104x128xf32, #tpu.memory_space<vmem>>) offsets(%arg12 : memref<104xi32, #tpu.memory_space<vmem>>) semaphore(%arg34 : memref<!tpu.dma_semaphore, #tpu.memory_space<semaphore_mem>>)
      } else {
      }
      %add3A_219 = arith.constant 4 : i32
      %add3A_220 = arith.addi %add3A_197, %add3A_219 : i32
      %lt3A_221 = arith.constant 96 : i32
      %lt3A_222 = arith.cmpi slt, %add3A_220, %lt3A_221 : i32
      %convert_element_type3A_223 = arith.extui %lt3A_222 : i1 to i32
      %cond3A_224 = arith.constant 0 : i32
      %cond3A_225 = arith.cmpi ne, %convert_element_type3A_223, %cond3A_224 : i32
      scf.if %cond3A_225 {
        %add3A_290 = arith.constant 4 : i32
        %add3A_291 = arith.addi %add3A_197, %add3A_290 : i32
        %mul3A_292 = arith.constant 104 : i32
        %mul3A_293 = arith.muli %add3A_291, %mul3A_292 : i32
        %add3A_294 = arith.addi %multiple_of3A_11, %mul3A_293 : i32
        %multiple_of3A_295 = tpu.assume_multiple %add3A_294, 8 : i32
        %dma_start3A_296 = tpu.memref_slice %arg3[%multiple_of3A_295] : memref<320000xi32, #tpu.memory_space<hbm>> -> memref<104xi32, #tpu.memory_space<hbm>>
        %dma_start3A_297 = tpu.memref_slice %arg3[%multiple_of3A_295] : memref<320000xi32, #tpu.memory_space<hbm>> -> memref<104xi32, #tpu.memory_space<hbm>>
        tpu.enqueue_dma source(%dma_start3A_297 : memref<104xi32, #tpu.memory_space<hbm>>) target(%arg8 : memref<104xi32, #tpu.memory_space<vmem>>) target_semaphore(%arg27 : memref<!tpu.dma_semaphore, #tpu.memory_space<semaphore_mem>>)
        %dma_start3A_298 = tpu.memref_slice %arg4[%multiple_of3A_295] : memref<320000xi32, #tpu.memory_space<hbm>> -> memref<104xi32, #tpu.memory_space<hbm>>
        %dma_start3A_299 = tpu.memref_slice %arg4[%multiple_of3A_295] : memref<320000xi32, #tpu.memory_space<hbm>> -> memref<104xi32, #tpu.memory_space<hbm>>
        tpu.enqueue_dma source(%dma_start3A_299 : memref<104xi32, #tpu.memory_space<hbm>>) target(%arg14 : memref<104xi32, #tpu.memory_space<vmem>>) target_semaphore(%arg27 : memref<!tpu.dma_semaphore, #tpu.memory_space<semaphore_mem>>)
      } else {
      }
      %mul3A_226 = arith.constant 6 : i32
      %mul3A_227 = arith.muli %mul3A_226, %scan3A_98 : i32
      %add3A_228 = arith.constant 4 : i32
      %add3A_229 = arith.addi %mul3A_227, %add3A_228 : i32
      %dma_wait3A_230 = arith.constant 0 : i32
      %dma_wait3A_231 = arith.constant 0 : i32
      %dma_wait3A_232 = tpu.memref_slice %arg2[%dma_wait3A_230, %dma_wait3A_231] : memref<10000x128xf32, #tpu.memory_space<hbm>> -> memref<104x128xf32, #tpu.memory_space<hbm>>
      %dma_wait3A_233 = arith.constant 0 : i32
      %dma_wait3A_234 = arith.constant 0 : i32
      %dma_wait3A_235 = tpu.memref_slice %arg2[%dma_wait3A_233, %dma_wait3A_234] : memref<10000x128xf32, #tpu.memory_space<hbm>> -> memref<104x128xf32, #tpu.memory_space<hbm>>
      tpu.wait_dma2 semaphore(%arg33 : memref<!tpu.dma_semaphore, #tpu.memory_space<semaphore_mem>>) src(%dma_wait3A_235 : memref<104x128xf32, #tpu.memory_space<hbm>>) dst(%arg20 : memref<104x128xf32, #tpu.memory_space<vmem>>)
      %dma_start3A_236 = arith.constant 0 : i32
      %dma_start3A_237 = arith.constant 0 : i32
      %dma_start3A_238 = tpu.memref_slice %arg25[%dma_start3A_236, %dma_start3A_237] : memref<10000x128xf32, #tpu.memory_space<vmem_shared>> -> memref<10000x128xf32, #tpu.memory_space<vmem_shared>>
      tpu.enqueue_indirect_dma source(%arg20 : memref<104x128xf32, #tpu.memory_space<vmem>>) target(%dma_start3A_238 : memref<10000x128xf32, #tpu.memory_space<vmem_shared>>) offsets(%arg17 : memref<104xi32, #tpu.memory_space<vmem>>) semaphore(%arg36 : memref<!tpu.dma_semaphore, #tpu.memory_space<semaphore_mem>>) {add = true}
      %ge3A_239 = arith.constant 1 : i32
      %ge3A_240 = arith.cmpi sge, %add3A_229, %ge3A_239 : i32
      %convert_element_type3A_241 = arith.extui %ge3A_240 : i1 to i32
      %cond3A_242 = arith.constant 0 : i32
      %cond3A_243 = arith.cmpi ne, %convert_element_type3A_241, %cond3A_242 : i32
      scf.if %cond3A_243 {
        %dma_wait3A_290 = arith.constant 0 : i32
        %dma_wait3A_291 = arith.constant 0 : i32
        %dma_wait3A_292 = tpu.memref_slice %arg25[%dma_wait3A_290, %dma_wait3A_291] : memref<10000x128xf32, #tpu.memory_space<vmem_shared>> -> memref<10000x128xf32, #tpu.memory_space<vmem_shared>>
        tpu.wait_indirect_dma semaphore(%arg35 : memref<!tpu.dma_semaphore, #tpu.memory_space<semaphore_mem>>) src(%arg19 : memref<104x128xf32, #tpu.memory_space<vmem>>) dst(%dma_wait3A_292 : memref<10000x128xf32, #tpu.memory_space<vmem_shared>>)
      } else {
      }
      %add3A_244 = arith.constant 2 : i32
      %add3A_245 = arith.addi %add3A_229, %add3A_244 : i32
      %lt3A_246 = arith.constant 96 : i32
      %lt3A_247 = arith.cmpi slt, %add3A_245, %lt3A_246 : i32
      %convert_element_type3A_248 = arith.extui %lt3A_247 : i1 to i32
      %cond3A_249 = arith.constant 0 : i32
      %cond3A_250 = arith.cmpi ne, %convert_element_type3A_248, %cond3A_249 : i32
      scf.if %cond3A_250 {
        %dma_wait3A_290 = arith.constant 0 : i32
        %dma_wait3A_291 = tpu.memref_slice %arg3[%dma_wait3A_290] : memref<320000xi32, #tpu.memory_space<hbm>> -> memref<104xi32, #tpu.memory_space<hbm>>
        %dma_wait3A_292 = arith.constant 0 : i32
        %dma_wait3A_293 = tpu.memref_slice %arg3[%dma_wait3A_292] : memref<320000xi32, #tpu.memory_space<hbm>> -> memref<104xi32, #tpu.memory_space<hbm>>
        tpu.wait_dma2 semaphore(%arg26 : memref<!tpu.dma_semaphore, #tpu.memory_space<semaphore_mem>>) src(%dma_wait3A_293 : memref<104xi32, #tpu.memory_space<hbm>>) dst(%arg7 : memref<104xi32, #tpu.memory_space<vmem>>)
        %dma_wait3A_294 = arith.constant 0 : i32
        %dma_wait3A_295 = tpu.memref_slice %arg4[%dma_wait3A_294] : memref<320000xi32, #tpu.memory_space<hbm>> -> memref<104xi32, #tpu.memory_space<hbm>>
        %dma_wait3A_296 = arith.constant 0 : i32
        %dma_wait3A_297 = tpu.memref_slice %arg4[%dma_wait3A_296] : memref<320000xi32, #tpu.memory_space<hbm>> -> memref<104xi32, #tpu.memory_space<hbm>>
        tpu.wait_dma2 semaphore(%arg26 : memref<!tpu.dma_semaphore, #tpu.memory_space<semaphore_mem>>) src(%dma_wait3A_297 : memref<104xi32, #tpu.memory_space<hbm>>) dst(%arg13 : memref<104xi32, #tpu.memory_space<vmem>>)
        %dma_start3A_298 = arith.constant 0 : i32
        %dma_start3A_299 = arith.constant 0 : i32
        %dma_start3A_300 = tpu.memref_slice %arg2[%dma_start3A_298, %dma_start3A_299] : memref<10000x128xf32, #tpu.memory_space<hbm>> -> memref<10000x128xf32, #tpu.memory_space<hbm>>
        tpu.enqueue_indirect_dma source(%dma_start3A_300 : memref<10000x128xf32, #tpu.memory_space<hbm>>) target(%arg19 : memref<104x128xf32, #tpu.memory_space<vmem>>) offsets(%arg7 : memref<104xi32, #tpu.memory_space<vmem>>) semaphore(%arg32 : memref<!tpu.dma_semaphore, #tpu.memory_space<semaphore_mem>>)
      } else {
      }
      %add3A_251 = arith.constant 4 : i32
      %add3A_252 = arith.addi %add3A_229, %add3A_251 : i32
      %lt3A_253 = arith.constant 96 : i32
      %lt3A_254 = arith.cmpi slt, %add3A_252, %lt3A_253 : i32
      %convert_element_type3A_255 = arith.extui %lt3A_254 : i1 to i32
      %cond3A_256 = arith.constant 0 : i32
      %cond3A_257 = arith.cmpi ne, %convert_element_type3A_255, %cond3A_256 : i32
      scf.if %cond3A_257 {
        %add3A_290 = arith.constant 4 : i32
        %add3A_291 = arith.addi %add3A_229, %add3A_290 : i32
        %mul3A_292 = arith.constant 104 : i32
        %mul3A_293 = arith.muli %add3A_291, %mul3A_292 : i32
        %add3A_294 = arith.addi %multiple_of3A_11, %mul3A_293 : i32
        %multiple_of3A_295 = tpu.assume_multiple %add3A_294, 8 : i32
        %dma_start3A_296 = tpu.memref_slice %arg3[%multiple_of3A_295] : memref<320000xi32, #tpu.memory_space<hbm>> -> memref<104xi32, #tpu.memory_space<hbm>>
        %dma_start3A_297 = tpu.memref_slice %arg3[%multiple_of3A_295] : memref<320000xi32, #tpu.memory_space<hbm>> -> memref<104xi32, #tpu.memory_space<hbm>>
        tpu.enqueue_dma source(%dma_start3A_297 : memref<104xi32, #tpu.memory_space<hbm>>) target(%arg9 : memref<104xi32, #tpu.memory_space<vmem>>) target_semaphore(%arg28 : memref<!tpu.dma_semaphore, #tpu.memory_space<semaphore_mem>>)
        %dma_start3A_298 = tpu.memref_slice %arg4[%multiple_of3A_295] : memref<320000xi32, #tpu.memory_space<hbm>> -> memref<104xi32, #tpu.memory_space<hbm>>
        %dma_start3A_299 = tpu.memref_slice %arg4[%multiple_of3A_295] : memref<320000xi32, #tpu.memory_space<hbm>> -> memref<104xi32, #tpu.memory_space<hbm>>
        tpu.enqueue_dma source(%dma_start3A_299 : memref<104xi32, #tpu.memory_space<hbm>>) target(%arg15 : memref<104xi32, #tpu.memory_space<vmem>>) target_semaphore(%arg28 : memref<!tpu.dma_semaphore, #tpu.memory_space<semaphore_mem>>)
      } else {
      }
      %mul3A_258 = arith.constant 6 : i32
      %mul3A_259 = arith.muli %mul3A_258, %scan3A_98 : i32
      %add3A_260 = arith.constant 5 : i32
      %add3A_261 = arith.addi %mul3A_259, %add3A_260 : i32
      %dma_wait3A_262 = arith.constant 0 : i32
      %dma_wait3A_263 = arith.constant 0 : i32
      %dma_wait3A_264 = tpu.memref_slice %arg2[%dma_wait3A_262, %dma_wait3A_263] : memref<10000x128xf32, #tpu.memory_space<hbm>> -> memref<104x128xf32, #tpu.memory_space<hbm>>
      %dma_wait3A_265 = arith.constant 0 : i32
      %dma_wait3A_266 = arith.constant 0 : i32
      %dma_wait3A_267 = tpu.memref_slice %arg2[%dma_wait3A_265, %dma_wait3A_266] : memref<10000x128xf32, #tpu.memory_space<hbm>> -> memref<104x128xf32, #tpu.memory_space<hbm>>
      tpu.wait_dma2 semaphore(%arg34 : memref<!tpu.dma_semaphore, #tpu.memory_space<semaphore_mem>>) src(%dma_wait3A_267 : memref<104x128xf32, #tpu.memory_space<hbm>>) dst(%arg21 : memref<104x128xf32, #tpu.memory_space<vmem>>)
      %dma_start3A_268 = arith.constant 0 : i32
      %dma_start3A_269 = arith.constant 0 : i32
      %dma_start3A_270 = tpu.memref_slice %arg25[%dma_start3A_268, %dma_start3A_269] : memref<10000x128xf32, #tpu.memory_space<vmem_shared>> -> memref<10000x128xf32, #tpu.memory_space<vmem_shared>>
      tpu.enqueue_indirect_dma source(%arg21 : memref<104x128xf32, #tpu.memory_space<vmem>>) target(%dma_start3A_270 : memref<10000x128xf32, #tpu.memory_space<vmem_shared>>) offsets(%arg18 : memref<104xi32, #tpu.memory_space<vmem>>) semaphore(%arg37 : memref<!tpu.dma_semaphore, #tpu.memory_space<semaphore_mem>>) {add = true}
      %ge3A_271 = arith.constant 1 : i32
      %ge3A_272 = arith.cmpi sge, %add3A_261, %ge3A_271 : i32
      %convert_element_type3A_273 = arith.extui %ge3A_272 : i1 to i32
      %cond3A_274 = arith.constant 0 : i32
      %cond3A_275 = arith.cmpi ne, %convert_element_type3A_273, %cond3A_274 : i32
      scf.if %cond3A_275 {
        %dma_wait3A_290 = arith.constant 0 : i32
        %dma_wait3A_291 = arith.constant 0 : i32
        %dma_wait3A_292 = tpu.memref_slice %arg25[%dma_wait3A_290, %dma_wait3A_291] : memref<10000x128xf32, #tpu.memory_space<vmem_shared>> -> memref<10000x128xf32, #tpu.memory_space<vmem_shared>>
        tpu.wait_indirect_dma semaphore(%arg36 : memref<!tpu.dma_semaphore, #tpu.memory_space<semaphore_mem>>) src(%arg20 : memref<104x128xf32, #tpu.memory_space<vmem>>) dst(%dma_wait3A_292 : memref<10000x128xf32, #tpu.memory_space<vmem_shared>>)
      } else {
      }
      %add3A_276 = arith.constant 2 : i32
      %add3A_277 = arith.addi %add3A_261, %add3A_276 : i32
      %lt3A_278 = arith.constant 96 : i32
      %lt3A_279 = arith.cmpi slt, %add3A_277, %lt3A_278 : i32
      %convert_element_type3A_280 = arith.extui %lt3A_279 : i1 to i32
      %cond3A_281 = arith.constant 0 : i32
      %cond3A_282 = arith.cmpi ne, %convert_element_type3A_280, %cond3A_281 : i32
      scf.if %cond3A_282 {
        %dma_wait3A_290 = arith.constant 0 : i32
        %dma_wait3A_291 = tpu.memref_slice %arg3[%dma_wait3A_290] : memref<320000xi32, #tpu.memory_space<hbm>> -> memref<104xi32, #tpu.memory_space<hbm>>
        %dma_wait3A_292 = arith.constant 0 : i32
        %dma_wait3A_293 = tpu.memref_slice %arg3[%dma_wait3A_292] : memref<320000xi32, #tpu.memory_space<hbm>> -> memref<104xi32, #tpu.memory_space<hbm>>
        tpu.wait_dma2 semaphore(%arg27 : memref<!tpu.dma_semaphore, #tpu.memory_space<semaphore_mem>>) src(%dma_wait3A_293 : memref<104xi32, #tpu.memory_space<hbm>>) dst(%arg8 : memref<104xi32, #tpu.memory_space<vmem>>)
        %dma_wait3A_294 = arith.constant 0 : i32
        %dma_wait3A_295 = tpu.memref_slice %arg4[%dma_wait3A_294] : memref<320000xi32, #tpu.memory_space<hbm>> -> memref<104xi32, #tpu.memory_space<hbm>>
        %dma_wait3A_296 = arith.constant 0 : i32
        %dma_wait3A_297 = tpu.memref_slice %arg4[%dma_wait3A_296] : memref<320000xi32, #tpu.memory_space<hbm>> -> memref<104xi32, #tpu.memory_space<hbm>>
        tpu.wait_dma2 semaphore(%arg27 : memref<!tpu.dma_semaphore, #tpu.memory_space<semaphore_mem>>) src(%dma_wait3A_297 : memref<104xi32, #tpu.memory_space<hbm>>) dst(%arg14 : memref<104xi32, #tpu.memory_space<vmem>>)
        %dma_start3A_298 = arith.constant 0 : i32
        %dma_start3A_299 = arith.constant 0 : i32
        %dma_start3A_300 = tpu.memref_slice %arg2[%dma_start3A_298, %dma_start3A_299] : memref<10000x128xf32, #tpu.memory_space<hbm>> -> memref<10000x128xf32, #tpu.memory_space<hbm>>
        tpu.enqueue_indirect_dma source(%dma_start3A_300 : memref<10000x128xf32, #tpu.memory_space<hbm>>) target(%arg20 : memref<104x128xf32, #tpu.memory_space<vmem>>) offsets(%arg8 : memref<104xi32, #tpu.memory_space<vmem>>) semaphore(%arg33 : memref<!tpu.dma_semaphore, #tpu.memory_space<semaphore_mem>>)
      } else {
      }
      %add3A_283 = arith.constant 4 : i32
      %add3A_284 = arith.addi %add3A_261, %add3A_283 : i32
      %lt3A_285 = arith.constant 96 : i32
      %lt3A_286 = arith.cmpi slt, %add3A_284, %lt3A_285 : i32
      %convert_element_type3A_287 = arith.extui %lt3A_286 : i1 to i32
      %cond3A_288 = arith.constant 0 : i32
      %cond3A_289 = arith.cmpi ne, %convert_element_type3A_287, %cond3A_288 : i32
      scf.if %cond3A_289 {
        %add3A_290 = arith.constant 4 : i32
        %add3A_291 = arith.addi %add3A_261, %add3A_290 : i32
        %mul3A_292 = arith.constant 104 : i32
        %mul3A_293 = arith.muli %add3A_291, %mul3A_292 : i32
        %add3A_294 = arith.addi %multiple_of3A_11, %mul3A_293 : i32
        %multiple_of3A_295 = tpu.assume_multiple %add3A_294, 8 : i32
        %dma_start3A_296 = tpu.memref_slice %arg3[%multiple_of3A_295] : memref<320000xi32, #tpu.memory_space<hbm>> -> memref<104xi32, #tpu.memory_space<hbm>>
        %dma_start3A_297 = tpu.memref_slice %arg3[%multiple_of3A_295] : memref<320000xi32, #tpu.memory_space<hbm>> -> memref<104xi32, #tpu.memory_space<hbm>>
        tpu.enqueue_dma source(%dma_start3A_297 : memref<104xi32, #tpu.memory_space<hbm>>) target(%arg10 : memref<104xi32, #tpu.memory_space<vmem>>) target_semaphore(%arg29 : memref<!tpu.dma_semaphore, #tpu.memory_space<semaphore_mem>>)
        %dma_start3A_298 = tpu.memref_slice %arg4[%multiple_of3A_295] : memref<320000xi32, #tpu.memory_space<hbm>> -> memref<104xi32, #tpu.memory_space<hbm>>
        %dma_start3A_299 = tpu.memref_slice %arg4[%multiple_of3A_295] : memref<320000xi32, #tpu.memory_space<hbm>> -> memref<104xi32, #tpu.memory_space<hbm>>
        tpu.enqueue_dma source(%dma_start3A_299 : memref<104xi32, #tpu.memory_space<hbm>>) target(%arg16 : memref<104xi32, #tpu.memory_space<vmem>>) target_semaphore(%arg29 : memref<!tpu.dma_semaphore, #tpu.memory_space<semaphore_mem>>)
      } else {
      }
    }
    %scan3A_74 = arith.constant 16 : i32
    %dma_wait3A_75 = arith.constant 0 : i32
    %dma_wait3A_76 = arith.constant 0 : i32
    %dma_wait3A_77 = tpu.memref_slice %arg25[%dma_wait3A_75, %dma_wait3A_76] : memref<10000x128xf32, #tpu.memory_space<vmem_shared>> -> memref<10000x128xf32, #tpu.memory_space<vmem_shared>>
    tpu.wait_indirect_dma semaphore(%arg37 : memref<!tpu.dma_semaphore, #tpu.memory_space<semaphore_mem>>) src(%arg21 : memref<104x128xf32, #tpu.memory_space<vmem>>) dst(%dma_wait3A_77 : memref<10000x128xf32, #tpu.memory_space<vmem_shared>>)
    %add3A_78 = arith.constant 9984 : i32
    %add3A_79 = arith.addi %multiple_of3A_11, %add3A_78 : i32
    %multiple_of3A_80 = tpu.assume_multiple %add3A_79, 8 : i32
    "tpu.region"() ({
      %run_scoped3A = tpu.sem_alloc : memref<!tpu.dma_semaphore, #tpu.memory_space<semaphore_mem>>
      %dma_start3A_98 = tpu.memref_slice %arg3[%multiple_of3A_80] : memref<320000xi32, #tpu.memory_space<hbm>> -> memref<16xi32, #tpu.memory_space<hbm>>
      %dma_start3A_99 = tpu.memref_slice %arg3[%multiple_of3A_80] : memref<320000xi32, #tpu.memory_space<hbm>> -> memref<16xi32, #tpu.memory_space<hbm>>
      tpu.enqueue_dma source(%dma_start3A_99 : memref<16xi32, #tpu.memory_space<hbm>>) target(%arg22 : memref<16xi32, #tpu.memory_space<vmem>>) target_semaphore(%run_scoped3A : memref<!tpu.dma_semaphore, #tpu.memory_space<semaphore_mem>>)
      %dma_wait3A_100 = tpu.memref_slice %arg3[%multiple_of3A_80] : memref<320000xi32, #tpu.memory_space<hbm>> -> memref<16xi32, #tpu.memory_space<hbm>>
      %dma_wait3A_101 = tpu.memref_slice %arg3[%multiple_of3A_80] : memref<320000xi32, #tpu.memory_space<hbm>> -> memref<16xi32, #tpu.memory_space<hbm>>
      tpu.wait_dma2 semaphore(%run_scoped3A : memref<!tpu.dma_semaphore, #tpu.memory_space<semaphore_mem>>) src(%dma_wait3A_101 : memref<16xi32, #tpu.memory_space<hbm>>) dst(%arg22 : memref<16xi32, #tpu.memory_space<vmem>>)
      tpu.yield
    }) : () -> ()
    "tpu.region"() ({
      %run_scoped3A = tpu.sem_alloc : memref<!tpu.dma_semaphore, #tpu.memory_space<semaphore_mem>>
      %dma_start3A_98 = tpu.memref_slice %arg4[%multiple_of3A_80] : memref<320000xi32, #tpu.memory_space<hbm>> -> memref<16xi32, #tpu.memory_space<hbm>>
      %dma_start3A_99 = tpu.memref_slice %arg4[%multiple_of3A_80] : memref<320000xi32, #tpu.memory_space<hbm>> -> memref<16xi32, #tpu.memory_space<hbm>>
      tpu.enqueue_dma source(%dma_start3A_99 : memref<16xi32, #tpu.memory_space<hbm>>) target(%arg23 : memref<16xi32, #tpu.memory_space<vmem>>) target_semaphore(%run_scoped3A : memref<!tpu.dma_semaphore, #tpu.memory_space<semaphore_mem>>)
      %dma_wait3A_100 = tpu.memref_slice %arg4[%multiple_of3A_80] : memref<320000xi32, #tpu.memory_space<hbm>> -> memref<16xi32, #tpu.memory_space<hbm>>
      %dma_wait3A_101 = tpu.memref_slice %arg4[%multiple_of3A_80] : memref<320000xi32, #tpu.memory_space<hbm>> -> memref<16xi32, #tpu.memory_space<hbm>>
      tpu.wait_dma2 semaphore(%run_scoped3A : memref<!tpu.dma_semaphore, #tpu.memory_space<semaphore_mem>>) src(%dma_wait3A_101 : memref<16xi32, #tpu.memory_space<hbm>>) dst(%arg23 : memref<16xi32, #tpu.memory_space<vmem>>)
      tpu.yield
    }) : () -> ()
    %dma_start3A_81 = arith.constant 0 : i32
    %dma_start3A_82 = arith.constant 0 : i32
    %dma_start3A_83 = tpu.memref_slice %arg2[%dma_start3A_81, %dma_start3A_82] : memref<10000x128xf32, #tpu.memory_space<hbm>> -> memref<10000x128xf32, #tpu.memory_space<hbm>>
    tpu.enqueue_indirect_dma source(%dma_start3A_83 : memref<10000x128xf32, #tpu.memory_space<hbm>>) target(%arg24 : memref<16x128xf32, #tpu.memory_space<vmem>>) offsets(%arg22 : memref<16xi32, #tpu.memory_space<vmem>>) semaphore(%arg26 : memref<!tpu.dma_semaphore, #tpu.memory_space<semaphore_mem>>)
    %dma_wait3A_84 = arith.constant 0 : i32
    %dma_wait3A_85 = arith.constant 0 : i32
    %dma_wait3A_86 = tpu.memref_slice %arg2[%dma_wait3A_84, %dma_wait3A_85] : memref<10000x128xf32, #tpu.memory_space<hbm>> -> memref<10000x128xf32, #tpu.memory_space<hbm>>
    tpu.wait_indirect_dma semaphore(%arg26 : memref<!tpu.dma_semaphore, #tpu.memory_space<semaphore_mem>>) src(%dma_wait3A_86 : memref<10000x128xf32, #tpu.memory_space<hbm>>) dst(%arg24 : memref<16x128xf32, #tpu.memory_space<vmem>>)
    "tpu.region"() ({
      %run_scoped3A = tpu.sem_alloc : memref<!tpu.dma_semaphore, #tpu.memory_space<semaphore_mem>>
      %dma_start3A_98 = arith.constant 0 : i32
      %dma_start3A_99 = arith.constant 0 : i32
      %dma_start3A_100 = tpu.memref_slice %arg25[%dma_start3A_98, %dma_start3A_99] : memref<10000x128xf32, #tpu.memory_space<vmem_shared>> -> memref<10000x128xf32, #tpu.memory_space<vmem_shared>>
      tpu.enqueue_indirect_dma source(%arg24 : memref<16x128xf32, #tpu.memory_space<vmem>>) target(%dma_start3A_100 : memref<10000x128xf32, #tpu.memory_space<vmem_shared>>) offsets(%arg23 : memref<16xi32, #tpu.memory_space<vmem>>) semaphore(%run_scoped3A : memref<!tpu.dma_semaphore, #tpu.memory_space<semaphore_mem>>) {add = true}
      %dma_wait3A_101 = arith.constant 0 : i32
      %dma_wait3A_102 = arith.constant 0 : i32
      %dma_wait3A_103 = tpu.memref_slice %arg25[%dma_wait3A_101, %dma_wait3A_102] : memref<10000x128xf32, #tpu.memory_space<vmem_shared>> -> memref<10000x128xf32, #tpu.memory_space<vmem_shared>>
      tpu.wait_indirect_dma semaphore(%run_scoped3A : memref<!tpu.dma_semaphore, #tpu.memory_space<semaphore_mem>>) src(%arg24 : memref<16x128xf32, #tpu.memory_space<vmem>>) dst(%dma_wait3A_103 : memref<10000x128xf32, #tpu.memory_space<vmem_shared>>)
      tpu.yield
    }) : () -> ()
    %barrier3A_87 = arith.constant 0 : index
    tpu.barrier barrier_id(%barrier3A_87)
    %lt3A_88 = arith.constant 15 : i32
    %lt3A_89 = arith.cmpi slt, %arg1, %lt3A_88 : i32
    %convert_element_type3A_90 = arith.extui %lt3A_89 : i1 to i32
    %cond3A_91 = arith.constant 0 : i32
    %cond3A_92 = arith.cmpi ne, %convert_element_type3A_90, %cond3A_91 : i32
    scf.if %cond3A_92 {
      "tpu.region"() ({
        %run_scoped3A = tpu.sem_alloc : memref<!tpu.dma_semaphore, #tpu.memory_space<semaphore_mem>>
        %dma_start3A_98 = arith.constant 0 : i32
        %dma_start3A_99 = tpu.memref_slice %arg6[%arg0, %multiple_of3A, %dma_start3A_98] : memref<2x10000x128xf32, #tpu.memory_space<hbm>> -> memref<1x632x128xf32, #tpu.memory_space<hbm>>
        %dma_start3A_100 = tpu.memref_squeeze %dma_start3A_99 : memref<1x632x128xf32, #tpu.memory_space<hbm>> -> memref<632x128xf32, #tpu.memory_space<hbm>>
        %dma_start3A_101 = arith.constant 0 : i32
        %dma_start3A_102 = tpu.memref_slice %arg25[%multiple_of3A, %dma_start3A_101] : memref<10000x128xf32, #tpu.memory_space<vmem_shared>> -> memref<632x128xf32, #tpu.memory_space<vmem_shared>>
        tpu.enqueue_dma source(%dma_start3A_102 : memref<632x128xf32, #tpu.memory_space<vmem_shared>>) target(%dma_start3A_100 : memref<632x128xf32, #tpu.memory_space<hbm>>) target_semaphore(%run_scoped3A : memref<!tpu.dma_semaphore, #tpu.memory_space<semaphore_mem>>)
        %dma_wait3A_103 = arith.constant 0 : i32
        %dma_wait3A_104 = tpu.memref_slice %arg6[%arg0, %multiple_of3A, %dma_wait3A_103] : memref<2x10000x128xf32, #tpu.memory_space<hbm>> -> memref<1x632x128xf32, #tpu.memory_space<hbm>>
        %dma_wait3A_105 = tpu.memref_squeeze %dma_wait3A_104 : memref<1x632x128xf32, #tpu.memory_space<hbm>> -> memref<632x128xf32, #tpu.memory_space<hbm>>
        %dma_wait3A_106 = arith.constant 0 : i32
        %dma_wait3A_107 = tpu.memref_slice %arg25[%multiple_of3A, %dma_wait3A_106] : memref<10000x128xf32, #tpu.memory_space<vmem_shared>> -> memref<632x128xf32, #tpu.memory_space<vmem_shared>>
        tpu.wait_dma2 semaphore(%run_scoped3A : memref<!tpu.dma_semaphore, #tpu.memory_space<semaphore_mem>>) src(%dma_wait3A_107 : memref<632x128xf32, #tpu.memory_space<vmem_shared>>) dst(%dma_wait3A_105 : memref<632x128xf32, #tpu.memory_space<hbm>>)
        tpu.yield
      }) : () -> ()
    } else {
    }
    %eq3A_93 = arith.constant 15 : i32
    %eq3A_94 = arith.cmpi eq, %arg1, %eq3A_93 : i32
    %convert_element_type3A_95 = arith.extui %eq3A_94 : i1 to i32
    %cond3A_96 = arith.constant 0 : i32
    %cond3A_97 = arith.cmpi ne, %convert_element_type3A_95, %cond3A_96 : i32
    scf.if %cond3A_97 {
      "tpu.region"() ({
        %run_scoped3A = tpu.sem_alloc : memref<!tpu.dma_semaphore, #tpu.memory_space<semaphore_mem>>
        %dma_start3A_98 = arith.constant 0 : i32
        %dma_start3A_99 = tpu.memref_slice %arg6[%arg0, %multiple_of3A, %dma_start3A_98] : memref<2x10000x128xf32, #tpu.memory_space<hbm>> -> memref<1x520x128xf32, #tpu.memory_space<hbm>>
        %dma_start3A_100 = tpu.memref_squeeze %dma_start3A_99 : memref<1x520x128xf32, #tpu.memory_space<hbm>> -> memref<520x128xf32, #tpu.memory_space<hbm>>
        %dma_start3A_101 = arith.constant 0 : i32
        %dma_start3A_102 = tpu.memref_slice %arg25[%multiple_of3A, %dma_start3A_101] : memref<10000x128xf32, #tpu.memory_space<vmem_shared>> -> memref<520x128xf32, #tpu.memory_space<vmem_shared>>
        tpu.enqueue_dma source(%dma_start3A_102 : memref<520x128xf32, #tpu.memory_space<vmem_shared>>) target(%dma_start3A_100 : memref<520x128xf32, #tpu.memory_space<hbm>>) target_semaphore(%run_scoped3A : memref<!tpu.dma_semaphore, #tpu.memory_space<semaphore_mem>>)
        %dma_wait3A_103 = arith.constant 0 : i32
        %dma_wait3A_104 = tpu.memref_slice %arg6[%arg0, %multiple_of3A, %dma_wait3A_103] : memref<2x10000x128xf32, #tpu.memory_space<hbm>> -> memref<1x520x128xf32, #tpu.memory_space<hbm>>
        %dma_wait3A_105 = tpu.memref_squeeze %dma_wait3A_104 : memref<1x520x128xf32, #tpu.memory_space<hbm>> -> memref<520x128xf32, #tpu.memory_space<hbm>>
        %dma_wait3A_106 = arith.constant 0 : i32
        %dma_wait3A_107 = tpu.memref_slice %arg25[%multiple_of3A, %dma_wait3A_106] : memref<10000x128xf32, #tpu.memory_space<vmem_shared>> -> memref<520x128xf32, #tpu.memory_space<vmem_shared>>
        tpu.wait_dma2 semaphore(%run_scoped3A : memref<!tpu.dma_semaphore, #tpu.memory_space<semaphore_mem>>) src(%dma_wait3A_107 : memref<520x128xf32, #tpu.memory_space<vmem_shared>>) dst(%dma_wait3A_105 : memref<520x128xf32, #tpu.memory_space<hbm>>)
        tpu.yield
      }) : () -> ()
    } else {
    }
    return
  }
}

#map = affine_map<(d0, d1) -> (0, 0)>
#map1 = affine_map<(d0, d1) -> (0)>
#map2 = affine_map<(d0, d1) -> (0, 0, 0)>
module attributes {stable_mosaic.version = 14 : i64} {
  func.func @_segsum_sc(%arg0: i32, %arg1: i32, %arg2: memref<10000x128xf32, #tpu.memory_space<hbm>>, %arg3: memref<320000xi32, #tpu.memory_space<hbm>>, %arg4: memref<320000xi32, #tpu.memory_space<hbm>>, %arg5: memref<10000x128xf32, #tpu.memory_space<hbm>>, %arg6: memref<2x10000x128xf32, #tpu.memory_space<hbm>>, %arg7: memref<104xi32, #tpu.memory_space<vmem>>, %arg8: memref<104xi32, #tpu.memory_space<vmem>>, %arg9: memref<104xi32, #tpu.memory_space<vmem>>, %arg10: memref<104xi32, #tpu.memory_space<vmem>>, %arg11: memref<104xi32, #tpu.memory_space<vmem>>, %arg12: memref<104xi32, #tpu.memory_space<vmem>>, %arg13: memref<104xi32, #tpu.memory_space<vmem>>, %arg14: memref<104xi32, #tpu.memory_space<vmem>>, %arg15: memref<104xi32, #tpu.memory_space<vmem>>, %arg16: memref<104xi32, #tpu.memory_space<vmem>>, %arg17: memref<104xi32, #tpu.memory_space<vmem>>, %arg18: memref<104xi32, #tpu.memory_space<vmem>>, %arg19: memref<104x128xf32, #tpu.memory_space<vmem>>, %arg20: memref<104x128xf32, #tpu.memory_space<vmem>>, %arg21: memref<104x128xf32, #tpu.memory_space<vmem>>, %arg22: memref<16xi32, #tpu.memory_space<vmem>>, %arg23: memref<16xi32, #tpu.memory_space<vmem>>, %arg24: memref<16x128xf32, #tpu.memory_space<vmem>>, %arg25: memref<10000x128xf32, #tpu.memory_space<vmem_shared>>, %arg26: memref<!tpu.dma_semaphore, #tpu.memory_space<semaphore_mem>>, %arg27: memref<!tpu.dma_semaphore, #tpu.memory_space<semaphore_mem>>, %arg28: memref<!tpu.dma_semaphore, #tpu.memory_space<semaphore_mem>>, %arg29: memref<!tpu.dma_semaphore, #tpu.memory_space<semaphore_mem>>, %arg30: memref<!tpu.dma_semaphore, #tpu.memory_space<semaphore_mem>>, %arg31: memref<!tpu.dma_semaphore, #tpu.memory_space<semaphore_mem>>, %arg32: memref<!tpu.dma_semaphore, #tpu.memory_space<semaphore_mem>>, %arg33: memref<!tpu.dma_semaphore, #tpu.memory_space<semaphore_mem>>, %arg34: memref<!tpu.dma_semaphore, #tpu.memory_space<semaphore_mem>>, %arg35: memref<!tpu.dma_semaphore, #tpu.memory_space<semaphore_mem>>, %arg36: memref<!tpu.dma_semaphore, #tpu.memory_space<semaphore_mem>>, %arg37: memref<!tpu.dma_semaphore, #tpu.memory_space<semaphore_mem>>) attributes {dimension_semantics = [#tpu.dimension_semantics<core_parallel>, #tpu.dimension_semantics<subcore_parallel>], iteration_bounds = array<i64: 2, 16>, scalar_prefetch = 0 : i64, scratch_operands = 31 : i64, tpu.core_type = #tpu.core_type<sc_vector_subcore>, window_params = [{transform_indices = #map}, {transform_indices = #map1}, {transform_indices = #map1}, {transform_indices = #map}, {transform_indices = #map2}]} {
    %mul3A = arith.constant 632 : i32
    %mul3A_0 = arith.muli %arg1, %mul3A : i32
    %multiple_of3A = tpu.assume_multiple %mul3A_0, 8 : i32
    %lt3A = arith.constant 15 : i32
    %lt3A_1 = arith.cmpi slt, %arg1, %lt3A : i32
    %convert_element_type3A = arith.extui %lt3A_1 : i1 to i32
    %cond3A = arith.constant 0 : i32
    %cond3A_2 = arith.cmpi ne, %convert_element_type3A, %cond3A : i32
    scf.if %cond3A_2 {
      %dma_start3A_98 = arith.constant 0 : i32
      %dma_start3A_99 = tpu.memref_slice %arg25[%multiple_of3A, %dma_start3A_98] : memref<10000x128xf32, #tpu.memory_space<vmem_shared>> -> memref<632x128xf32, #tpu.memory_space<vmem_shared>>
      %dma_start3A_100 = arith.constant 0 : i32
      %dma_start3A_101 = tpu.memref_slice %arg5[%multiple_of3A, %dma_start3A_100] : memref<10000x128xf32, #tpu.memory_space<hbm>> -> memref<632x128xf32, #tpu.memory_space<hbm>>
      tpu.enqueue_dma source(%dma_start3A_101 : memref<632x128xf32, #tpu.memory_space<hbm>>) target(%dma_start3A_99 : memref<632x128xf32, #tpu.memory_space<vmem_shared>>) target_semaphore(%arg35 : memref<!tpu.dma_semaphore, #tpu.memory_space<semaphore_mem>>)
    } else {
    }
    %eq3A = arith.constant 15 : i32
    %eq3A_3 = arith.cmpi eq, %arg1, %eq3A : i32
    %convert_element_type3A_4 = arith.extui %eq3A_3 : i1 to i32
    %cond3A_5 = arith.constant 0 : i32
    %cond3A_6 = arith.cmpi ne, %convert_element_type3A_4, %cond3A_5 : i32
    scf.if %cond3A_6 {
      %dma_start3A_98 = arith.constant 0 : i32
      %dma_start3A_99 = tpu.memref_slice %arg25[%multiple_of3A, %dma_start3A_98] : memref<10000x128xf32, #tpu.memory_space<vmem_shared>> -> memref<520x128xf32, #tpu.memory_space<vmem_shared>>
      %dma_start3A_100 = arith.constant 0 : i32
      %dma_start3A_101 = tpu.memref_slice %arg5[%multiple_of3A, %dma_start3A_100] : memref<10000x128xf32, #tpu.memory_space<hbm>> -> memref<520x128xf32, #tpu.memory_space<hbm>>
      tpu.enqueue_dma source(%dma_start3A_101 : memref<520x128xf32, #tpu.memory_space<hbm>>) target(%dma_start3A_99 : memref<520x128xf32, #tpu.memory_space<vmem_shared>>) target_semaphore(%arg35 : memref<!tpu.dma_semaphore, #tpu.memory_space<semaphore_mem>>)
    } else {
    }
    %mul3A_7 = arith.constant 16 : i32
    %mul3A_8 = arith.muli %arg0, %mul3A_7 : i32
    %add3A = arith.addi %mul3A_8, %arg1 : i32
    %mul3A_9 = arith.constant 10000 : i32
    %mul3A_10 = arith.muli %add3A, %mul3A_9 : i32
    %multiple_of3A_11 = tpu.assume_multiple %mul3A_10, 8 : i32
    %add3A_12 = arith.constant 0 : i32
    %add3A_13 = arith.addi %multiple_of3A_11, %add3A_12 : i32
    %multiple_of3A_14 = tpu.assume_multiple %add3A_13, 8 : i32
    %dma_start3A = tpu.memref_slice %arg3[%multiple_of3A_14] : memref<320000xi32, #tpu.memory_space<hbm>> -> memref<104xi32, #tpu.memory_space<hbm>>
    %dma_start3A_15 = tpu.memref_slice %arg3[%multiple_of3A_14] : memref<320000xi32, #tpu.memory_space<hbm>> -> memref<104xi32, #tpu.memory_space<hbm>>
    tpu.enqueue_dma source(%dma_start3A_15 : memref<104xi32, #tpu.memory_space<hbm>>) target(%arg7 : memref<104xi32, #tpu.memory_space<vmem>>) target_semaphore(%arg26 : memref<!tpu.dma_semaphore, #tpu.memory_space<semaphore_mem>>)
    %dma_start3A_16 = tpu.memref_slice %arg4[%multiple_of3A_14] : memref<320000xi32, #tpu.memory_space<hbm>> -> memref<104xi32, #tpu.memory_space<hbm>>
    %dma_start3A_17 = tpu.memref_slice %arg4[%multiple_of3A_14] : memref<320000xi32, #tpu.memory_space<hbm>> -> memref<104xi32, #tpu.memory_space<hbm>>
    tpu.enqueue_dma source(%dma_start3A_17 : memref<104xi32, #tpu.memory_space<hbm>>) target(%arg13 : memref<104xi32, #tpu.memory_space<vmem>>) target_semaphore(%arg26 : memref<!tpu.dma_semaphore, #tpu.memory_space<semaphore_mem>>)
    %add3A_18 = arith.constant 104 : i32
    %add3A_19 = arith.addi %multiple_of3A_11, %add3A_18 : i32
    %multiple_of3A_20 = tpu.assume_multiple %add3A_19, 8 : i32
    %dma_start3A_21 = tpu.memref_slice %arg3[%multiple_of3A_20] : memref<320000xi32, #tpu.memory_space<hbm>> -> memref<104xi32, #tpu.memory_space<hbm>>
    %dma_start3A_22 = tpu.memref_slice %arg3[%multiple_of3A_20] : memref<320000xi32, #tpu.memory_space<hbm>> -> memref<104xi32, #tpu.memory_space<hbm>>
    tpu.enqueue_dma source(%dma_start3A_22 : memref<104xi32, #tpu.memory_space<hbm>>) target(%arg8 : memref<104xi32, #tpu.memory_space<vmem>>) target_semaphore(%arg27 : memref<!tpu.dma_semaphore, #tpu.memory_space<semaphore_mem>>)
    %dma_start3A_23 = tpu.memref_slice %arg4[%multiple_of3A_20] : memref<320000xi32, #tpu.memory_space<hbm>> -> memref<104xi32, #tpu.memory_space<hbm>>
    %dma_start3A_24 = tpu.memref_slice %arg4[%multiple_of3A_20] : memref<320000xi32, #tpu.memory_space<hbm>> -> memref<104xi32, #tpu.memory_space<hbm>>
    tpu.enqueue_dma source(%dma_start3A_24 : memref<104xi32, #tpu.memory_space<hbm>>) target(%arg14 : memref<104xi32, #tpu.memory_space<vmem>>) target_semaphore(%arg27 : memref<!tpu.dma_semaphore, #tpu.memory_space<semaphore_mem>>)
    %add3A_25 = arith.constant 208 : i32
    %add3A_26 = arith.addi %multiple_of3A_11, %add3A_25 : i32
    %multiple_of3A_27 = tpu.assume_multiple %add3A_26, 8 : i32
    %dma_start3A_28 = tpu.memref_slice %arg3[%multiple_of3A_27] : memref<320000xi32, #tpu.memory_space<hbm>> -> memref<104xi32, #tpu.memory_space<hbm>>
    %dma_start3A_29 = tpu.memref_slice %arg3[%multiple_of3A_27] : memref<320000xi32, #tpu.memory_space<hbm>> -> memref<104xi32, #tpu.memory_space<hbm>>
    tpu.enqueue_dma source(%dma_start3A_29 : memref<104xi32, #tpu.memory_space<hbm>>) target(%arg9 : memref<104xi32, #tpu.memory_space<vmem>>) target_semaphore(%arg28 : memref<!tpu.dma_semaphore, #tpu.memory_space<semaphore_mem>>)
    %dma_start3A_30 = tpu.memref_slice %arg4[%multiple_of3A_27] : memref<320000xi32, #tpu.memory_space<hbm>> -> memref<104xi32, #tpu.memory_space<hbm>>
    %dma_start3A_31 = tpu.memref_slice %arg4[%multiple_of3A_27] : memref<320000xi32, #tpu.memory_space<hbm>> -> memref<104xi32, #tpu.memory_space<hbm>>
    tpu.enqueue_dma source(%dma_start3A_31 : memref<104xi32, #tpu.memory_space<hbm>>) target(%arg15 : memref<104xi32, #tpu.memory_space<vmem>>) target_semaphore(%arg28 : memref<!tpu.dma_semaphore, #tpu.memory_space<semaphore_mem>>)
    %add3A_32 = arith.constant 312 : i32
    %add3A_33 = arith.addi %multiple_of3A_11, %add3A_32 : i32
    %multiple_of3A_34 = tpu.assume_multiple %add3A_33, 8 : i32
    %dma_start3A_35 = tpu.memref_slice %arg3[%multiple_of3A_34] : memref<320000xi32, #tpu.memory_space<hbm>> -> memref<104xi32, #tpu.memory_space<hbm>>
    %dma_start3A_36 = tpu.memref_slice %arg3[%multiple_of3A_34] : memref<320000xi32, #tpu.memory_space<hbm>> -> memref<104xi32, #tpu.memory_space<hbm>>
    tpu.enqueue_dma source(%dma_start3A_36 : memref<104xi32, #tpu.memory_space<hbm>>) target(%arg10 : memref<104xi32, #tpu.memory_space<vmem>>) target_semaphore(%arg29 : memref<!tpu.dma_semaphore, #tpu.memory_space<semaphore_mem>>)
    %dma_start3A_37 = tpu.memref_slice %arg4[%multiple_of3A_34] : memref<320000xi32, #tpu.memory_space<hbm>> -> memref<104xi32, #tpu.memory_space<hbm>>
    %dma_start3A_38 = tpu.memref_slice %arg4[%multiple_of3A_34] : memref<320000xi32, #tpu.memory_space<hbm>> -> memref<104xi32, #tpu.memory_space<hbm>>
    tpu.enqueue_dma source(%dma_start3A_38 : memref<104xi32, #tpu.memory_space<hbm>>) target(%arg16 : memref<104xi32, #tpu.memory_space<vmem>>) target_semaphore(%arg29 : memref<!tpu.dma_semaphore, #tpu.memory_space<semaphore_mem>>)
    %dma_wait3A = arith.constant 0 : i32
    %dma_wait3A_39 = tpu.memref_slice %arg3[%dma_wait3A] : memref<320000xi32, #tpu.memory_space<hbm>> -> memref<104xi32, #tpu.memory_space<hbm>>
    %dma_wait3A_40 = arith.constant 0 : i32
    %dma_wait3A_41 = tpu.memref_slice %arg3[%dma_wait3A_40] : memref<320000xi32, #tpu.memory_space<hbm>> -> memref<104xi32, #tpu.memory_space<hbm>>
    tpu.wait_dma2 semaphore(%arg26 : memref<!tpu.dma_semaphore, #tpu.memory_space<semaphore_mem>>) src(%dma_wait3A_41 : memref<104xi32, #tpu.memory_space<hbm>>) dst(%arg7 : memref<104xi32, #tpu.memory_space<vmem>>)
    %dma_wait3A_42 = arith.constant 0 : i32
    %dma_wait3A_43 = tpu.memref_slice %arg4[%dma_wait3A_42] : memref<320000xi32, #tpu.memory_space<hbm>> -> memref<104xi32, #tpu.memory_space<hbm>>
    %dma_wait3A_44 = arith.constant 0 : i32
    %dma_wait3A_45 = tpu.memref_slice %arg4[%dma_wait3A_44] : memref<320000xi32, #tpu.memory_space<hbm>> -> memref<104xi32, #tpu.memory_space<hbm>>
    tpu.wait_dma2 semaphore(%arg26 : memref<!tpu.dma_semaphore, #tpu.memory_space<semaphore_mem>>) src(%dma_wait3A_45 : memref<104xi32, #tpu.memory_space<hbm>>) dst(%arg13 : memref<104xi32, #tpu.memory_space<vmem>>)
    %dma_start3A_46 = arith.constant 0 : i32
    %dma_start3A_47 = arith.constant 0 : i32
    %dma_start3A_48 = tpu.memref_slice %arg2[%dma_start3A_46, %dma_start3A_47] : memref<10000x128xf32, #tpu.memory_space<hbm>> -> memref<10000x128xf32, #tpu.memory_space<hbm>>
    tpu.enqueue_indirect_dma source(%dma_start3A_48 : memref<10000x128xf32, #tpu.memory_space<hbm>>) target(%arg19 : memref<104x128xf32, #tpu.memory_space<vmem>>) offsets(%arg7 : memref<104xi32, #tpu.memory_space<vmem>>) semaphore(%arg32 : memref<!tpu.dma_semaphore, #tpu.memory_space<semaphore_mem>>)
    %dma_wait3A_49 = arith.constant 0 : i32
    %dma_wait3A_50 = tpu.memref_slice %arg3[%dma_wait3A_49] : memref<320000xi32, #tpu.memory_space<hbm>> -> memref<104xi32, #tpu.memory_space<hbm>>
    %dma_wait3A_51 = arith.constant 0 : i32
    %dma_wait3A_52 = tpu.memref_slice %arg3[%dma_wait3A_51] : memref<320000xi32, #tpu.memory_space<hbm>> -> memref<104xi32, #tpu.memory_space<hbm>>
    tpu.wait_dma2 semaphore(%arg27 : memref<!tpu.dma_semaphore, #tpu.memory_space<semaphore_mem>>) src(%dma_wait3A_52 : memref<104xi32, #tpu.memory_space<hbm>>) dst(%arg8 : memref<104xi32, #tpu.memory_space<vmem>>)
    %dma_wait3A_53 = arith.constant 0 : i32
    %dma_wait3A_54 = tpu.memref_slice %arg4[%dma_wait3A_53] : memref<320000xi32, #tpu.memory_space<hbm>> -> memref<104xi32, #tpu.memory_space<hbm>>
    %dma_wait3A_55 = arith.constant 0 : i32
    %dma_wait3A_56 = tpu.memref_slice %arg4[%dma_wait3A_55] : memref<320000xi32, #tpu.memory_space<hbm>> -> memref<104xi32, #tpu.memory_space<hbm>>
    tpu.wait_dma2 semaphore(%arg27 : memref<!tpu.dma_semaphore, #tpu.memory_space<semaphore_mem>>) src(%dma_wait3A_56 : memref<104xi32, #tpu.memory_space<hbm>>) dst(%arg14 : memref<104xi32, #tpu.memory_space<vmem>>)
    %dma_start3A_57 = arith.constant 0 : i32
    %dma_start3A_58 = arith.constant 0 : i32
    %dma_start3A_59 = tpu.memref_slice %arg2[%dma_start3A_57, %dma_start3A_58] : memref<10000x128xf32, #tpu.memory_space<hbm>> -> memref<10000x128xf32, #tpu.memory_space<hbm>>
    tpu.enqueue_indirect_dma source(%dma_start3A_59 : memref<10000x128xf32, #tpu.memory_space<hbm>>) target(%arg20 : memref<104x128xf32, #tpu.memory_space<vmem>>) offsets(%arg8 : memref<104xi32, #tpu.memory_space<vmem>>) semaphore(%arg33 : memref<!tpu.dma_semaphore, #tpu.memory_space<semaphore_mem>>)
    %lt3A_60 = arith.constant 15 : i32
    %lt3A_61 = arith.cmpi slt, %arg1, %lt3A_60 : i32
    %convert_element_type3A_62 = arith.extui %lt3A_61 : i1 to i32
    %cond3A_63 = arith.constant 0 : i32
    %cond3A_64 = arith.cmpi ne, %convert_element_type3A_62, %cond3A_63 : i32
    scf.if %cond3A_64 {
      %dma_wait3A_98 = arith.constant 0 : i32
      %dma_wait3A_99 = tpu.memref_slice %arg25[%multiple_of3A, %dma_wait3A_98] : memref<10000x128xf32, #tpu.memory_space<vmem_shared>> -> memref<632x128xf32, #tpu.memory_space<vmem_shared>>
      %dma_wait3A_100 = arith.constant 0 : i32
      %dma_wait3A_101 = tpu.memref_slice %arg5[%multiple_of3A, %dma_wait3A_100] : memref<10000x128xf32, #tpu.memory_space<hbm>> -> memref<632x128xf32, #tpu.memory_space<hbm>>
      tpu.wait_dma2 semaphore(%arg35 : memref<!tpu.dma_semaphore, #tpu.memory_space<semaphore_mem>>) src(%dma_wait3A_101 : memref<632x128xf32, #tpu.memory_space<hbm>>) dst(%dma_wait3A_99 : memref<632x128xf32, #tpu.memory_space<vmem_shared>>)
    } else {
    }
    %eq3A_65 = arith.constant 15 : i32
    %eq3A_66 = arith.cmpi eq, %arg1, %eq3A_65 : i32
    %convert_element_type3A_67 = arith.extui %eq3A_66 : i1 to i32
    %cond3A_68 = arith.constant 0 : i32
    %cond3A_69 = arith.cmpi ne, %convert_element_type3A_67, %cond3A_68 : i32
    scf.if %cond3A_69 {
      %dma_wait3A_98 = arith.constant 0 : i32
      %dma_wait3A_99 = tpu.memref_slice %arg25[%multiple_of3A, %dma_wait3A_98] : memref<10000x128xf32, #tpu.memory_space<vmem_shared>> -> memref<520x128xf32, #tpu.memory_space<vmem_shared>>
      %dma_wait3A_100 = arith.constant 0 : i32
      %dma_wait3A_101 = tpu.memref_slice %arg5[%multiple_of3A, %dma_wait3A_100] : memref<10000x128xf32, #tpu.memory_space<hbm>> -> memref<520x128xf32, #tpu.memory_space<hbm>>
      tpu.wait_dma2 semaphore(%arg35 : memref<!tpu.dma_semaphore, #tpu.memory_space<semaphore_mem>>) src(%dma_wait3A_101 : memref<520x128xf32, #tpu.memory_space<hbm>>) dst(%dma_wait3A_99 : memref<520x128xf32, #tpu.memory_space<vmem_shared>>)
    } else {
    }
    %barrier3A = arith.constant 0 : index
    tpu.barrier barrier_id(%barrier3A)
    %scan3A = arith.constant 0 : i32
    %scan3A_70 = arith.constant 0 : i32
    %scan3A_71 = arith.constant 16 : i32
    %scan3A_72 = arith.addi %scan3A_70, %scan3A_71 : i32
    %scan3A_73 = arith.constant 1 : i32
    scf.for %scan3A_98 = %scan3A_70 to %scan3A_72 step %scan3A_73  : i32 {
      %mul3A_99 = arith.constant 6 : i32
      %mul3A_100 = arith.muli %mul3A_99, %scan3A_98 : i32
      %add3A_101 = arith.constant 0 : i32
      %add3A_102 = arith.addi %mul3A_100, %add3A_101 : i32
      %dma_wait3A_103 = arith.constant 0 : i32
      %dma_wait3A_104 = arith.constant 0 : i32
      %dma_wait3A_105 = tpu.memref_slice %arg2[%dma_wait3A_103, %dma_wait3A_104] : memref<10000x128xf32, #tpu.memory_space<hbm>> -> memref<104x128xf32, #tpu.memory_space<hbm>>
      %dma_wait3A_106 = arith.constant 0 : i32
      %dma_wait3A_107 = arith.constant 0 : i32
      %dma_wait3A_108 = tpu.memref_slice %arg2[%dma_wait3A_106, %dma_wait3A_107] : memref<10000x128xf32, #tpu.memory_space<hbm>> -> memref<104x128xf32, #tpu.memory_space<hbm>>
      tpu.wait_dma2 semaphore(%arg32 : memref<!tpu.dma_semaphore, #tpu.memory_space<semaphore_mem>>) src(%dma_wait3A_108 : memref<104x128xf32, #tpu.memory_space<hbm>>) dst(%arg19 : memref<104x128xf32, #tpu.memory_space<vmem>>)
      %dma_start3A_109 = arith.constant 0 : i32
      %dma_start3A_110 = arith.constant 0 : i32
      %dma_start3A_111 = tpu.memref_slice %arg25[%dma_start3A_109, %dma_start3A_110] : memref<10000x128xf32, #tpu.memory_space<vmem_shared>> -> memref<10000x128xf32, #tpu.memory_space<vmem_shared>>
      tpu.enqueue_indirect_dma source(%arg19 : memref<104x128xf32, #tpu.memory_space<vmem>>) target(%dma_start3A_111 : memref<10000x128xf32, #tpu.memory_space<vmem_shared>>) offsets(%arg13 : memref<104xi32, #tpu.memory_space<vmem>>) semaphore(%arg35 : memref<!tpu.dma_semaphore, #tpu.memory_space<semaphore_mem>>) {add = true}
      %ge3A = arith.constant 1 : i32
      %ge3A_112 = arith.cmpi sge, %add3A_102, %ge3A : i32
      %convert_element_type3A_113 = arith.extui %ge3A_112 : i1 to i32
      %cond3A_114 = arith.constant 0 : i32
      %cond3A_115 = arith.cmpi ne, %convert_element_type3A_113, %cond3A_114 : i32
      scf.if %cond3A_115 {
        %dma_wait3A_290 = arith.constant 0 : i32
        %dma_wait3A_291 = arith.constant 0 : i32
        %dma_wait3A_292 = tpu.memref_slice %arg25[%dma_wait3A_290, %dma_wait3A_291] : memref<10000x128xf32, #tpu.memory_space<vmem_shared>> -> memref<10000x128xf32, #tpu.memory_space<vmem_shared>>
        tpu.wait_indirect_dma semaphore(%arg37 : memref<!tpu.dma_semaphore, #tpu.memory_space<semaphore_mem>>) src(%arg21 : memref<104x128xf32, #tpu.memory_space<vmem>>) dst(%dma_wait3A_292 : memref<10000x128xf32, #tpu.memory_space<vmem_shared>>)
      } else {
      }
      %add3A_116 = arith.constant 2 : i32
      %add3A_117 = arith.addi %add3A_102, %add3A_116 : i32
      %lt3A_118 = arith.constant 96 : i32
      %lt3A_119 = arith.cmpi slt, %add3A_117, %lt3A_118 : i32
      %convert_element_type3A_120 = arith.extui %lt3A_119 : i1 to i32
      %cond3A_121 = arith.constant 0 : i32
      %cond3A_122 = arith.cmpi ne, %convert_element_type3A_120, %cond3A_121 : i32
      scf.if %cond3A_122 {
        %dma_wait3A_290 = arith.constant 0 : i32
        %dma_wait3A_291 = tpu.memref_slice %arg3[%dma_wait3A_290] : memref<320000xi32, #tpu.memory_space<hbm>> -> memref<104xi32, #tpu.memory_space<hbm>>
        %dma_wait3A_292 = arith.constant 0 : i32
        %dma_wait3A_293 = tpu.memref_slice %arg3[%dma_wait3A_292] : memref<320000xi32, #tpu.memory_space<hbm>> -> memref<104xi32, #tpu.memory_space<hbm>>
        tpu.wait_dma2 semaphore(%arg28 : memref<!tpu.dma_semaphore, #tpu.memory_space<semaphore_mem>>) src(%dma_wait3A_293 : memref<104xi32, #tpu.memory_space<hbm>>) dst(%arg9 : memref<104xi32, #tpu.memory_space<vmem>>)
        %dma_wait3A_294 = arith.constant 0 : i32
        %dma_wait3A_295 = tpu.memref_slice %arg4[%dma_wait3A_294] : memref<320000xi32, #tpu.memory_space<hbm>> -> memref<104xi32, #tpu.memory_space<hbm>>
        %dma_wait3A_296 = arith.constant 0 : i32
        %dma_wait3A_297 = tpu.memref_slice %arg4[%dma_wait3A_296] : memref<320000xi32, #tpu.memory_space<hbm>> -> memref<104xi32, #tpu.memory_space<hbm>>
        tpu.wait_dma2 semaphore(%arg28 : memref<!tpu.dma_semaphore, #tpu.memory_space<semaphore_mem>>) src(%dma_wait3A_297 : memref<104xi32, #tpu.memory_space<hbm>>) dst(%arg15 : memref<104xi32, #tpu.memory_space<vmem>>)
        %dma_start3A_298 = arith.constant 0 : i32
        %dma_start3A_299 = arith.constant 0 : i32
        %dma_start3A_300 = tpu.memref_slice %arg2[%dma_start3A_298, %dma_start3A_299] : memref<10000x128xf32, #tpu.memory_space<hbm>> -> memref<10000x128xf32, #tpu.memory_space<hbm>>
        tpu.enqueue_indirect_dma source(%dma_start3A_300 : memref<10000x128xf32, #tpu.memory_space<hbm>>) target(%arg21 : memref<104x128xf32, #tpu.memory_space<vmem>>) offsets(%arg9 : memref<104xi32, #tpu.memory_space<vmem>>) semaphore(%arg34 : memref<!tpu.dma_semaphore, #tpu.memory_space<semaphore_mem>>)
      } else {
      }
      %add3A_123 = arith.constant 4 : i32
      %add3A_124 = arith.addi %add3A_102, %add3A_123 : i32
      %lt3A_125 = arith.constant 96 : i32
      %lt3A_126 = arith.cmpi slt, %add3A_124, %lt3A_125 : i32
      %convert_element_type3A_127 = arith.extui %lt3A_126 : i1 to i32
      %cond3A_128 = arith.constant 0 : i32
      %cond3A_129 = arith.cmpi ne, %convert_element_type3A_127, %cond3A_128 : i32
      scf.if %cond3A_129 {
        %add3A_290 = arith.constant 4 : i32
        %add3A_291 = arith.addi %add3A_102, %add3A_290 : i32
        %mul3A_292 = arith.constant 104 : i32
        %mul3A_293 = arith.muli %add3A_291, %mul3A_292 : i32
        %add3A_294 = arith.addi %multiple_of3A_11, %mul3A_293 : i32
        %multiple_of3A_295 = tpu.assume_multiple %add3A_294, 8 : i32
        %dma_start3A_296 = tpu.memref_slice %arg3[%multiple_of3A_295] : memref<320000xi32, #tpu.memory_space<hbm>> -> memref<104xi32, #tpu.memory_space<hbm>>
        %dma_start3A_297 = tpu.memref_slice %arg3[%multiple_of3A_295] : memref<320000xi32, #tpu.memory_space<hbm>> -> memref<104xi32, #tpu.memory_space<hbm>>
        tpu.enqueue_dma source(%dma_start3A_297 : memref<104xi32, #tpu.memory_space<hbm>>) target(%arg11 : memref<104xi32, #tpu.memory_space<vmem>>) target_semaphore(%arg30 : memref<!tpu.dma_semaphore, #tpu.memory_space<semaphore_mem>>)
        %dma_start3A_298 = tpu.memref_slice %arg4[%multiple_of3A_295] : memref<320000xi32, #tpu.memory_space<hbm>> -> memref<104xi32, #tpu.memory_space<hbm>>
        %dma_start3A_299 = tpu.memref_slice %arg4[%multiple_of3A_295] : memref<320000xi32, #tpu.memory_space<hbm>> -> memref<104xi32, #tpu.memory_space<hbm>>
        tpu.enqueue_dma source(%dma_start3A_299 : memref<104xi32, #tpu.memory_space<hbm>>) target(%arg17 : memref<104xi32, #tpu.memory_space<vmem>>) target_semaphore(%arg30 : memref<!tpu.dma_semaphore, #tpu.memory_space<semaphore_mem>>)
      } else {
      }
      %mul3A_130 = arith.constant 6 : i32
      %mul3A_131 = arith.muli %mul3A_130, %scan3A_98 : i32
      %add3A_132 = arith.constant 1 : i32
      %add3A_133 = arith.addi %mul3A_131, %add3A_132 : i32
      %dma_wait3A_134 = arith.constant 0 : i32
      %dma_wait3A_135 = arith.constant 0 : i32
      %dma_wait3A_136 = tpu.memref_slice %arg2[%dma_wait3A_134, %dma_wait3A_135] : memref<10000x128xf32, #tpu.memory_space<hbm>> -> memref<104x128xf32, #tpu.memory_space<hbm>>
      %dma_wait3A_137 = arith.constant 0 : i32
      %dma_wait3A_138 = arith.constant 0 : i32
      %dma_wait3A_139 = tpu.memref_slice %arg2[%dma_wait3A_137, %dma_wait3A_138] : memref<10000x128xf32, #tpu.memory_space<hbm>> -> memref<104x128xf32, #tpu.memory_space<hbm>>
      tpu.wait_dma2 semaphore(%arg33 : memref<!tpu.dma_semaphore, #tpu.memory_space<semaphore_mem>>) src(%dma_wait3A_139 : memref<104x128xf32, #tpu.memory_space<hbm>>) dst(%arg20 : memref<104x128xf32, #tpu.memory_space<vmem>>)
      %dma_start3A_140 = arith.constant 0 : i32
      %dma_start3A_141 = arith.constant 0 : i32
      %dma_start3A_142 = tpu.memref_slice %arg25[%dma_start3A_140, %dma_start3A_141] : memref<10000x128xf32, #tpu.memory_space<vmem_shared>> -> memref<10000x128xf32, #tpu.memory_space<vmem_shared>>
      tpu.enqueue_indirect_dma source(%arg20 : memref<104x128xf32, #tpu.memory_space<vmem>>) target(%dma_start3A_142 : memref<10000x128xf32, #tpu.memory_space<vmem_shared>>) offsets(%arg14 : memref<104xi32, #tpu.memory_space<vmem>>) semaphore(%arg36 : memref<!tpu.dma_semaphore, #tpu.memory_space<semaphore_mem>>) {add = true}
      %ge3A_143 = arith.constant 1 : i32
      %ge3A_144 = arith.cmpi sge, %add3A_133, %ge3A_143 : i32
      %convert_element_type3A_145 = arith.extui %ge3A_144 : i1 to i32
      %cond3A_146 = arith.constant 0 : i32
      %cond3A_147 = arith.cmpi ne, %convert_element_type3A_145, %cond3A_146 : i32
      scf.if %cond3A_147 {
        %dma_wait3A_290 = arith.constant 0 : i32
        %dma_wait3A_291 = arith.constant 0 : i32
        %dma_wait3A_292 = tpu.memref_slice %arg25[%dma_wait3A_290, %dma_wait3A_291] : memref<10000x128xf32, #tpu.memory_space<vmem_shared>> -> memref<10000x128xf32, #tpu.memory_space<vmem_shared>>
        tpu.wait_indirect_dma semaphore(%arg35 : memref<!tpu.dma_semaphore, #tpu.memory_space<semaphore_mem>>) src(%arg19 : memref<104x128xf32, #tpu.memory_space<vmem>>) dst(%dma_wait3A_292 : memref<10000x128xf32, #tpu.memory_space<vmem_shared>>)
      } else {
      }
      %add3A_148 = arith.constant 2 : i32
      %add3A_149 = arith.addi %add3A_133, %add3A_148 : i32
      %lt3A_150 = arith.constant 96 : i32
      %lt3A_151 = arith.cmpi slt, %add3A_149, %lt3A_150 : i32
      %convert_element_type3A_152 = arith.extui %lt3A_151 : i1 to i32
      %cond3A_153 = arith.constant 0 : i32
      %cond3A_154 = arith.cmpi ne, %convert_element_type3A_152, %cond3A_153 : i32
      scf.if %cond3A_154 {
        %dma_wait3A_290 = arith.constant 0 : i32
        %dma_wait3A_291 = tpu.memref_slice %arg3[%dma_wait3A_290] : memref<320000xi32, #tpu.memory_space<hbm>> -> memref<104xi32, #tpu.memory_space<hbm>>
        %dma_wait3A_292 = arith.constant 0 : i32
        %dma_wait3A_293 = tpu.memref_slice %arg3[%dma_wait3A_292] : memref<320000xi32, #tpu.memory_space<hbm>> -> memref<104xi32, #tpu.memory_space<hbm>>
        tpu.wait_dma2 semaphore(%arg29 : memref<!tpu.dma_semaphore, #tpu.memory_space<semaphore_mem>>) src(%dma_wait3A_293 : memref<104xi32, #tpu.memory_space<hbm>>) dst(%arg10 : memref<104xi32, #tpu.memory_space<vmem>>)
        %dma_wait3A_294 = arith.constant 0 : i32
        %dma_wait3A_295 = tpu.memref_slice %arg4[%dma_wait3A_294] : memref<320000xi32, #tpu.memory_space<hbm>> -> memref<104xi32, #tpu.memory_space<hbm>>
        %dma_wait3A_296 = arith.constant 0 : i32
        %dma_wait3A_297 = tpu.memref_slice %arg4[%dma_wait3A_296] : memref<320000xi32, #tpu.memory_space<hbm>> -> memref<104xi32, #tpu.memory_space<hbm>>
        tpu.wait_dma2 semaphore(%arg29 : memref<!tpu.dma_semaphore, #tpu.memory_space<semaphore_mem>>) src(%dma_wait3A_297 : memref<104xi32, #tpu.memory_space<hbm>>) dst(%arg16 : memref<104xi32, #tpu.memory_space<vmem>>)
        %dma_start3A_298 = arith.constant 0 : i32
        %dma_start3A_299 = arith.constant 0 : i32
        %dma_start3A_300 = tpu.memref_slice %arg2[%dma_start3A_298, %dma_start3A_299] : memref<10000x128xf32, #tpu.memory_space<hbm>> -> memref<10000x128xf32, #tpu.memory_space<hbm>>
        tpu.enqueue_indirect_dma source(%dma_start3A_300 : memref<10000x128xf32, #tpu.memory_space<hbm>>) target(%arg19 : memref<104x128xf32, #tpu.memory_space<vmem>>) offsets(%arg10 : memref<104xi32, #tpu.memory_space<vmem>>) semaphore(%arg32 : memref<!tpu.dma_semaphore, #tpu.memory_space<semaphore_mem>>)
      } else {
      }
      %add3A_155 = arith.constant 4 : i32
      %add3A_156 = arith.addi %add3A_133, %add3A_155 : i32
      %lt3A_157 = arith.constant 96 : i32
      %lt3A_158 = arith.cmpi slt, %add3A_156, %lt3A_157 : i32
      %convert_element_type3A_159 = arith.extui %lt3A_158 : i1 to i32
      %cond3A_160 = arith.constant 0 : i32
      %cond3A_161 = arith.cmpi ne, %convert_element_type3A_159, %cond3A_160 : i32
      scf.if %cond3A_161 {
        %add3A_290 = arith.constant 4 : i32
        %add3A_291 = arith.addi %add3A_133, %add3A_290 : i32
        %mul3A_292 = arith.constant 104 : i32
        %mul3A_293 = arith.muli %add3A_291, %mul3A_292 : i32
        %add3A_294 = arith.addi %multiple_of3A_11, %mul3A_293 : i32
        %multiple_of3A_295 = tpu.assume_multiple %add3A_294, 8 : i32
        %dma_start3A_296 = tpu.memref_slice %arg3[%multiple_of3A_295] : memref<320000xi32, #tpu.memory_space<hbm>> -> memref<104xi32, #tpu.memory_space<hbm>>
        %dma_start3A_297 = tpu.memref_slice %arg3[%multiple_of3A_295] : memref<320000xi32, #tpu.memory_space<hbm>> -> memref<104xi32, #tpu.memory_space<hbm>>
        tpu.enqueue_dma source(%dma_start3A_297 : memref<104xi32, #tpu.memory_space<hbm>>) target(%arg12 : memref<104xi32, #tpu.memory_space<vmem>>) target_semaphore(%arg31 : memref<!tpu.dma_semaphore, #tpu.memory_space<semaphore_mem>>)
        %dma_start3A_298 = tpu.memref_slice %arg4[%multiple_of3A_295] : memref<320000xi32, #tpu.memory_space<hbm>> -> memref<104xi32, #tpu.memory_space<hbm>>
        %dma_start3A_299 = tpu.memref_slice %arg4[%multiple_of3A_295] : memref<320000xi32, #tpu.memory_space<hbm>> -> memref<104xi32, #tpu.memory_space<hbm>>
        tpu.enqueue_dma source(%dma_start3A_299 : memref<104xi32, #tpu.memory_space<hbm>>) target(%arg18 : memref<104xi32, #tpu.memory_space<vmem>>) target_semaphore(%arg31 : memref<!tpu.dma_semaphore, #tpu.memory_space<semaphore_mem>>)
      } else {
      }
      %mul3A_162 = arith.constant 6 : i32
      %mul3A_163 = arith.muli %mul3A_162, %scan3A_98 : i32
      %add3A_164 = arith.constant 2 : i32
      %add3A_165 = arith.addi %mul3A_163, %add3A_164 : i32
      %dma_wait3A_166 = arith.constant 0 : i32
      %dma_wait3A_167 = arith.constant 0 : i32
      %dma_wait3A_168 = tpu.memref_slice %arg2[%dma_wait3A_166, %dma_wait3A_167] : memref<10000x128xf32, #tpu.memory_space<hbm>> -> memref<104x128xf32, #tpu.memory_space<hbm>>
      %dma_wait3A_169 = arith.constant 0 : i32
      %dma_wait3A_170 = arith.constant 0 : i32
      %dma_wait3A_171 = tpu.memref_slice %arg2[%dma_wait3A_169, %dma_wait3A_170] : memref<10000x128xf32, #tpu.memory_space<hbm>> -> memref<104x128xf32, #tpu.memory_space<hbm>>
      tpu.wait_dma2 semaphore(%arg34 : memref<!tpu.dma_semaphore, #tpu.memory_space<semaphore_mem>>) src(%dma_wait3A_171 : memref<104x128xf32, #tpu.memory_space<hbm>>) dst(%arg21 : memref<104x128xf32, #tpu.memory_space<vmem>>)
      %dma_start3A_172 = arith.constant 0 : i32
      %dma_start3A_173 = arith.constant 0 : i32
      %dma_start3A_174 = tpu.memref_slice %arg25[%dma_start3A_172, %dma_start3A_173] : memref<10000x128xf32, #tpu.memory_space<vmem_shared>> -> memref<10000x128xf32, #tpu.memory_space<vmem_shared>>
      tpu.enqueue_indirect_dma source(%arg21 : memref<104x128xf32, #tpu.memory_space<vmem>>) target(%dma_start3A_174 : memref<10000x128xf32, #tpu.memory_space<vmem_shared>>) offsets(%arg15 : memref<104xi32, #tpu.memory_space<vmem>>) semaphore(%arg37 : memref<!tpu.dma_semaphore, #tpu.memory_space<semaphore_mem>>) {add = true}
      %ge3A_175 = arith.constant 1 : i32
      %ge3A_176 = arith.cmpi sge, %add3A_165, %ge3A_175 : i32
      %convert_element_type3A_177 = arith.extui %ge3A_176 : i1 to i32
      %cond3A_178 = arith.constant 0 : i32
      %cond3A_179 = arith.cmpi ne, %convert_element_type3A_177, %cond3A_178 : i32
      scf.if %cond3A_179 {
        %dma_wait3A_290 = arith.constant 0 : i32
        %dma_wait3A_291 = arith.constant 0 : i32
        %dma_wait3A_292 = tpu.memref_slice %arg25[%dma_wait3A_290, %dma_wait3A_291] : memref<10000x128xf32, #tpu.memory_space<vmem_shared>> -> memref<10000x128xf32, #tpu.memory_space<vmem_shared>>
        tpu.wait_indirect_dma semaphore(%arg36 : memref<!tpu.dma_semaphore, #tpu.memory_space<semaphore_mem>>) src(%arg20 : memref<104x128xf32, #tpu.memory_space<vmem>>) dst(%dma_wait3A_292 : memref<10000x128xf32, #tpu.memory_space<vmem_shared>>)
      } else {
      }
      %add3A_180 = arith.constant 2 : i32
      %add3A_181 = arith.addi %add3A_165, %add3A_180 : i32
      %lt3A_182 = arith.constant 96 : i32
      %lt3A_183 = arith.cmpi slt, %add3A_181, %lt3A_182 : i32
      %convert_element_type3A_184 = arith.extui %lt3A_183 : i1 to i32
      %cond3A_185 = arith.constant 0 : i32
      %cond3A_186 = arith.cmpi ne, %convert_element_type3A_184, %cond3A_185 : i32
      scf.if %cond3A_186 {
        %dma_wait3A_290 = arith.constant 0 : i32
        %dma_wait3A_291 = tpu.memref_slice %arg3[%dma_wait3A_290] : memref<320000xi32, #tpu.memory_space<hbm>> -> memref<104xi32, #tpu.memory_space<hbm>>
        %dma_wait3A_292 = arith.constant 0 : i32
        %dma_wait3A_293 = tpu.memref_slice %arg3[%dma_wait3A_292] : memref<320000xi32, #tpu.memory_space<hbm>> -> memref<104xi32, #tpu.memory_space<hbm>>
        tpu.wait_dma2 semaphore(%arg30 : memref<!tpu.dma_semaphore, #tpu.memory_space<semaphore_mem>>) src(%dma_wait3A_293 : memref<104xi32, #tpu.memory_space<hbm>>) dst(%arg11 : memref<104xi32, #tpu.memory_space<vmem>>)
        %dma_wait3A_294 = arith.constant 0 : i32
        %dma_wait3A_295 = tpu.memref_slice %arg4[%dma_wait3A_294] : memref<320000xi32, #tpu.memory_space<hbm>> -> memref<104xi32, #tpu.memory_space<hbm>>
        %dma_wait3A_296 = arith.constant 0 : i32
        %dma_wait3A_297 = tpu.memref_slice %arg4[%dma_wait3A_296] : memref<320000xi32, #tpu.memory_space<hbm>> -> memref<104xi32, #tpu.memory_space<hbm>>
        tpu.wait_dma2 semaphore(%arg30 : memref<!tpu.dma_semaphore, #tpu.memory_space<semaphore_mem>>) src(%dma_wait3A_297 : memref<104xi32, #tpu.memory_space<hbm>>) dst(%arg17 : memref<104xi32, #tpu.memory_space<vmem>>)
        %dma_start3A_298 = arith.constant 0 : i32
        %dma_start3A_299 = arith.constant 0 : i32
        %dma_start3A_300 = tpu.memref_slice %arg2[%dma_start3A_298, %dma_start3A_299] : memref<10000x128xf32, #tpu.memory_space<hbm>> -> memref<10000x128xf32, #tpu.memory_space<hbm>>
        tpu.enqueue_indirect_dma source(%dma_start3A_300 : memref<10000x128xf32, #tpu.memory_space<hbm>>) target(%arg20 : memref<104x128xf32, #tpu.memory_space<vmem>>) offsets(%arg11 : memref<104xi32, #tpu.memory_space<vmem>>) semaphore(%arg33 : memref<!tpu.dma_semaphore, #tpu.memory_space<semaphore_mem>>)
      } else {
      }
      %add3A_187 = arith.constant 4 : i32
      %add3A_188 = arith.addi %add3A_165, %add3A_187 : i32
      %lt3A_189 = arith.constant 96 : i32
      %lt3A_190 = arith.cmpi slt, %add3A_188, %lt3A_189 : i32
      %convert_element_type3A_191 = arith.extui %lt3A_190 : i1 to i32
      %cond3A_192 = arith.constant 0 : i32
      %cond3A_193 = arith.cmpi ne, %convert_element_type3A_191, %cond3A_192 : i32
      scf.if %cond3A_193 {
        %add3A_290 = arith.constant 4 : i32
        %add3A_291 = arith.addi %add3A_165, %add3A_290 : i32
        %mul3A_292 = arith.constant 104 : i32
        %mul3A_293 = arith.muli %add3A_291, %mul3A_292 : i32
        %add3A_294 = arith.addi %multiple_of3A_11, %mul3A_293 : i32
        %multiple_of3A_295 = tpu.assume_multiple %add3A_294, 8 : i32
        %dma_start3A_296 = tpu.memref_slice %arg3[%multiple_of3A_295] : memref<320000xi32, #tpu.memory_space<hbm>> -> memref<104xi32, #tpu.memory_space<hbm>>
        %dma_start3A_297 = tpu.memref_slice %arg3[%multiple_of3A_295] : memref<320000xi32, #tpu.memory_space<hbm>> -> memref<104xi32, #tpu.memory_space<hbm>>
        tpu.enqueue_dma source(%dma_start3A_297 : memref<104xi32, #tpu.memory_space<hbm>>) target(%arg7 : memref<104xi32, #tpu.memory_space<vmem>>) target_semaphore(%arg26 : memref<!tpu.dma_semaphore, #tpu.memory_space<semaphore_mem>>)
        %dma_start3A_298 = tpu.memref_slice %arg4[%multiple_of3A_295] : memref<320000xi32, #tpu.memory_space<hbm>> -> memref<104xi32, #tpu.memory_space<hbm>>
        %dma_start3A_299 = tpu.memref_slice %arg4[%multiple_of3A_295] : memref<320000xi32, #tpu.memory_space<hbm>> -> memref<104xi32, #tpu.memory_space<hbm>>
        tpu.enqueue_dma source(%dma_start3A_299 : memref<104xi32, #tpu.memory_space<hbm>>) target(%arg13 : memref<104xi32, #tpu.memory_space<vmem>>) target_semaphore(%arg26 : memref<!tpu.dma_semaphore, #tpu.memory_space<semaphore_mem>>)
      } else {
      }
      %mul3A_194 = arith.constant 6 : i32
      %mul3A_195 = arith.muli %mul3A_194, %scan3A_98 : i32
      %add3A_196 = arith.constant 3 : i32
      %add3A_197 = arith.addi %mul3A_195, %add3A_196 : i32
      %dma_wait3A_198 = arith.constant 0 : i32
      %dma_wait3A_199 = arith.constant 0 : i32
      %dma_wait3A_200 = tpu.memref_slice %arg2[%dma_wait3A_198, %dma_wait3A_199] : memref<10000x128xf32, #tpu.memory_space<hbm>> -> memref<104x128xf32, #tpu.memory_space<hbm>>
      %dma_wait3A_201 = arith.constant 0 : i32
      %dma_wait3A_202 = arith.constant 0 : i32
      %dma_wait3A_203 = tpu.memref_slice %arg2[%dma_wait3A_201, %dma_wait3A_202] : memref<10000x128xf32, #tpu.memory_space<hbm>> -> memref<104x128xf32, #tpu.memory_space<hbm>>
      tpu.wait_dma2 semaphore(%arg32 : memref<!tpu.dma_semaphore, #tpu.memory_space<semaphore_mem>>) src(%dma_wait3A_203 : memref<104x128xf32, #tpu.memory_space<hbm>>) dst(%arg19 : memref<104x128xf32, #tpu.memory_space<vmem>>)
      %dma_start3A_204 = arith.constant 0 : i32
      %dma_start3A_205 = arith.constant 0 : i32
      %dma_start3A_206 = tpu.memref_slice %arg25[%dma_start3A_204, %dma_start3A_205] : memref<10000x128xf32, #tpu.memory_space<vmem_shared>> -> memref<10000x128xf32, #tpu.memory_space<vmem_shared>>
      tpu.enqueue_indirect_dma source(%arg19 : memref<104x128xf32, #tpu.memory_space<vmem>>) target(%dma_start3A_206 : memref<10000x128xf32, #tpu.memory_space<vmem_shared>>) offsets(%arg16 : memref<104xi32, #tpu.memory_space<vmem>>) semaphore(%arg35 : memref<!tpu.dma_semaphore, #tpu.memory_space<semaphore_mem>>) {add = true}
      %ge3A_207 = arith.constant 1 : i32
      %ge3A_208 = arith.cmpi sge, %add3A_197, %ge3A_207 : i32
      %convert_element_type3A_209 = arith.extui %ge3A_208 : i1 to i32
      %cond3A_210 = arith.constant 0 : i32
      %cond3A_211 = arith.cmpi ne, %convert_element_type3A_209, %cond3A_210 : i32
      scf.if %cond3A_211 {
        %dma_wait3A_290 = arith.constant 0 : i32
        %dma_wait3A_291 = arith.constant 0 : i32
        %dma_wait3A_292 = tpu.memref_slice %arg25[%dma_wait3A_290, %dma_wait3A_291] : memref<10000x128xf32, #tpu.memory_space<vmem_shared>> -> memref<10000x128xf32, #tpu.memory_space<vmem_shared>>
        tpu.wait_indirect_dma semaphore(%arg37 : memref<!tpu.dma_semaphore, #tpu.memory_space<semaphore_mem>>) src(%arg21 : memref<104x128xf32, #tpu.memory_space<vmem>>) dst(%dma_wait3A_292 : memref<10000x128xf32, #tpu.memory_space<vmem_shared>>)
      } else {
      }
      %add3A_212 = arith.constant 2 : i32
      %add3A_213 = arith.addi %add3A_197, %add3A_212 : i32
      %lt3A_214 = arith.constant 96 : i32
      %lt3A_215 = arith.cmpi slt, %add3A_213, %lt3A_214 : i32
      %convert_element_type3A_216 = arith.extui %lt3A_215 : i1 to i32
      %cond3A_217 = arith.constant 0 : i32
      %cond3A_218 = arith.cmpi ne, %convert_element_type3A_216, %cond3A_217 : i32
      scf.if %cond3A_218 {
        %dma_wait3A_290 = arith.constant 0 : i32
        %dma_wait3A_291 = tpu.memref_slice %arg3[%dma_wait3A_290] : memref<320000xi32, #tpu.memory_space<hbm>> -> memref<104xi32, #tpu.memory_space<hbm>>
        %dma_wait3A_292 = arith.constant 0 : i32
        %dma_wait3A_293 = tpu.memref_slice %arg3[%dma_wait3A_292] : memref<320000xi32, #tpu.memory_space<hbm>> -> memref<104xi32, #tpu.memory_space<hbm>>
        tpu.wait_dma2 semaphore(%arg31 : memref<!tpu.dma_semaphore, #tpu.memory_space<semaphore_mem>>) src(%dma_wait3A_293 : memref<104xi32, #tpu.memory_space<hbm>>) dst(%arg12 : memref<104xi32, #tpu.memory_space<vmem>>)
        %dma_wait3A_294 = arith.constant 0 : i32
        %dma_wait3A_295 = tpu.memref_slice %arg4[%dma_wait3A_294] : memref<320000xi32, #tpu.memory_space<hbm>> -> memref<104xi32, #tpu.memory_space<hbm>>
        %dma_wait3A_296 = arith.constant 0 : i32
        %dma_wait3A_297 = tpu.memref_slice %arg4[%dma_wait3A_296] : memref<320000xi32, #tpu.memory_space<hbm>> -> memref<104xi32, #tpu.memory_space<hbm>>
        tpu.wait_dma2 semaphore(%arg31 : memref<!tpu.dma_semaphore, #tpu.memory_space<semaphore_mem>>) src(%dma_wait3A_297 : memref<104xi32, #tpu.memory_space<hbm>>) dst(%arg18 : memref<104xi32, #tpu.memory_space<vmem>>)
        %dma_start3A_298 = arith.constant 0 : i32
        %dma_start3A_299 = arith.constant 0 : i32
        %dma_start3A_300 = tpu.memref_slice %arg2[%dma_start3A_298, %dma_start3A_299] : memref<10000x128xf32, #tpu.memory_space<hbm>> -> memref<10000x128xf32, #tpu.memory_space<hbm>>
        tpu.enqueue_indirect_dma source(%dma_start3A_300 : memref<10000x128xf32, #tpu.memory_space<hbm>>) target(%arg21 : memref<104x128xf32, #tpu.memory_space<vmem>>) offsets(%arg12 : memref<104xi32, #tpu.memory_space<vmem>>) semaphore(%arg34 : memref<!tpu.dma_semaphore, #tpu.memory_space<semaphore_mem>>)
      } else {
      }
      %add3A_219 = arith.constant 4 : i32
      %add3A_220 = arith.addi %add3A_197, %add3A_219 : i32
      %lt3A_221 = arith.constant 96 : i32
      %lt3A_222 = arith.cmpi slt, %add3A_220, %lt3A_221 : i32
      %convert_element_type3A_223 = arith.extui %lt3A_222 : i1 to i32
      %cond3A_224 = arith.constant 0 : i32
      %cond3A_225 = arith.cmpi ne, %convert_element_type3A_223, %cond3A_224 : i32
      scf.if %cond3A_225 {
        %add3A_290 = arith.constant 4 : i32
        %add3A_291 = arith.addi %add3A_197, %add3A_290 : i32
        %mul3A_292 = arith.constant 104 : i32
        %mul3A_293 = arith.muli %add3A_291, %mul3A_292 : i32
        %add3A_294 = arith.addi %multiple_of3A_11, %mul3A_293 : i32
        %multiple_of3A_295 = tpu.assume_multiple %add3A_294, 8 : i32
        %dma_start3A_296 = tpu.memref_slice %arg3[%multiple_of3A_295] : memref<320000xi32, #tpu.memory_space<hbm>> -> memref<104xi32, #tpu.memory_space<hbm>>
        %dma_start3A_297 = tpu.memref_slice %arg3[%multiple_of3A_295] : memref<320000xi32, #tpu.memory_space<hbm>> -> memref<104xi32, #tpu.memory_space<hbm>>
        tpu.enqueue_dma source(%dma_start3A_297 : memref<104xi32, #tpu.memory_space<hbm>>) target(%arg8 : memref<104xi32, #tpu.memory_space<vmem>>) target_semaphore(%arg27 : memref<!tpu.dma_semaphore, #tpu.memory_space<semaphore_mem>>)
        %dma_start3A_298 = tpu.memref_slice %arg4[%multiple_of3A_295] : memref<320000xi32, #tpu.memory_space<hbm>> -> memref<104xi32, #tpu.memory_space<hbm>>
        %dma_start3A_299 = tpu.memref_slice %arg4[%multiple_of3A_295] : memref<320000xi32, #tpu.memory_space<hbm>> -> memref<104xi32, #tpu.memory_space<hbm>>
        tpu.enqueue_dma source(%dma_start3A_299 : memref<104xi32, #tpu.memory_space<hbm>>) target(%arg14 : memref<104xi32, #tpu.memory_space<vmem>>) target_semaphore(%arg27 : memref<!tpu.dma_semaphore, #tpu.memory_space<semaphore_mem>>)
      } else {
      }
      %mul3A_226 = arith.constant 6 : i32
      %mul3A_227 = arith.muli %mul3A_226, %scan3A_98 : i32
      %add3A_228 = arith.constant 4 : i32
      %add3A_229 = arith.addi %mul3A_227, %add3A_228 : i32
      %dma_wait3A_230 = arith.constant 0 : i32
      %dma_wait3A_231 = arith.constant 0 : i32
      %dma_wait3A_232 = tpu.memref_slice %arg2[%dma_wait3A_230, %dma_wait3A_231] : memref<10000x128xf32, #tpu.memory_space<hbm>> -> memref<104x128xf32, #tpu.memory_space<hbm>>
      %dma_wait3A_233 = arith.constant 0 : i32
      %dma_wait3A_234 = arith.constant 0 : i32
      %dma_wait3A_235 = tpu.memref_slice %arg2[%dma_wait3A_233, %dma_wait3A_234] : memref<10000x128xf32, #tpu.memory_space<hbm>> -> memref<104x128xf32, #tpu.memory_space<hbm>>
      tpu.wait_dma2 semaphore(%arg33 : memref<!tpu.dma_semaphore, #tpu.memory_space<semaphore_mem>>) src(%dma_wait3A_235 : memref<104x128xf32, #tpu.memory_space<hbm>>) dst(%arg20 : memref<104x128xf32, #tpu.memory_space<vmem>>)
      %dma_start3A_236 = arith.constant 0 : i32
      %dma_start3A_237 = arith.constant 0 : i32
      %dma_start3A_238 = tpu.memref_slice %arg25[%dma_start3A_236, %dma_start3A_237] : memref<10000x128xf32, #tpu.memory_space<vmem_shared>> -> memref<10000x128xf32, #tpu.memory_space<vmem_shared>>
      tpu.enqueue_indirect_dma source(%arg20 : memref<104x128xf32, #tpu.memory_space<vmem>>) target(%dma_start3A_238 : memref<10000x128xf32, #tpu.memory_space<vmem_shared>>) offsets(%arg17 : memref<104xi32, #tpu.memory_space<vmem>>) semaphore(%arg36 : memref<!tpu.dma_semaphore, #tpu.memory_space<semaphore_mem>>) {add = true}
      %ge3A_239 = arith.constant 1 : i32
      %ge3A_240 = arith.cmpi sge, %add3A_229, %ge3A_239 : i32
      %convert_element_type3A_241 = arith.extui %ge3A_240 : i1 to i32
      %cond3A_242 = arith.constant 0 : i32
      %cond3A_243 = arith.cmpi ne, %convert_element_type3A_241, %cond3A_242 : i32
      scf.if %cond3A_243 {
        %dma_wait3A_290 = arith.constant 0 : i32
        %dma_wait3A_291 = arith.constant 0 : i32
        %dma_wait3A_292 = tpu.memref_slice %arg25[%dma_wait3A_290, %dma_wait3A_291] : memref<10000x128xf32, #tpu.memory_space<vmem_shared>> -> memref<10000x128xf32, #tpu.memory_space<vmem_shared>>
        tpu.wait_indirect_dma semaphore(%arg35 : memref<!tpu.dma_semaphore, #tpu.memory_space<semaphore_mem>>) src(%arg19 : memref<104x128xf32, #tpu.memory_space<vmem>>) dst(%dma_wait3A_292 : memref<10000x128xf32, #tpu.memory_space<vmem_shared>>)
      } else {
      }
      %add3A_244 = arith.constant 2 : i32
      %add3A_245 = arith.addi %add3A_229, %add3A_244 : i32
      %lt3A_246 = arith.constant 96 : i32
      %lt3A_247 = arith.cmpi slt, %add3A_245, %lt3A_246 : i32
      %convert_element_type3A_248 = arith.extui %lt3A_247 : i1 to i32
      %cond3A_249 = arith.constant 0 : i32
      %cond3A_250 = arith.cmpi ne, %convert_element_type3A_248, %cond3A_249 : i32
      scf.if %cond3A_250 {
        %dma_wait3A_290 = arith.constant 0 : i32
        %dma_wait3A_291 = tpu.memref_slice %arg3[%dma_wait3A_290] : memref<320000xi32, #tpu.memory_space<hbm>> -> memref<104xi32, #tpu.memory_space<hbm>>
        %dma_wait3A_292 = arith.constant 0 : i32
        %dma_wait3A_293 = tpu.memref_slice %arg3[%dma_wait3A_292] : memref<320000xi32, #tpu.memory_space<hbm>> -> memref<104xi32, #tpu.memory_space<hbm>>
        tpu.wait_dma2 semaphore(%arg26 : memref<!tpu.dma_semaphore, #tpu.memory_space<semaphore_mem>>) src(%dma_wait3A_293 : memref<104xi32, #tpu.memory_space<hbm>>) dst(%arg7 : memref<104xi32, #tpu.memory_space<vmem>>)
        %dma_wait3A_294 = arith.constant 0 : i32
        %dma_wait3A_295 = tpu.memref_slice %arg4[%dma_wait3A_294] : memref<320000xi32, #tpu.memory_space<hbm>> -> memref<104xi32, #tpu.memory_space<hbm>>
        %dma_wait3A_296 = arith.constant 0 : i32
        %dma_wait3A_297 = tpu.memref_slice %arg4[%dma_wait3A_296] : memref<320000xi32, #tpu.memory_space<hbm>> -> memref<104xi32, #tpu.memory_space<hbm>>
        tpu.wait_dma2 semaphore(%arg26 : memref<!tpu.dma_semaphore, #tpu.memory_space<semaphore_mem>>) src(%dma_wait3A_297 : memref<104xi32, #tpu.memory_space<hbm>>) dst(%arg13 : memref<104xi32, #tpu.memory_space<vmem>>)
        %dma_start3A_298 = arith.constant 0 : i32
        %dma_start3A_299 = arith.constant 0 : i32
        %dma_start3A_300 = tpu.memref_slice %arg2[%dma_start3A_298, %dma_start3A_299] : memref<10000x128xf32, #tpu.memory_space<hbm>> -> memref<10000x128xf32, #tpu.memory_space<hbm>>
        tpu.enqueue_indirect_dma source(%dma_start3A_300 : memref<10000x128xf32, #tpu.memory_space<hbm>>) target(%arg19 : memref<104x128xf32, #tpu.memory_space<vmem>>) offsets(%arg7 : memref<104xi32, #tpu.memory_space<vmem>>) semaphore(%arg32 : memref<!tpu.dma_semaphore, #tpu.memory_space<semaphore_mem>>)
      } else {
      }
      %add3A_251 = arith.constant 4 : i32
      %add3A_252 = arith.addi %add3A_229, %add3A_251 : i32
      %lt3A_253 = arith.constant 96 : i32
      %lt3A_254 = arith.cmpi slt, %add3A_252, %lt3A_253 : i32
      %convert_element_type3A_255 = arith.extui %lt3A_254 : i1 to i32
      %cond3A_256 = arith.constant 0 : i32
      %cond3A_257 = arith.cmpi ne, %convert_element_type3A_255, %cond3A_256 : i32
      scf.if %cond3A_257 {
        %add3A_290 = arith.constant 4 : i32
        %add3A_291 = arith.addi %add3A_229, %add3A_290 : i32
        %mul3A_292 = arith.constant 104 : i32
        %mul3A_293 = arith.muli %add3A_291, %mul3A_292 : i32
        %add3A_294 = arith.addi %multiple_of3A_11, %mul3A_293 : i32
        %multiple_of3A_295 = tpu.assume_multiple %add3A_294, 8 : i32
        %dma_start3A_296 = tpu.memref_slice %arg3[%multiple_of3A_295] : memref<320000xi32, #tpu.memory_space<hbm>> -> memref<104xi32, #tpu.memory_space<hbm>>
        %dma_start3A_297 = tpu.memref_slice %arg3[%multiple_of3A_295] : memref<320000xi32, #tpu.memory_space<hbm>> -> memref<104xi32, #tpu.memory_space<hbm>>
        tpu.enqueue_dma source(%dma_start3A_297 : memref<104xi32, #tpu.memory_space<hbm>>) target(%arg9 : memref<104xi32, #tpu.memory_space<vmem>>) target_semaphore(%arg28 : memref<!tpu.dma_semaphore, #tpu.memory_space<semaphore_mem>>)
        %dma_start3A_298 = tpu.memref_slice %arg4[%multiple_of3A_295] : memref<320000xi32, #tpu.memory_space<hbm>> -> memref<104xi32, #tpu.memory_space<hbm>>
        %dma_start3A_299 = tpu.memref_slice %arg4[%multiple_of3A_295] : memref<320000xi32, #tpu.memory_space<hbm>> -> memref<104xi32, #tpu.memory_space<hbm>>
        tpu.enqueue_dma source(%dma_start3A_299 : memref<104xi32, #tpu.memory_space<hbm>>) target(%arg15 : memref<104xi32, #tpu.memory_space<vmem>>) target_semaphore(%arg28 : memref<!tpu.dma_semaphore, #tpu.memory_space<semaphore_mem>>)
      } else {
      }
      %mul3A_258 = arith.constant 6 : i32
      %mul3A_259 = arith.muli %mul3A_258, %scan3A_98 : i32
      %add3A_260 = arith.constant 5 : i32
      %add3A_261 = arith.addi %mul3A_259, %add3A_260 : i32
      %dma_wait3A_262 = arith.constant 0 : i32
      %dma_wait3A_263 = arith.constant 0 : i32
      %dma_wait3A_264 = tpu.memref_slice %arg2[%dma_wait3A_262, %dma_wait3A_263] : memref<10000x128xf32, #tpu.memory_space<hbm>> -> memref<104x128xf32, #tpu.memory_space<hbm>>
      %dma_wait3A_265 = arith.constant 0 : i32
      %dma_wait3A_266 = arith.constant 0 : i32
      %dma_wait3A_267 = tpu.memref_slice %arg2[%dma_wait3A_265, %dma_wait3A_266] : memref<10000x128xf32, #tpu.memory_space<hbm>> -> memref<104x128xf32, #tpu.memory_space<hbm>>
      tpu.wait_dma2 semaphore(%arg34 : memref<!tpu.dma_semaphore, #tpu.memory_space<semaphore_mem>>) src(%dma_wait3A_267 : memref<104x128xf32, #tpu.memory_space<hbm>>) dst(%arg21 : memref<104x128xf32, #tpu.memory_space<vmem>>)
      %dma_start3A_268 = arith.constant 0 : i32
      %dma_start3A_269 = arith.constant 0 : i32
      %dma_start3A_270 = tpu.memref_slice %arg25[%dma_start3A_268, %dma_start3A_269] : memref<10000x128xf32, #tpu.memory_space<vmem_shared>> -> memref<10000x128xf32, #tpu.memory_space<vmem_shared>>
      tpu.enqueue_indirect_dma source(%arg21 : memref<104x128xf32, #tpu.memory_space<vmem>>) target(%dma_start3A_270 : memref<10000x128xf32, #tpu.memory_space<vmem_shared>>) offsets(%arg18 : memref<104xi32, #tpu.memory_space<vmem>>) semaphore(%arg37 : memref<!tpu.dma_semaphore, #tpu.memory_space<semaphore_mem>>) {add = true}
      %ge3A_271 = arith.constant 1 : i32
      %ge3A_272 = arith.cmpi sge, %add3A_261, %ge3A_271 : i32
      %convert_element_type3A_273 = arith.extui %ge3A_272 : i1 to i32
      %cond3A_274 = arith.constant 0 : i32
      %cond3A_275 = arith.cmpi ne, %convert_element_type3A_273, %cond3A_274 : i32
      scf.if %cond3A_275 {
        %dma_wait3A_290 = arith.constant 0 : i32
        %dma_wait3A_291 = arith.constant 0 : i32
        %dma_wait3A_292 = tpu.memref_slice %arg25[%dma_wait3A_290, %dma_wait3A_291] : memref<10000x128xf32, #tpu.memory_space<vmem_shared>> -> memref<10000x128xf32, #tpu.memory_space<vmem_shared>>
        tpu.wait_indirect_dma semaphore(%arg36 : memref<!tpu.dma_semaphore, #tpu.memory_space<semaphore_mem>>) src(%arg20 : memref<104x128xf32, #tpu.memory_space<vmem>>) dst(%dma_wait3A_292 : memref<10000x128xf32, #tpu.memory_space<vmem_shared>>)
      } else {
      }
      %add3A_276 = arith.constant 2 : i32
      %add3A_277 = arith.addi %add3A_261, %add3A_276 : i32
      %lt3A_278 = arith.constant 96 : i32
      %lt3A_279 = arith.cmpi slt, %add3A_277, %lt3A_278 : i32
      %convert_element_type3A_280 = arith.extui %lt3A_279 : i1 to i32
      %cond3A_281 = arith.constant 0 : i32
      %cond3A_282 = arith.cmpi ne, %convert_element_type3A_280, %cond3A_281 : i32
      scf.if %cond3A_282 {
        %dma_wait3A_290 = arith.constant 0 : i32
        %dma_wait3A_291 = tpu.memref_slice %arg3[%dma_wait3A_290] : memref<320000xi32, #tpu.memory_space<hbm>> -> memref<104xi32, #tpu.memory_space<hbm>>
        %dma_wait3A_292 = arith.constant 0 : i32
        %dma_wait3A_293 = tpu.memref_slice %arg3[%dma_wait3A_292] : memref<320000xi32, #tpu.memory_space<hbm>> -> memref<104xi32, #tpu.memory_space<hbm>>
        tpu.wait_dma2 semaphore(%arg27 : memref<!tpu.dma_semaphore, #tpu.memory_space<semaphore_mem>>) src(%dma_wait3A_293 : memref<104xi32, #tpu.memory_space<hbm>>) dst(%arg8 : memref<104xi32, #tpu.memory_space<vmem>>)
        %dma_wait3A_294 = arith.constant 0 : i32
        %dma_wait3A_295 = tpu.memref_slice %arg4[%dma_wait3A_294] : memref<320000xi32, #tpu.memory_space<hbm>> -> memref<104xi32, #tpu.memory_space<hbm>>
        %dma_wait3A_296 = arith.constant 0 : i32
        %dma_wait3A_297 = tpu.memref_slice %arg4[%dma_wait3A_296] : memref<320000xi32, #tpu.memory_space<hbm>> -> memref<104xi32, #tpu.memory_space<hbm>>
        tpu.wait_dma2 semaphore(%arg27 : memref<!tpu.dma_semaphore, #tpu.memory_space<semaphore_mem>>) src(%dma_wait3A_297 : memref<104xi32, #tpu.memory_space<hbm>>) dst(%arg14 : memref<104xi32, #tpu.memory_space<vmem>>)
        %dma_start3A_298 = arith.constant 0 : i32
        %dma_start3A_299 = arith.constant 0 : i32
        %dma_start3A_300 = tpu.memref_slice %arg2[%dma_start3A_298, %dma_start3A_299] : memref<10000x128xf32, #tpu.memory_space<hbm>> -> memref<10000x128xf32, #tpu.memory_space<hbm>>
        tpu.enqueue_indirect_dma source(%dma_start3A_300 : memref<10000x128xf32, #tpu.memory_space<hbm>>) target(%arg20 : memref<104x128xf32, #tpu.memory_space<vmem>>) offsets(%arg8 : memref<104xi32, #tpu.memory_space<vmem>>) semaphore(%arg33 : memref<!tpu.dma_semaphore, #tpu.memory_space<semaphore_mem>>)
      } else {
      }
      %add3A_283 = arith.constant 4 : i32
      %add3A_284 = arith.addi %add3A_261, %add3A_283 : i32
      %lt3A_285 = arith.constant 96 : i32
      %lt3A_286 = arith.cmpi slt, %add3A_284, %lt3A_285 : i32
      %convert_element_type3A_287 = arith.extui %lt3A_286 : i1 to i32
      %cond3A_288 = arith.constant 0 : i32
      %cond3A_289 = arith.cmpi ne, %convert_element_type3A_287, %cond3A_288 : i32
      scf.if %cond3A_289 {
        %add3A_290 = arith.constant 4 : i32
        %add3A_291 = arith.addi %add3A_261, %add3A_290 : i32
        %mul3A_292 = arith.constant 104 : i32
        %mul3A_293 = arith.muli %add3A_291, %mul3A_292 : i32
        %add3A_294 = arith.addi %multiple_of3A_11, %mul3A_293 : i32
        %multiple_of3A_295 = tpu.assume_multiple %add3A_294, 8 : i32
        %dma_start3A_296 = tpu.memref_slice %arg3[%multiple_of3A_295] : memref<320000xi32, #tpu.memory_space<hbm>> -> memref<104xi32, #tpu.memory_space<hbm>>
        %dma_start3A_297 = tpu.memref_slice %arg3[%multiple_of3A_295] : memref<320000xi32, #tpu.memory_space<hbm>> -> memref<104xi32, #tpu.memory_space<hbm>>
        tpu.enqueue_dma source(%dma_start3A_297 : memref<104xi32, #tpu.memory_space<hbm>>) target(%arg10 : memref<104xi32, #tpu.memory_space<vmem>>) target_semaphore(%arg29 : memref<!tpu.dma_semaphore, #tpu.memory_space<semaphore_mem>>)
        %dma_start3A_298 = tpu.memref_slice %arg4[%multiple_of3A_295] : memref<320000xi32, #tpu.memory_space<hbm>> -> memref<104xi32, #tpu.memory_space<hbm>>
        %dma_start3A_299 = tpu.memref_slice %arg4[%multiple_of3A_295] : memref<320000xi32, #tpu.memory_space<hbm>> -> memref<104xi32, #tpu.memory_space<hbm>>
        tpu.enqueue_dma source(%dma_start3A_299 : memref<104xi32, #tpu.memory_space<hbm>>) target(%arg16 : memref<104xi32, #tpu.memory_space<vmem>>) target_semaphore(%arg29 : memref<!tpu.dma_semaphore, #tpu.memory_space<semaphore_mem>>)
      } else {
      }
    }
    %scan3A_74 = arith.constant 16 : i32
    %dma_wait3A_75 = arith.constant 0 : i32
    %dma_wait3A_76 = arith.constant 0 : i32
    %dma_wait3A_77 = tpu.memref_slice %arg25[%dma_wait3A_75, %dma_wait3A_76] : memref<10000x128xf32, #tpu.memory_space<vmem_shared>> -> memref<10000x128xf32, #tpu.memory_space<vmem_shared>>
    tpu.wait_indirect_dma semaphore(%arg37 : memref<!tpu.dma_semaphore, #tpu.memory_space<semaphore_mem>>) src(%arg21 : memref<104x128xf32, #tpu.memory_space<vmem>>) dst(%dma_wait3A_77 : memref<10000x128xf32, #tpu.memory_space<vmem_shared>>)
    %add3A_78 = arith.constant 9984 : i32
    %add3A_79 = arith.addi %multiple_of3A_11, %add3A_78 : i32
    %multiple_of3A_80 = tpu.assume_multiple %add3A_79, 8 : i32
    "tpu.region"() ({
      %run_scoped3A = tpu.sem_alloc : memref<!tpu.dma_semaphore, #tpu.memory_space<semaphore_mem>>
      %dma_start3A_98 = tpu.memref_slice %arg3[%multiple_of3A_80] : memref<320000xi32, #tpu.memory_space<hbm>> -> memref<16xi32, #tpu.memory_space<hbm>>
      %dma_start3A_99 = tpu.memref_slice %arg3[%multiple_of3A_80] : memref<320000xi32, #tpu.memory_space<hbm>> -> memref<16xi32, #tpu.memory_space<hbm>>
      tpu.enqueue_dma source(%dma_start3A_99 : memref<16xi32, #tpu.memory_space<hbm>>) target(%arg22 : memref<16xi32, #tpu.memory_space<vmem>>) target_semaphore(%run_scoped3A : memref<!tpu.dma_semaphore, #tpu.memory_space<semaphore_mem>>)
      %dma_wait3A_100 = tpu.memref_slice %arg3[%multiple_of3A_80] : memref<320000xi32, #tpu.memory_space<hbm>> -> memref<16xi32, #tpu.memory_space<hbm>>
      %dma_wait3A_101 = tpu.memref_slice %arg3[%multiple_of3A_80] : memref<320000xi32, #tpu.memory_space<hbm>> -> memref<16xi32, #tpu.memory_space<hbm>>
      tpu.wait_dma2 semaphore(%run_scoped3A : memref<!tpu.dma_semaphore, #tpu.memory_space<semaphore_mem>>) src(%dma_wait3A_101 : memref<16xi32, #tpu.memory_space<hbm>>) dst(%arg22 : memref<16xi32, #tpu.memory_space<vmem>>)
      tpu.yield
    }) : () -> ()
    "tpu.region"() ({
      %run_scoped3A = tpu.sem_alloc : memref<!tpu.dma_semaphore, #tpu.memory_space<semaphore_mem>>
      %dma_start3A_98 = tpu.memref_slice %arg4[%multiple_of3A_80] : memref<320000xi32, #tpu.memory_space<hbm>> -> memref<16xi32, #tpu.memory_space<hbm>>
      %dma_start3A_99 = tpu.memref_slice %arg4[%multiple_of3A_80] : memref<320000xi32, #tpu.memory_space<hbm>> -> memref<16xi32, #tpu.memory_space<hbm>>
      tpu.enqueue_dma source(%dma_start3A_99 : memref<16xi32, #tpu.memory_space<hbm>>) target(%arg23 : memref<16xi32, #tpu.memory_space<vmem>>) target_semaphore(%run_scoped3A : memref<!tpu.dma_semaphore, #tpu.memory_space<semaphore_mem>>)
      %dma_wait3A_100 = tpu.memref_slice %arg4[%multiple_of3A_80] : memref<320000xi32, #tpu.memory_space<hbm>> -> memref<16xi32, #tpu.memory_space<hbm>>
      %dma_wait3A_101 = tpu.memref_slice %arg4[%multiple_of3A_80] : memref<320000xi32, #tpu.memory_space<hbm>> -> memref<16xi32, #tpu.memory_space<hbm>>
      tpu.wait_dma2 semaphore(%run_scoped3A : memref<!tpu.dma_semaphore, #tpu.memory_space<semaphore_mem>>) src(%dma_wait3A_101 : memref<16xi32, #tpu.memory_space<hbm>>) dst(%arg23 : memref<16xi32, #tpu.memory_space<vmem>>)
      tpu.yield
    }) : () -> ()
    %dma_start3A_81 = arith.constant 0 : i32
    %dma_start3A_82 = arith.constant 0 : i32
    %dma_start3A_83 = tpu.memref_slice %arg2[%dma_start3A_81, %dma_start3A_82] : memref<10000x128xf32, #tpu.memory_space<hbm>> -> memref<10000x128xf32, #tpu.memory_space<hbm>>
    tpu.enqueue_indirect_dma source(%dma_start3A_83 : memref<10000x128xf32, #tpu.memory_space<hbm>>) target(%arg24 : memref<16x128xf32, #tpu.memory_space<vmem>>) offsets(%arg22 : memref<16xi32, #tpu.memory_space<vmem>>) semaphore(%arg26 : memref<!tpu.dma_semaphore, #tpu.memory_space<semaphore_mem>>)
    %dma_wait3A_84 = arith.constant 0 : i32
    %dma_wait3A_85 = arith.constant 0 : i32
    %dma_wait3A_86 = tpu.memref_slice %arg2[%dma_wait3A_84, %dma_wait3A_85] : memref<10000x128xf32, #tpu.memory_space<hbm>> -> memref<10000x128xf32, #tpu.memory_space<hbm>>
    tpu.wait_indirect_dma semaphore(%arg26 : memref<!tpu.dma_semaphore, #tpu.memory_space<semaphore_mem>>) src(%dma_wait3A_86 : memref<10000x128xf32, #tpu.memory_space<hbm>>) dst(%arg24 : memref<16x128xf32, #tpu.memory_space<vmem>>)
    "tpu.region"() ({
      %run_scoped3A = tpu.sem_alloc : memref<!tpu.dma_semaphore, #tpu.memory_space<semaphore_mem>>
      %dma_start3A_98 = arith.constant 0 : i32
      %dma_start3A_99 = arith.constant 0 : i32
      %dma_start3A_100 = tpu.memref_slice %arg25[%dma_start3A_98, %dma_start3A_99] : memref<10000x128xf32, #tpu.memory_space<vmem_shared>> -> memref<10000x128xf32, #tpu.memory_space<vmem_shared>>
      tpu.enqueue_indirect_dma source(%arg24 : memref<16x128xf32, #tpu.memory_space<vmem>>) target(%dma_start3A_100 : memref<10000x128xf32, #tpu.memory_space<vmem_shared>>) offsets(%arg23 : memref<16xi32, #tpu.memory_space<vmem>>) semaphore(%run_scoped3A : memref<!tpu.dma_semaphore, #tpu.memory_space<semaphore_mem>>) {add = true}
      %dma_wait3A_101 = arith.constant 0 : i32
      %dma_wait3A_102 = arith.constant 0 : i32
      %dma_wait3A_103 = tpu.memref_slice %arg25[%dma_wait3A_101, %dma_wait3A_102] : memref<10000x128xf32, #tpu.memory_space<vmem_shared>> -> memref<10000x128xf32, #tpu.memory_space<vmem_shared>>
      tpu.wait_indirect_dma semaphore(%run_scoped3A : memref<!tpu.dma_semaphore, #tpu.memory_space<semaphore_mem>>) src(%arg24 : memref<16x128xf32, #tpu.memory_space<vmem>>) dst(%dma_wait3A_103 : memref<10000x128xf32, #tpu.memory_space<vmem_shared>>)
      tpu.yield
    }) : () -> ()
    %barrier3A_87 = arith.constant 0 : index
    tpu.barrier barrier_id(%barrier3A_87)
    %lt3A_88 = arith.constant 15 : i32
    %lt3A_89 = arith.cmpi slt, %arg1, %lt3A_88 : i32
    %convert_element_type3A_90 = arith.extui %lt3A_89 : i1 to i32
    %cond3A_91 = arith.constant 0 : i32
    %cond3A_92 = arith.cmpi ne, %convert_element_type3A_90, %cond3A_91 : i32
    scf.if %cond3A_92 {
      "tpu.region"() ({
        %run_scoped3A = tpu.sem_alloc : memref<!tpu.dma_semaphore, #tpu.memory_space<semaphore_mem>>
        %dma_start3A_98 = arith.constant 0 : i32
        %dma_start3A_99 = tpu.memref_slice %arg6[%arg0, %multiple_of3A, %dma_start3A_98] : memref<2x10000x128xf32, #tpu.memory_space<hbm>> -> memref<1x632x128xf32, #tpu.memory_space<hbm>>
        %dma_start3A_100 = tpu.memref_squeeze %dma_start3A_99 : memref<1x632x128xf32, #tpu.memory_space<hbm>> -> memref<632x128xf32, #tpu.memory_space<hbm>>
        %dma_start3A_101 = arith.constant 0 : i32
        %dma_start3A_102 = tpu.memref_slice %arg25[%multiple_of3A, %dma_start3A_101] : memref<10000x128xf32, #tpu.memory_space<vmem_shared>> -> memref<632x128xf32, #tpu.memory_space<vmem_shared>>
        tpu.enqueue_dma source(%dma_start3A_102 : memref<632x128xf32, #tpu.memory_space<vmem_shared>>) target(%dma_start3A_100 : memref<632x128xf32, #tpu.memory_space<hbm>>) target_semaphore(%run_scoped3A : memref<!tpu.dma_semaphore, #tpu.memory_space<semaphore_mem>>)
        %dma_wait3A_103 = arith.constant 0 : i32
        %dma_wait3A_104 = tpu.memref_slice %arg6[%arg0, %multiple_of3A, %dma_wait3A_103] : memref<2x10000x128xf32, #tpu.memory_space<hbm>> -> memref<1x632x128xf32, #tpu.memory_space<hbm>>
        %dma_wait3A_105 = tpu.memref_squeeze %dma_wait3A_104 : memref<1x632x128xf32, #tpu.memory_space<hbm>> -> memref<632x128xf32, #tpu.memory_space<hbm>>
        %dma_wait3A_106 = arith.constant 0 : i32
        %dma_wait3A_107 = tpu.memref_slice %arg25[%multiple_of3A, %dma_wait3A_106] : memref<10000x128xf32, #tpu.memory_space<vmem_shared>> -> memref<632x128xf32, #tpu.memory_space<vmem_shared>>
        tpu.wait_dma2 semaphore(%run_scoped3A : memref<!tpu.dma_semaphore, #tpu.memory_space<semaphore_mem>>) src(%dma_wait3A_107 : memref<632x128xf32, #tpu.memory_space<vmem_shared>>) dst(%dma_wait3A_105 : memref<632x128xf32, #tpu.memory_space<hbm>>)
        tpu.yield
      }) : () -> ()
    } else {
    }
    %eq3A_93 = arith.constant 15 : i32
    %eq3A_94 = arith.cmpi eq, %arg1, %eq3A_93 : i32
    %convert_element_type3A_95 = arith.extui %eq3A_94 : i1 to i32
    %cond3A_96 = arith.constant 0 : i32
    %cond3A_97 = arith.cmpi ne, %convert_element_type3A_95, %cond3A_96 : i32
    scf.if %cond3A_97 {
      "tpu.region"() ({
        %run_scoped3A = tpu.sem_alloc : memref<!tpu.dma_semaphore, #tpu.memory_space<semaphore_mem>>
        %dma_start3A_98 = arith.constant 0 : i32
        %dma_start3A_99 = tpu.memref_slice %arg6[%arg0, %multiple_of3A, %dma_start3A_98] : memref<2x10000x128xf32, #tpu.memory_space<hbm>> -> memref<1x520x128xf32, #tpu.memory_space<hbm>>
        %dma_start3A_100 = tpu.memref_squeeze %dma_start3A_99 : memref<1x520x128xf32, #tpu.memory_space<hbm>> -> memref<520x128xf32, #tpu.memory_space<hbm>>
        %dma_start3A_101 = arith.constant 0 : i32
        %dma_start3A_102 = tpu.memref_slice %arg25[%multiple_of3A, %dma_start3A_101] : memref<10000x128xf32, #tpu.memory_space<vmem_shared>> -> memref<520x128xf32, #tpu.memory_space<vmem_shared>>
        tpu.enqueue_dma source(%dma_start3A_102 : memref<520x128xf32, #tpu.memory_space<vmem_shared>>) target(%dma_start3A_100 : memref<520x128xf32, #tpu.memory_space<hbm>>) target_semaphore(%run_scoped3A : memref<!tpu.dma_semaphore, #tpu.memory_space<semaphore_mem>>)
        %dma_wait3A_103 = arith.constant 0 : i32
        %dma_wait3A_104 = tpu.memref_slice %arg6[%arg0, %multiple_of3A, %dma_wait3A_103] : memref<2x10000x128xf32, #tpu.memory_space<hbm>> -> memref<1x520x128xf32, #tpu.memory_space<hbm>>
        %dma_wait3A_105 = tpu.memref_squeeze %dma_wait3A_104 : memref<1x520x128xf32, #tpu.memory_space<hbm>> -> memref<520x128xf32, #tpu.memory_space<hbm>>
        %dma_wait3A_106 = arith.constant 0 : i32
        %dma_wait3A_107 = tpu.memref_slice %arg25[%multiple_of3A, %dma_wait3A_106] : memref<10000x128xf32, #tpu.memory_space<vmem_shared>> -> memref<520x128xf32, #tpu.memory_space<vmem_shared>>
        tpu.wait_dma2 semaphore(%run_scoped3A : memref<!tpu.dma_semaphore, #tpu.memory_space<semaphore_mem>>) src(%dma_wait3A_107 : memref<520x128xf32, #tpu.memory_space<vmem_shared>>) dst(%dma_wait3A_105 : memref<520x128xf32, #tpu.memory_space<hbm>>)
        tpu.yield
      }) : () -> ()
    } else {
    }
    return
  }
}

#map = affine_map<(d0, d1) -> (0, 0)>
#map1 = affine_map<(d0, d1) -> (0)>
#map2 = affine_map<(d0, d1) -> (0, 0, 0)>
module attributes {stable_mosaic.version = 14 : i64} {
  func.func @_segsum_sc(%arg0: i32, %arg1: i32, %arg2: memref<10000x128xf32, #tpu.memory_space<hbm>>, %arg3: memref<320000xi32, #tpu.memory_space<hbm>>, %arg4: memref<320000xi32, #tpu.memory_space<hbm>>, %arg5: memref<10000x128xf32, #tpu.memory_space<hbm>>, %arg6: memref<2x10000x128xf32, #tpu.memory_space<hbm>>, %arg7: memref<104xi32, #tpu.memory_space<vmem>>, %arg8: memref<104xi32, #tpu.memory_space<vmem>>, %arg9: memref<104xi32, #tpu.memory_space<vmem>>, %arg10: memref<104xi32, #tpu.memory_space<vmem>>, %arg11: memref<104xi32, #tpu.memory_space<vmem>>, %arg12: memref<104xi32, #tpu.memory_space<vmem>>, %arg13: memref<104xi32, #tpu.memory_space<vmem>>, %arg14: memref<104xi32, #tpu.memory_space<vmem>>, %arg15: memref<104xi32, #tpu.memory_space<vmem>>, %arg16: memref<104xi32, #tpu.memory_space<vmem>>, %arg17: memref<104xi32, #tpu.memory_space<vmem>>, %arg18: memref<104xi32, #tpu.memory_space<vmem>>, %arg19: memref<104x128xf32, #tpu.memory_space<vmem>>, %arg20: memref<104x128xf32, #tpu.memory_space<vmem>>, %arg21: memref<104x128xf32, #tpu.memory_space<vmem>>, %arg22: memref<16xi32, #tpu.memory_space<vmem>>, %arg23: memref<16xi32, #tpu.memory_space<vmem>>, %arg24: memref<16x128xf32, #tpu.memory_space<vmem>>, %arg25: memref<10000x128xf32, #tpu.memory_space<vmem_shared>>, %arg26: memref<!tpu.dma_semaphore, #tpu.memory_space<semaphore_mem>>, %arg27: memref<!tpu.dma_semaphore, #tpu.memory_space<semaphore_mem>>, %arg28: memref<!tpu.dma_semaphore, #tpu.memory_space<semaphore_mem>>, %arg29: memref<!tpu.dma_semaphore, #tpu.memory_space<semaphore_mem>>, %arg30: memref<!tpu.dma_semaphore, #tpu.memory_space<semaphore_mem>>, %arg31: memref<!tpu.dma_semaphore, #tpu.memory_space<semaphore_mem>>, %arg32: memref<!tpu.dma_semaphore, #tpu.memory_space<semaphore_mem>>, %arg33: memref<!tpu.dma_semaphore, #tpu.memory_space<semaphore_mem>>, %arg34: memref<!tpu.dma_semaphore, #tpu.memory_space<semaphore_mem>>, %arg35: memref<!tpu.dma_semaphore, #tpu.memory_space<semaphore_mem>>, %arg36: memref<!tpu.dma_semaphore, #tpu.memory_space<semaphore_mem>>, %arg37: memref<!tpu.dma_semaphore, #tpu.memory_space<semaphore_mem>>) attributes {dimension_semantics = [#tpu.dimension_semantics<core_parallel>, #tpu.dimension_semantics<subcore_parallel>], iteration_bounds = array<i64: 2, 16>, scalar_prefetch = 0 : i64, scratch_operands = 31 : i64, tpu.core_type = #tpu.core_type<sc_vector_subcore>, window_params = [{transform_indices = #map}, {transform_indices = #map1}, {transform_indices = #map1}, {transform_indices = #map}, {transform_indices = #map2}]} {
    %mul3A = arith.constant 632 : i32
    %mul3A_0 = arith.muli %arg1, %mul3A : i32
    %multiple_of3A = tpu.assume_multiple %mul3A_0, 8 : i32
    %lt3A = arith.constant 15 : i32
    %lt3A_1 = arith.cmpi slt, %arg1, %lt3A : i32
    %convert_element_type3A = arith.extui %lt3A_1 : i1 to i32
    %cond3A = arith.constant 0 : i32
    %cond3A_2 = arith.cmpi ne, %convert_element_type3A, %cond3A : i32
    scf.if %cond3A_2 {
      %dma_start3A_98 = arith.constant 0 : i32
      %dma_start3A_99 = tpu.memref_slice %arg25[%multiple_of3A, %dma_start3A_98] : memref<10000x128xf32, #tpu.memory_space<vmem_shared>> -> memref<632x128xf32, #tpu.memory_space<vmem_shared>>
      %dma_start3A_100 = arith.constant 0 : i32
      %dma_start3A_101 = tpu.memref_slice %arg5[%multiple_of3A, %dma_start3A_100] : memref<10000x128xf32, #tpu.memory_space<hbm>> -> memref<632x128xf32, #tpu.memory_space<hbm>>
      tpu.enqueue_dma source(%dma_start3A_101 : memref<632x128xf32, #tpu.memory_space<hbm>>) target(%dma_start3A_99 : memref<632x128xf32, #tpu.memory_space<vmem_shared>>) target_semaphore(%arg35 : memref<!tpu.dma_semaphore, #tpu.memory_space<semaphore_mem>>)
    } else {
    }
    %eq3A = arith.constant 15 : i32
    %eq3A_3 = arith.cmpi eq, %arg1, %eq3A : i32
    %convert_element_type3A_4 = arith.extui %eq3A_3 : i1 to i32
    %cond3A_5 = arith.constant 0 : i32
    %cond3A_6 = arith.cmpi ne, %convert_element_type3A_4, %cond3A_5 : i32
    scf.if %cond3A_6 {
      %dma_start3A_98 = arith.constant 0 : i32
      %dma_start3A_99 = tpu.memref_slice %arg25[%multiple_of3A, %dma_start3A_98] : memref<10000x128xf32, #tpu.memory_space<vmem_shared>> -> memref<520x128xf32, #tpu.memory_space<vmem_shared>>
      %dma_start3A_100 = arith.constant 0 : i32
      %dma_start3A_101 = tpu.memref_slice %arg5[%multiple_of3A, %dma_start3A_100] : memref<10000x128xf32, #tpu.memory_space<hbm>> -> memref<520x128xf32, #tpu.memory_space<hbm>>
      tpu.enqueue_dma source(%dma_start3A_101 : memref<520x128xf32, #tpu.memory_space<hbm>>) target(%dma_start3A_99 : memref<520x128xf32, #tpu.memory_space<vmem_shared>>) target_semaphore(%arg35 : memref<!tpu.dma_semaphore, #tpu.memory_space<semaphore_mem>>)
    } else {
    }
    %mul3A_7 = arith.constant 16 : i32
    %mul3A_8 = arith.muli %arg0, %mul3A_7 : i32
    %add3A = arith.addi %mul3A_8, %arg1 : i32
    %mul3A_9 = arith.constant 10000 : i32
    %mul3A_10 = arith.muli %add3A, %mul3A_9 : i32
    %multiple_of3A_11 = tpu.assume_multiple %mul3A_10, 8 : i32
    %add3A_12 = arith.constant 0 : i32
    %add3A_13 = arith.addi %multiple_of3A_11, %add3A_12 : i32
    %multiple_of3A_14 = tpu.assume_multiple %add3A_13, 8 : i32
    %dma_start3A = tpu.memref_slice %arg3[%multiple_of3A_14] : memref<320000xi32, #tpu.memory_space<hbm>> -> memref<104xi32, #tpu.memory_space<hbm>>
    %dma_start3A_15 = tpu.memref_slice %arg3[%multiple_of3A_14] : memref<320000xi32, #tpu.memory_space<hbm>> -> memref<104xi32, #tpu.memory_space<hbm>>
    tpu.enqueue_dma source(%dma_start3A_15 : memref<104xi32, #tpu.memory_space<hbm>>) target(%arg7 : memref<104xi32, #tpu.memory_space<vmem>>) target_semaphore(%arg26 : memref<!tpu.dma_semaphore, #tpu.memory_space<semaphore_mem>>)
    %dma_start3A_16 = tpu.memref_slice %arg4[%multiple_of3A_14] : memref<320000xi32, #tpu.memory_space<hbm>> -> memref<104xi32, #tpu.memory_space<hbm>>
    %dma_start3A_17 = tpu.memref_slice %arg4[%multiple_of3A_14] : memref<320000xi32, #tpu.memory_space<hbm>> -> memref<104xi32, #tpu.memory_space<hbm>>
    tpu.enqueue_dma source(%dma_start3A_17 : memref<104xi32, #tpu.memory_space<hbm>>) target(%arg13 : memref<104xi32, #tpu.memory_space<vmem>>) target_semaphore(%arg26 : memref<!tpu.dma_semaphore, #tpu.memory_space<semaphore_mem>>)
    %add3A_18 = arith.constant 104 : i32
    %add3A_19 = arith.addi %multiple_of3A_11, %add3A_18 : i32
    %multiple_of3A_20 = tpu.assume_multiple %add3A_19, 8 : i32
    %dma_start3A_21 = tpu.memref_slice %arg3[%multiple_of3A_20] : memref<320000xi32, #tpu.memory_space<hbm>> -> memref<104xi32, #tpu.memory_space<hbm>>
    %dma_start3A_22 = tpu.memref_slice %arg3[%multiple_of3A_20] : memref<320000xi32, #tpu.memory_space<hbm>> -> memref<104xi32, #tpu.memory_space<hbm>>
    tpu.enqueue_dma source(%dma_start3A_22 : memref<104xi32, #tpu.memory_space<hbm>>) target(%arg8 : memref<104xi32, #tpu.memory_space<vmem>>) target_semaphore(%arg27 : memref<!tpu.dma_semaphore, #tpu.memory_space<semaphore_mem>>)
    %dma_start3A_23 = tpu.memref_slice %arg4[%multiple_of3A_20] : memref<320000xi32, #tpu.memory_space<hbm>> -> memref<104xi32, #tpu.memory_space<hbm>>
    %dma_start3A_24 = tpu.memref_slice %arg4[%multiple_of3A_20] : memref<320000xi32, #tpu.memory_space<hbm>> -> memref<104xi32, #tpu.memory_space<hbm>>
    tpu.enqueue_dma source(%dma_start3A_24 : memref<104xi32, #tpu.memory_space<hbm>>) target(%arg14 : memref<104xi32, #tpu.memory_space<vmem>>) target_semaphore(%arg27 : memref<!tpu.dma_semaphore, #tpu.memory_space<semaphore_mem>>)
    %add3A_25 = arith.constant 208 : i32
    %add3A_26 = arith.addi %multiple_of3A_11, %add3A_25 : i32
    %multiple_of3A_27 = tpu.assume_multiple %add3A_26, 8 : i32
    %dma_start3A_28 = tpu.memref_slice %arg3[%multiple_of3A_27] : memref<320000xi32, #tpu.memory_space<hbm>> -> memref<104xi32, #tpu.memory_space<hbm>>
    %dma_start3A_29 = tpu.memref_slice %arg3[%multiple_of3A_27] : memref<320000xi32, #tpu.memory_space<hbm>> -> memref<104xi32, #tpu.memory_space<hbm>>
    tpu.enqueue_dma source(%dma_start3A_29 : memref<104xi32, #tpu.memory_space<hbm>>) target(%arg9 : memref<104xi32, #tpu.memory_space<vmem>>) target_semaphore(%arg28 : memref<!tpu.dma_semaphore, #tpu.memory_space<semaphore_mem>>)
    %dma_start3A_30 = tpu.memref_slice %arg4[%multiple_of3A_27] : memref<320000xi32, #tpu.memory_space<hbm>> -> memref<104xi32, #tpu.memory_space<hbm>>
    %dma_start3A_31 = tpu.memref_slice %arg4[%multiple_of3A_27] : memref<320000xi32, #tpu.memory_space<hbm>> -> memref<104xi32, #tpu.memory_space<hbm>>
    tpu.enqueue_dma source(%dma_start3A_31 : memref<104xi32, #tpu.memory_space<hbm>>) target(%arg15 : memref<104xi32, #tpu.memory_space<vmem>>) target_semaphore(%arg28 : memref<!tpu.dma_semaphore, #tpu.memory_space<semaphore_mem>>)
    %add3A_32 = arith.constant 312 : i32
    %add3A_33 = arith.addi %multiple_of3A_11, %add3A_32 : i32
    %multiple_of3A_34 = tpu.assume_multiple %add3A_33, 8 : i32
    %dma_start3A_35 = tpu.memref_slice %arg3[%multiple_of3A_34] : memref<320000xi32, #tpu.memory_space<hbm>> -> memref<104xi32, #tpu.memory_space<hbm>>
    %dma_start3A_36 = tpu.memref_slice %arg3[%multiple_of3A_34] : memref<320000xi32, #tpu.memory_space<hbm>> -> memref<104xi32, #tpu.memory_space<hbm>>
    tpu.enqueue_dma source(%dma_start3A_36 : memref<104xi32, #tpu.memory_space<hbm>>) target(%arg10 : memref<104xi32, #tpu.memory_space<vmem>>) target_semaphore(%arg29 : memref<!tpu.dma_semaphore, #tpu.memory_space<semaphore_mem>>)
    %dma_start3A_37 = tpu.memref_slice %arg4[%multiple_of3A_34] : memref<320000xi32, #tpu.memory_space<hbm>> -> memref<104xi32, #tpu.memory_space<hbm>>
    %dma_start3A_38 = tpu.memref_slice %arg4[%multiple_of3A_34] : memref<320000xi32, #tpu.memory_space<hbm>> -> memref<104xi32, #tpu.memory_space<hbm>>
    tpu.enqueue_dma source(%dma_start3A_38 : memref<104xi32, #tpu.memory_space<hbm>>) target(%arg16 : memref<104xi32, #tpu.memory_space<vmem>>) target_semaphore(%arg29 : memref<!tpu.dma_semaphore, #tpu.memory_space<semaphore_mem>>)
    %dma_wait3A = arith.constant 0 : i32
    %dma_wait3A_39 = tpu.memref_slice %arg3[%dma_wait3A] : memref<320000xi32, #tpu.memory_space<hbm>> -> memref<104xi32, #tpu.memory_space<hbm>>
    %dma_wait3A_40 = arith.constant 0 : i32
    %dma_wait3A_41 = tpu.memref_slice %arg3[%dma_wait3A_40] : memref<320000xi32, #tpu.memory_space<hbm>> -> memref<104xi32, #tpu.memory_space<hbm>>
    tpu.wait_dma2 semaphore(%arg26 : memref<!tpu.dma_semaphore, #tpu.memory_space<semaphore_mem>>) src(%dma_wait3A_41 : memref<104xi32, #tpu.memory_space<hbm>>) dst(%arg7 : memref<104xi32, #tpu.memory_space<vmem>>)
    %dma_wait3A_42 = arith.constant 0 : i32
    %dma_wait3A_43 = tpu.memref_slice %arg4[%dma_wait3A_42] : memref<320000xi32, #tpu.memory_space<hbm>> -> memref<104xi32, #tpu.memory_space<hbm>>
    %dma_wait3A_44 = arith.constant 0 : i32
    %dma_wait3A_45 = tpu.memref_slice %arg4[%dma_wait3A_44] : memref<320000xi32, #tpu.memory_space<hbm>> -> memref<104xi32, #tpu.memory_space<hbm>>
    tpu.wait_dma2 semaphore(%arg26 : memref<!tpu.dma_semaphore, #tpu.memory_space<semaphore_mem>>) src(%dma_wait3A_45 : memref<104xi32, #tpu.memory_space<hbm>>) dst(%arg13 : memref<104xi32, #tpu.memory_space<vmem>>)
    %dma_start3A_46 = arith.constant 0 : i32
    %dma_start3A_47 = arith.constant 0 : i32
    %dma_start3A_48 = tpu.memref_slice %arg2[%dma_start3A_46, %dma_start3A_47] : memref<10000x128xf32, #tpu.memory_space<hbm>> -> memref<10000x128xf32, #tpu.memory_space<hbm>>
    tpu.enqueue_indirect_dma source(%dma_start3A_48 : memref<10000x128xf32, #tpu.memory_space<hbm>>) target(%arg19 : memref<104x128xf32, #tpu.memory_space<vmem>>) offsets(%arg7 : memref<104xi32, #tpu.memory_space<vmem>>) semaphore(%arg32 : memref<!tpu.dma_semaphore, #tpu.memory_space<semaphore_mem>>)
    %dma_wait3A_49 = arith.constant 0 : i32
    %dma_wait3A_50 = tpu.memref_slice %arg3[%dma_wait3A_49] : memref<320000xi32, #tpu.memory_space<hbm>> -> memref<104xi32, #tpu.memory_space<hbm>>
    %dma_wait3A_51 = arith.constant 0 : i32
    %dma_wait3A_52 = tpu.memref_slice %arg3[%dma_wait3A_51] : memref<320000xi32, #tpu.memory_space<hbm>> -> memref<104xi32, #tpu.memory_space<hbm>>
    tpu.wait_dma2 semaphore(%arg27 : memref<!tpu.dma_semaphore, #tpu.memory_space<semaphore_mem>>) src(%dma_wait3A_52 : memref<104xi32, #tpu.memory_space<hbm>>) dst(%arg8 : memref<104xi32, #tpu.memory_space<vmem>>)
    %dma_wait3A_53 = arith.constant 0 : i32
    %dma_wait3A_54 = tpu.memref_slice %arg4[%dma_wait3A_53] : memref<320000xi32, #tpu.memory_space<hbm>> -> memref<104xi32, #tpu.memory_space<hbm>>
    %dma_wait3A_55 = arith.constant 0 : i32
    %dma_wait3A_56 = tpu.memref_slice %arg4[%dma_wait3A_55] : memref<320000xi32, #tpu.memory_space<hbm>> -> memref<104xi32, #tpu.memory_space<hbm>>
    tpu.wait_dma2 semaphore(%arg27 : memref<!tpu.dma_semaphore, #tpu.memory_space<semaphore_mem>>) src(%dma_wait3A_56 : memref<104xi32, #tpu.memory_space<hbm>>) dst(%arg14 : memref<104xi32, #tpu.memory_space<vmem>>)
    %dma_start3A_57 = arith.constant 0 : i32
    %dma_start3A_58 = arith.constant 0 : i32
    %dma_start3A_59 = tpu.memref_slice %arg2[%dma_start3A_57, %dma_start3A_58] : memref<10000x128xf32, #tpu.memory_space<hbm>> -> memref<10000x128xf32, #tpu.memory_space<hbm>>
    tpu.enqueue_indirect_dma source(%dma_start3A_59 : memref<10000x128xf32, #tpu.memory_space<hbm>>) target(%arg20 : memref<104x128xf32, #tpu.memory_space<vmem>>) offsets(%arg8 : memref<104xi32, #tpu.memory_space<vmem>>) semaphore(%arg33 : memref<!tpu.dma_semaphore, #tpu.memory_space<semaphore_mem>>)
    %lt3A_60 = arith.constant 15 : i32
    %lt3A_61 = arith.cmpi slt, %arg1, %lt3A_60 : i32
    %convert_element_type3A_62 = arith.extui %lt3A_61 : i1 to i32
    %cond3A_63 = arith.constant 0 : i32
    %cond3A_64 = arith.cmpi ne, %convert_element_type3A_62, %cond3A_63 : i32
    scf.if %cond3A_64 {
      %dma_wait3A_98 = arith.constant 0 : i32
      %dma_wait3A_99 = tpu.memref_slice %arg25[%multiple_of3A, %dma_wait3A_98] : memref<10000x128xf32, #tpu.memory_space<vmem_shared>> -> memref<632x128xf32, #tpu.memory_space<vmem_shared>>
      %dma_wait3A_100 = arith.constant 0 : i32
      %dma_wait3A_101 = tpu.memref_slice %arg5[%multiple_of3A, %dma_wait3A_100] : memref<10000x128xf32, #tpu.memory_space<hbm>> -> memref<632x128xf32, #tpu.memory_space<hbm>>
      tpu.wait_dma2 semaphore(%arg35 : memref<!tpu.dma_semaphore, #tpu.memory_space<semaphore_mem>>) src(%dma_wait3A_101 : memref<632x128xf32, #tpu.memory_space<hbm>>) dst(%dma_wait3A_99 : memref<632x128xf32, #tpu.memory_space<vmem_shared>>)
    } else {
    }
    %eq3A_65 = arith.constant 15 : i32
    %eq3A_66 = arith.cmpi eq, %arg1, %eq3A_65 : i32
    %convert_element_type3A_67 = arith.extui %eq3A_66 : i1 to i32
    %cond3A_68 = arith.constant 0 : i32
    %cond3A_69 = arith.cmpi ne, %convert_element_type3A_67, %cond3A_68 : i32
    scf.if %cond3A_69 {
      %dma_wait3A_98 = arith.constant 0 : i32
      %dma_wait3A_99 = tpu.memref_slice %arg25[%multiple_of3A, %dma_wait3A_98] : memref<10000x128xf32, #tpu.memory_space<vmem_shared>> -> memref<520x128xf32, #tpu.memory_space<vmem_shared>>
      %dma_wait3A_100 = arith.constant 0 : i32
      %dma_wait3A_101 = tpu.memref_slice %arg5[%multiple_of3A, %dma_wait3A_100] : memref<10000x128xf32, #tpu.memory_space<hbm>> -> memref<520x128xf32, #tpu.memory_space<hbm>>
      tpu.wait_dma2 semaphore(%arg35 : memref<!tpu.dma_semaphore, #tpu.memory_space<semaphore_mem>>) src(%dma_wait3A_101 : memref<520x128xf32, #tpu.memory_space<hbm>>) dst(%dma_wait3A_99 : memref<520x128xf32, #tpu.memory_space<vmem_shared>>)
    } else {
    }
    %barrier3A = arith.constant 0 : index
    tpu.barrier barrier_id(%barrier3A)
    %scan3A = arith.constant 0 : i32
    %scan3A_70 = arith.constant 0 : i32
    %scan3A_71 = arith.constant 16 : i32
    %scan3A_72 = arith.addi %scan3A_70, %scan3A_71 : i32
    %scan3A_73 = arith.constant 1 : i32
    scf.for %scan3A_98 = %scan3A_70 to %scan3A_72 step %scan3A_73  : i32 {
      %mul3A_99 = arith.constant 6 : i32
      %mul3A_100 = arith.muli %mul3A_99, %scan3A_98 : i32
      %add3A_101 = arith.constant 0 : i32
      %add3A_102 = arith.addi %mul3A_100, %add3A_101 : i32
      %dma_wait3A_103 = arith.constant 0 : i32
      %dma_wait3A_104 = arith.constant 0 : i32
      %dma_wait3A_105 = tpu.memref_slice %arg2[%dma_wait3A_103, %dma_wait3A_104] : memref<10000x128xf32, #tpu.memory_space<hbm>> -> memref<104x128xf32, #tpu.memory_space<hbm>>
      %dma_wait3A_106 = arith.constant 0 : i32
      %dma_wait3A_107 = arith.constant 0 : i32
      %dma_wait3A_108 = tpu.memref_slice %arg2[%dma_wait3A_106, %dma_wait3A_107] : memref<10000x128xf32, #tpu.memory_space<hbm>> -> memref<104x128xf32, #tpu.memory_space<hbm>>
      tpu.wait_dma2 semaphore(%arg32 : memref<!tpu.dma_semaphore, #tpu.memory_space<semaphore_mem>>) src(%dma_wait3A_108 : memref<104x128xf32, #tpu.memory_space<hbm>>) dst(%arg19 : memref<104x128xf32, #tpu.memory_space<vmem>>)
      %dma_start3A_109 = arith.constant 0 : i32
      %dma_start3A_110 = arith.constant 0 : i32
      %dma_start3A_111 = tpu.memref_slice %arg25[%dma_start3A_109, %dma_start3A_110] : memref<10000x128xf32, #tpu.memory_space<vmem_shared>> -> memref<10000x128xf32, #tpu.memory_space<vmem_shared>>
      tpu.enqueue_indirect_dma source(%arg19 : memref<104x128xf32, #tpu.memory_space<vmem>>) target(%dma_start3A_111 : memref<10000x128xf32, #tpu.memory_space<vmem_shared>>) offsets(%arg13 : memref<104xi32, #tpu.memory_space<vmem>>) semaphore(%arg35 : memref<!tpu.dma_semaphore, #tpu.memory_space<semaphore_mem>>) {add = true}
      %ge3A = arith.constant 1 : i32
      %ge3A_112 = arith.cmpi sge, %add3A_102, %ge3A : i32
      %convert_element_type3A_113 = arith.extui %ge3A_112 : i1 to i32
      %cond3A_114 = arith.constant 0 : i32
      %cond3A_115 = arith.cmpi ne, %convert_element_type3A_113, %cond3A_114 : i32
      scf.if %cond3A_115 {
        %dma_wait3A_290 = arith.constant 0 : i32
        %dma_wait3A_291 = arith.constant 0 : i32
        %dma_wait3A_292 = tpu.memref_slice %arg25[%dma_wait3A_290, %dma_wait3A_291] : memref<10000x128xf32, #tpu.memory_space<vmem_shared>> -> memref<10000x128xf32, #tpu.memory_space<vmem_shared>>
        tpu.wait_indirect_dma semaphore(%arg37 : memref<!tpu.dma_semaphore, #tpu.memory_space<semaphore_mem>>) src(%arg21 : memref<104x128xf32, #tpu.memory_space<vmem>>) dst(%dma_wait3A_292 : memref<10000x128xf32, #tpu.memory_space<vmem_shared>>)
      } else {
      }
      %add3A_116 = arith.constant 2 : i32
      %add3A_117 = arith.addi %add3A_102, %add3A_116 : i32
      %lt3A_118 = arith.constant 96 : i32
      %lt3A_119 = arith.cmpi slt, %add3A_117, %lt3A_118 : i32
      %convert_element_type3A_120 = arith.extui %lt3A_119 : i1 to i32
      %cond3A_121 = arith.constant 0 : i32
      %cond3A_122 = arith.cmpi ne, %convert_element_type3A_120, %cond3A_121 : i32
      scf.if %cond3A_122 {
        %dma_wait3A_290 = arith.constant 0 : i32
        %dma_wait3A_291 = tpu.memref_slice %arg3[%dma_wait3A_290] : memref<320000xi32, #tpu.memory_space<hbm>> -> memref<104xi32, #tpu.memory_space<hbm>>
        %dma_wait3A_292 = arith.constant 0 : i32
        %dma_wait3A_293 = tpu.memref_slice %arg3[%dma_wait3A_292] : memref<320000xi32, #tpu.memory_space<hbm>> -> memref<104xi32, #tpu.memory_space<hbm>>
        tpu.wait_dma2 semaphore(%arg28 : memref<!tpu.dma_semaphore, #tpu.memory_space<semaphore_mem>>) src(%dma_wait3A_293 : memref<104xi32, #tpu.memory_space<hbm>>) dst(%arg9 : memref<104xi32, #tpu.memory_space<vmem>>)
        %dma_wait3A_294 = arith.constant 0 : i32
        %dma_wait3A_295 = tpu.memref_slice %arg4[%dma_wait3A_294] : memref<320000xi32, #tpu.memory_space<hbm>> -> memref<104xi32, #tpu.memory_space<hbm>>
        %dma_wait3A_296 = arith.constant 0 : i32
        %dma_wait3A_297 = tpu.memref_slice %arg4[%dma_wait3A_296] : memref<320000xi32, #tpu.memory_space<hbm>> -> memref<104xi32, #tpu.memory_space<hbm>>
        tpu.wait_dma2 semaphore(%arg28 : memref<!tpu.dma_semaphore, #tpu.memory_space<semaphore_mem>>) src(%dma_wait3A_297 : memref<104xi32, #tpu.memory_space<hbm>>) dst(%arg15 : memref<104xi32, #tpu.memory_space<vmem>>)
        %dma_start3A_298 = arith.constant 0 : i32
        %dma_start3A_299 = arith.constant 0 : i32
        %dma_start3A_300 = tpu.memref_slice %arg2[%dma_start3A_298, %dma_start3A_299] : memref<10000x128xf32, #tpu.memory_space<hbm>> -> memref<10000x128xf32, #tpu.memory_space<hbm>>
        tpu.enqueue_indirect_dma source(%dma_start3A_300 : memref<10000x128xf32, #tpu.memory_space<hbm>>) target(%arg21 : memref<104x128xf32, #tpu.memory_space<vmem>>) offsets(%arg9 : memref<104xi32, #tpu.memory_space<vmem>>) semaphore(%arg34 : memref<!tpu.dma_semaphore, #tpu.memory_space<semaphore_mem>>)
      } else {
      }
      %add3A_123 = arith.constant 4 : i32
      %add3A_124 = arith.addi %add3A_102, %add3A_123 : i32
      %lt3A_125 = arith.constant 96 : i32
      %lt3A_126 = arith.cmpi slt, %add3A_124, %lt3A_125 : i32
      %convert_element_type3A_127 = arith.extui %lt3A_126 : i1 to i32
      %cond3A_128 = arith.constant 0 : i32
      %cond3A_129 = arith.cmpi ne, %convert_element_type3A_127, %cond3A_128 : i32
      scf.if %cond3A_129 {
        %add3A_290 = arith.constant 4 : i32
        %add3A_291 = arith.addi %add3A_102, %add3A_290 : i32
        %mul3A_292 = arith.constant 104 : i32
        %mul3A_293 = arith.muli %add3A_291, %mul3A_292 : i32
        %add3A_294 = arith.addi %multiple_of3A_11, %mul3A_293 : i32
        %multiple_of3A_295 = tpu.assume_multiple %add3A_294, 8 : i32
        %dma_start3A_296 = tpu.memref_slice %arg3[%multiple_of3A_295] : memref<320000xi32, #tpu.memory_space<hbm>> -> memref<104xi32, #tpu.memory_space<hbm>>
        %dma_start3A_297 = tpu.memref_slice %arg3[%multiple_of3A_295] : memref<320000xi32, #tpu.memory_space<hbm>> -> memref<104xi32, #tpu.memory_space<hbm>>
        tpu.enqueue_dma source(%dma_start3A_297 : memref<104xi32, #tpu.memory_space<hbm>>) target(%arg11 : memref<104xi32, #tpu.memory_space<vmem>>) target_semaphore(%arg30 : memref<!tpu.dma_semaphore, #tpu.memory_space<semaphore_mem>>)
        %dma_start3A_298 = tpu.memref_slice %arg4[%multiple_of3A_295] : memref<320000xi32, #tpu.memory_space<hbm>> -> memref<104xi32, #tpu.memory_space<hbm>>
        %dma_start3A_299 = tpu.memref_slice %arg4[%multiple_of3A_295] : memref<320000xi32, #tpu.memory_space<hbm>> -> memref<104xi32, #tpu.memory_space<hbm>>
        tpu.enqueue_dma source(%dma_start3A_299 : memref<104xi32, #tpu.memory_space<hbm>>) target(%arg17 : memref<104xi32, #tpu.memory_space<vmem>>) target_semaphore(%arg30 : memref<!tpu.dma_semaphore, #tpu.memory_space<semaphore_mem>>)
      } else {
      }
      %mul3A_130 = arith.constant 6 : i32
      %mul3A_131 = arith.muli %mul3A_130, %scan3A_98 : i32
      %add3A_132 = arith.constant 1 : i32
      %add3A_133 = arith.addi %mul3A_131, %add3A_132 : i32
      %dma_wait3A_134 = arith.constant 0 : i32
      %dma_wait3A_135 = arith.constant 0 : i32
      %dma_wait3A_136 = tpu.memref_slice %arg2[%dma_wait3A_134, %dma_wait3A_135] : memref<10000x128xf32, #tpu.memory_space<hbm>> -> memref<104x128xf32, #tpu.memory_space<hbm>>
      %dma_wait3A_137 = arith.constant 0 : i32
      %dma_wait3A_138 = arith.constant 0 : i32
      %dma_wait3A_139 = tpu.memref_slice %arg2[%dma_wait3A_137, %dma_wait3A_138] : memref<10000x128xf32, #tpu.memory_space<hbm>> -> memref<104x128xf32, #tpu.memory_space<hbm>>
      tpu.wait_dma2 semaphore(%arg33 : memref<!tpu.dma_semaphore, #tpu.memory_space<semaphore_mem>>) src(%dma_wait3A_139 : memref<104x128xf32, #tpu.memory_space<hbm>>) dst(%arg20 : memref<104x128xf32, #tpu.memory_space<vmem>>)
      %dma_start3A_140 = arith.constant 0 : i32
      %dma_start3A_141 = arith.constant 0 : i32
      %dma_start3A_142 = tpu.memref_slice %arg25[%dma_start3A_140, %dma_start3A_141] : memref<10000x128xf32, #tpu.memory_space<vmem_shared>> -> memref<10000x128xf32, #tpu.memory_space<vmem_shared>>
      tpu.enqueue_indirect_dma source(%arg20 : memref<104x128xf32, #tpu.memory_space<vmem>>) target(%dma_start3A_142 : memref<10000x128xf32, #tpu.memory_space<vmem_shared>>) offsets(%arg14 : memref<104xi32, #tpu.memory_space<vmem>>) semaphore(%arg36 : memref<!tpu.dma_semaphore, #tpu.memory_space<semaphore_mem>>) {add = true}
      %ge3A_143 = arith.constant 1 : i32
      %ge3A_144 = arith.cmpi sge, %add3A_133, %ge3A_143 : i32
      %convert_element_type3A_145 = arith.extui %ge3A_144 : i1 to i32
      %cond3A_146 = arith.constant 0 : i32
      %cond3A_147 = arith.cmpi ne, %convert_element_type3A_145, %cond3A_146 : i32
      scf.if %cond3A_147 {
        %dma_wait3A_290 = arith.constant 0 : i32
        %dma_wait3A_291 = arith.constant 0 : i32
        %dma_wait3A_292 = tpu.memref_slice %arg25[%dma_wait3A_290, %dma_wait3A_291] : memref<10000x128xf32, #tpu.memory_space<vmem_shared>> -> memref<10000x128xf32, #tpu.memory_space<vmem_shared>>
        tpu.wait_indirect_dma semaphore(%arg35 : memref<!tpu.dma_semaphore, #tpu.memory_space<semaphore_mem>>) src(%arg19 : memref<104x128xf32, #tpu.memory_space<vmem>>) dst(%dma_wait3A_292 : memref<10000x128xf32, #tpu.memory_space<vmem_shared>>)
      } else {
      }
      %add3A_148 = arith.constant 2 : i32
      %add3A_149 = arith.addi %add3A_133, %add3A_148 : i32
      %lt3A_150 = arith.constant 96 : i32
      %lt3A_151 = arith.cmpi slt, %add3A_149, %lt3A_150 : i32
      %convert_element_type3A_152 = arith.extui %lt3A_151 : i1 to i32
      %cond3A_153 = arith.constant 0 : i32
      %cond3A_154 = arith.cmpi ne, %convert_element_type3A_152, %cond3A_153 : i32
      scf.if %cond3A_154 {
        %dma_wait3A_290 = arith.constant 0 : i32
        %dma_wait3A_291 = tpu.memref_slice %arg3[%dma_wait3A_290] : memref<320000xi32, #tpu.memory_space<hbm>> -> memref<104xi32, #tpu.memory_space<hbm>>
        %dma_wait3A_292 = arith.constant 0 : i32
        %dma_wait3A_293 = tpu.memref_slice %arg3[%dma_wait3A_292] : memref<320000xi32, #tpu.memory_space<hbm>> -> memref<104xi32, #tpu.memory_space<hbm>>
        tpu.wait_dma2 semaphore(%arg29 : memref<!tpu.dma_semaphore, #tpu.memory_space<semaphore_mem>>) src(%dma_wait3A_293 : memref<104xi32, #tpu.memory_space<hbm>>) dst(%arg10 : memref<104xi32, #tpu.memory_space<vmem>>)
        %dma_wait3A_294 = arith.constant 0 : i32
        %dma_wait3A_295 = tpu.memref_slice %arg4[%dma_wait3A_294] : memref<320000xi32, #tpu.memory_space<hbm>> -> memref<104xi32, #tpu.memory_space<hbm>>
        %dma_wait3A_296 = arith.constant 0 : i32
        %dma_wait3A_297 = tpu.memref_slice %arg4[%dma_wait3A_296] : memref<320000xi32, #tpu.memory_space<hbm>> -> memref<104xi32, #tpu.memory_space<hbm>>
        tpu.wait_dma2 semaphore(%arg29 : memref<!tpu.dma_semaphore, #tpu.memory_space<semaphore_mem>>) src(%dma_wait3A_297 : memref<104xi32, #tpu.memory_space<hbm>>) dst(%arg16 : memref<104xi32, #tpu.memory_space<vmem>>)
        %dma_start3A_298 = arith.constant 0 : i32
        %dma_start3A_299 = arith.constant 0 : i32
        %dma_start3A_300 = tpu.memref_slice %arg2[%dma_start3A_298, %dma_start3A_299] : memref<10000x128xf32, #tpu.memory_space<hbm>> -> memref<10000x128xf32, #tpu.memory_space<hbm>>
        tpu.enqueue_indirect_dma source(%dma_start3A_300 : memref<10000x128xf32, #tpu.memory_space<hbm>>) target(%arg19 : memref<104x128xf32, #tpu.memory_space<vmem>>) offsets(%arg10 : memref<104xi32, #tpu.memory_space<vmem>>) semaphore(%arg32 : memref<!tpu.dma_semaphore, #tpu.memory_space<semaphore_mem>>)
      } else {
      }
      %add3A_155 = arith.constant 4 : i32
      %add3A_156 = arith.addi %add3A_133, %add3A_155 : i32
      %lt3A_157 = arith.constant 96 : i32
      %lt3A_158 = arith.cmpi slt, %add3A_156, %lt3A_157 : i32
      %convert_element_type3A_159 = arith.extui %lt3A_158 : i1 to i32
      %cond3A_160 = arith.constant 0 : i32
      %cond3A_161 = arith.cmpi ne, %convert_element_type3A_159, %cond3A_160 : i32
      scf.if %cond3A_161 {
        %add3A_290 = arith.constant 4 : i32
        %add3A_291 = arith.addi %add3A_133, %add3A_290 : i32
        %mul3A_292 = arith.constant 104 : i32
        %mul3A_293 = arith.muli %add3A_291, %mul3A_292 : i32
        %add3A_294 = arith.addi %multiple_of3A_11, %mul3A_293 : i32
        %multiple_of3A_295 = tpu.assume_multiple %add3A_294, 8 : i32
        %dma_start3A_296 = tpu.memref_slice %arg3[%multiple_of3A_295] : memref<320000xi32, #tpu.memory_space<hbm>> -> memref<104xi32, #tpu.memory_space<hbm>>
        %dma_start3A_297 = tpu.memref_slice %arg3[%multiple_of3A_295] : memref<320000xi32, #tpu.memory_space<hbm>> -> memref<104xi32, #tpu.memory_space<hbm>>
        tpu.enqueue_dma source(%dma_start3A_297 : memref<104xi32, #tpu.memory_space<hbm>>) target(%arg12 : memref<104xi32, #tpu.memory_space<vmem>>) target_semaphore(%arg31 : memref<!tpu.dma_semaphore, #tpu.memory_space<semaphore_mem>>)
        %dma_start3A_298 = tpu.memref_slice %arg4[%multiple_of3A_295] : memref<320000xi32, #tpu.memory_space<hbm>> -> memref<104xi32, #tpu.memory_space<hbm>>
        %dma_start3A_299 = tpu.memref_slice %arg4[%multiple_of3A_295] : memref<320000xi32, #tpu.memory_space<hbm>> -> memref<104xi32, #tpu.memory_space<hbm>>
        tpu.enqueue_dma source(%dma_start3A_299 : memref<104xi32, #tpu.memory_space<hbm>>) target(%arg18 : memref<104xi32, #tpu.memory_space<vmem>>) target_semaphore(%arg31 : memref<!tpu.dma_semaphore, #tpu.memory_space<semaphore_mem>>)
      } else {
      }
      %mul3A_162 = arith.constant 6 : i32
      %mul3A_163 = arith.muli %mul3A_162, %scan3A_98 : i32
      %add3A_164 = arith.constant 2 : i32
      %add3A_165 = arith.addi %mul3A_163, %add3A_164 : i32
      %dma_wait3A_166 = arith.constant 0 : i32
      %dma_wait3A_167 = arith.constant 0 : i32
      %dma_wait3A_168 = tpu.memref_slice %arg2[%dma_wait3A_166, %dma_wait3A_167] : memref<10000x128xf32, #tpu.memory_space<hbm>> -> memref<104x128xf32, #tpu.memory_space<hbm>>
      %dma_wait3A_169 = arith.constant 0 : i32
      %dma_wait3A_170 = arith.constant 0 : i32
      %dma_wait3A_171 = tpu.memref_slice %arg2[%dma_wait3A_169, %dma_wait3A_170] : memref<10000x128xf32, #tpu.memory_space<hbm>> -> memref<104x128xf32, #tpu.memory_space<hbm>>
      tpu.wait_dma2 semaphore(%arg34 : memref<!tpu.dma_semaphore, #tpu.memory_space<semaphore_mem>>) src(%dma_wait3A_171 : memref<104x128xf32, #tpu.memory_space<hbm>>) dst(%arg21 : memref<104x128xf32, #tpu.memory_space<vmem>>)
      %dma_start3A_172 = arith.constant 0 : i32
      %dma_start3A_173 = arith.constant 0 : i32
      %dma_start3A_174 = tpu.memref_slice %arg25[%dma_start3A_172, %dma_start3A_173] : memref<10000x128xf32, #tpu.memory_space<vmem_shared>> -> memref<10000x128xf32, #tpu.memory_space<vmem_shared>>
      tpu.enqueue_indirect_dma source(%arg21 : memref<104x128xf32, #tpu.memory_space<vmem>>) target(%dma_start3A_174 : memref<10000x128xf32, #tpu.memory_space<vmem_shared>>) offsets(%arg15 : memref<104xi32, #tpu.memory_space<vmem>>) semaphore(%arg37 : memref<!tpu.dma_semaphore, #tpu.memory_space<semaphore_mem>>) {add = true}
      %ge3A_175 = arith.constant 1 : i32
      %ge3A_176 = arith.cmpi sge, %add3A_165, %ge3A_175 : i32
      %convert_element_type3A_177 = arith.extui %ge3A_176 : i1 to i32
      %cond3A_178 = arith.constant 0 : i32
      %cond3A_179 = arith.cmpi ne, %convert_element_type3A_177, %cond3A_178 : i32
      scf.if %cond3A_179 {
        %dma_wait3A_290 = arith.constant 0 : i32
        %dma_wait3A_291 = arith.constant 0 : i32
        %dma_wait3A_292 = tpu.memref_slice %arg25[%dma_wait3A_290, %dma_wait3A_291] : memref<10000x128xf32, #tpu.memory_space<vmem_shared>> -> memref<10000x128xf32, #tpu.memory_space<vmem_shared>>
        tpu.wait_indirect_dma semaphore(%arg36 : memref<!tpu.dma_semaphore, #tpu.memory_space<semaphore_mem>>) src(%arg20 : memref<104x128xf32, #tpu.memory_space<vmem>>) dst(%dma_wait3A_292 : memref<10000x128xf32, #tpu.memory_space<vmem_shared>>)
      } else {
      }
      %add3A_180 = arith.constant 2 : i32
      %add3A_181 = arith.addi %add3A_165, %add3A_180 : i32
      %lt3A_182 = arith.constant 96 : i32
      %lt3A_183 = arith.cmpi slt, %add3A_181, %lt3A_182 : i32
      %convert_element_type3A_184 = arith.extui %lt3A_183 : i1 to i32
      %cond3A_185 = arith.constant 0 : i32
      %cond3A_186 = arith.cmpi ne, %convert_element_type3A_184, %cond3A_185 : i32
      scf.if %cond3A_186 {
        %dma_wait3A_290 = arith.constant 0 : i32
        %dma_wait3A_291 = tpu.memref_slice %arg3[%dma_wait3A_290] : memref<320000xi32, #tpu.memory_space<hbm>> -> memref<104xi32, #tpu.memory_space<hbm>>
        %dma_wait3A_292 = arith.constant 0 : i32
        %dma_wait3A_293 = tpu.memref_slice %arg3[%dma_wait3A_292] : memref<320000xi32, #tpu.memory_space<hbm>> -> memref<104xi32, #tpu.memory_space<hbm>>
        tpu.wait_dma2 semaphore(%arg30 : memref<!tpu.dma_semaphore, #tpu.memory_space<semaphore_mem>>) src(%dma_wait3A_293 : memref<104xi32, #tpu.memory_space<hbm>>) dst(%arg11 : memref<104xi32, #tpu.memory_space<vmem>>)
        %dma_wait3A_294 = arith.constant 0 : i32
        %dma_wait3A_295 = tpu.memref_slice %arg4[%dma_wait3A_294] : memref<320000xi32, #tpu.memory_space<hbm>> -> memref<104xi32, #tpu.memory_space<hbm>>
        %dma_wait3A_296 = arith.constant 0 : i32
        %dma_wait3A_297 = tpu.memref_slice %arg4[%dma_wait3A_296] : memref<320000xi32, #tpu.memory_space<hbm>> -> memref<104xi32, #tpu.memory_space<hbm>>
        tpu.wait_dma2 semaphore(%arg30 : memref<!tpu.dma_semaphore, #tpu.memory_space<semaphore_mem>>) src(%dma_wait3A_297 : memref<104xi32, #tpu.memory_space<hbm>>) dst(%arg17 : memref<104xi32, #tpu.memory_space<vmem>>)
        %dma_start3A_298 = arith.constant 0 : i32
        %dma_start3A_299 = arith.constant 0 : i32
        %dma_start3A_300 = tpu.memref_slice %arg2[%dma_start3A_298, %dma_start3A_299] : memref<10000x128xf32, #tpu.memory_space<hbm>> -> memref<10000x128xf32, #tpu.memory_space<hbm>>
        tpu.enqueue_indirect_dma source(%dma_start3A_300 : memref<10000x128xf32, #tpu.memory_space<hbm>>) target(%arg20 : memref<104x128xf32, #tpu.memory_space<vmem>>) offsets(%arg11 : memref<104xi32, #tpu.memory_space<vmem>>) semaphore(%arg33 : memref<!tpu.dma_semaphore, #tpu.memory_space<semaphore_mem>>)
      } else {
      }
      %add3A_187 = arith.constant 4 : i32
      %add3A_188 = arith.addi %add3A_165, %add3A_187 : i32
      %lt3A_189 = arith.constant 96 : i32
      %lt3A_190 = arith.cmpi slt, %add3A_188, %lt3A_189 : i32
      %convert_element_type3A_191 = arith.extui %lt3A_190 : i1 to i32
      %cond3A_192 = arith.constant 0 : i32
      %cond3A_193 = arith.cmpi ne, %convert_element_type3A_191, %cond3A_192 : i32
      scf.if %cond3A_193 {
        %add3A_290 = arith.constant 4 : i32
        %add3A_291 = arith.addi %add3A_165, %add3A_290 : i32
        %mul3A_292 = arith.constant 104 : i32
        %mul3A_293 = arith.muli %add3A_291, %mul3A_292 : i32
        %add3A_294 = arith.addi %multiple_of3A_11, %mul3A_293 : i32
        %multiple_of3A_295 = tpu.assume_multiple %add3A_294, 8 : i32
        %dma_start3A_296 = tpu.memref_slice %arg3[%multiple_of3A_295] : memref<320000xi32, #tpu.memory_space<hbm>> -> memref<104xi32, #tpu.memory_space<hbm>>
        %dma_start3A_297 = tpu.memref_slice %arg3[%multiple_of3A_295] : memref<320000xi32, #tpu.memory_space<hbm>> -> memref<104xi32, #tpu.memory_space<hbm>>
        tpu.enqueue_dma source(%dma_start3A_297 : memref<104xi32, #tpu.memory_space<hbm>>) target(%arg7 : memref<104xi32, #tpu.memory_space<vmem>>) target_semaphore(%arg26 : memref<!tpu.dma_semaphore, #tpu.memory_space<semaphore_mem>>)
        %dma_start3A_298 = tpu.memref_slice %arg4[%multiple_of3A_295] : memref<320000xi32, #tpu.memory_space<hbm>> -> memref<104xi32, #tpu.memory_space<hbm>>
        %dma_start3A_299 = tpu.memref_slice %arg4[%multiple_of3A_295] : memref<320000xi32, #tpu.memory_space<hbm>> -> memref<104xi32, #tpu.memory_space<hbm>>
        tpu.enqueue_dma source(%dma_start3A_299 : memref<104xi32, #tpu.memory_space<hbm>>) target(%arg13 : memref<104xi32, #tpu.memory_space<vmem>>) target_semaphore(%arg26 : memref<!tpu.dma_semaphore, #tpu.memory_space<semaphore_mem>>)
      } else {
      }
      %mul3A_194 = arith.constant 6 : i32
      %mul3A_195 = arith.muli %mul3A_194, %scan3A_98 : i32
      %add3A_196 = arith.constant 3 : i32
      %add3A_197 = arith.addi %mul3A_195, %add3A_196 : i32
      %dma_wait3A_198 = arith.constant 0 : i32
      %dma_wait3A_199 = arith.constant 0 : i32
      %dma_wait3A_200 = tpu.memref_slice %arg2[%dma_wait3A_198, %dma_wait3A_199] : memref<10000x128xf32, #tpu.memory_space<hbm>> -> memref<104x128xf32, #tpu.memory_space<hbm>>
      %dma_wait3A_201 = arith.constant 0 : i32
      %dma_wait3A_202 = arith.constant 0 : i32
      %dma_wait3A_203 = tpu.memref_slice %arg2[%dma_wait3A_201, %dma_wait3A_202] : memref<10000x128xf32, #tpu.memory_space<hbm>> -> memref<104x128xf32, #tpu.memory_space<hbm>>
      tpu.wait_dma2 semaphore(%arg32 : memref<!tpu.dma_semaphore, #tpu.memory_space<semaphore_mem>>) src(%dma_wait3A_203 : memref<104x128xf32, #tpu.memory_space<hbm>>) dst(%arg19 : memref<104x128xf32, #tpu.memory_space<vmem>>)
      %dma_start3A_204 = arith.constant 0 : i32
      %dma_start3A_205 = arith.constant 0 : i32
      %dma_start3A_206 = tpu.memref_slice %arg25[%dma_start3A_204, %dma_start3A_205] : memref<10000x128xf32, #tpu.memory_space<vmem_shared>> -> memref<10000x128xf32, #tpu.memory_space<vmem_shared>>
      tpu.enqueue_indirect_dma source(%arg19 : memref<104x128xf32, #tpu.memory_space<vmem>>) target(%dma_start3A_206 : memref<10000x128xf32, #tpu.memory_space<vmem_shared>>) offsets(%arg16 : memref<104xi32, #tpu.memory_space<vmem>>) semaphore(%arg35 : memref<!tpu.dma_semaphore, #tpu.memory_space<semaphore_mem>>) {add = true}
      %ge3A_207 = arith.constant 1 : i32
      %ge3A_208 = arith.cmpi sge, %add3A_197, %ge3A_207 : i32
      %convert_element_type3A_209 = arith.extui %ge3A_208 : i1 to i32
      %cond3A_210 = arith.constant 0 : i32
      %cond3A_211 = arith.cmpi ne, %convert_element_type3A_209, %cond3A_210 : i32
      scf.if %cond3A_211 {
        %dma_wait3A_290 = arith.constant 0 : i32
        %dma_wait3A_291 = arith.constant 0 : i32
        %dma_wait3A_292 = tpu.memref_slice %arg25[%dma_wait3A_290, %dma_wait3A_291] : memref<10000x128xf32, #tpu.memory_space<vmem_shared>> -> memref<10000x128xf32, #tpu.memory_space<vmem_shared>>
        tpu.wait_indirect_dma semaphore(%arg37 : memref<!tpu.dma_semaphore, #tpu.memory_space<semaphore_mem>>) src(%arg21 : memref<104x128xf32, #tpu.memory_space<vmem>>) dst(%dma_wait3A_292 : memref<10000x128xf32, #tpu.memory_space<vmem_shared>>)
      } else {
      }
      %add3A_212 = arith.constant 2 : i32
      %add3A_213 = arith.addi %add3A_197, %add3A_212 : i32
      %lt3A_214 = arith.constant 96 : i32
      %lt3A_215 = arith.cmpi slt, %add3A_213, %lt3A_214 : i32
      %convert_element_type3A_216 = arith.extui %lt3A_215 : i1 to i32
      %cond3A_217 = arith.constant 0 : i32
      %cond3A_218 = arith.cmpi ne, %convert_element_type3A_216, %cond3A_217 : i32
      scf.if %cond3A_218 {
        %dma_wait3A_290 = arith.constant 0 : i32
        %dma_wait3A_291 = tpu.memref_slice %arg3[%dma_wait3A_290] : memref<320000xi32, #tpu.memory_space<hbm>> -> memref<104xi32, #tpu.memory_space<hbm>>
        %dma_wait3A_292 = arith.constant 0 : i32
        %dma_wait3A_293 = tpu.memref_slice %arg3[%dma_wait3A_292] : memref<320000xi32, #tpu.memory_space<hbm>> -> memref<104xi32, #tpu.memory_space<hbm>>
        tpu.wait_dma2 semaphore(%arg31 : memref<!tpu.dma_semaphore, #tpu.memory_space<semaphore_mem>>) src(%dma_wait3A_293 : memref<104xi32, #tpu.memory_space<hbm>>) dst(%arg12 : memref<104xi32, #tpu.memory_space<vmem>>)
        %dma_wait3A_294 = arith.constant 0 : i32
        %dma_wait3A_295 = tpu.memref_slice %arg4[%dma_wait3A_294] : memref<320000xi32, #tpu.memory_space<hbm>> -> memref<104xi32, #tpu.memory_space<hbm>>
        %dma_wait3A_296 = arith.constant 0 : i32
        %dma_wait3A_297 = tpu.memref_slice %arg4[%dma_wait3A_296] : memref<320000xi32, #tpu.memory_space<hbm>> -> memref<104xi32, #tpu.memory_space<hbm>>
        tpu.wait_dma2 semaphore(%arg31 : memref<!tpu.dma_semaphore, #tpu.memory_space<semaphore_mem>>) src(%dma_wait3A_297 : memref<104xi32, #tpu.memory_space<hbm>>) dst(%arg18 : memref<104xi32, #tpu.memory_space<vmem>>)
        %dma_start3A_298 = arith.constant 0 : i32
        %dma_start3A_299 = arith.constant 0 : i32
        %dma_start3A_300 = tpu.memref_slice %arg2[%dma_start3A_298, %dma_start3A_299] : memref<10000x128xf32, #tpu.memory_space<hbm>> -> memref<10000x128xf32, #tpu.memory_space<hbm>>
        tpu.enqueue_indirect_dma source(%dma_start3A_300 : memref<10000x128xf32, #tpu.memory_space<hbm>>) target(%arg21 : memref<104x128xf32, #tpu.memory_space<vmem>>) offsets(%arg12 : memref<104xi32, #tpu.memory_space<vmem>>) semaphore(%arg34 : memref<!tpu.dma_semaphore, #tpu.memory_space<semaphore_mem>>)
      } else {
      }
      %add3A_219 = arith.constant 4 : i32
      %add3A_220 = arith.addi %add3A_197, %add3A_219 : i32
      %lt3A_221 = arith.constant 96 : i32
      %lt3A_222 = arith.cmpi slt, %add3A_220, %lt3A_221 : i32
      %convert_element_type3A_223 = arith.extui %lt3A_222 : i1 to i32
      %cond3A_224 = arith.constant 0 : i32
      %cond3A_225 = arith.cmpi ne, %convert_element_type3A_223, %cond3A_224 : i32
      scf.if %cond3A_225 {
        %add3A_290 = arith.constant 4 : i32
        %add3A_291 = arith.addi %add3A_197, %add3A_290 : i32
        %mul3A_292 = arith.constant 104 : i32
        %mul3A_293 = arith.muli %add3A_291, %mul3A_292 : i32
        %add3A_294 = arith.addi %multiple_of3A_11, %mul3A_293 : i32
        %multiple_of3A_295 = tpu.assume_multiple %add3A_294, 8 : i32
        %dma_start3A_296 = tpu.memref_slice %arg3[%multiple_of3A_295] : memref<320000xi32, #tpu.memory_space<hbm>> -> memref<104xi32, #tpu.memory_space<hbm>>
        %dma_start3A_297 = tpu.memref_slice %arg3[%multiple_of3A_295] : memref<320000xi32, #tpu.memory_space<hbm>> -> memref<104xi32, #tpu.memory_space<hbm>>
        tpu.enqueue_dma source(%dma_start3A_297 : memref<104xi32, #tpu.memory_space<hbm>>) target(%arg8 : memref<104xi32, #tpu.memory_space<vmem>>) target_semaphore(%arg27 : memref<!tpu.dma_semaphore, #tpu.memory_space<semaphore_mem>>)
        %dma_start3A_298 = tpu.memref_slice %arg4[%multiple_of3A_295] : memref<320000xi32, #tpu.memory_space<hbm>> -> memref<104xi32, #tpu.memory_space<hbm>>
        %dma_start3A_299 = tpu.memref_slice %arg4[%multiple_of3A_295] : memref<320000xi32, #tpu.memory_space<hbm>> -> memref<104xi32, #tpu.memory_space<hbm>>
        tpu.enqueue_dma source(%dma_start3A_299 : memref<104xi32, #tpu.memory_space<hbm>>) target(%arg14 : memref<104xi32, #tpu.memory_space<vmem>>) target_semaphore(%arg27 : memref<!tpu.dma_semaphore, #tpu.memory_space<semaphore_mem>>)
      } else {
      }
      %mul3A_226 = arith.constant 6 : i32
      %mul3A_227 = arith.muli %mul3A_226, %scan3A_98 : i32
      %add3A_228 = arith.constant 4 : i32
      %add3A_229 = arith.addi %mul3A_227, %add3A_228 : i32
      %dma_wait3A_230 = arith.constant 0 : i32
      %dma_wait3A_231 = arith.constant 0 : i32
      %dma_wait3A_232 = tpu.memref_slice %arg2[%dma_wait3A_230, %dma_wait3A_231] : memref<10000x128xf32, #tpu.memory_space<hbm>> -> memref<104x128xf32, #tpu.memory_space<hbm>>
      %dma_wait3A_233 = arith.constant 0 : i32
      %dma_wait3A_234 = arith.constant 0 : i32
      %dma_wait3A_235 = tpu.memref_slice %arg2[%dma_wait3A_233, %dma_wait3A_234] : memref<10000x128xf32, #tpu.memory_space<hbm>> -> memref<104x128xf32, #tpu.memory_space<hbm>>
      tpu.wait_dma2 semaphore(%arg33 : memref<!tpu.dma_semaphore, #tpu.memory_space<semaphore_mem>>) src(%dma_wait3A_235 : memref<104x128xf32, #tpu.memory_space<hbm>>) dst(%arg20 : memref<104x128xf32, #tpu.memory_space<vmem>>)
      %dma_start3A_236 = arith.constant 0 : i32
      %dma_start3A_237 = arith.constant 0 : i32
      %dma_start3A_238 = tpu.memref_slice %arg25[%dma_start3A_236, %dma_start3A_237] : memref<10000x128xf32, #tpu.memory_space<vmem_shared>> -> memref<10000x128xf32, #tpu.memory_space<vmem_shared>>
      tpu.enqueue_indirect_dma source(%arg20 : memref<104x128xf32, #tpu.memory_space<vmem>>) target(%dma_start3A_238 : memref<10000x128xf32, #tpu.memory_space<vmem_shared>>) offsets(%arg17 : memref<104xi32, #tpu.memory_space<vmem>>) semaphore(%arg36 : memref<!tpu.dma_semaphore, #tpu.memory_space<semaphore_mem>>) {add = true}
      %ge3A_239 = arith.constant 1 : i32
      %ge3A_240 = arith.cmpi sge, %add3A_229, %ge3A_239 : i32
      %convert_element_type3A_241 = arith.extui %ge3A_240 : i1 to i32
      %cond3A_242 = arith.constant 0 : i32
      %cond3A_243 = arith.cmpi ne, %convert_element_type3A_241, %cond3A_242 : i32
      scf.if %cond3A_243 {
        %dma_wait3A_290 = arith.constant 0 : i32
        %dma_wait3A_291 = arith.constant 0 : i32
        %dma_wait3A_292 = tpu.memref_slice %arg25[%dma_wait3A_290, %dma_wait3A_291] : memref<10000x128xf32, #tpu.memory_space<vmem_shared>> -> memref<10000x128xf32, #tpu.memory_space<vmem_shared>>
        tpu.wait_indirect_dma semaphore(%arg35 : memref<!tpu.dma_semaphore, #tpu.memory_space<semaphore_mem>>) src(%arg19 : memref<104x128xf32, #tpu.memory_space<vmem>>) dst(%dma_wait3A_292 : memref<10000x128xf32, #tpu.memory_space<vmem_shared>>)
      } else {
      }
      %add3A_244 = arith.constant 2 : i32
      %add3A_245 = arith.addi %add3A_229, %add3A_244 : i32
      %lt3A_246 = arith.constant 96 : i32
      %lt3A_247 = arith.cmpi slt, %add3A_245, %lt3A_246 : i32
      %convert_element_type3A_248 = arith.extui %lt3A_247 : i1 to i32
      %cond3A_249 = arith.constant 0 : i32
      %cond3A_250 = arith.cmpi ne, %convert_element_type3A_248, %cond3A_249 : i32
      scf.if %cond3A_250 {
        %dma_wait3A_290 = arith.constant 0 : i32
        %dma_wait3A_291 = tpu.memref_slice %arg3[%dma_wait3A_290] : memref<320000xi32, #tpu.memory_space<hbm>> -> memref<104xi32, #tpu.memory_space<hbm>>
        %dma_wait3A_292 = arith.constant 0 : i32
        %dma_wait3A_293 = tpu.memref_slice %arg3[%dma_wait3A_292] : memref<320000xi32, #tpu.memory_space<hbm>> -> memref<104xi32, #tpu.memory_space<hbm>>
        tpu.wait_dma2 semaphore(%arg26 : memref<!tpu.dma_semaphore, #tpu.memory_space<semaphore_mem>>) src(%dma_wait3A_293 : memref<104xi32, #tpu.memory_space<hbm>>) dst(%arg7 : memref<104xi32, #tpu.memory_space<vmem>>)
        %dma_wait3A_294 = arith.constant 0 : i32
        %dma_wait3A_295 = tpu.memref_slice %arg4[%dma_wait3A_294] : memref<320000xi32, #tpu.memory_space<hbm>> -> memref<104xi32, #tpu.memory_space<hbm>>
        %dma_wait3A_296 = arith.constant 0 : i32
        %dma_wait3A_297 = tpu.memref_slice %arg4[%dma_wait3A_296] : memref<320000xi32, #tpu.memory_space<hbm>> -> memref<104xi32, #tpu.memory_space<hbm>>
        tpu.wait_dma2 semaphore(%arg26 : memref<!tpu.dma_semaphore, #tpu.memory_space<semaphore_mem>>) src(%dma_wait3A_297 : memref<104xi32, #tpu.memory_space<hbm>>) dst(%arg13 : memref<104xi32, #tpu.memory_space<vmem>>)
        %dma_start3A_298 = arith.constant 0 : i32
        %dma_start3A_299 = arith.constant 0 : i32
        %dma_start3A_300 = tpu.memref_slice %arg2[%dma_start3A_298, %dma_start3A_299] : memref<10000x128xf32, #tpu.memory_space<hbm>> -> memref<10000x128xf32, #tpu.memory_space<hbm>>
        tpu.enqueue_indirect_dma source(%dma_start3A_300 : memref<10000x128xf32, #tpu.memory_space<hbm>>) target(%arg19 : memref<104x128xf32, #tpu.memory_space<vmem>>) offsets(%arg7 : memref<104xi32, #tpu.memory_space<vmem>>) semaphore(%arg32 : memref<!tpu.dma_semaphore, #tpu.memory_space<semaphore_mem>>)
      } else {
      }
      %add3A_251 = arith.constant 4 : i32
      %add3A_252 = arith.addi %add3A_229, %add3A_251 : i32
      %lt3A_253 = arith.constant 96 : i32
      %lt3A_254 = arith.cmpi slt, %add3A_252, %lt3A_253 : i32
      %convert_element_type3A_255 = arith.extui %lt3A_254 : i1 to i32
      %cond3A_256 = arith.constant 0 : i32
      %cond3A_257 = arith.cmpi ne, %convert_element_type3A_255, %cond3A_256 : i32
      scf.if %cond3A_257 {
        %add3A_290 = arith.constant 4 : i32
        %add3A_291 = arith.addi %add3A_229, %add3A_290 : i32
        %mul3A_292 = arith.constant 104 : i32
        %mul3A_293 = arith.muli %add3A_291, %mul3A_292 : i32
        %add3A_294 = arith.addi %multiple_of3A_11, %mul3A_293 : i32
        %multiple_of3A_295 = tpu.assume_multiple %add3A_294, 8 : i32
        %dma_start3A_296 = tpu.memref_slice %arg3[%multiple_of3A_295] : memref<320000xi32, #tpu.memory_space<hbm>> -> memref<104xi32, #tpu.memory_space<hbm>>
        %dma_start3A_297 = tpu.memref_slice %arg3[%multiple_of3A_295] : memref<320000xi32, #tpu.memory_space<hbm>> -> memref<104xi32, #tpu.memory_space<hbm>>
        tpu.enqueue_dma source(%dma_start3A_297 : memref<104xi32, #tpu.memory_space<hbm>>) target(%arg9 : memref<104xi32, #tpu.memory_space<vmem>>) target_semaphore(%arg28 : memref<!tpu.dma_semaphore, #tpu.memory_space<semaphore_mem>>)
        %dma_start3A_298 = tpu.memref_slice %arg4[%multiple_of3A_295] : memref<320000xi32, #tpu.memory_space<hbm>> -> memref<104xi32, #tpu.memory_space<hbm>>
        %dma_start3A_299 = tpu.memref_slice %arg4[%multiple_of3A_295] : memref<320000xi32, #tpu.memory_space<hbm>> -> memref<104xi32, #tpu.memory_space<hbm>>
        tpu.enqueue_dma source(%dma_start3A_299 : memref<104xi32, #tpu.memory_space<hbm>>) target(%arg15 : memref<104xi32, #tpu.memory_space<vmem>>) target_semaphore(%arg28 : memref<!tpu.dma_semaphore, #tpu.memory_space<semaphore_mem>>)
      } else {
      }
      %mul3A_258 = arith.constant 6 : i32
      %mul3A_259 = arith.muli %mul3A_258, %scan3A_98 : i32
      %add3A_260 = arith.constant 5 : i32
      %add3A_261 = arith.addi %mul3A_259, %add3A_260 : i32
      %dma_wait3A_262 = arith.constant 0 : i32
      %dma_wait3A_263 = arith.constant 0 : i32
      %dma_wait3A_264 = tpu.memref_slice %arg2[%dma_wait3A_262, %dma_wait3A_263] : memref<10000x128xf32, #tpu.memory_space<hbm>> -> memref<104x128xf32, #tpu.memory_space<hbm>>
      %dma_wait3A_265 = arith.constant 0 : i32
      %dma_wait3A_266 = arith.constant 0 : i32
      %dma_wait3A_267 = tpu.memref_slice %arg2[%dma_wait3A_265, %dma_wait3A_266] : memref<10000x128xf32, #tpu.memory_space<hbm>> -> memref<104x128xf32, #tpu.memory_space<hbm>>
      tpu.wait_dma2 semaphore(%arg34 : memref<!tpu.dma_semaphore, #tpu.memory_space<semaphore_mem>>) src(%dma_wait3A_267 : memref<104x128xf32, #tpu.memory_space<hbm>>) dst(%arg21 : memref<104x128xf32, #tpu.memory_space<vmem>>)
      %dma_start3A_268 = arith.constant 0 : i32
      %dma_start3A_269 = arith.constant 0 : i32
      %dma_start3A_270 = tpu.memref_slice %arg25[%dma_start3A_268, %dma_start3A_269] : memref<10000x128xf32, #tpu.memory_space<vmem_shared>> -> memref<10000x128xf32, #tpu.memory_space<vmem_shared>>
      tpu.enqueue_indirect_dma source(%arg21 : memref<104x128xf32, #tpu.memory_space<vmem>>) target(%dma_start3A_270 : memref<10000x128xf32, #tpu.memory_space<vmem_shared>>) offsets(%arg18 : memref<104xi32, #tpu.memory_space<vmem>>) semaphore(%arg37 : memref<!tpu.dma_semaphore, #tpu.memory_space<semaphore_mem>>) {add = true}
      %ge3A_271 = arith.constant 1 : i32
      %ge3A_272 = arith.cmpi sge, %add3A_261, %ge3A_271 : i32
      %convert_element_type3A_273 = arith.extui %ge3A_272 : i1 to i32
      %cond3A_274 = arith.constant 0 : i32
      %cond3A_275 = arith.cmpi ne, %convert_element_type3A_273, %cond3A_274 : i32
      scf.if %cond3A_275 {
        %dma_wait3A_290 = arith.constant 0 : i32
        %dma_wait3A_291 = arith.constant 0 : i32
        %dma_wait3A_292 = tpu.memref_slice %arg25[%dma_wait3A_290, %dma_wait3A_291] : memref<10000x128xf32, #tpu.memory_space<vmem_shared>> -> memref<10000x128xf32, #tpu.memory_space<vmem_shared>>
        tpu.wait_indirect_dma semaphore(%arg36 : memref<!tpu.dma_semaphore, #tpu.memory_space<semaphore_mem>>) src(%arg20 : memref<104x128xf32, #tpu.memory_space<vmem>>) dst(%dma_wait3A_292 : memref<10000x128xf32, #tpu.memory_space<vmem_shared>>)
      } else {
      }
      %add3A_276 = arith.constant 2 : i32
      %add3A_277 = arith.addi %add3A_261, %add3A_276 : i32
      %lt3A_278 = arith.constant 96 : i32
      %lt3A_279 = arith.cmpi slt, %add3A_277, %lt3A_278 : i32
      %convert_element_type3A_280 = arith.extui %lt3A_279 : i1 to i32
      %cond3A_281 = arith.constant 0 : i32
      %cond3A_282 = arith.cmpi ne, %convert_element_type3A_280, %cond3A_281 : i32
      scf.if %cond3A_282 {
        %dma_wait3A_290 = arith.constant 0 : i32
        %dma_wait3A_291 = tpu.memref_slice %arg3[%dma_wait3A_290] : memref<320000xi32, #tpu.memory_space<hbm>> -> memref<104xi32, #tpu.memory_space<hbm>>
        %dma_wait3A_292 = arith.constant 0 : i32
        %dma_wait3A_293 = tpu.memref_slice %arg3[%dma_wait3A_292] : memref<320000xi32, #tpu.memory_space<hbm>> -> memref<104xi32, #tpu.memory_space<hbm>>
        tpu.wait_dma2 semaphore(%arg27 : memref<!tpu.dma_semaphore, #tpu.memory_space<semaphore_mem>>) src(%dma_wait3A_293 : memref<104xi32, #tpu.memory_space<hbm>>) dst(%arg8 : memref<104xi32, #tpu.memory_space<vmem>>)
        %dma_wait3A_294 = arith.constant 0 : i32
        %dma_wait3A_295 = tpu.memref_slice %arg4[%dma_wait3A_294] : memref<320000xi32, #tpu.memory_space<hbm>> -> memref<104xi32, #tpu.memory_space<hbm>>
        %dma_wait3A_296 = arith.constant 0 : i32
        %dma_wait3A_297 = tpu.memref_slice %arg4[%dma_wait3A_296] : memref<320000xi32, #tpu.memory_space<hbm>> -> memref<104xi32, #tpu.memory_space<hbm>>
        tpu.wait_dma2 semaphore(%arg27 : memref<!tpu.dma_semaphore, #tpu.memory_space<semaphore_mem>>) src(%dma_wait3A_297 : memref<104xi32, #tpu.memory_space<hbm>>) dst(%arg14 : memref<104xi32, #tpu.memory_space<vmem>>)
        %dma_start3A_298 = arith.constant 0 : i32
        %dma_start3A_299 = arith.constant 0 : i32
        %dma_start3A_300 = tpu.memref_slice %arg2[%dma_start3A_298, %dma_start3A_299] : memref<10000x128xf32, #tpu.memory_space<hbm>> -> memref<10000x128xf32, #tpu.memory_space<hbm>>
        tpu.enqueue_indirect_dma source(%dma_start3A_300 : memref<10000x128xf32, #tpu.memory_space<hbm>>) target(%arg20 : memref<104x128xf32, #tpu.memory_space<vmem>>) offsets(%arg8 : memref<104xi32, #tpu.memory_space<vmem>>) semaphore(%arg33 : memref<!tpu.dma_semaphore, #tpu.memory_space<semaphore_mem>>)
      } else {
      }
      %add3A_283 = arith.constant 4 : i32
      %add3A_284 = arith.addi %add3A_261, %add3A_283 : i32
      %lt3A_285 = arith.constant 96 : i32
      %lt3A_286 = arith.cmpi slt, %add3A_284, %lt3A_285 : i32
      %convert_element_type3A_287 = arith.extui %lt3A_286 : i1 to i32
      %cond3A_288 = arith.constant 0 : i32
      %cond3A_289 = arith.cmpi ne, %convert_element_type3A_287, %cond3A_288 : i32
      scf.if %cond3A_289 {
        %add3A_290 = arith.constant 4 : i32
        %add3A_291 = arith.addi %add3A_261, %add3A_290 : i32
        %mul3A_292 = arith.constant 104 : i32
        %mul3A_293 = arith.muli %add3A_291, %mul3A_292 : i32
        %add3A_294 = arith.addi %multiple_of3A_11, %mul3A_293 : i32
        %multiple_of3A_295 = tpu.assume_multiple %add3A_294, 8 : i32
        %dma_start3A_296 = tpu.memref_slice %arg3[%multiple_of3A_295] : memref<320000xi32, #tpu.memory_space<hbm>> -> memref<104xi32, #tpu.memory_space<hbm>>
        %dma_start3A_297 = tpu.memref_slice %arg3[%multiple_of3A_295] : memref<320000xi32, #tpu.memory_space<hbm>> -> memref<104xi32, #tpu.memory_space<hbm>>
        tpu.enqueue_dma source(%dma_start3A_297 : memref<104xi32, #tpu.memory_space<hbm>>) target(%arg10 : memref<104xi32, #tpu.memory_space<vmem>>) target_semaphore(%arg29 : memref<!tpu.dma_semaphore, #tpu.memory_space<semaphore_mem>>)
        %dma_start3A_298 = tpu.memref_slice %arg4[%multiple_of3A_295] : memref<320000xi32, #tpu.memory_space<hbm>> -> memref<104xi32, #tpu.memory_space<hbm>>
        %dma_start3A_299 = tpu.memref_slice %arg4[%multiple_of3A_295] : memref<320000xi32, #tpu.memory_space<hbm>> -> memref<104xi32, #tpu.memory_space<hbm>>
        tpu.enqueue_dma source(%dma_start3A_299 : memref<104xi32, #tpu.memory_space<hbm>>) target(%arg16 : memref<104xi32, #tpu.memory_space<vmem>>) target_semaphore(%arg29 : memref<!tpu.dma_semaphore, #tpu.memory_space<semaphore_mem>>)
      } else {
      }
    }
    %scan3A_74 = arith.constant 16 : i32
    %dma_wait3A_75 = arith.constant 0 : i32
    %dma_wait3A_76 = arith.constant 0 : i32
    %dma_wait3A_77 = tpu.memref_slice %arg25[%dma_wait3A_75, %dma_wait3A_76] : memref<10000x128xf32, #tpu.memory_space<vmem_shared>> -> memref<10000x128xf32, #tpu.memory_space<vmem_shared>>
    tpu.wait_indirect_dma semaphore(%arg37 : memref<!tpu.dma_semaphore, #tpu.memory_space<semaphore_mem>>) src(%arg21 : memref<104x128xf32, #tpu.memory_space<vmem>>) dst(%dma_wait3A_77 : memref<10000x128xf32, #tpu.memory_space<vmem_shared>>)
    %add3A_78 = arith.constant 9984 : i32
    %add3A_79 = arith.addi %multiple_of3A_11, %add3A_78 : i32
    %multiple_of3A_80 = tpu.assume_multiple %add3A_79, 8 : i32
    "tpu.region"() ({
      %run_scoped3A = tpu.sem_alloc : memref<!tpu.dma_semaphore, #tpu.memory_space<semaphore_mem>>
      %dma_start3A_98 = tpu.memref_slice %arg3[%multiple_of3A_80] : memref<320000xi32, #tpu.memory_space<hbm>> -> memref<16xi32, #tpu.memory_space<hbm>>
      %dma_start3A_99 = tpu.memref_slice %arg3[%multiple_of3A_80] : memref<320000xi32, #tpu.memory_space<hbm>> -> memref<16xi32, #tpu.memory_space<hbm>>
      tpu.enqueue_dma source(%dma_start3A_99 : memref<16xi32, #tpu.memory_space<hbm>>) target(%arg22 : memref<16xi32, #tpu.memory_space<vmem>>) target_semaphore(%run_scoped3A : memref<!tpu.dma_semaphore, #tpu.memory_space<semaphore_mem>>)
      %dma_wait3A_100 = tpu.memref_slice %arg3[%multiple_of3A_80] : memref<320000xi32, #tpu.memory_space<hbm>> -> memref<16xi32, #tpu.memory_space<hbm>>
      %dma_wait3A_101 = tpu.memref_slice %arg3[%multiple_of3A_80] : memref<320000xi32, #tpu.memory_space<hbm>> -> memref<16xi32, #tpu.memory_space<hbm>>
      tpu.wait_dma2 semaphore(%run_scoped3A : memref<!tpu.dma_semaphore, #tpu.memory_space<semaphore_mem>>) src(%dma_wait3A_101 : memref<16xi32, #tpu.memory_space<hbm>>) dst(%arg22 : memref<16xi32, #tpu.memory_space<vmem>>)
      tpu.yield
    }) : () -> ()
    "tpu.region"() ({
      %run_scoped3A = tpu.sem_alloc : memref<!tpu.dma_semaphore, #tpu.memory_space<semaphore_mem>>
      %dma_start3A_98 = tpu.memref_slice %arg4[%multiple_of3A_80] : memref<320000xi32, #tpu.memory_space<hbm>> -> memref<16xi32, #tpu.memory_space<hbm>>
      %dma_start3A_99 = tpu.memref_slice %arg4[%multiple_of3A_80] : memref<320000xi32, #tpu.memory_space<hbm>> -> memref<16xi32, #tpu.memory_space<hbm>>
      tpu.enqueue_dma source(%dma_start3A_99 : memref<16xi32, #tpu.memory_space<hbm>>) target(%arg23 : memref<16xi32, #tpu.memory_space<vmem>>) target_semaphore(%run_scoped3A : memref<!tpu.dma_semaphore, #tpu.memory_space<semaphore_mem>>)
      %dma_wait3A_100 = tpu.memref_slice %arg4[%multiple_of3A_80] : memref<320000xi32, #tpu.memory_space<hbm>> -> memref<16xi32, #tpu.memory_space<hbm>>
      %dma_wait3A_101 = tpu.memref_slice %arg4[%multiple_of3A_80] : memref<320000xi32, #tpu.memory_space<hbm>> -> memref<16xi32, #tpu.memory_space<hbm>>
      tpu.wait_dma2 semaphore(%run_scoped3A : memref<!tpu.dma_semaphore, #tpu.memory_space<semaphore_mem>>) src(%dma_wait3A_101 : memref<16xi32, #tpu.memory_space<hbm>>) dst(%arg23 : memref<16xi32, #tpu.memory_space<vmem>>)
      tpu.yield
    }) : () -> ()
    %dma_start3A_81 = arith.constant 0 : i32
    %dma_start3A_82 = arith.constant 0 : i32
    %dma_start3A_83 = tpu.memref_slice %arg2[%dma_start3A_81, %dma_start3A_82] : memref<10000x128xf32, #tpu.memory_space<hbm>> -> memref<10000x128xf32, #tpu.memory_space<hbm>>
    tpu.enqueue_indirect_dma source(%dma_start3A_83 : memref<10000x128xf32, #tpu.memory_space<hbm>>) target(%arg24 : memref<16x128xf32, #tpu.memory_space<vmem>>) offsets(%arg22 : memref<16xi32, #tpu.memory_space<vmem>>) semaphore(%arg26 : memref<!tpu.dma_semaphore, #tpu.memory_space<semaphore_mem>>)
    %dma_wait3A_84 = arith.constant 0 : i32
    %dma_wait3A_85 = arith.constant 0 : i32
    %dma_wait3A_86 = tpu.memref_slice %arg2[%dma_wait3A_84, %dma_wait3A_85] : memref<10000x128xf32, #tpu.memory_space<hbm>> -> memref<10000x128xf32, #tpu.memory_space<hbm>>
    tpu.wait_indirect_dma semaphore(%arg26 : memref<!tpu.dma_semaphore, #tpu.memory_space<semaphore_mem>>) src(%dma_wait3A_86 : memref<10000x128xf32, #tpu.memory_space<hbm>>) dst(%arg24 : memref<16x128xf32, #tpu.memory_space<vmem>>)
    "tpu.region"() ({
      %run_scoped3A = tpu.sem_alloc : memref<!tpu.dma_semaphore, #tpu.memory_space<semaphore_mem>>
      %dma_start3A_98 = arith.constant 0 : i32
      %dma_start3A_99 = arith.constant 0 : i32
      %dma_start3A_100 = tpu.memref_slice %arg25[%dma_start3A_98, %dma_start3A_99] : memref<10000x128xf32, #tpu.memory_space<vmem_shared>> -> memref<10000x128xf32, #tpu.memory_space<vmem_shared>>
      tpu.enqueue_indirect_dma source(%arg24 : memref<16x128xf32, #tpu.memory_space<vmem>>) target(%dma_start3A_100 : memref<10000x128xf32, #tpu.memory_space<vmem_shared>>) offsets(%arg23 : memref<16xi32, #tpu.memory_space<vmem>>) semaphore(%run_scoped3A : memref<!tpu.dma_semaphore, #tpu.memory_space<semaphore_mem>>) {add = true}
      %dma_wait3A_101 = arith.constant 0 : i32
      %dma_wait3A_102 = arith.constant 0 : i32
      %dma_wait3A_103 = tpu.memref_slice %arg25[%dma_wait3A_101, %dma_wait3A_102] : memref<10000x128xf32, #tpu.memory_space<vmem_shared>> -> memref<10000x128xf32, #tpu.memory_space<vmem_shared>>
      tpu.wait_indirect_dma semaphore(%run_scoped3A : memref<!tpu.dma_semaphore, #tpu.memory_space<semaphore_mem>>) src(%arg24 : memref<16x128xf32, #tpu.memory_space<vmem>>) dst(%dma_wait3A_103 : memref<10000x128xf32, #tpu.memory_space<vmem_shared>>)
      tpu.yield
    }) : () -> ()
    %barrier3A_87 = arith.constant 0 : index
    tpu.barrier barrier_id(%barrier3A_87)
    %lt3A_88 = arith.constant 15 : i32
    %lt3A_89 = arith.cmpi slt, %arg1, %lt3A_88 : i32
    %convert_element_type3A_90 = arith.extui %lt3A_89 : i1 to i32
    %cond3A_91 = arith.constant 0 : i32
    %cond3A_92 = arith.cmpi ne, %convert_element_type3A_90, %cond3A_91 : i32
    scf.if %cond3A_92 {
      "tpu.region"() ({
        %run_scoped3A = tpu.sem_alloc : memref<!tpu.dma_semaphore, #tpu.memory_space<semaphore_mem>>
        %dma_start3A_98 = arith.constant 0 : i32
        %dma_start3A_99 = tpu.memref_slice %arg6[%arg0, %multiple_of3A, %dma_start3A_98] : memref<2x10000x128xf32, #tpu.memory_space<hbm>> -> memref<1x632x128xf32, #tpu.memory_space<hbm>>
        %dma_start3A_100 = tpu.memref_squeeze %dma_start3A_99 : memref<1x632x128xf32, #tpu.memory_space<hbm>> -> memref<632x128xf32, #tpu.memory_space<hbm>>
        %dma_start3A_101 = arith.constant 0 : i32
        %dma_start3A_102 = tpu.memref_slice %arg25[%multiple_of3A, %dma_start3A_101] : memref<10000x128xf32, #tpu.memory_space<vmem_shared>> -> memref<632x128xf32, #tpu.memory_space<vmem_shared>>
        tpu.enqueue_dma source(%dma_start3A_102 : memref<632x128xf32, #tpu.memory_space<vmem_shared>>) target(%dma_start3A_100 : memref<632x128xf32, #tpu.memory_space<hbm>>) target_semaphore(%run_scoped3A : memref<!tpu.dma_semaphore, #tpu.memory_space<semaphore_mem>>)
        %dma_wait3A_103 = arith.constant 0 : i32
        %dma_wait3A_104 = tpu.memref_slice %arg6[%arg0, %multiple_of3A, %dma_wait3A_103] : memref<2x10000x128xf32, #tpu.memory_space<hbm>> -> memref<1x632x128xf32, #tpu.memory_space<hbm>>
        %dma_wait3A_105 = tpu.memref_squeeze %dma_wait3A_104 : memref<1x632x128xf32, #tpu.memory_space<hbm>> -> memref<632x128xf32, #tpu.memory_space<hbm>>
        %dma_wait3A_106 = arith.constant 0 : i32
        %dma_wait3A_107 = tpu.memref_slice %arg25[%multiple_of3A, %dma_wait3A_106] : memref<10000x128xf32, #tpu.memory_space<vmem_shared>> -> memref<632x128xf32, #tpu.memory_space<vmem_shared>>
        tpu.wait_dma2 semaphore(%run_scoped3A : memref<!tpu.dma_semaphore, #tpu.memory_space<semaphore_mem>>) src(%dma_wait3A_107 : memref<632x128xf32, #tpu.memory_space<vmem_shared>>) dst(%dma_wait3A_105 : memref<632x128xf32, #tpu.memory_space<hbm>>)
        tpu.yield
      }) : () -> ()
    } else {
    }
    %eq3A_93 = arith.constant 15 : i32
    %eq3A_94 = arith.cmpi eq, %arg1, %eq3A_93 : i32
    %convert_element_type3A_95 = arith.extui %eq3A_94 : i1 to i32
    %cond3A_96 = arith.constant 0 : i32
    %cond3A_97 = arith.cmpi ne, %convert_element_type3A_95, %cond3A_96 : i32
    scf.if %cond3A_97 {
      "tpu.region"() ({
        %run_scoped3A = tpu.sem_alloc : memref<!tpu.dma_semaphore, #tpu.memory_space<semaphore_mem>>
        %dma_start3A_98 = arith.constant 0 : i32
        %dma_start3A_99 = tpu.memref_slice %arg6[%arg0, %multiple_of3A, %dma_start3A_98] : memref<2x10000x128xf32, #tpu.memory_space<hbm>> -> memref<1x520x128xf32, #tpu.memory_space<hbm>>
        %dma_start3A_100 = tpu.memref_squeeze %dma_start3A_99 : memref<1x520x128xf32, #tpu.memory_space<hbm>> -> memref<520x128xf32, #tpu.memory_space<hbm>>
        %dma_start3A_101 = arith.constant 0 : i32
        %dma_start3A_102 = tpu.memref_slice %arg25[%multiple_of3A, %dma_start3A_101] : memref<10000x128xf32, #tpu.memory_space<vmem_shared>> -> memref<520x128xf32, #tpu.memory_space<vmem_shared>>
        tpu.enqueue_dma source(%dma_start3A_102 : memref<520x128xf32, #tpu.memory_space<vmem_shared>>) target(%dma_start3A_100 : memref<520x128xf32, #tpu.memory_space<hbm>>) target_semaphore(%run_scoped3A : memref<!tpu.dma_semaphore, #tpu.memory_space<semaphore_mem>>)
        %dma_wait3A_103 = arith.constant 0 : i32
        %dma_wait3A_104 = tpu.memref_slice %arg6[%arg0, %multiple_of3A, %dma_wait3A_103] : memref<2x10000x128xf32, #tpu.memory_space<hbm>> -> memref<1x520x128xf32, #tpu.memory_space<hbm>>
        %dma_wait3A_105 = tpu.memref_squeeze %dma_wait3A_104 : memref<1x520x128xf32, #tpu.memory_space<hbm>> -> memref<520x128xf32, #tpu.memory_space<hbm>>
        %dma_wait3A_106 = arith.constant 0 : i32
        %dma_wait3A_107 = tpu.memref_slice %arg25[%multiple_of3A, %dma_wait3A_106] : memref<10000x128xf32, #tpu.memory_space<vmem_shared>> -> memref<520x128xf32, #tpu.memory_space<vmem_shared>>
        tpu.wait_dma2 semaphore(%run_scoped3A : memref<!tpu.dma_semaphore, #tpu.memory_space<semaphore_mem>>) src(%dma_wait3A_107 : memref<520x128xf32, #tpu.memory_space<vmem_shared>>) dst(%dma_wait3A_105 : memref<520x128xf32, #tpu.memory_space<hbm>>)
        tpu.yield
      }) : () -> ()
    } else {
    }
    return
  }
}

module attributes {stable_mosaic.version = 14 : i64} {
  func.func @_self_body(%arg0: memref<10000x128xf32, #tpu.memory_space<vmem>>, %arg1: memref<128x128xf32, #tpu.memory_space<vmem>>, %arg2: memref<1x128xf32, #tpu.memory_space<vmem>>, %arg3: memref<10000x128xf32, #tpu.memory_space<vmem>>) attributes {dimension_semantics = [], scalar_prefetch = 0 : i64, scratch_operands = 0 : i64, tpu.core_type = #tpu.core_type<tc>} {
    %get3A = arith.constant 0 : index
    %get3A_0 = arith.constant 0 : index
    %get3A_1 = vector.load %arg0[%get3A, %get3A_0] : memref<10000x128xf32, #tpu.memory_space<vmem>>, vector<10000x128xf32>
    %get3A_2 = arith.constant 0 : index
    %get3A_3 = arith.constant 0 : index
    %get3A_4 = vector.load %arg1[%get3A_2, %get3A_3] : memref<128x128xf32, #tpu.memory_space<vmem>>, vector<128x128xf32>
    %convert_element_type3A = arith.truncf %get3A_1 : vector<10000x128xf32> to vector<10000x128xbf16>
    %convert_element_type3A_5 = arith.truncf %get3A_4 : vector<128x128xf32> to vector<128x128xbf16>
    %dot_general3A = arith.constant dense<0.000000e+00> : vector<10000x128xf32>
    %dot_general3A_6 = tpu.matmul %convert_element_type3A, %convert_element_type3A_5, %dot_general3A {dimension_numbers = #tpu.dot_dimension_numbers<[1], [0], [0], [1], [0, 0, 1, 1], [], []>, transpose_lhs_hint = false} : vector<10000x128xbf16>, vector<128x128xbf16>, vector<10000x128xf32> -> vector<10000x128xf32>
    %get3A_7 = arith.constant 0 : index
    %get3A_8 = arith.constant 0 : index
    %get3A_9 = vector.load %arg2[%get3A_7, %get3A_8] : memref<1x128xf32, #tpu.memory_space<vmem>>, vector<1x128xf32>
    %add3A = vector.broadcast %get3A_9 : vector<1x128xf32> to vector<10000x128xf32>
    %add3A_10 = arith.addf %dot_general3A_6, %add3A : vector<10000x128xf32>
    %swap3A = arith.constant 0 : index
    %swap3A_11 = arith.constant 0 : index
    %swap3A_12 = vector.load %arg3[%swap3A, %swap3A_11] : memref<10000x128xf32, #tpu.memory_space<vmem>>, vector<10000x128xf32>
    tpu.vector_store %arg3[%swap3A, %swap3A_11], %add3A_10 {strides = array<i32>} : memref<10000x128xf32, #tpu.memory_space<vmem>>, vector<10000x128xf32>,
    return
  }
}

module attributes {stable_mosaic.version = 14 : i64} {
  func.func @_combine_body(%arg0: memref<10000x128xf32, #tpu.memory_space<vmem>>, %arg1: memref<2x10000x128xf32, #tpu.memory_space<vmem>>, %arg2: memref<128x128xf32, #tpu.memory_space<vmem>>, %arg3: memref<1x128xf32, #tpu.memory_space<vmem>>, %arg4: memref<1x128xf32, #tpu.memory_space<vmem>>, %arg5: memref<10000x128xf32, #tpu.memory_space<vmem>>) attributes {dimension_semantics = [], scalar_prefetch = 0 : i64, scratch_operands = 0 : i64, tpu.core_type = #tpu.core_type<tc>} {
    %get3A = arith.constant 0 : index
    %get3A_0 = arith.constant 0 : index
    %get3A_1 = arith.constant 0 : index
    %get3A_2 = vector.load %arg1[%get3A, %get3A_0, %get3A_1] : memref<2x10000x128xf32, #tpu.memory_space<vmem>>, vector<1x10000x128xf32>
    %get3A_3 = vector.shape_cast %get3A_2 : vector<1x10000x128xf32> to vector<10000x128xf32>
    %get3A_4 = arith.constant 1 : index
    %get3A_5 = arith.constant 0 : index
    %get3A_6 = arith.constant 0 : index
    %get3A_7 = vector.load %arg1[%get3A_4, %get3A_5, %get3A_6] : memref<2x10000x128xf32, #tpu.memory_space<vmem>>, vector<1x10000x128xf32>
    %get3A_8 = vector.shape_cast %get3A_7 : vector<1x10000x128xf32> to vector<10000x128xf32>
    %add3A = arith.addf %get3A_3, %get3A_8 : vector<10000x128xf32>
    %get3A_9 = arith.constant 0 : index
    %get3A_10 = arith.constant 0 : index
    %get3A_11 = vector.load %arg0[%get3A_9, %get3A_10] : memref<10000x128xf32, #tpu.memory_space<vmem>>, vector<10000x128xf32>
    %get3A_12 = arith.constant 0 : index
    %get3A_13 = arith.constant 0 : index
    %get3A_14 = vector.load %arg2[%get3A_12, %get3A_13] : memref<128x128xf32, #tpu.memory_space<vmem>>, vector<128x128xf32>
    %convert_element_type3A = arith.truncf %add3A : vector<10000x128xf32> to vector<10000x128xbf16>
    %convert_element_type3A_15 = arith.truncf %get3A_14 : vector<128x128xf32> to vector<128x128xbf16>
    %dot_general3A = arith.constant dense<0.000000e+00> : vector<10000x128xf32>
    %dot_general3A_16 = tpu.matmul %convert_element_type3A, %convert_element_type3A_15, %dot_general3A {dimension_numbers = #tpu.dot_dimension_numbers<[1], [0], [0], [1], [0, 0, 1, 1], [], []>, transpose_lhs_hint = false} : vector<10000x128xbf16>, vector<128x128xbf16>, vector<10000x128xf32> -> vector<10000x128xf32>
    %add3A_17 = arith.addf %get3A_11, %dot_general3A_16 : vector<10000x128xf32>
    %get3A_18 = arith.constant 0 : index
    %get3A_19 = arith.constant 0 : index
    %get3A_20 = vector.load %arg3[%get3A_18, %get3A_19] : memref<1x128xf32, #tpu.memory_space<vmem>>, vector<1x128xf32>
    %get3A_21 = arith.constant 0 : index
    %get3A_22 = arith.constant 0 : index
    %get3A_23 = vector.load %arg4[%get3A_21, %get3A_22] : memref<1x128xf32, #tpu.memory_space<vmem>>, vector<1x128xf32>
    %reduce_sum3A = arith.constant dense<0.000000e+00> : vector<128xf32>
    %reduce_sum3A_24 = vector.multi_reduction <add>, %add3A_17, %reduce_sum3A [0] : vector<10000x128xf32> to vector<128xf32>
    %broadcast_in_dim3A = vector.shape_cast %reduce_sum3A_24 : vector<128xf32> to vector<1x128xf32>
    %div3A = arith.constant 1.000000e+04 : f32
    %div3A_25 = vector.broadcast %div3A : f32 to vector<1x128xf32>
    %div3A_26 = arith.divf %broadcast_in_dim3A, %div3A_25 : vector<1x128xf32>
    %sub3A = vector.broadcast %div3A_26 : vector<1x128xf32> to vector<10000x128xf32>
    %sub3A_27 = arith.subf %add3A_17, %sub3A : vector<10000x128xf32>
    %mul3A = arith.mulf %sub3A_27, %sub3A_27 : vector<10000x128xf32>
    %reduce_sum3A_28 = arith.constant dense<0.000000e+00> : vector<128xf32>
    %reduce_sum3A_29 = vector.multi_reduction <add>, %mul3A, %reduce_sum3A_28 [0] : vector<10000x128xf32> to vector<128xf32>
    %broadcast_in_dim3A_30 = vector.shape_cast %reduce_sum3A_29 : vector<128xf32> to vector<1x128xf32>
    %div3A_31 = arith.constant 1.000000e+04 : f32
    %div3A_32 = vector.broadcast %div3A_31 : f32 to vector<1x128xf32>
    %div3A_33 = arith.divf %broadcast_in_dim3A_30, %div3A_32 : vector<1x128xf32>
    %mul3A_34 = vector.broadcast %get3A_20 : vector<1x128xf32> to vector<10000x128xf32>
    %mul3A_35 = arith.mulf %mul3A_34, %sub3A_27 : vector<10000x128xf32>
    %add3A_36 = arith.constant 9.99999974E-6 : f32
    %add3A_37 = vector.broadcast %add3A_36 : f32 to vector<1x128xf32>
    %add3A_38 = arith.addf %div3A_33, %add3A_37 : vector<1x128xf32>
    %rsqrt3A = math.rsqrt %add3A_38 : vector<1x128xf32>
    %mul3A_39 = vector.broadcast %rsqrt3A : vector<1x128xf32> to vector<10000x128xf32>
    %mul3A_40 = arith.mulf %mul3A_35, %mul3A_39 : vector<10000x128xf32>
    %add3A_41 = vector.broadcast %get3A_23 : vector<1x128xf32> to vector<10000x128xf32>
    %add3A_42 = arith.addf %mul3A_40, %add3A_41 : vector<10000x128xf32>
    %max3A = arith.constant 0.000000e+00 : f32
    %max3A_43 = vector.broadcast %max3A : f32 to vector<10000x128xf32>
    %max3A_44 = arith.maximumf %add3A_42, %max3A_43 : vector<10000x128xf32>
    %swap3A = arith.constant 0 : index
    %swap3A_45 = arith.constant 0 : index
    %swap3A_46 = vector.load %arg5[%swap3A, %swap3A_45] : memref<10000x128xf32, #tpu.memory_space<vmem>>, vector<10000x128xf32>
    tpu.vector_store %arg5[%swap3A, %swap3A_45], %max3A_44 {strides = array<i32>} : memref<10000x128xf32, #tpu.memory_space<vmem>>, vector<10000x128xf32>,
    return
  }
}

module attributes {stable_mosaic.version = 14 : i64} {
  func.func @_head_body(%arg0: memref<10000x128xf32, #tpu.memory_space<vmem>>, %arg1: memref<2x10000x128xf32, #tpu.memory_space<vmem>>, %arg2: memref<128x128xf32, #tpu.memory_space<vmem>>, %arg3: memref<1x128xf32, #tpu.memory_space<vmem>>, %arg4: memref<1x128xf32, #tpu.memory_space<vmem>>, %arg5: memref<128x128xf32, #tpu.memory_space<vmem>>, %arg6: memref<1x128xf32, #tpu.memory_space<vmem>>, %arg7: memref<10000x128xf32, #tpu.memory_space<vmem>>) attributes {dimension_semantics = [], scalar_prefetch = 0 : i64, scratch_operands = 0 : i64, tpu.core_type = #tpu.core_type<tc>} {
    %get3A = arith.constant 0 : index
    %get3A_0 = arith.constant 0 : index
    %get3A_1 = arith.constant 0 : index
    %get3A_2 = vector.load %arg1[%get3A, %get3A_0, %get3A_1] : memref<2x10000x128xf32, #tpu.memory_space<vmem>>, vector<1x10000x128xf32>
    %get3A_3 = vector.shape_cast %get3A_2 : vector<1x10000x128xf32> to vector<10000x128xf32>
    %get3A_4 = arith.constant 1 : index
    %get3A_5 = arith.constant 0 : index
    %get3A_6 = arith.constant 0 : index
    %get3A_7 = vector.load %arg1[%get3A_4, %get3A_5, %get3A_6] : memref<2x10000x128xf32, #tpu.memory_space<vmem>>, vector<1x10000x128xf32>
    %get3A_8 = vector.shape_cast %get3A_7 : vector<1x10000x128xf32> to vector<10000x128xf32>
    %add3A = arith.addf %get3A_3, %get3A_8 : vector<10000x128xf32>
    %get3A_9 = arith.constant 0 : index
    %get3A_10 = arith.constant 0 : index
    %get3A_11 = vector.load %arg0[%get3A_9, %get3A_10] : memref<10000x128xf32, #tpu.memory_space<vmem>>, vector<10000x128xf32>
    %get3A_12 = arith.constant 0 : index
    %get3A_13 = arith.constant 0 : index
    %get3A_14 = vector.load %arg2[%get3A_12, %get3A_13] : memref<128x128xf32, #tpu.memory_space<vmem>>, vector<128x128xf32>
    %convert_element_type3A = arith.truncf %add3A : vector<10000x128xf32> to vector<10000x128xbf16>
    %convert_element_type3A_15 = arith.truncf %get3A_14 : vector<128x128xf32> to vector<128x128xbf16>
    %dot_general3A = arith.constant dense<0.000000e+00> : vector<10000x128xf32>
    %dot_general3A_16 = tpu.matmul %convert_element_type3A, %convert_element_type3A_15, %dot_general3A {dimension_numbers = #tpu.dot_dimension_numbers<[1], [0], [0], [1], [0, 0, 1, 1], [], []>, transpose_lhs_hint = false} : vector<10000x128xbf16>, vector<128x128xbf16>, vector<10000x128xf32> -> vector<10000x128xf32>
    %add3A_17 = arith.addf %get3A_11, %dot_general3A_16 : vector<10000x128xf32>
    %get3A_18 = arith.constant 0 : index
    %get3A_19 = arith.constant 0 : index
    %get3A_20 = vector.load %arg3[%get3A_18, %get3A_19] : memref<1x128xf32, #tpu.memory_space<vmem>>, vector<1x128xf32>
    %get3A_21 = arith.constant 0 : index
    %get3A_22 = arith.constant 0 : index
    %get3A_23 = vector.load %arg4[%get3A_21, %get3A_22] : memref<1x128xf32, #tpu.memory_space<vmem>>, vector<1x128xf32>
    %reduce_sum3A = arith.constant dense<0.000000e+00> : vector<128xf32>
    %reduce_sum3A_24 = vector.multi_reduction <add>, %add3A_17, %reduce_sum3A [0] : vector<10000x128xf32> to vector<128xf32>
    %broadcast_in_dim3A = vector.shape_cast %reduce_sum3A_24 : vector<128xf32> to vector<1x128xf32>
    %div3A = arith.constant 1.000000e+04 : f32
    %div3A_25 = vector.broadcast %div3A : f32 to vector<1x128xf32>
    %div3A_26 = arith.divf %broadcast_in_dim3A, %div3A_25 : vector<1x128xf32>
    %sub3A = vector.broadcast %div3A_26 : vector<1x128xf32> to vector<10000x128xf32>
    %sub3A_27 = arith.subf %add3A_17, %sub3A : vector<10000x128xf32>
    %mul3A = arith.mulf %sub3A_27, %sub3A_27 : vector<10000x128xf32>
    %reduce_sum3A_28 = arith.constant dense<0.000000e+00> : vector<128xf32>
    %reduce_sum3A_29 = vector.multi_reduction <add>, %mul3A, %reduce_sum3A_28 [0] : vector<10000x128xf32> to vector<128xf32>
    %broadcast_in_dim3A_30 = vector.shape_cast %reduce_sum3A_29 : vector<128xf32> to vector<1x128xf32>
    %div3A_31 = arith.constant 1.000000e+04 : f32
    %div3A_32 = vector.broadcast %div3A_31 : f32 to vector<1x128xf32>
    %div3A_33 = arith.divf %broadcast_in_dim3A_30, %div3A_32 : vector<1x128xf32>
    %mul3A_34 = vector.broadcast %get3A_20 : vector<1x128xf32> to vector<10000x128xf32>
    %mul3A_35 = arith.mulf %mul3A_34, %sub3A_27 : vector<10000x128xf32>
    %add3A_36 = arith.constant 9.99999974E-6 : f32
    %add3A_37 = vector.broadcast %add3A_36 : f32 to vector<1x128xf32>
    %add3A_38 = arith.addf %div3A_33, %add3A_37 : vector<1x128xf32>
    %rsqrt3A = math.rsqrt %add3A_38 : vector<1x128xf32>
    %mul3A_39 = vector.broadcast %rsqrt3A : vector<1x128xf32> to vector<10000x128xf32>
    %mul3A_40 = arith.mulf %mul3A_35, %mul3A_39 : vector<10000x128xf32>
    %add3A_41 = vector.broadcast %get3A_23 : vector<1x128xf32> to vector<10000x128xf32>
    %add3A_42 = arith.addf %mul3A_40, %add3A_41 : vector<10000x128xf32>
    %max3A = arith.constant 0.000000e+00 : f32
    %max3A_43 = vector.broadcast %max3A : f32 to vector<10000x128xf32>
    %max3A_44 = arith.maximumf %add3A_42, %max3A_43 : vector<10000x128xf32>
    %get3A_45 = arith.constant 0 : index
    %get3A_46 = arith.constant 0 : index
    %get3A_47 = vector.load %arg5[%get3A_45, %get3A_46] : memref<128x128xf32, #tpu.memory_space<vmem>>, vector<128x128xf32>
    %convert_element_type3A_48 = arith.truncf %max3A_44 : vector<10000x128xf32> to vector<10000x128xbf16>
    %convert_element_type3A_49 = arith.truncf %get3A_47 : vector<128x128xf32> to vector<128x128xbf16>
    %dot_general3A_50 = arith.constant dense<0.000000e+00> : vector<10000x128xf32>
    %dot_general3A_51 = tpu.matmul %convert_element_type3A_48, %convert_element_type3A_49, %dot_general3A_50 {dimension_numbers = #tpu.dot_dimension_numbers<[1], [0], [0], [1], [0, 0, 1, 1], [], []>, transpose_lhs_hint = false} : vector<10000x128xbf16>, vector<128x128xbf16>, vector<10000x128xf32> -> vector<10000x128xf32>
    %get3A_52 = arith.constant 0 : index
    %get3A_53 = arith.constant 0 : index
    %get3A_54 = vector.load %arg6[%get3A_52, %get3A_53] : memref<1x128xf32, #tpu.memory_space<vmem>>, vector<1x128xf32>
    %add3A_55 = vector.broadcast %get3A_54 : vector<1x128xf32> to vector<10000x128xf32>
    %add3A_56 = arith.addf %dot_general3A_51, %add3A_55 : vector<10000x128xf32>
    %swap3A = arith.constant 0 : index
    %swap3A_57 = arith.constant 0 : index
    %swap3A_58 = vector.load %arg7[%swap3A, %swap3A_57] : memref<10000x128xf32, #tpu.memory_space<vmem>>, vector<10000x128xf32>
    tpu.vector_store %arg7[%swap3A, %swap3A_57], %add3A_56 {strides = array<i32>} : memref<10000x128xf32, #tpu.memory_space<vmem>>, vector<10000x128xf32>,
    return
  }
}

</mosaic_0001>

<sc_bundles>
// kernel: kernel.11.cloned.1.call-start
scs
__scs_entry_jumppad:
0x0: {  	(pc) =	sbr.rel $0x88, $3  }
0x1: {  	(tag) =	ssettag $0x0;
	lr =	simm.s32 $0x1  }
0x2: {  	[smem:$0x3F8E] =	sst lr;
	_ =	strace $0xD0000000  }
0x3: {  	_ = 	snop  }
0x4: {  	_ = 	snop  }
0x5: {  	_ = 	snop  }
0x6: {  	_ = 	snop  }
0x7: {  	_ = 	snop  }
__scs_overlays_trampoline_lowered:
0x8: {  	[smem:$0x3F9D] =	sst s0  }
0x9: {  	[smem:$0x3F9E] =	sst s1  }
0xa: {  	[smem:$0x3F9F] =	sst s2  }
0xb: {  	[smem:$0x3FA0] =	sst s3  }
0xc: {  	[smem:$0x3FA1] =	sst s4  }
0xd: {  	[smem:$0x3FA2] =	sst s5  }
0xe: {  	[smem:$0x3FA3] =	sst s6  }
0xf: {  	[smem:$0x3FA4] =	sst s7  }
0x10: {  	[smem:$0x3FA5] =	sst s8  }
0x11: {  	[smem:$0x3FA6] =	sst s9;
	s0 =	simm.s32 @!p0 $0x0  }
0x12: {  	s1 =	sld [smem:$0x3F8C];
	s0 =	simm.s32 @p0 $0x1  }
0x13: {  	[smem:$0x3FA7] =	sst s0;
	s0 =	simm.s32 @!p1 $0x0  }
0x14: {  	s2 =	sld [smem:$0x3F8B];
	s0 =	simm.s32 @p1 $0x1  }
0x15: {  	[smem:$0x3FA8] =	sst s0;
	s0 =	simm.s32 @!p2 $0x0  }
0x16: {  	s3 =	sld [smem:$0x3FDB];
	s0 =	simm.s32 @p2 $0x1  }
0x17: {  	s4 =	simm.s32 $0x1BF5;
	[smem:$0x3FAA] =	sst s0  }
0x18: {  	s0 =	sld [smem:$0x3F8D];
	_ =	swait.ge [sflag:s4], $0x0  }
0x19: {  	s7 =	sld [smem:$0x3F8E]  }
0x1a: {  	s8 =	sadd.s32 $0xFFFFE003, lr  }
0x1b: {  	s9 =	sadd.s32 $0xFFFFFEF7, lr;
	s5 =	simm.s32 $0xFFFFFFFF;
	p2 =	slt.u32 s8, $0xFFFFF086  }
0x1c: {  	p1 =	slt.u32 s9, $0xF7A;
	s5 =	simm.s32 @!p2 $0x0  }
0x1d: {  	s5 =	simm.s32 @p1 $0x1;
	p0 =	seq.s32 s7, s2  }
0x1e: {  	s7 =	smul.u32 @!p0 $0xF7A, s2;
	p2 =	seq.s32 @!p0 s5, $0x0  }
0x1f: {  	s9 =	smul.u32 $0xF7A, s1;
	s8 =	simm.s32 @!p0 $0x1BF5;
	p2 =	por !p2, p0  }
0x20: {  	[sflag:s8] =	ssyncset.s32 @!p0 $0xFFFFF086;
	s6 =	sadd.s32 @!p0 s3, s7;
	s7 =	simm.s32 @!p0 $0x108  }
0x21: {  	s3 =	sadd.s32 s3, s9;
	s6 =	sadd.s32 @!p0 $0x88, s6;
	s7 =	simm.s32 @p2 $0x1082  }
0x22: {  	[simem:s7], [sflag:s8] =	dma.local @!p0 [hbm:s6], $0xF7A  }
0x23: {  	s9 =	sor.u32 $0xD0000000, s2;
	s6 =	simm.s32 $0x108;
	_ =	swait.ge @!p0 [sflag:s8], $0x0  }
0x24: {  	s3 =	sadd.s32 $0x88, s3;
	s6 =	simm.s32 @!p1 $0x1082;
	[sflag:s4] =	ssyncset.s32 $0xFFFFF086  }
0x25: {  	[simem:s6], [sflag:s4] =	dma.local [hbm:s3], $0xF7A  }
0x26: {  	[smem:$0x3F8E] =	sst s1;
	(tag) =	ssettag s2;
	_ =	strace s9  }
0x27: {  	s1 =	sld [smem:$0x3F9E]  }
0x28: {  	s2 =	sld [smem:$0x3F9F]  }
0x29: {  	s4 =	sld [smem:$0x3FA1]  }
0x2a: {  	p0 =	seq.s32 s5, $0x0;
	s5 =	sld [smem:$0x3FA2]  }
0x2b: {  	s6 =	sld [smem:$0x3FA3]  }
0x2c: {  	s7 =	sld [smem:$0x3FA4]  }
0x2d: {  	s3 =	simm.s32 $0x108;
	s8 =	sld [smem:$0x3FA5]  }
0x2e: {  	s3 =	simm.s32 @!p0 $0x1082;
	s9 =	sld [smem:$0x3FA6]  }
0x2f: {  	lr =	sadd.s32 s0, s3;
	s0 =	sld [smem:$0x3F9D]  }
0x30: {  	s3 =	sld [smem:$0x3FA0]  }
0x31: {  	[smem:$0x3FA9] =	sst s10  }
0x32: {  	s10 =	sld [smem:$0x3FA7];
	_ =	sdelay $0x3  }
0x33: {  	p0 =	seq.s32 s10, $0x1;
	s10 =	sld [smem:$0x3FA9];
	_ =	sdelay $0x3  }
0x34: {  	[smem:$0x3FA9] =	sst s10  }
0x35: {  	s10 =	sld [smem:$0x3FA8];
	_ =	sdelay $0x3  }
0x36: {  	p1 =	seq.s32 s10, $0x1;
	s10 =	sld [smem:$0x3FA9];
	_ =	sdelay $0x3  }
0x37: {  	[smem:$0x3FA9] =	sst s10  }
0x38: {  	s10 =	sld [smem:$0x3FAA]  }
0x39: {  	_ = 	snop;
	(pc) =	sbr.ind lr, $3  }
0x3a: {  	_ = 	snop  }
0x3b: {  	_ = 	snop  }
0x3c: {  	p2 =	seq.s32 s10, $0x1;
	s10 =	sld [smem:$0x3FA9]  }
0x3d: {  	_ =	shalt  }
0x3e: {  	_ =	shalt  }
0x3f: {  	_ =	shalt  }
0x40: {  	_ =	shalt  }
0x41: {  	_ =	shalt  }
0x42: {  	_ =	shalt  }
0x43: {  	_ =	shalt  }
0x44: {  	_ =	shalt  }
0x45: {  	_ =	shalt  }
0x46: {  	_ =	shalt  }
0x47: {  	_ =	shalt  }
0x48: {  	_ =	shalt  }
0x49: {  	_ =	shalt  }
0x4a: {  	_ =	shalt  }
0x4b: {  	_ =	shalt  }
0x4c: {  	_ =	shalt  }
0x4d: {  	_ =	shalt  }
0x4e: {  	_ =	shalt  }
0x4f: {  	_ =	shalt  }
0x50: {  	_ =	shalt  }
0x51: {  	_ =	shalt  }
0x52: {  	_ =	shalt  }
0x53: {  	_ =	shalt  }
0x54: {  	_ =	shalt  }
0x55: {  	_ =	shalt  }
0x56: {  	_ =	shalt  }
0x57: {  	_ =	shalt  }
0x58: {  	_ =	shalt  }
0x59: {  	_ =	shalt  }
0x5a: {  	_ =	shalt  }
0x5b: {  	_ =	shalt  }
0x5c: {  	_ =	shalt  }
0x5d: {  	_ =	shalt  }
0x5e: {  	_ =	shalt  }
0x5f: {  	_ =	shalt  }
0x60: {  	_ =	shalt  }
0x61: {  	_ =	shalt  }
0x62: {  	_ =	shalt  }
0x63: {  	_ =	shalt  }
0x64: {  	_ =	shalt  }
0x65: {  	_ =	shalt  }
0x66: {  	_ =	shalt  }
0x67: {  	_ =	shalt  }
0x68: {  	_ =	shalt  }
0x69: {  	_ =	shalt  }
0x6a: {  	_ =	shalt  }
0x6b: {  	_ =	shalt  }
0x6c: {  	_ =	shalt  }
0x6d: {  	_ =	shalt  }
0x6e: {  	_ =	shalt  }
0x6f: {  	_ =	shalt  }
0x70: {  	_ =	shalt  }
0x71: {  	_ =	shalt  }
0x72: {  	_ =	shalt  }
0x73: {  	_ =	shalt  }
0x74: {  	_ =	shalt  }
0x75: {  	_ =	shalt  }
0x76: {  	_ =	shalt  }
0x77: {  	_ =	shalt  }
0x78: {  	_ =	shalt  }
0x79: {  	_ =	shalt  }
0x7a: {  	_ =	shalt  }
0x7b: {  	_ =	shalt  }
0x7c: {  	_ =	shalt  }
0x7d: {  	_ =	shalt  }
0x7e: {  	_ =	shalt  }
0x7f: {  	_ =	shalt  }
0x80: {  	_ =	shalt  }
0x81: {  	_ =	shalt  }
0x82: {  	_ =	shalt  }
0x83: {  	_ =	shalt  }
0x84: {  	_ =	shalt  }
0x85: {  	_ =	shalt  }
0x86: {  	_ =	shalt  }
0x87: {  	_ =	shalt  }
.Lfunc_end0:
.L_simem_size_0:
called_computation_lowered:
.L_overlay_start_0:
0x88: {  	s2 =	sld [smem:$0x3FD9]  }
0x89: {  	s3 =	sld [smem:$0x3FFE];
	_ =	sdelay $0x1  }
0x8a: {  	s1 =	srdreg.scid  }
0x8b: {  	s0 =	sand.u32 $0x1, s1  }
0x8c: {  	s17 =	sshll.u32 s0, $0xA;
	s2 =	sadd.s32 s3, s2  }
0x8d: {  	s2 =	sadd.s32 s2, s17  }
0x8e: {  	[smem:$0x3FB5] =	sst s2  }
0x8f: {  	_ = 	snop  }
0x90: {  	s2 =	sld [smem:$0x3FC9]  }
0x91: {  	s18 =	sld [smem:$0x3FD0];
	(tm) =	ssettm $0x1  }
0x92: {  	s4 =	sld [smem:$0x3FFB];
	_ =	sdelay $0x3  }
0x93: {  	_ =	strace s4  }
0x94: {  	s4 =	sld [smem:$0x3FFC];
	_ =	sdelay $0x3  }
0x95: {  	_ =	strace s4  }
0x96: {  	s4 =	sld [smem:$0x3FFD];
	_ =	sdelay $0x3  }
0x97: {  	_ =	strace s4  }
0x98: {  	_ =	strace $0x8FFFFFFF  }
0x99: {  	s19 =	sld [smem:$0x3FDB];
	_ =	sdelay $0x1  }
0x9a: {  	s5 =	simm.s32 $_scs_section_size  }
0x9b: {  	s6 =	simm.s32 $_size__tile_overlayer_lowered;
	s7 =	simm.s32 $_tile_overlayer_lowered  }
0x9c: {  	s22 =	simm.s32 $0x1BFF;
	s21 =	sshll.u32 s7, $0x1;
	s4 =	sadd.s32 s5, s19  }
0x9d: {  	s8 =	simm.s32 $0x0;
	s20 =	sshll.u32 s6, $0x1;
	s6 =	sadd.s32 s21, s4  }
0x9e: {  	[timem:s8], [sflag:s22] =	dma.local [hbm:s6], s20  }
0x9f: {  	_ =	swait.ge [sflag:s22], s20  }
0xa0: {  	s5 =	ssub.s32 $0x0, s20;
	[sflag:s22] =	ssyncset.done $0x0  }
0xa1: {  	[sflag:s22] =	ssyncadd.s32 s5;
	_ =	sdelay $0x1  }
0xa2: {  	s23 =	simm.s32 $0x1B8B  }
0xa3: {  	_ =	swait.ge [sflag:s23], $0x1  }
0xa4: {  	[sflag:s23] =	ssyncset.done $0x0  }
0xa5: {  	s25 =	simm.s32 $0x1B8E;
	s24 =	sld [smem:$0x3FFE];
	[sflag:s23] =	ssyncadd.s32 $0xFFFFFFFF  }
0xa6: {  	s26 =	simm.s32 $execute0_lowered;
	[smem:$0x3FD2] =	sst s25  }
0xa7: {  	s6 =	sshll.u32 s26, $0x1;
	_ =	strace $0x80000046;
	[dreg:$0x1] =	wrdreg $0xFFFFFFFF  }
0xa8: {  	s28 =	simm.s32 $_size_execute0_lowered;
	s4 =	sadd.s32 s4, s6;
	[dreg:$0x0] =	wrdreg $0x0  }
0xa9: {  	s6 =	sshll.u32 s28, $0x1;
	[dreg:$0x2] =	wrdreg s4  }
0xaa: {  	[dreg:$0x3] =	wrdreg s6  }
0xab: {  	[dreg:$0x4] =	wrdreg $0xC0  }
0xac: {  	_ =	task [dreg:s8], $0x5FFFF  }
0xad: {  	[dreg:$0x1] =	wrdreg $0xFFFFFFFF  }
0xae: {  	[dreg:$0x0] =	wrdreg $0x60  }
0xaf: {  	[dreg:$0x2] =	wrdreg s2  }
0xb0: {  	[dreg:$0x3] =	wrdreg s24  }
0xb1: {  	[dreg:$0x4] =	wrdreg s18  }
0xb2: {  	[dreg:$0x5] =	wrdreg $0xAB000  }
0xb3: {  	[dreg:$0x6] =	wrdreg $0x9  }
0xb4: {  	_ =	task.clear_ibuf [dreg:s8], $0x7FFFF;
	_ =	strace $0x90000046  }
0xb5: {  	s29 =	simm.s32 $0x9;
	_ =	strace $0x80000048  }
0xb6: {  	_ =	swait.ge [sflag:s29], $0x1  }
0xb7: {  	[sflag:s29] =	ssyncadd.s32 $0xFFFFFFFF  }
0xb8: {  	_ =	strace $0x90000048  }
0xb9: {  	_ =	sfence  }
0xba: {  	s30 =	sld [smem:$0x0];
	_ =	sdelay $0x2  }
0xbb: {  	s31 =	sshll.u32 s1, $0xD;
	s1 =	sshrl.u32 s1, $0x2  }
0xbc: {  	s3 =	sand.u32 $0x4000, s31;
	s1 =	sadd.s32 s1, s30  }
0xbd: {  	s0 =	sor.u32 s3, s0;
	s1 =	sshll.u32 s1, $0x11  }
0xbe: {  	s0 =	sor.u32 s1, s0  }
0xbf: {  	s0 =	sadd.s32 $0x8F2B, s0  }
0xc0: {  	[sflag:s0] =	ssyncadd.remote.s32 $0x1  }
0xc1: {  	_ =	sfence.sel $0xFFFF  }
0xc2: {  	[dreg:$0x0] =	wrdreg $0xFFFFFFFF;
	(pc) =	sbr.abs _section_cstart, $3  }
0xc3: {  	[dreg:$0x1] =	wrdreg $0xFFFFFFFF  }
0xc4: {  	_ =	task.clear_ibuf [dreg:s8], $0x2FFFF;
	_ =	strace $0x9FFFFFFF  }
0xc5: {  	(tm) =	ssettm $0x7FFFFFFF  }
tec
execute0_lowered:
.L_overlay_start_1:
0x0: {  	(tag) =	ssettag $0x1  }
0x1: {  	s1 =	rddreg [dreg:$0x0]  }
0x2: {  	s0 =	rddreg [dreg:$0x1]  }
0x3: {  	s4 =	rddreg [dreg:$0x2]  }
0x4: {  	s2 =	rddreg [dreg:$0x3]  }
0x5: {  	s3 =	simm.s32 $0x0;
	s5 =	srdreg.scid;
	s11 =	stileid.u32  }
0x6: {  	s28 =	simm.s32 $0x1;
	s30 =	simm.s32 $0x6E00;
	[smem:$0x7FF] =	sst s3  }
0x7: {  	s12 =	sadd.s32 $0xDA00, s0;
	s5 =	sand.u32 $0x1, s5;
	s6 =	smul.u32 $0x4F000, s11  }
0x8: {  	s13 =	sadd.s32 $0x3C00, s0;
	s9 =	smul.u32 $0x2780, s11;
	s0 =	sadd.s32 $0x17800, s0  }
0x9: {  	s22 =	smul.u32 $0x13C00, s11;
	p0 =	seq.s32 s11, $0xF;
	_ =	strace $0x80000047  }
0xa: {  	s7 =	sshll.u32 s5, $0x4;
	s8 =	ssub.s32 $0x2, s5;
	s20 =	smul.u32 $0x138800, s5  }
0xb: {  	s24 =	smul.u32 $0x27100, s5;
	s7 =	sor.u32 s11, s7;
	s10 =	sshrl.u32 s8, $0x1  }
0xc: {  	s6 =	sshrl.u32 s6, $0x2;
	s29 =	sadd.s32 s4, s9;
	s4 =	sadd.s32 $0x25080, s4  }
0xd: {  	s9 =	simm.s32 $0x8;
	s7 =	smul.u32 $0x2710, s7;
	[dreg:$0x6] =	wrdreg s29  }
0xe: {  	s8 =	ssub.s32 s8, s10;
	s6 =	sadd.s32 s6, s2;
	[dreg:$0x7] =	wrdreg s4  }
0xf: {  	s29 =	smul.u32 $0x2710, s11;
	s10 =	sshrl.u32 s20, $0x3;
	s31 =	sshrl.u32 s7, $0x3  }
0x10: {  	[dreg:$0x5] =	wrdreg s6;
	s14 =	sadd.s32 $0x68, s7;
	s15 =	sadd.s32 s12, s31  }
0x11: {  	s16 =	sshrl.u32 s14, $0x3;
	s17 =	sadd.s32 s13, s31;
	[dreg:$0x8] =	wrdreg s15  }
0x12: {  	s7 =	sadd.s32 $0x138, s7;
	[dreg:$0x9] =	wrdreg s17;
	s18 =	sadd.s32 s12, s16  }
0x13: {  	s19 =	sadd.s32 $0x1A, s31;
	s4 =	sadd.s32 s13, s16;
	[dreg:$0xa] =	wrdreg s18  }
0x14: {  	s7 =	sshrl.u32 s7, $0x3;
	s21 =	sadd.s32 s12, s19;
	[dreg:$0xb] =	wrdreg s4  }
0x15: {  	s11 =	simm.s32 $0x4;
	s23 =	sadd.s32 s12, s7;
	[dreg:$0xc] =	wrdreg s21  }
0x16: {  	s26 =	sadd.s32 $0x4E0, s31;
	s25 =	sadd.s32 s13, s7;
	[dreg:$0xe] =	wrdreg s23  }
0x17: {  	s31 =	sadd.s32 s12, s26;
	s5 =	sadd.s32 s13, s26;
	[dreg:$0xf] =	wrdreg s25  }
0x18: {  	s7 =	sadd.s32 s22, s20;
	s15 =	smax.u32 s8, $0x1;
	[dreg:$0x10] =	wrdreg s31  }
0x19: {  	s8 =	simm.s32 $0x200;
	s4 =	sadd.s32 s13, s19;
	[dreg:$0x11] =	wrdreg s5  }
0x1a: {  	s5 =	sshrl.u32 s7, $0x3;
	[dreg:$0x14] =	wrdreg s15;
	s7 =	smov.u32 s13  }
0x1b: {  	s31 =	sadd.s32 $0x128400, s2;
	s15 =	simm.s32 $0x480;
	[dreg:$0xd] =	wrdreg s4  }
0x1c: {  	s4 =	sadd.s32 s29, s24;
	s5 =	sadd.s32 s0, s5;
	[smem:$0x7FD] =	sst s31  }
0x1d: {  	s0 =	sadd.s32 s0, s10;
	s10 =	simm.s32 $0xA;
	[dreg:$0x12] =	wrdreg s5  }
0x1e: {  	s14 =	sadd.s32 $0x3A8, s4;
	s0 =	sadd.s32 $0x25080, s0;
	s17 =	sadd.s32 $0x340, s4  }
0x1f: {  	s6 =	sadd.s32 $0x2D8, s4;
	s23 =	sadd.s32 $0x208, s4;
	s24 =	sadd.s32 $0x1A0, s4  }
0x20: {  	s4 =	sadd.s32 $0x270, s4;
	[dreg:$0x13] =	wrdreg s0;
	s16 =	sshrl.u32 s14, $0x3  }
0x21: {  	s18 =	sshrl.u32 s17, $0x3;
	s19 =	sshrl.u32 s6, $0x3;
	[dreg:$0x1b] =	wrdreg s4  }
0x22: {  	s4 =	smov.u32 s12;
	s14 =	simm.s32 $0x180;
	s5 =	sadd.s32 s16, s13  }
0x23: {  	s17 =	simm.s32 $0x68;
	s0 =	sadd.s32 s16, s12;
	[dreg:$0x15] =	wrdreg s5  }
0x24: {  	s6 =	simm.s32 $0x5;
	s20 =	sadd.s32 s18, s13;
	[dreg:$0x16] =	wrdreg s0  }
0x25: {  	s21 =	sadd.s32 s19, s13;
	s22 =	sadd.s32 s19, s12;
	[dreg:$0x17] =	wrdreg s20  }
0x26: {  	s19 =	simm.s32 $0x2;
	s16 =	simm.s32 $0x9;
	[dreg:$0x19] =	wrdreg s21  }
0x27: {  	s0 =	sadd.s32 s18, s12;
	[dreg:$0x1a] =	wrdreg s22;
	s5 =	sshrl.u32 s24, $0x3  }
0x28: {  	s18 =	simm.s32 $0x600;
	s20 =	simm.s32 $0x3A00;
	s21 =	simm.s32 $0x7  }
0x29: {  	s22 =	simm.s32 $0x3;
	s24 =	simm.s32 $0x6;
	[dreg:$0x18] =	wrdreg s0  }
.Ltmp0:
0x2a: {  	s0 =	sshrl.u32 s23, $0x3;
	s26 =	sadd.s32 s5, s13;
	(pc) =	sbr.rel .LBB2_1-.Ltmp0, $4  }
0x2b: {  	s29 =	sadd.s32 s5, s12;
	s5 =	simm.s32 $0xB;
	[dreg:$0x1e] =	wrdreg s26  }
0x2c: {  	s23 =	simm.s32 $0xC;
	s25 =	sadd.s32 s0, s13;
	[dreg:$0x1f] =	wrdreg s29  }
0x2d: {  	s0 =	sadd.s32 s0, s12;
	s12 =	simm.s32 $0x280;
	[dreg:$0x1c] =	wrdreg s25  }
0x2e: {  	s13 =	simm.s32 $0x580;
	s26 =	simm.s32 $0x0;
	[dreg:$0x1d] =	wrdreg s0  }
.LBB2_4:
0x2f: {  	_ =	swait.ge [sflag:s23], $0x3400  }
0x30: {  	s25 =	simm.s32 $0xA200;
	[sflag:s23] =	ssyncset.done $0x0  }
0x31: {  	s26 =	simm.s32 $0xD;
	s0 =	rddreg [dreg:$0x10];
	[sflag:s23] =	ssyncadd.s32 $0xFFFFCC00  }
0x32: {  	[tilespmem:s25], [sflag:$0xD] =	stream.linear.gather [hbm4b:s0+s3], $0x10, $0x38;
	[tilespmem:$0x1E380] =	vst v63  }
0x33: {  	_ =	swait.ge [sflag:s26], $0x10  }
0x34: {  	[sflag:s26] =	ssyncset.done $0x0  }
0x35: {  	s29 =	simm.s32 $0xA280;
	s31 =	rddreg [dreg:$0x11];
	[sflag:s26] =	ssyncadd.s32 $0xFFFFFFF0  }
0x36: {  	[tilespmem:s29], [sflag:$0xD] =	stream.linear.gather [hbm4b:s31+s3], $0x10, $0x38;
	[tilespmem:$0x1E380] =	vst v63  }
0x37: {  	_ =	swait.ge [sflag:s26], $0x10  }
0x38: {  	s28 =	simm.s32 $0x1;
	[sflag:s26] =	ssyncset.done $0x0  }
0x39: {  	s0 =	simm.s32 $0x10;
	s31 =	simm.s32 $0xA300;
	[sflag:s26] =	ssyncadd.s32 $0xFFFFFFF0  }
0x3a: {  	[tilespmem:s31], [sflag:$0x1] =	stream.indirect.gather [hbm4b:s1+s0], $0x80, s25, s0, $0xb8;
	[tilespmem:$0x1E380] =	vst v63  }
0x3b: {  	_ =	swait.ge [sflag:s28], $0x800  }
0x3c: {  	[sflag:s28] =	ssyncset.done $0x0  }
0x3d: {  	[sflag:s28] =	ssyncadd.s32 $0xFFFFF800  }
0x3e: {  	[spmem:s2] =	stream.indirect.scatter.add.f32 [tilespmem:s31], [sflag:$0xD], $0x80, s29, s0, $0xb8;
	[tilespmem:$0x1E380] =	vst v63  }
0x3f: {  	_ =	swait.ge [sflag:s26], $0x800  }
0x40: {  	[sflag:s26] =	ssyncset.done $0x0  }
0x41: {  	[sflag:s26] =	ssyncadd.s32 $0xFFFFF800  }
0x42: {  	[bflag:$0x0] =	sbarrier.arrive $0xFFFF  }
0x43: {  	s26 =	sld [smem:$0x7FA];
	_ =	sdelay $0x1  }
0x44: {  	s0 =	simm.s32 @p0 $0x1FCD;
	s25 =	rddreg [dreg:$0x13]  }
0x45: {  	[hbm:s25], [sflag:s0] =	dma.local @p0 [spmem:s26], $0x2080  }
0x46: {  	s0 =	simm.s32 @p0 $0xD  }
0x47: {  	_ =	swait.ge @p0 [sflag:s0], $0x2080  }
0x48: {  	[sflag:s0] =	ssyncset.done @p0 $0x0  }
0x49: {  	[sflag:s0] =	ssyncadd.s32 @p0 $0xFFFFDF80;
	s0 =	sld [smem:$0x7FB]  }
0x4a: {  	s26 =	sld [smem:$0x7FC];
	_ =	sdelay $0x1  }
0x4b: {  	s25 =	rddreg [dreg:$0x12];
	s0 =	sor.u32 @!p0 $0x1C0D, s0  }
0x4c: {  	[hbm:s25], [sflag:s0] =	dma.local @!p0 [spmem:s26], $0x2780  }
0x4d: {  	s0 =	simm.s32 @!p0 $0xD  }
0x4e: {  	_ =	swait.ge @!p0 [sflag:s0], $0x2780  }
0x4f: {  	s29 =	sld [smem:$0x7F9];
	_ =	sdelay $0x2  }
0x50: {  	s31 =	rddreg [dreg:$0x14];
	s26 =	sadd.s32 $0x1, s29  }
0x51: {  	p1 =	sne.s32 s26, s31  }
.Ltmp1:
0x52: {  	_ = 	snop;
	(pc) =	sbr.rel @!p1 .LBB2_5-.Ltmp1, $3  }
0x53: {  	_ =	sdelay $0x1  }
0x54: {  	[sflag:s0] =	ssyncset.done @!p0 $0x0  }
0x55: {  	[sflag:s0] =	ssyncadd.s32 @!p0 $0xFFFFD880  }
.LBB2_1:
0x56: {  	s0 =	sld [smem:$0x7FD];
	_ =	sdelay $0x1  }
0x57: {  	[smem:$0x7F9] =	sst s26  }
0x58: {  	s26 =	sshrl.u32 @p0 s0, $0x3;
	s0 =	rddreg [dreg:$0x7]  }
0x59: {  	s25 =	simm.s32 @p0 $0x1FCA;
	[smem:$0x7FA] =	sst s26  }
0x5a: {  	[spmem:s26], [sflag:s25] =	dma.local @p0 [hbm:s0], $0x2080  }
0x5b: {  	s0 =	stileid.u32  }
0x5c: {  	s0 =	sshll.u32 @!p0 s0, $0x6  }
0x5d: {  	[smem:$0x7FB] =	sst s0  }
0x5e: {  	s25 =	sor.u32 @!p0 $0x1C0A, s0;
	s0 =	rddreg [dreg:$0x5]  }
0x5f: {  	s26 =	sshrl.u32 @!p0 s0, $0x3;
	s0 =	rddreg [dreg:$0x6]  }
0x60: {  	[smem:$0x7FC] =	sst s26  }
0x61: {  	[spmem:s26], [sflag:s25] =	dma.local @!p0 [hbm:s0], $0x2780  }
0x62: {  	s0 =	rddreg [dreg:$0x8]  }
0x63: {  	[tilespmem:s3], [sflag:$0x1] =	stream.linear.gather [hbm4b:s0+s3], $0x68, $0x38;
	[tilespmem:$0x1E380] =	vst v63  }
0x64: {  	s31 =	simm.s32 $0x300;
	s29 =	rddreg [dreg:$0x9]  }
0x65: {  	[tilespmem:s31], [sflag:$0x1] =	stream.linear.gather [hbm4b:s29+s3], $0x68, $0x38;
	[tilespmem:$0x1E380] =	vst v63  }
0x66: {  	s25 =	simm.s32 $0x80;
	s26 =	rddreg [dreg:$0xa]  }
0x67: {  	[tilespmem:s25], [sflag:$0x2] =	stream.linear.gather [hbm4b:s26+s3], $0x68, $0x38;
	[tilespmem:$0x1E380] =	vst v63  }
0x68: {  	s29 =	rddreg [dreg:$0xb];
	s31 =	simm.s32 $0x380  }
0x69: {  	[tilespmem:s31], [sflag:$0x2] =	stream.linear.gather [hbm4b:s29+s3], $0x68, $0x38;
	[tilespmem:$0x1E380] =	vst v63  }
0x6a: {  	s29 =	rddreg [dreg:$0xc];
	s31 =	simm.s32 $0x100  }
0x6b: {  	[tilespmem:s31], [sflag:$0x3] =	stream.linear.gather [hbm4b:s29+s3], $0x68, $0x38;
	[tilespmem:$0x1E380] =	vst v63  }
0x6c: {  	s29 =	rddreg [dreg:$0xd];
	s31 =	simm.s32 $0x400  }
0x6d: {  	[tilespmem:s31], [sflag:$0x3] =	stream.linear.gather [hbm4b:s29+s3], $0x68, $0x38;
	[tilespmem:$0x1E380] =	vst v63  }
0x6e: {  	s29 =	rddreg [dreg:$0xe]  }
0x6f: {  	[tilespmem:s14], [sflag:$0x4] =	stream.linear.gather [hbm4b:s29+s3], $0x68, $0x38;
	[tilespmem:$0x1E380] =	vst v63  }
0x70: {  	s31 =	rddreg [dreg:$0xf]  }
0x71: {  	[tilespmem:s15], [sflag:$0x4] =	stream.linear.gather [hbm4b:s31+s3], $0x68, $0x38;
	[tilespmem:$0x1E380] =	vst v63  }
0x72: {  	_ =	swait.ge [sflag:s28], $0x68  }
0x73: {  	[sflag:s28] =	ssyncset.done $0x0  }
0x74: {  	[sflag:s28] =	ssyncadd.s32 $0xFFFFFF98  }
0x75: {  	_ =	swait.ge [sflag:s28], $0x68  }
0x76: {  	[sflag:s28] =	ssyncset.done $0x0  }
0x77: {  	[sflag:s28] =	ssyncadd.s32 $0xFFFFFF98  }
0x78: {  	[tilespmem:s18], [sflag:$0x7] =	stream.indirect.gather [hbm4b:s1+s17], $0x80, s3, s17, $0xb8;
	[tilespmem:$0x1E380] =	vst v63  }
0x79: {  	_ =	swait.ge [sflag:s19], $0x68  }
0x7a: {  	[sflag:s19] =	ssyncset.done $0x0  }
0x7b: {  	[sflag:s19] =	ssyncadd.s32 $0xFFFFFF98  }
0x7c: {  	_ =	swait.ge [sflag:s19], $0x68  }
0x7d: {  	[sflag:s19] =	ssyncset.done $0x0  }
0x7e: {  	[sflag:s19] =	ssyncadd.s32 $0xFFFFFF98  }
0x7f: {  	[tilespmem:s20], [sflag:$0x8] =	stream.indirect.gather [hbm4b:s1+s17], $0x80, s25, s17, $0xb8;
	[tilespmem:$0x1E380] =	vst v63  }
0x80: {  	s25 =	simm.s32 @p0 $0xA  }
0x81: {  	_ =	swait.ge @p0 [sflag:s25], $0x2080  }
0x82: {  	[sflag:s25] =	ssyncset.done @p0 $0x0  }
0x83: {  	[sflag:s25] =	ssyncadd.s32 @p0 $0xFFFFDF80;
	s25 =	simm.s32 @!p0 $0xA  }
0x84: {  	_ =	swait.ge @!p0 [sflag:s25], $0x2780  }
0x85: {  	[sflag:s25] =	ssyncset.done @!p0 $0x0  }
0x86: {  	[sflag:s25] =	ssyncadd.s32 @!p0 $0xFFFFD880  }
0x87: {  	[bflag:$0x0] =	sbarrier.arrive $0xFFFF  }
0x88: {  	s26 =	simm.s32 $0x0;
	s25 =	rddreg [dreg:$0x1b]  }
.LBB2_2:
0x89: {  	_ =	swait.ge [sflag:s21], $0x3400  }
0x8a: {  	p1 =	seq.s32 s26, $0x0;
	[sflag:s21] =	ssyncset.done $0x0  }
0x8b: {  	s0 =	simm.s32 $0x300;
	s28 =	simm.s32 @!p1 $0xC;
	[sflag:s21] =	ssyncadd.s32 $0xFFFFCC00  }
0x8c: {  	[spmem:s2] =	stream.indirect.scatter.add.f32 [tilespmem:s18], [sflag:$0xA], $0x80, s0, s17, $0xb8;
	[tilespmem:$0x1E380] =	vst v63  }
0x8d: {  	_ =	swait.ge @!p1 [sflag:s28], $0x3400  }
0x8e: {  	[sflag:s28] =	ssyncset.done @!p1 $0x0  }
0x8f: {  	[sflag:s28] =	ssyncadd.s32 @!p1 $0xFFFFCC00  }
0x90: {  	_ =	swait.ge [sflag:s22], $0x68  }
0x91: {  	[sflag:s22] =	ssyncset.done $0x0  }
0x92: {  	[sflag:s22] =	ssyncadd.s32 $0xFFFFFF98  }
0x93: {  	_ =	swait.ge [sflag:s22], $0x68  }
0x94: {  	[sflag:s22] =	ssyncset.done $0x0  }
0x95: {  	s29 =	simm.s32 $0x100;
	s31 =	rddreg [dreg:$0x1f];
	[sflag:s22] =	ssyncadd.s32 $0xFFFFFF98  }
0x96: {  	[tilespmem:s30], [sflag:$0x9] =	stream.indirect.gather [hbm4b:s1+s17], $0x80, s29, s17, $0xb8;
	[tilespmem:$0x1E380] =	vst v63  }
0x97: {  	s28 =	rddreg [dreg:$0x1e];
	s0 =	sadd.s32 s26, s31  }
0x98: {  	[tilespmem:s8], [sflag:$0x5] =	stream.linear.gather [hbm4b:s0+s3], $0x68, $0x38;
	[tilespmem:$0x1E380] =	vst v63  }
0x99: {  	s31 =	simm.s32 $0x500;
	s29 =	sadd.s32 s26, s28  }
0x9a: {  	[tilespmem:s31], [sflag:$0x5] =	stream.linear.gather [hbm4b:s29+s3], $0x68, $0x38;
	[tilespmem:$0x1E380] =	vst v63  }
0x9b: {  	_ =	swait.ge [sflag:s9], $0x3400  }
0x9c: {  	[sflag:s9] =	ssyncset.done $0x0  }
0x9d: {  	s29 =	simm.s32 $0x380;
	[sflag:s9] =	ssyncadd.s32 $0xFFFFCC00  }
0x9e: {  	[spmem:s2] =	stream.indirect.scatter.add.f32 [tilespmem:s20], [sflag:$0xB], $0x80, s29, s17, $0xb8;
	[tilespmem:$0x1E380] =	vst v63  }
0x9f: {  	_ =	swait.ge [sflag:s10], $0x3400  }
0xa0: {  	[sflag:s10] =	ssyncset.done $0x0  }
0xa1: {  	[sflag:s10] =	ssyncadd.s32 $0xFFFFCC00  }
0xa2: {  	_ =	swait.ge [sflag:s11], $0x68  }
0xa3: {  	[sflag:s11] =	ssyncset.done $0x0  }
0xa4: {  	[sflag:s11] =	ssyncadd.s32 $0xFFFFFF98  }
0xa5: {  	_ =	swait.ge [sflag:s11], $0x68  }
0xa6: {  	[sflag:s11] =	ssyncset.done $0x0  }
0xa7: {  	s31 =	rddreg [dreg:$0x1d];
	[sflag:s11] =	ssyncadd.s32 $0xFFFFFF98  }
0xa8: {  	[tilespmem:s18], [sflag:$0x7] =	stream.indirect.gather [hbm4b:s1+s17], $0x80, s14, s17, $0xb8;
	[tilespmem:$0x1E380] =	vst v63  }
0xa9: {  	s28 =	rddreg [dreg:$0x1c];
	s0 =	sadd.s32 s26, s31  }
0xaa: {  	[tilespmem:s12], [sflag:$0x6] =	stream.linear.gather [hbm4b:s0+s3], $0x68, $0x38;
	[tilespmem:$0x1E380] =	vst v63  }
0xab: {  	s29 =	sadd.s32 s26, s28  }
0xac: {  	[tilespmem:s13], [sflag:$0x6] =	stream.linear.gather [hbm4b:s29+s3], $0x68, $0x38;
	[tilespmem:$0x1E380] =	vst v63  }
0xad: {  	_ =	swait.ge [sflag:s16], $0x3400  }
0xae: {  	[sflag:s16] =	ssyncset.done $0x0  }
0xaf: {  	s31 =	simm.s32 $0x400;
	[sflag:s16] =	ssyncadd.s32 $0xFFFFCC00  }
0xb0: {  	[spmem:s2] =	stream.indirect.scatter.add.f32 [tilespmem:s30], [sflag:$0xC], $0x80, s31, s17, $0xb8;
	[tilespmem:$0x1E380] =	vst v63  }
0xb1: {  	_ =	swait.ge [sflag:s5], $0x3400  }
0xb2: {  	[sflag:s5] =	ssyncset.done $0x0  }
0xb3: {  	[sflag:s5] =	ssyncadd.s32 $0xFFFFCC00  }
0xb4: {  	_ =	swait.ge [sflag:s6], $0x68  }
0xb5: {  	[sflag:s6] =	ssyncset.done $0x0  }
0xb6: {  	[sflag:s6] =	ssyncadd.s32 $0xFFFFFF98  }
0xb7: {  	_ =	swait.ge [sflag:s6], $0x68  }
0xb8: {  	p1 =	seq.s32 s26, $0x492;
	[sflag:s6] =	ssyncset.done $0x0  }
0xb9: {  	s29 =	sshrl.u32 @!p1 s25, $0x3;
	[sflag:s6] =	ssyncadd.s32 $0xFFFFFF98  }
0xba: {  	[tilespmem:s20], [sflag:$0x8] =	stream.indirect.gather [hbm4b:s1+s17], $0x80, s8, s17, $0xb8;
	[tilespmem:$0x1E380] =	vst v63  }
0xbb: {  	s28 =	simm.s32 @!p1 $0x0;
	s31 =	sadd.s32 @!p1 s4, s29  }
0xbc: {  	[tilespmem:s28], [sflag:$0x1] =	stream.linear.gather @!p1 [hbm4b:s31+s28], $0x68, $0x38;
	[tilespmem:$0x1E380] =	vst v63  }
0xbd: {  	s29 =	sadd.s32 @!p1 s7, s29;
	s31 =	simm.s32 @!p1 $0x300  }
0xbe: {  	[tilespmem:s31], [sflag:$0x1] =	stream.linear.gather @!p1 [hbm4b:s29+s28], $0x68, $0x38;
	[tilespmem:$0x1E380] =	vst v63  }
0xbf: {  	_ =	swait.ge [sflag:s21], $0x3400  }
0xc0: {  	[sflag:s21] =	ssyncset.done $0x0  }
0xc1: {  	[sflag:s21] =	ssyncadd.s32 $0xFFFFCC00  }
0xc2: {  	[spmem:s2] =	stream.indirect.scatter.add.f32 [tilespmem:s18], [sflag:$0xA], $0x80, s15, s17, $0xb8;
	[tilespmem:$0x1E380] =	vst v63  }
0xc3: {  	_ =	swait.ge [sflag:s23], $0x3400  }
0xc4: {  	[sflag:s23] =	ssyncset.done $0x0  }
0xc5: {  	[sflag:s23] =	ssyncadd.s32 $0xFFFFCC00  }
0xc6: {  	_ =	swait.ge [sflag:s24], $0x68  }
0xc7: {  	[sflag:s24] =	ssyncset.done $0x0  }
0xc8: {  	[sflag:s24] =	ssyncadd.s32 $0xFFFFFF98  }
0xc9: {  	_ =	swait.ge [sflag:s24], $0x68  }
0xca: {  	[sflag:s24] =	ssyncset.done $0x0  }
0xcb: {  	s29 =	simm.s32 @p1 $0x8;
	[sflag:s24] =	ssyncadd.s32 $0xFFFFFF98  }
0xcc: {  	[tilespmem:s30], [sflag:$0x9] =	stream.indirect.gather [hbm4b:s1+s17], $0x80, s12, s17, $0xb8;
	[tilespmem:$0x1E380] =	vst v63  }
0xcd: {  	_ =	swait.ge @p1 [sflag:s29], $0x3400  }
0xce: {  	s0 =	simm.s32 @p1 $0x3A00;
	[sflag:s29] =	ssyncset.done @p1 $0x0  }
0xcf: {  	s31 =	simm.s32 @p1 $0x500;
	[sflag:s29] =	ssyncadd.s32 @p1 $0xFFFFCC00;
	s29 =	simm.s32 @p1 $0x68  }
0xd0: {  	[spmem:s2] =	stream.indirect.scatter.add.f32 @p1 [tilespmem:s0], [sflag:$0xB], $0x80, s31, s29, $0xb8;
	[tilespmem:$0x1E380] =	vst v63  }
0xd1: {  	s0 =	simm.s32 @p1 $0xA  }
0xd2: {  	_ =	swait.ge @p1 [sflag:s0], $0x3400  }
0xd3: {  	[sflag:s0] =	ssyncset.done @p1 $0x0  }
0xd4: {  	[sflag:s0] =	ssyncadd.s32 @p1 $0xFFFFCC00;
	s0 =	rddreg [dreg:$0x1a]  }
0xd5: {  	s29 =	simm.s32 @!p1 $0x80;
	s0 =	sadd.s32 @!p1 s26, s0  }
0xd6: {  	[tilespmem:s29], [sflag:$0x2] =	stream.linear.gather @!p1 [hbm4b:s0+s28], $0x68, $0x38;
	[tilespmem:$0x1E380] =	vst v63  }
0xd7: {  	s0 =	rddreg [dreg:$0x19]  }
0xd8: {  	s29 =	simm.s32 @!p1 $0x380;
	s0 =	sadd.s32 @!p1 s26, s0  }
0xd9: {  	[tilespmem:s29], [sflag:$0x2] =	stream.linear.gather @!p1 [hbm4b:s0+s28], $0x68, $0x38;
	[tilespmem:$0x1E380] =	vst v63  }
0xda: {  	s0 =	simm.s32 @!p1 $0x8  }
0xdb: {  	_ =	swait.ge @!p1 [sflag:s0], $0x3400  }
0xdc: {  	s31 =	simm.s32 @!p1 $0x3A00;
	[sflag:s0] =	ssyncset.done @!p1 $0x0  }
0xdd: {  	s29 =	simm.s32 @!p1 $0x500;
	[sflag:s0] =	ssyncadd.s32 @!p1 $0xFFFFCC00;
	s0 =	simm.s32 @!p1 $0x68  }
0xde: {  	[spmem:s2] =	stream.indirect.scatter.add.f32 @!p1 [tilespmem:s31], [sflag:$0xB], $0x80, s29, s0, $0xb8;
	[tilespmem:$0x1E380] =	vst v63  }
0xdf: {  	s29 =	simm.s32 @!p1 $0xA  }
0xe0: {  	_ =	swait.ge @!p1 [sflag:s29], $0x3400  }
0xe1: {  	[sflag:s29] =	ssyncset.done @!p1 $0x0  }
0xe2: {  	[sflag:s29] =	ssyncadd.s32 @!p1 $0xFFFFCC00;
	s29 =	simm.s32 @!p1 $0x1  }
0xe3: {  	_ =	swait.ge @!p1 [sflag:s29], $0x68  }
0xe4: {  	[sflag:s29] =	ssyncset.done @!p1 $0x0  }
0xe5: {  	[sflag:s29] =	ssyncadd.s32 @!p1 $0xFFFFFF98  }
0xe6: {  	_ =	swait.ge @!p1 [sflag:s29], $0x68  }
0xe7: {  	[sflag:s29] =	ssyncset.done @!p1 $0x0  }
0xe8: {  	[sflag:s29] =	ssyncadd.s32 @!p1 $0xFFFFFF98;
	s29 =	simm.s32 @!p1 $0x600  }
0xe9: {  	[tilespmem:s29], [sflag:$0x7] =	stream.indirect.gather @!p1 [hbm4b:s1+s0], $0x80, s28, s0, $0xb8;
	[tilespmem:$0x1E380] =	vst v63  }
0xea: {  	s0 =	rddreg [dreg:$0x18]  }
0xeb: {  	s29 =	simm.s32 @!p1 $0x100;
	s0 =	sadd.s32 @!p1 s26, s0  }
0xec: {  	[tilespmem:s29], [sflag:$0x3] =	stream.linear.gather @!p1 [hbm4b:s0+s28], $0x68, $0x38;
	[tilespmem:$0x1E380] =	vst v63  }
0xed: {  	s0 =	rddreg [dreg:$0x17]  }
0xee: {  	s29 =	simm.s32 @!p1 $0x400;
	s0 =	sadd.s32 @!p1 s26, s0  }
0xef: {  	[tilespmem:s29], [sflag:$0x3] =	stream.linear.gather @!p1 [hbm4b:s0+s28], $0x68, $0x38;
	[tilespmem:$0x1E380] =	vst v63  }
0xf0: {  	_ =	swait.ge [sflag:s16], $0x3400  }
0xf1: {  	[sflag:s16] =	ssyncset.done $0x0  }
.Ltmp2:
0xf2: {  	[sflag:s16] =	ssyncadd.s32 $0xFFFFCC00;
	(pc) =	sbr.rel @p1 .LBB2_4-.Ltmp2, $4  }
0xf3: {  	[spmem:s2] =	stream.indirect.scatter.add.f32 [tilespmem:s30], [sflag:$0xC], $0x80, s13, s17, $0xb8;
	[tilespmem:$0x1E380] =	vst v63  }
0xf4: {  	_ =	swait.ge [sflag:s5], $0x3400  }
0xf5: {  	[sflag:s5] =	ssyncset.done $0x0  }
0xf6: {  	[sflag:s5] =	ssyncadd.s32 $0xFFFFCC00  }
0xf7: {  	_ =	swait.ge [sflag:s19], $0x68  }
0xf8: {  	[sflag:s19] =	ssyncset.done $0x0  }
0xf9: {  	[sflag:s19] =	ssyncadd.s32 $0xFFFFFF98  }
0xfa: {  	_ =	swait.ge [sflag:s19], $0x68  }
0xfb: {  	[sflag:s19] =	ssyncset.done $0x0  }
0xfc: {  	s0 =	simm.s32 $0x80;
	[sflag:s19] =	ssyncadd.s32 $0xFFFFFF98  }
0xfd: {  	[tilespmem:s20], [sflag:$0x8] =	stream.indirect.gather [hbm4b:s1+s17], $0x80, s0, s17, $0xb8;
	[tilespmem:$0x1E380] =	vst v63  }
.Ltmp3:
0xfe: {  	s29 =	rddreg [dreg:$0x16];
	(pc) =	sbr.rel .LBB2_2-.Ltmp3, $4  }
0xff: {  	s31 =	rddreg [dreg:$0x15];
	s0 =	sadd.s32 s26, s29  }
0x100: {  	[tilespmem:s14], [sflag:$0x4] =	stream.linear.gather [hbm4b:s0+s3], $0x68, $0x38;
	[tilespmem:$0x1E380] =	vst v63  }
0x101: {  	s25 =	sadd.s32 $0x270, s25;
	s0 =	sadd.s32 s26, s31;
	s26 =	sadd.s32 $0x4E, s26  }
0x102: {  	[tilespmem:s15], [sflag:$0x4] =	stream.linear.gather [hbm4b:s0+s3], $0x68, $0x38;
	[tilespmem:$0x1E380] =	vst v63  }
.LBB2_5:
0x103: {  	_ =	sfence.sel $0x180000  }
0x104: {  	[bflag:$0x0] =	sbarrier.arrive $0xFFFF  }
0x105: {  	_ =	strace $0x90000047  }
0x106: {  	s0 =	stileid.u32;
	[bflag:$0x2] =	sbarrier.arrive $0xFFFF  }
0x107: {  	p0 =	sne.s32 s0, $0x0;
	s0 =	rddreg [dreg:$0x4]  }
0x108: {  	s0 =	sadd.s32 @!p0 $0x100000, s0  }
0x109: {  	[sflag:s0] =	ssyncadd.tile.s32 @!p0 $0x1;
	_ =	shalt  }
.Lfunc_end2:
_tile_overlayer_lowered:
.L_overlay_start_2:
0x10a: {  	(tag) =	ssettag $0x2  }
0x10b: {  	s0 =	rddreg [dreg:$0x0];
	s2 =	stileid.u32  }
0x10c: {  	s1 =	rddreg [dreg:$0x1];
	p0 =	sne.s32 s2, $0x0  }
0x10d: {  	s3 =	rddreg [dreg:$0x2];
	[bflag:$0x3] =	sbarrier.arrive $0xFFFF;
	s2 =	simm.s32 @!p0 $0x1C0D  }
0x10e: {  	[timem:s3], [sflag:s2] =	dma.local @!p0 [hbm:s0], s1  }
0x10f: {  	s0 =	simm.s32 @!p0 $0xD  }
0x110: {  	_ =	swait.ge @!p0 [sflag:s0], s1  }
0x111: {  	s1 =	ssub.s32 @!p0 $0x0, s1;
	[sflag:s0] =	ssyncset.done @!p0 $0x0  }
0x112: {  	[sflag:s0] =	ssyncadd.s32 @!p0 s1  }
0x113: {  	[bflag:$0x3] =	sbarrier.arrive $0xFFFF  }
0x114: {  	_ =	shalt  }

// kernel: kernel.14.cloned.1.call-start
scs
__scs_entry_jumppad:
0x0: {  	(pc) =	sbr.rel $0x88, $3  }
0x1: {  	(tag) =	ssettag $0x0;
	lr =	simm.s32 $0x1  }
0x2: {  	[smem:$0x3F8E] =	sst lr;
	_ =	strace $0xD0000000  }
0x3: {  	_ = 	snop  }
0x4: {  	_ = 	snop  }
0x5: {  	_ = 	snop  }
0x6: {  	_ = 	snop  }
0x7: {  	_ = 	snop  }
__scs_overlays_trampoline_lowered:
0x8: {  	[smem:$0x3F9D] =	sst s0  }
0x9: {  	[smem:$0x3F9E] =	sst s1  }
0xa: {  	[smem:$0x3F9F] =	sst s2  }
0xb: {  	[smem:$0x3FA0] =	sst s3  }
0xc: {  	[smem:$0x3FA1] =	sst s4  }
0xd: {  	[smem:$0x3FA2] =	sst s5  }
0xe: {  	[smem:$0x3FA3] =	sst s6  }
0xf: {  	[smem:$0x3FA4] =	sst s7  }
0x10: {  	[smem:$0x3FA5] =	sst s8  }
0x11: {  	[smem:$0x3FA6] =	sst s9;
	s0 =	simm.s32 @!p0 $0x0  }
0x12: {  	s1 =	sld [smem:$0x3F8C];
	s0 =	simm.s32 @p0 $0x1  }
0x13: {  	[smem:$0x3FA7] =	sst s0;
	s0 =	simm.s32 @!p1 $0x0  }
0x14: {  	s2 =	sld [smem:$0x3F8B];
	s0 =	simm.s32 @p1 $0x1  }
0x15: {  	[smem:$0x3FA8] =	sst s0;
	s0 =	simm.s32 @!p2 $0x0  }
0x16: {  	s3 =	sld [smem:$0x3FDB];
	s0 =	simm.s32 @p2 $0x1  }
0x17: {  	s4 =	simm.s32 $0x1BF5;
	[smem:$0x3FAA] =	sst s0  }
0x18: {  	s0 =	sld [smem:$0x3F8D];
	_ =	swait.ge [sflag:s4], $0x0  }
0x19: {  	s7 =	sld [smem:$0x3F8E]  }
0x1a: {  	s8 =	sadd.s32 $0xFFFFE003, lr  }
0x1b: {  	s9 =	sadd.s32 $0xFFFFFEF7, lr;
	s5 =	simm.s32 $0xFFFFFFFF;
	p2 =	slt.u32 s8, $0xFFFFF086  }
0x1c: {  	p1 =	slt.u32 s9, $0xF7A;
	s5 =	simm.s32 @!p2 $0x0  }
0x1d: {  	s5 =	simm.s32 @p1 $0x1;
	p0 =	seq.s32 s7, s2  }
0x1e: {  	s7 =	smul.u32 @!p0 $0xF7A, s2;
	p2 =	seq.s32 @!p0 s5, $0x0  }
0x1f: {  	s9 =	smul.u32 $0xF7A, s1;
	s8 =	simm.s32 @!p0 $0x1BF5;
	p2 =	por !p2, p0  }
0x20: {  	[sflag:s8] =	ssyncset.s32 @!p0 $0xFFFFF086;
	s6 =	sadd.s32 @!p0 s3, s7;
	s7 =	simm.s32 @!p0 $0x108  }
0x21: {  	s3 =	sadd.s32 s3, s9;
	s6 =	sadd.s32 @!p0 $0x88, s6;
	s7 =	simm.s32 @p2 $0x1082  }
0x22: {  	[simem:s7], [sflag:s8] =	dma.local @!p0 [hbm:s6], $0xF7A  }
0x23: {  	s9 =	sor.u32 $0xD0000000, s2;
	s6 =	simm.s32 $0x108;
	_ =	swait.ge @!p0 [sflag:s8], $0x0  }
0x24: {  	s3 =	sadd.s32 $0x88, s3;
	s6 =	simm.s32 @!p1 $0x1082;
	[sflag:s4] =	ssyncset.s32 $0xFFFFF086  }
0x25: {  	[simem:s6], [sflag:s4] =	dma.local [hbm:s3], $0xF7A  }
0x26: {  	[smem:$0x3F8E] =	sst s1;
	(tag) =	ssettag s2;
	_ =	strace s9  }
0x27: {  	s1 =	sld [smem:$0x3F9E]  }
0x28: {  	s2 =	sld [smem:$0x3F9F]  }
0x29: {  	s4 =	sld [smem:$0x3FA1]  }
0x2a: {  	p0 =	seq.s32 s5, $0x0;
	s5 =	sld [smem:$0x3FA2]  }
0x2b: {  	s6 =	sld [smem:$0x3FA3]  }
0x2c: {  	s7 =	sld [smem:$0x3FA4]  }
0x2d: {  	s3 =	simm.s32 $0x108;
	s8 =	sld [smem:$0x3FA5]  }
0x2e: {  	s3 =	simm.s32 @!p0 $0x1082;
	s9 =	sld [smem:$0x3FA6]  }
0x2f: {  	lr =	sadd.s32 s0, s3;
	s0 =	sld [smem:$0x3F9D]  }
0x30: {  	s3 =	sld [smem:$0x3FA0]  }
0x31: {  	[smem:$0x3FA9] =	sst s10  }
0x32: {  	s10 =	sld [smem:$0x3FA7];
	_ =	sdelay $0x3  }
0x33: {  	p0 =	seq.s32 s10, $0x1;
	s10 =	sld [smem:$0x3FA9];
	_ =	sdelay $0x3  }
0x34: {  	[smem:$0x3FA9] =	sst s10  }
0x35: {  	s10 =	sld [smem:$0x3FA8];
	_ =	sdelay $0x3  }
0x36: {  	p1 =	seq.s32 s10, $0x1;
	s10 =	sld [smem:$0x3FA9];
	_ =	sdelay $0x3  }
0x37: {  	[smem:$0x3FA9] =	sst s10  }
0x38: {  	s10 =	sld [smem:$0x3FAA]  }
0x39: {  	_ = 	snop;
	(pc) =	sbr.ind lr, $3  }
0x3a: {  	_ = 	snop  }
0x3b: {  	_ = 	snop  }
0x3c: {  	p2 =	seq.s32 s10, $0x1;
	s10 =	sld [smem:$0x3FA9]  }
0x3d: {  	_ =	shalt  }
0x3e: {  	_ =	shalt  }
0x3f: {  	_ =	shalt  }
0x40: {  	_ =	shalt  }
0x41: {  	_ =	shalt  }
0x42: {  	_ =	shalt  }
0x43: {  	_ =	shalt  }
0x44: {  	_ =	shalt  }
0x45: {  	_ =	shalt  }
0x46: {  	_ =	shalt  }
0x47: {  	_ =	shalt  }
0x48: {  	_ =	shalt  }
0x49: {  	_ =	shalt  }
0x4a: {  	_ =	shalt  }
0x4b: {  	_ =	shalt  }
0x4c: {  	_ =	shalt  }
0x4d: {  	_ =	shalt  }
0x4e: {  	_ =	shalt  }
0x4f: {  	_ =	shalt  }
0x50: {  	_ =	shalt  }
0x51: {  	_ =	shalt  }
0x52: {  	_ =	shalt  }
0x53: {  	_ =	shalt  }
0x54: {  	_ =	shalt  }
0x55: {  	_ =	shalt  }
0x56: {  	_ =	shalt  }
0x57: {  	_ =	shalt  }
0x58: {  	_ =	shalt  }
0x59: {  	_ =	shalt  }
0x5a: {  	_ =	shalt  }
0x5b: {  	_ =	shalt  }
0x5c: {  	_ =	shalt  }
0x5d: {  	_ =	shalt  }
0x5e: {  	_ =	shalt  }
0x5f: {  	_ =	shalt  }
0x60: {  	_ =	shalt  }
0x61: {  	_ =	shalt  }
0x62: {  	_ =	shalt  }
0x63: {  	_ =	shalt  }
0x64: {  	_ =	shalt  }
0x65: {  	_ =	shalt  }
0x66: {  	_ =	shalt  }
0x67: {  	_ =	shalt  }
0x68: {  	_ =	shalt  }
0x69: {  	_ =	shalt  }
0x6a: {  	_ =	shalt  }
0x6b: {  	_ =	shalt  }
0x6c: {  	_ =	shalt  }
0x6d: {  	_ =	shalt  }
0x6e: {  	_ =	shalt  }
0x6f: {  	_ =	shalt  }
0x70: {  	_ =	shalt  }
0x71: {  	_ =	shalt  }
0x72: {  	_ =	shalt  }
0x73: {  	_ =	shalt  }
0x74: {  	_ =	shalt  }
0x75: {  	_ =	shalt  }
0x76: {  	_ =	shalt  }
0x77: {  	_ =	shalt  }
0x78: {  	_ =	shalt  }
0x79: {  	_ =	shalt  }
0x7a: {  	_ =	shalt  }
0x7b: {  	_ =	shalt  }
0x7c: {  	_ =	shalt  }
0x7d: {  	_ =	shalt  }
0x7e: {  	_ =	shalt  }
0x7f: {  	_ =	shalt  }
0x80: {  	_ =	shalt  }
0x81: {  	_ =	shalt  }
0x82: {  	_ =	shalt  }
0x83: {  	_ =	shalt  }
0x84: {  	_ =	shalt  }
0x85: {  	_ =	shalt  }
0x86: {  	_ =	shalt  }
0x87: {  	_ =	shalt  }
.Lfunc_end0:
.L_simem_size_0:
called_computation.1_lowered:
.L_overlay_start_0:
0x88: {  	s2 =	sld [smem:$0x3FD9]  }
0x89: {  	s3 =	sld [smem:$0x3FFE];
	_ =	sdelay $0x1  }
0x8a: {  	s1 =	srdreg.scid  }
0x8b: {  	s0 =	sand.u32 $0x1, s1  }
0x8c: {  	s17 =	sshll.u32 s0, $0xA;
	s2 =	sadd.s32 s3, s2  }
0x8d: {  	s2 =	sadd.s32 s2, s17  }
0x8e: {  	[smem:$0x3FB5] =	sst s2  }
0x8f: {  	_ = 	snop  }
0x90: {  	s2 =	sld [smem:$0x3FD0];
	(tm) =	ssettm $0x1  }
0x91: {  	s18 =	sld [smem:$0x3FFB];
	_ =	sdelay $0x3  }
0x92: {  	_ =	strace s18  }
0x93: {  	s3 =	sld [smem:$0x3FFC];
	_ =	sdelay $0x3  }
0x94: {  	_ =	strace s3  }
0x95: {  	s3 =	sld [smem:$0x3FFD];
	_ =	sdelay $0x3  }
0x96: {  	_ =	strace s3  }
0x97: {  	_ =	strace $0x8FFFFFFF  }
0x98: {  	s19 =	sld [smem:$0x3FDB];
	_ =	sdelay $0x1  }
0x99: {  	s4 =	simm.s32 $_scs_section_size  }
0x9a: {  	s5 =	simm.s32 $_size__tile_overlayer_lowered;
	s6 =	simm.s32 $_tile_overlayer_lowered  }
0x9b: {  	s22 =	simm.s32 $0x1BFF;
	s21 =	sshll.u32 s6, $0x1;
	s3 =	sadd.s32 s4, s19  }
0x9c: {  	s7 =	simm.s32 $0x0;
	s20 =	sshll.u32 s5, $0x1;
	s5 =	sadd.s32 s21, s3  }
0x9d: {  	[timem:s7], [sflag:s22] =	dma.local [hbm:s5], s20  }
0x9e: {  	_ =	swait.ge [sflag:s22], s20  }
0x9f: {  	s4 =	ssub.s32 $0x0, s20;
	[sflag:s22] =	ssyncset.done $0x0  }
0xa0: {  	[sflag:s22] =	ssyncadd.s32 s4;
	_ =	sdelay $0x1  }
0xa1: {  	s23 =	simm.s32 $0x1B8B  }
0xa2: {  	_ =	swait.ge [sflag:s23], $0x1  }
0xa3: {  	[sflag:s23] =	ssyncset.done $0x0  }
0xa4: {  	s25 =	simm.s32 $0x1B8E;
	s24 =	sld [smem:$0x3FFE];
	[sflag:s23] =	ssyncadd.s32 $0xFFFFFFFF  }
0xa5: {  	s26 =	simm.s32 $execute0_lowered;
	[smem:$0x3FD2] =	sst s25  }
0xa6: {  	s5 =	sshll.u32 s26, $0x1;
	_ =	strace $0x80000049;
	[dreg:$0x1] =	wrdreg $0xFFFFFFFF  }
0xa7: {  	s28 =	simm.s32 $_size_execute0_lowered;
	s3 =	sadd.s32 s3, s5;
	[dreg:$0x0] =	wrdreg $0x0  }
0xa8: {  	s5 =	sshll.u32 s28, $0x1;
	[dreg:$0x2] =	wrdreg s3  }
0xa9: {  	[dreg:$0x3] =	wrdreg s5  }
0xaa: {  	[dreg:$0x4] =	wrdreg $0xC0  }
0xab: {  	_ =	task [dreg:s7], $0x5FFFF  }
0xac: {  	[dreg:$0x1] =	wrdreg $0xFFFFFFFF  }
0xad: {  	[dreg:$0x0] =	wrdreg $0x60  }
0xae: {  	[dreg:$0x2] =	wrdreg s24  }
0xaf: {  	[dreg:$0x3] =	wrdreg s2  }
0xb0: {  	[dreg:$0x4] =	wrdreg $0xAB000  }
0xb1: {  	[dreg:$0x5] =	wrdreg $0x9  }
0xb2: {  	_ =	task.clear_ibuf [dreg:s7], $0x6FFFF;
	_ =	strace $0x90000049  }
0xb3: {  	s29 =	simm.s32 $0x9;
	_ =	strace $0x8000004B  }
0xb4: {  	_ =	swait.ge [sflag:s29], $0x1  }
0xb5: {  	[sflag:s29] =	ssyncadd.s32 $0xFFFFFFFF  }
0xb6: {  	_ =	strace $0x9000004B  }
0xb7: {  	_ =	sfence  }
0xb8: {  	s30 =	sld [smem:$0x0];
	_ =	sdelay $0x2  }
0xb9: {  	s31 =	sshll.u32 s1, $0xD;
	s1 =	sshrl.u32 s1, $0x2  }
0xba: {  	s3 =	sand.u32 $0x4000, s31;
	s1 =	sadd.s32 s1, s30  }
0xbb: {  	s0 =	sor.u32 s3, s0;
	s1 =	sshll.u32 s1, $0x11  }
0xbc: {  	s0 =	sor.u32 s1, s0  }
0xbd: {  	s0 =	sadd.s32 $0x8F2B, s0  }
0xbe: {  	[sflag:s0] =	ssyncadd.remote.s32 $0x1  }
0xbf: {  	_ =	sfence.sel $0xFFFF  }
0xc0: {  	[dreg:$0x0] =	wrdreg $0xFFFFFFFF;
	(pc) =	sbr.abs _section_cstart, $3  }
0xc1: {  	[dreg:$0x1] =	wrdreg $0xFFFFFFFF  }
0xc2: {  	_ =	task.clear_ibuf [dreg:s7], $0x2FFFF;
	_ =	strace $0x9FFFFFFF  }
0xc3: {  	(tm) =	ssettm $0x7FFFFFFF  }
tec
execute0_lowered:
.L_overlay_start_1:
0x0: {  	(tag) =	ssettag $0x1  }
0x1: {  	s0 =	rddreg [dreg:$0x0]  }
0x2: {  	s3 =	rddreg [dreg:$0x1]  }
0x3: {  	s1 =	rddreg [dreg:$0x2];
	s2 =	simm.s32 $0x0  }
0x4: {  	s5 =	srdreg.scid;
	s11 =	stileid.u32;
	s28 =	simm.s32 $0x1  }
0x5: {  	s30 =	simm.s32 $0x6E00;
	[smem:$0x7FF] =	sst s2;
	s4 =	sadd.s32 $0x17800, s0  }
0x6: {  	s12 =	sadd.s32 $0xDA00, s0;
	s5 =	sand.u32 $0x1, s5;
	s6 =	smul.u32 $0x4F000, s11  }
0x7: {  	s13 =	sadd.s32 $0x3C00, s0;
	s9 =	smul.u32 $0x2780, s11;
	s0 =	sadd.s32 $0x3EA00, s0  }
0x8: {  	s22 =	smul.u32 $0x13C00, s11;
	p0 =	seq.s32 s11, $0xF;
	_ =	strace $0x8000004A  }
0x9: {  	s7 =	sshll.u32 s5, $0x4;
	s8 =	ssub.s32 $0x2, s5;
	s20 =	smul.u32 $0x138800, s5  }
0xa: {  	s24 =	smul.u32 $0x27100, s5;
	s7 =	sor.u32 s11, s7;
	s10 =	sshrl.u32 s8, $0x1  }
0xb: {  	s6 =	sshrl.u32 s6, $0x2;
	s29 =	sadd.s32 s3, s9;
	s3 =	sadd.s32 $0x25080, s3  }
0xc: {  	s9 =	simm.s32 $0x8;
	s7 =	smul.u32 $0x2710, s7;
	[dreg:$0x5] =	wrdreg s29  }
0xd: {  	s8 =	ssub.s32 s8, s10;
	s6 =	sadd.s32 s6, s1;
	[dreg:$0x6] =	wrdreg s3  }
0xe: {  	s29 =	smul.u32 $0x2710, s11;
	s10 =	sshrl.u32 s20, $0x3;
	s31 =	sshrl.u32 s7, $0x3  }
0xf: {  	[dreg:$0x4] =	wrdreg s6;
	s14 =	sadd.s32 $0x68, s7;
	s15 =	sadd.s32 s12, s31  }
0x10: {  	s16 =	sshrl.u32 s14, $0x3;
	s17 =	sadd.s32 s13, s31;
	[dreg:$0x7] =	wrdreg s15  }
0x11: {  	s7 =	sadd.s32 $0x138, s7;
	[dreg:$0x8] =	wrdreg s17;
	s18 =	sadd.s32 s12, s16  }
0x12: {  	s19 =	sadd.s32 $0x1A, s31;
	s3 =	sadd.s32 s13, s16;
	[dreg:$0x9] =	wrdreg s18  }
0x13: {  	s7 =	sshrl.u32 s7, $0x3;
	s21 =	sadd.s32 s12, s19;
	[dreg:$0xa] =	wrdreg s3  }
0x14: {  	s11 =	simm.s32 $0x4;
	s23 =	sadd.s32 s12, s7;
	[dreg:$0xb] =	wrdreg s21  }
0x15: {  	s26 =	sadd.s32 $0x4E0, s31;
	s25 =	sadd.s32 s13, s7;
	[dreg:$0xd] =	wrdreg s23  }
0x16: {  	s31 =	sadd.s32 s12, s26;
	s5 =	sadd.s32 s13, s26;
	[dreg:$0xe] =	wrdreg s25  }
0x17: {  	s7 =	sadd.s32 s22, s20;
	s15 =	smax.u32 s8, $0x1;
	[dreg:$0xf] =	wrdreg s31  }
0x18: {  	s8 =	simm.s32 $0x200;
	s3 =	sadd.s32 s13, s19;
	[dreg:$0x10] =	wrdreg s5  }
0x19: {  	s5 =	sshrl.u32 s7, $0x3;
	[dreg:$0x13] =	wrdreg s15;
	s7 =	smov.u32 s13  }
0x1a: {  	s31 =	sadd.s32 $0x128400, s1;
	s15 =	simm.s32 $0x480;
	[dreg:$0xc] =	wrdreg s3  }
0x1b: {  	s3 =	sadd.s32 s29, s24;
	s5 =	sadd.s32 s0, s5;
	[dreg:$0x1f] =	wrdreg s31  }
0x1c: {  	s0 =	sadd.s32 s0, s10;
	s10 =	simm.s32 $0xA;
	[dreg:$0x11] =	wrdreg s5  }
0x1d: {  	s14 =	sadd.s32 $0x3A8, s3;
	s0 =	sadd.s32 $0x25080, s0;
	s17 =	sadd.s32 $0x340, s3  }
0x1e: {  	s6 =	sadd.s32 $0x2D8, s3;
	s23 =	sadd.s32 $0x208, s3;
	s24 =	sadd.s32 $0x1A0, s3  }
0x1f: {  	s3 =	sadd.s32 $0x270, s3;
	[dreg:$0x12] =	wrdreg s0;
	s16 =	sshrl.u32 s14, $0x3  }
0x20: {  	s18 =	sshrl.u32 s17, $0x3;
	s19 =	sshrl.u32 s6, $0x3;
	[dreg:$0x1a] =	wrdreg s3  }
0x21: {  	s3 =	smov.u32 s12;
	s14 =	simm.s32 $0x180;
	s5 =	sadd.s32 s16, s13  }
0x22: {  	s17 =	simm.s32 $0x68;
	s0 =	sadd.s32 s16, s12;
	[dreg:$0x14] =	wrdreg s5  }
0x23: {  	s6 =	simm.s32 $0x5;
	s20 =	sadd.s32 s18, s13;
	[dreg:$0x15] =	wrdreg s0  }
0x24: {  	s21 =	sadd.s32 s19, s13;
	s22 =	sadd.s32 s19, s12;
	[dreg:$0x16] =	wrdreg s20  }
0x25: {  	s19 =	simm.s32 $0x2;
	s16 =	simm.s32 $0x9;
	[dreg:$0x18] =	wrdreg s21  }
0x26: {  	s0 =	sadd.s32 s18, s12;
	[dreg:$0x19] =	wrdreg s22;
	s5 =	sshrl.u32 s24, $0x3  }
0x27: {  	s18 =	simm.s32 $0x600;
	s20 =	simm.s32 $0x3A00;
	s21 =	simm.s32 $0x7  }
0x28: {  	s22 =	simm.s32 $0x3;
	s24 =	simm.s32 $0x6;
	[dreg:$0x17] =	wrdreg s0  }
.Ltmp0:
0x29: {  	s0 =	sshrl.u32 s23, $0x3;
	s26 =	sadd.s32 s5, s13;
	(pc) =	sbr.rel .LBB2_1-.Ltmp0, $4  }
0x2a: {  	s29 =	sadd.s32 s5, s12;
	s5 =	simm.s32 $0xB;
	[dreg:$0x1d] =	wrdreg s26  }
0x2b: {  	s23 =	simm.s32 $0xC;
	s25 =	sadd.s32 s0, s13;
	[dreg:$0x1e] =	wrdreg s29  }
0x2c: {  	s0 =	sadd.s32 s0, s12;
	s12 =	simm.s32 $0x280;
	[dreg:$0x1b] =	wrdreg s25  }
0x2d: {  	s13 =	simm.s32 $0x580;
	s26 =	simm.s32 $0x0;
	[dreg:$0x1c] =	wrdreg s0  }
.LBB2_4:
0x2e: {  	_ =	swait.ge [sflag:s23], $0x3400  }
0x2f: {  	s25 =	simm.s32 $0xA200;
	[sflag:s23] =	ssyncset.done $0x0  }
0x30: {  	s26 =	simm.s32 $0xD;
	s0 =	rddreg [dreg:$0xf];
	[sflag:s23] =	ssyncadd.s32 $0xFFFFCC00  }
0x31: {  	[tilespmem:s25], [sflag:$0xD] =	stream.linear.gather [hbm4b:s0+s2], $0x10, $0x38;
	[tilespmem:$0x1E380] =	vst v63  }
0x32: {  	_ =	swait.ge [sflag:s26], $0x10  }
0x33: {  	[sflag:s26] =	ssyncset.done $0x0  }
0x34: {  	s29 =	simm.s32 $0xA280;
	s31 =	rddreg [dreg:$0x10];
	[sflag:s26] =	ssyncadd.s32 $0xFFFFFFF0  }
0x35: {  	[tilespmem:s29], [sflag:$0xD] =	stream.linear.gather [hbm4b:s31+s2], $0x10, $0x38;
	[tilespmem:$0x1E380] =	vst v63  }
0x36: {  	_ =	swait.ge [sflag:s26], $0x10  }
0x37: {  	s28 =	simm.s32 $0x1;
	[sflag:s26] =	ssyncset.done $0x0  }
0x38: {  	s0 =	simm.s32 $0x10;
	s31 =	simm.s32 $0xA300;
	[sflag:s26] =	ssyncadd.s32 $0xFFFFFFF0  }
0x39: {  	[tilespmem:s31], [sflag:$0x1] =	stream.indirect.gather [hbm4b:s4+s0], $0x80, s25, s0, $0xb8;
	[tilespmem:$0x1E380] =	vst v63  }
0x3a: {  	_ =	swait.ge [sflag:s28], $0x800  }
0x3b: {  	[sflag:s28] =	ssyncset.done $0x0  }
0x3c: {  	[sflag:s28] =	ssyncadd.s32 $0xFFFFF800  }
0x3d: {  	[spmem:s1] =	stream.indirect.scatter.add.f32 [tilespmem:s31], [sflag:$0xD], $0x80, s29, s0, $0xb8;
	[tilespmem:$0x1E380] =	vst v63  }
0x3e: {  	_ =	swait.ge [sflag:s26], $0x800  }
0x3f: {  	[sflag:s26] =	ssyncset.done $0x0  }
0x40: {  	[sflag:s26] =	ssyncadd.s32 $0xFFFFF800  }
0x41: {  	[bflag:$0x0] =	sbarrier.arrive $0xFFFF  }
0x42: {  	s26 =	sld [smem:$0x7FB];
	_ =	sdelay $0x1  }
0x43: {  	s0 =	simm.s32 @p0 $0x1FCD;
	s25 =	rddreg [dreg:$0x12]  }
0x44: {  	[hbm:s25], [sflag:s0] =	dma.local @p0 [spmem:s26], $0x2080  }
0x45: {  	s0 =	simm.s32 @p0 $0xD  }
0x46: {  	_ =	swait.ge @p0 [sflag:s0], $0x2080  }
0x47: {  	[sflag:s0] =	ssyncset.done @p0 $0x0  }
0x48: {  	[sflag:s0] =	ssyncadd.s32 @p0 $0xFFFFDF80;
	s0 =	sld [smem:$0x7FC]  }
0x49: {  	s26 =	sld [smem:$0x7FD];
	_ =	sdelay $0x1  }
0x4a: {  	s25 =	rddreg [dreg:$0x11];
	s0 =	sor.u32 @!p0 $0x1C0D, s0  }
0x4b: {  	[hbm:s25], [sflag:s0] =	dma.local @!p0 [spmem:s26], $0x2780  }
0x4c: {  	s0 =	simm.s32 @!p0 $0xD  }
0x4d: {  	_ =	swait.ge @!p0 [sflag:s0], $0x2780  }
0x4e: {  	s29 =	sld [smem:$0x7FA];
	_ =	sdelay $0x2  }
0x4f: {  	s31 =	rddreg [dreg:$0x13];
	s26 =	sadd.s32 $0x1, s29  }
0x50: {  	p1 =	sne.s32 s26, s31  }
.Ltmp1:
0x51: {  	_ = 	snop;
	(pc) =	sbr.rel @!p1 .LBB2_5-.Ltmp1, $3  }
0x52: {  	_ =	sdelay $0x1  }
0x53: {  	[sflag:s0] =	ssyncset.done @!p0 $0x0  }
0x54: {  	[sflag:s0] =	ssyncadd.s32 @!p0 $0xFFFFD880  }
.LBB2_1:
0x55: {  	[smem:$0x7FA] =	sst s26  }
0x56: {  	s0 =	rddreg [dreg:$0x1f]  }
0x57: {  	s26 =	sshrl.u32 @p0 s0, $0x3;
	s0 =	rddreg [dreg:$0x6]  }
0x58: {  	s25 =	simm.s32 @p0 $0x1FCA;
	[smem:$0x7FB] =	sst s26  }
0x59: {  	[spmem:s26], [sflag:s25] =	dma.local @p0 [hbm:s0], $0x2080  }
0x5a: {  	s0 =	stileid.u32  }
0x5b: {  	s0 =	sshll.u32 @!p0 s0, $0x6  }
0x5c: {  	[smem:$0x7FC] =	sst s0  }
0x5d: {  	s25 =	sor.u32 @!p0 $0x1C0A, s0;
	s0 =	rddreg [dreg:$0x4]  }
0x5e: {  	s26 =	sshrl.u32 @!p0 s0, $0x3;
	s0 =	rddreg [dreg:$0x5]  }
0x5f: {  	[smem:$0x7FD] =	sst s26  }
0x60: {  	[spmem:s26], [sflag:s25] =	dma.local @!p0 [hbm:s0], $0x2780  }
0x61: {  	s0 =	rddreg [dreg:$0x7]  }
0x62: {  	[tilespmem:s2], [sflag:$0x1] =	stream.linear.gather [hbm4b:s0+s2], $0x68, $0x38;
	[tilespmem:$0x1E380] =	vst v63  }
0x63: {  	s31 =	simm.s32 $0x300;
	s29 =	rddreg [dreg:$0x8]  }
0x64: {  	[tilespmem:s31], [sflag:$0x1] =	stream.linear.gather [hbm4b:s29+s2], $0x68, $0x38;
	[tilespmem:$0x1E380] =	vst v63  }
0x65: {  	s25 =	simm.s32 $0x80;
	s26 =	rddreg [dreg:$0x9]  }
0x66: {  	[tilespmem:s25], [sflag:$0x2] =	stream.linear.gather [hbm4b:s26+s2], $0x68, $0x38;
	[tilespmem:$0x1E380] =	vst v63  }
0x67: {  	s29 =	rddreg [dreg:$0xa];
	s31 =	simm.s32 $0x380  }
0x68: {  	[tilespmem:s31], [sflag:$0x2] =	stream.linear.gather [hbm4b:s29+s2], $0x68, $0x38;
	[tilespmem:$0x1E380] =	vst v63  }
0x69: {  	s29 =	rddreg [dreg:$0xb];
	s31 =	simm.s32 $0x100  }
0x6a: {  	[tilespmem:s31], [sflag:$0x3] =	stream.linear.gather [hbm4b:s29+s2], $0x68, $0x38;
	[tilespmem:$0x1E380] =	vst v63  }
0x6b: {  	s29 =	rddreg [dreg:$0xc];
	s31 =	simm.s32 $0x400  }
0x6c: {  	[tilespmem:s31], [sflag:$0x3] =	stream.linear.gather [hbm4b:s29+s2], $0x68, $0x38;
	[tilespmem:$0x1E380] =	vst v63  }
0x6d: {  	s29 =	rddreg [dreg:$0xd]  }
0x6e: {  	[tilespmem:s14], [sflag:$0x4] =	stream.linear.gather [hbm4b:s29+s2], $0x68, $0x38;
	[tilespmem:$0x1E380] =	vst v63  }
0x6f: {  	s31 =	rddreg [dreg:$0xe]  }
0x70: {  	[tilespmem:s15], [sflag:$0x4] =	stream.linear.gather [hbm4b:s31+s2], $0x68, $0x38;
	[tilespmem:$0x1E380] =	vst v63  }
0x71: {  	_ =	swait.ge [sflag:s28], $0x68  }
0x72: {  	[sflag:s28] =	ssyncset.done $0x0  }
0x73: {  	[sflag:s28] =	ssyncadd.s32 $0xFFFFFF98  }
0x74: {  	_ =	swait.ge [sflag:s28], $0x68  }
0x75: {  	[sflag:s28] =	ssyncset.done $0x0  }
0x76: {  	[sflag:s28] =	ssyncadd.s32 $0xFFFFFF98  }
0x77: {  	[tilespmem:s18], [sflag:$0x7] =	stream.indirect.gather [hbm4b:s4+s17], $0x80, s2, s17, $0xb8;
	[tilespmem:$0x1E380] =	vst v63  }
0x78: {  	_ =	swait.ge [sflag:s19], $0x68  }
0x79: {  	[sflag:s19] =	ssyncset.done $0x0  }
0x7a: {  	[sflag:s19] =	ssyncadd.s32 $0xFFFFFF98  }
0x7b: {  	_ =	swait.ge [sflag:s19], $0x68  }
0x7c: {  	[sflag:s19] =	ssyncset.done $0x0  }
0x7d: {  	[sflag:s19] =	ssyncadd.s32 $0xFFFFFF98  }
0x7e: {  	[tilespmem:s20], [sflag:$0x8] =	stream.indirect.gather [hbm4b:s4+s17], $0x80, s25, s17, $0xb8;
	[tilespmem:$0x1E380] =	vst v63  }
0x7f: {  	s25 =	simm.s32 @p0 $0xA  }
0x80: {  	_ =	swait.ge @p0 [sflag:s25], $0x2080  }
0x81: {  	[sflag:s25] =	ssyncset.done @p0 $0x0  }
0x82: {  	[sflag:s25] =	ssyncadd.s32 @p0 $0xFFFFDF80;
	s25 =	simm.s32 @!p0 $0xA  }
0x83: {  	_ =	swait.ge @!p0 [sflag:s25], $0x2780  }
0x84: {  	[sflag:s25] =	ssyncset.done @!p0 $0x0  }
0x85: {  	[sflag:s25] =	ssyncadd.s32 @!p0 $0xFFFFD880  }
0x86: {  	[bflag:$0x0] =	sbarrier.arrive $0xFFFF  }
0x87: {  	s26 =	simm.s32 $0x0;
	s25 =	rddreg [dreg:$0x1a]  }
.LBB2_2:
0x88: {  	_ =	swait.ge [sflag:s21], $0x3400  }
0x89: {  	p1 =	seq.s32 s26, $0x0;
	[sflag:s21] =	ssyncset.done $0x0  }
0x8a: {  	s0 =	simm.s32 $0x300;
	s28 =	simm.s32 @!p1 $0xC;
	[sflag:s21] =	ssyncadd.s32 $0xFFFFCC00  }
0x8b: {  	[spmem:s1] =	stream.indirect.scatter.add.f32 [tilespmem:s18], [sflag:$0xA], $0x80, s0, s17, $0xb8;
	[tilespmem:$0x1E380] =	vst v63  }
0x8c: {  	_ =	swait.ge @!p1 [sflag:s28], $0x3400  }
0x8d: {  	[sflag:s28] =	ssyncset.done @!p1 $0x0  }
0x8e: {  	[sflag:s28] =	ssyncadd.s32 @!p1 $0xFFFFCC00  }
0x8f: {  	_ =	swait.ge [sflag:s22], $0x68  }
0x90: {  	[sflag:s22] =	ssyncset.done $0x0  }
0x91: {  	[sflag:s22] =	ssyncadd.s32 $0xFFFFFF98  }
0x92: {  	_ =	swait.ge [sflag:s22], $0x68  }
0x93: {  	[sflag:s22] =	ssyncset.done $0x0  }
0x94: {  	s29 =	simm.s32 $0x100;
	s31 =	rddreg [dreg:$0x1e];
	[sflag:s22] =	ssyncadd.s32 $0xFFFFFF98  }
0x95: {  	[tilespmem:s30], [sflag:$0x9] =	stream.indirect.gather [hbm4b:s4+s17], $0x80, s29, s17, $0xb8;
	[tilespmem:$0x1E380] =	vst v63  }
0x96: {  	s28 =	rddreg [dreg:$0x1d];
	s0 =	sadd.s32 s26, s31  }
0x97: {  	[tilespmem:s8], [sflag:$0x5] =	stream.linear.gather [hbm4b:s0+s2], $0x68, $0x38;
	[tilespmem:$0x1E380] =	vst v63  }
0x98: {  	s31 =	simm.s32 $0x500;
	s29 =	sadd.s32 s26, s28  }
0x99: {  	[tilespmem:s31], [sflag:$0x5] =	stream.linear.gather [hbm4b:s29+s2], $0x68, $0x38;
	[tilespmem:$0x1E380] =	vst v63  }
0x9a: {  	_ =	swait.ge [sflag:s9], $0x3400  }
0x9b: {  	[sflag:s9] =	ssyncset.done $0x0  }
0x9c: {  	s29 =	simm.s32 $0x380;
	[sflag:s9] =	ssyncadd.s32 $0xFFFFCC00  }
0x9d: {  	[spmem:s1] =	stream.indirect.scatter.add.f32 [tilespmem:s20], [sflag:$0xB], $0x80, s29, s17, $0xb8;
	[tilespmem:$0x1E380] =	vst v63  }
0x9e: {  	_ =	swait.ge [sflag:s10], $0x3400  }
0x9f: {  	[sflag:s10] =	ssyncset.done $0x0  }
0xa0: {  	[sflag:s10] =	ssyncadd.s32 $0xFFFFCC00  }
0xa1: {  	_ =	swait.ge [sflag:s11], $0x68  }
0xa2: {  	[sflag:s11] =	ssyncset.done $0x0  }
0xa3: {  	[sflag:s11] =	ssyncadd.s32 $0xFFFFFF98  }
0xa4: {  	_ =	swait.ge [sflag:s11], $0x68  }
0xa5: {  	[sflag:s11] =	ssyncset.done $0x0  }
0xa6: {  	s31 =	rddreg [dreg:$0x1c];
	[sflag:s11] =	ssyncadd.s32 $0xFFFFFF98  }
0xa7: {  	[tilespmem:s18], [sflag:$0x7] =	stream.indirect.gather [hbm4b:s4+s17], $0x80, s14, s17, $0xb8;
	[tilespmem:$0x1E380] =	vst v63  }
0xa8: {  	s28 =	rddreg [dreg:$0x1b];
	s0 =	sadd.s32 s26, s31  }
0xa9: {  	[tilespmem:s12], [sflag:$0x6] =	stream.linear.gather [hbm4b:s0+s2], $0x68, $0x38;
	[tilespmem:$0x1E380] =	vst v63  }
0xaa: {  	s29 =	sadd.s32 s26, s28  }
0xab: {  	[tilespmem:s13], [sflag:$0x6] =	stream.linear.gather [hbm4b:s29+s2], $0x68, $0x38;
	[tilespmem:$0x1E380] =	vst v63  }
0xac: {  	_ =	swait.ge [sflag:s16], $0x3400  }
0xad: {  	[sflag:s16] =	ssyncset.done $0x0  }
0xae: {  	s31 =	simm.s32 $0x400;
	[sflag:s16] =	ssyncadd.s32 $0xFFFFCC00  }
0xaf: {  	[spmem:s1] =	stream.indirect.scatter.add.f32 [tilespmem:s30], [sflag:$0xC], $0x80, s31, s17, $0xb8;
	[tilespmem:$0x1E380] =	vst v63  }
0xb0: {  	_ =	swait.ge [sflag:s5], $0x3400  }
0xb1: {  	[sflag:s5] =	ssyncset.done $0x0  }
0xb2: {  	[sflag:s5] =	ssyncadd.s32 $0xFFFFCC00  }
0xb3: {  	_ =	swait.ge [sflag:s6], $0x68  }
0xb4: {  	[sflag:s6] =	ssyncset.done $0x0  }
0xb5: {  	[sflag:s6] =	ssyncadd.s32 $0xFFFFFF98  }
0xb6: {  	_ =	swait.ge [sflag:s6], $0x68  }
0xb7: {  	p1 =	seq.s32 s26, $0x492;
	[sflag:s6] =	ssyncset.done $0x0  }
0xb8: {  	s29 =	sshrl.u32 @!p1 s25, $0x3;
	[sflag:s6] =	ssyncadd.s32 $0xFFFFFF98  }
0xb9: {  	[tilespmem:s20], [sflag:$0x8] =	stream.indirect.gather [hbm4b:s4+s17], $0x80, s8, s17, $0xb8;
	[tilespmem:$0x1E380] =	vst v63  }
0xba: {  	s28 =	simm.s32 @!p1 $0x0;
	s31 =	sadd.s32 @!p1 s3, s29  }
0xbb: {  	[tilespmem:s28], [sflag:$0x1] =	stream.linear.gather @!p1 [hbm4b:s31+s28], $0x68, $0x38;
	[tilespmem:$0x1E380] =	vst v63  }
0xbc: {  	s29 =	sadd.s32 @!p1 s7, s29;
	s31 =	simm.s32 @!p1 $0x300  }
0xbd: {  	[tilespmem:s31], [sflag:$0x1] =	stream.linear.gather @!p1 [hbm4b:s29+s28], $0x68, $0x38;
	[tilespmem:$0x1E380] =	vst v63  }
0xbe: {  	_ =	swait.ge [sflag:s21], $0x3400  }
0xbf: {  	[sflag:s21] =	ssyncset.done $0x0  }
0xc0: {  	[sflag:s21] =	ssyncadd.s32 $0xFFFFCC00  }
0xc1: {  	[spmem:s1] =	stream.indirect.scatter.add.f32 [tilespmem:s18], [sflag:$0xA], $0x80, s15, s17, $0xb8;
	[tilespmem:$0x1E380] =	vst v63  }
0xc2: {  	_ =	swait.ge [sflag:s23], $0x3400  }
0xc3: {  	[sflag:s23] =	ssyncset.done $0x0  }
0xc4: {  	[sflag:s23] =	ssyncadd.s32 $0xFFFFCC00  }
0xc5: {  	_ =	swait.ge [sflag:s24], $0x68  }
0xc6: {  	[sflag:s24] =	ssyncset.done $0x0  }
0xc7: {  	[sflag:s24] =	ssyncadd.s32 $0xFFFFFF98  }
0xc8: {  	_ =	swait.ge [sflag:s24], $0x68  }
0xc9: {  	[sflag:s24] =	ssyncset.done $0x0  }
0xca: {  	s29 =	simm.s32 @p1 $0x8;
	[sflag:s24] =	ssyncadd.s32 $0xFFFFFF98  }
0xcb: {  	[tilespmem:s30], [sflag:$0x9] =	stream.indirect.gather [hbm4b:s4+s17], $0x80, s12, s17, $0xb8;
	[tilespmem:$0x1E380] =	vst v63  }
0xcc: {  	_ =	swait.ge @p1 [sflag:s29], $0x3400  }
0xcd: {  	s0 =	simm.s32 @p1 $0x3A00;
	[sflag:s29] =	ssyncset.done @p1 $0x0  }
0xce: {  	s31 =	simm.s32 @p1 $0x500;
	[sflag:s29] =	ssyncadd.s32 @p1 $0xFFFFCC00;
	s29 =	simm.s32 @p1 $0x68  }
0xcf: {  	[spmem:s1] =	stream.indirect.scatter.add.f32 @p1 [tilespmem:s0], [sflag:$0xB], $0x80, s31, s29, $0xb8;
	[tilespmem:$0x1E380] =	vst v63  }
0xd0: {  	s0 =	simm.s32 @p1 $0xA  }
0xd1: {  	_ =	swait.ge @p1 [sflag:s0], $0x3400  }
0xd2: {  	[sflag:s0] =	ssyncset.done @p1 $0x0  }
0xd3: {  	[sflag:s0] =	ssyncadd.s32 @p1 $0xFFFFCC00;
	s0 =	rddreg [dreg:$0x19]  }
0xd4: {  	s29 =	simm.s32 @!p1 $0x80;
	s0 =	sadd.s32 @!p1 s26, s0  }
0xd5: {  	[tilespmem:s29], [sflag:$0x2] =	stream.linear.gather @!p1 [hbm4b:s0+s28], $0x68, $0x38;
	[tilespmem:$0x1E380] =	vst v63  }
0xd6: {  	s0 =	rddreg [dreg:$0x18]  }
0xd7: {  	s29 =	simm.s32 @!p1 $0x380;
	s0 =	sadd.s32 @!p1 s26, s0  }
0xd8: {  	[tilespmem:s29], [sflag:$0x2] =	stream.linear.gather @!p1 [hbm4b:s0+s28], $0x68, $0x38;
	[tilespmem:$0x1E380] =	vst v63  }
0xd9: {  	s0 =	simm.s32 @!p1 $0x8  }
0xda: {  	_ =	swait.ge @!p1 [sflag:s0], $0x3400  }
0xdb: {  	s31 =	simm.s32 @!p1 $0x3A00;
	[sflag:s0] =	ssyncset.done @!p1 $0x0  }
0xdc: {  	s29 =	simm.s32 @!p1 $0x500;
	[sflag:s0] =	ssyncadd.s32 @!p1 $0xFFFFCC00;
	s0 =	simm.s32 @!p1 $0x68  }
0xdd: {  	[spmem:s1] =	stream.indirect.scatter.add.f32 @!p1 [tilespmem:s31], [sflag:$0xB], $0x80, s29, s0, $0xb8;
	[tilespmem:$0x1E380] =	vst v63  }
0xde: {  	s29 =	simm.s32 @!p1 $0xA  }
0xdf: {  	_ =	swait.ge @!p1 [sflag:s29], $0x3400  }
0xe0: {  	[sflag:s29] =	ssyncset.done @!p1 $0x0  }
0xe1: {  	[sflag:s29] =	ssyncadd.s32 @!p1 $0xFFFFCC00;
	s29 =	simm.s32 @!p1 $0x1  }
0xe2: {  	_ =	swait.ge @!p1 [sflag:s29], $0x68  }
0xe3: {  	[sflag:s29] =	ssyncset.done @!p1 $0x0  }
0xe4: {  	[sflag:s29] =	ssyncadd.s32 @!p1 $0xFFFFFF98  }
0xe5: {  	_ =	swait.ge @!p1 [sflag:s29], $0x68  }
0xe6: {  	[sflag:s29] =	ssyncset.done @!p1 $0x0  }
0xe7: {  	[sflag:s29] =	ssyncadd.s32 @!p1 $0xFFFFFF98;
	s29 =	simm.s32 @!p1 $0x600  }
0xe8: {  	[tilespmem:s29], [sflag:$0x7] =	stream.indirect.gather @!p1 [hbm4b:s4+s0], $0x80, s28, s0, $0xb8;
	[tilespmem:$0x1E380] =	vst v63  }
0xe9: {  	s0 =	rddreg [dreg:$0x17]  }
0xea: {  	s29 =	simm.s32 @!p1 $0x100;
	s0 =	sadd.s32 @!p1 s26, s0  }
0xeb: {  	[tilespmem:s29], [sflag:$0x3] =	stream.linear.gather @!p1 [hbm4b:s0+s28], $0x68, $0x38;
	[tilespmem:$0x1E380] =	vst v63  }
0xec: {  	s0 =	rddreg [dreg:$0x16]  }
0xed: {  	s29 =	simm.s32 @!p1 $0x400;
	s0 =	sadd.s32 @!p1 s26, s0  }
0xee: {  	[tilespmem:s29], [sflag:$0x3] =	stream.linear.gather @!p1 [hbm4b:s0+s28], $0x68, $0x38;
	[tilespmem:$0x1E380] =	vst v63  }
0xef: {  	_ =	swait.ge [sflag:s16], $0x3400  }
0xf0: {  	[sflag:s16] =	ssyncset.done $0x0  }
.Ltmp2:
0xf1: {  	[sflag:s16] =	ssyncadd.s32 $0xFFFFCC00;
	(pc) =	sbr.rel @p1 .LBB2_4-.Ltmp2, $4  }
0xf2: {  	[spmem:s1] =	stream.indirect.scatter.add.f32 [tilespmem:s30], [sflag:$0xC], $0x80, s13, s17, $0xb8;
	[tilespmem:$0x1E380] =	vst v63  }
0xf3: {  	_ =	swait.ge [sflag:s5], $0x3400  }
0xf4: {  	[sflag:s5] =	ssyncset.done $0x0  }
0xf5: {  	[sflag:s5] =	ssyncadd.s32 $0xFFFFCC00  }
0xf6: {  	_ =	swait.ge [sflag:s19], $0x68  }
0xf7: {  	[sflag:s19] =	ssyncset.done $0x0  }
0xf8: {  	[sflag:s19] =	ssyncadd.s32 $0xFFFFFF98  }
0xf9: {  	_ =	swait.ge [sflag:s19], $0x68  }
0xfa: {  	[sflag:s19] =	ssyncset.done $0x0  }
0xfb: {  	s0 =	simm.s32 $0x80;
	[sflag:s19] =	ssyncadd.s32 $0xFFFFFF98  }
0xfc: {  	[tilespmem:s20], [sflag:$0x8] =	stream.indirect.gather [hbm4b:s4+s17], $0x80, s0, s17, $0xb8;
	[tilespmem:$0x1E380] =	vst v63  }
.Ltmp3:
0xfd: {  	s29 =	rddreg [dreg:$0x15];
	(pc) =	sbr.rel .LBB2_2-.Ltmp3, $4  }
0xfe: {  	s31 =	rddreg [dreg:$0x14];
	s0 =	sadd.s32 s26, s29  }
0xff: {  	[tilespmem:s14], [sflag:$0x4] =	stream.linear.gather [hbm4b:s0+s2], $0x68, $0x38;
	[tilespmem:$0x1E380] =	vst v63  }
0x100: {  	s25 =	sadd.s32 $0x270, s25;
	s0 =	sadd.s32 s26, s31;
	s26 =	sadd.s32 $0x4E, s26  }
0x101: {  	[tilespmem:s15], [sflag:$0x4] =	stream.linear.gather [hbm4b:s0+s2], $0x68, $0x38;
	[tilespmem:$0x1E380] =	vst v63  }
.LBB2_5:
0x102: {  	_ =	sfence.sel $0x180000  }
0x103: {  	[bflag:$0x0] =	sbarrier.arrive $0xFFFF  }
0x104: {  	_ =	strace $0x9000004A  }
0x105: {  	s0 =	stileid.u32;
	[bflag:$0x2] =	sbarrier.arrive $0xFFFF  }
0x106: {  	p0 =	sne.s32 s0, $0x0;
	s0 =	rddreg [dreg:$0x3]  }
0x107: {  	s0 =	sadd.s32 @!p0 $0x100000, s0  }
0x108: {  	[sflag:s0] =	ssyncadd.tile.s32 @!p0 $0x1;
	_ =	shalt  }
.Lfunc_end2:
_tile_overlayer_lowered:
.L_overlay_start_2:
0x109: {  	(tag) =	ssettag $0x2  }
0x10a: {  	s0 =	rddreg [dreg:$0x0];
	s2 =	stileid.u32  }
0x10b: {  	s1 =	rddreg [dreg:$0x1];
	p0 =	sne.s32 s2, $0x0  }
0x10c: {  	s3 =	rddreg [dreg:$0x2];
	[bflag:$0x3] =	sbarrier.arrive $0xFFFF;
	s2 =	simm.s32 @!p0 $0x1C0D  }
0x10d: {  	[timem:s3], [sflag:s2] =	dma.local @!p0 [hbm:s0], s1  }
0x10e: {  	s0 =	simm.s32 @!p0 $0xD  }
0x10f: {  	_ =	swait.ge @!p0 [sflag:s0], s1  }
0x110: {  	s1 =	ssub.s32 @!p0 $0x0, s1;
	[sflag:s0] =	ssyncset.done @!p0 $0x0  }
0x111: {  	[sflag:s0] =	ssyncadd.s32 @!p0 s1  }
0x112: {  	[bflag:$0x3] =	sbarrier.arrive $0xFFFF  }
0x113: {  	_ =	shalt  }

// kernel: kernel.17.cloned.1.call-start
scs
__scs_entry_jumppad:
0x0: {  	(pc) =	sbr.rel $0x88, $3  }
0x1: {  	(tag) =	ssettag $0x0;
	lr =	simm.s32 $0x1  }
0x2: {  	[smem:$0x3F8E] =	sst lr;
	_ =	strace $0xD0000000  }
0x3: {  	_ = 	snop  }
0x4: {  	_ = 	snop  }
0x5: {  	_ = 	snop  }
0x6: {  	_ = 	snop  }
0x7: {  	_ = 	snop  }
__scs_overlays_trampoline_lowered:
0x8: {  	[smem:$0x3F9D] =	sst s0  }
0x9: {  	[smem:$0x3F9E] =	sst s1  }
0xa: {  	[smem:$0x3F9F] =	sst s2  }
0xb: {  	[smem:$0x3FA0] =	sst s3  }
0xc: {  	[smem:$0x3FA1] =	sst s4  }
0xd: {  	[smem:$0x3FA2] =	sst s5  }
0xe: {  	[smem:$0x3FA3] =	sst s6  }
0xf: {  	[smem:$0x3FA4] =	sst s7  }
0x10: {  	[smem:$0x3FA5] =	sst s8  }
0x11: {  	[smem:$0x3FA6] =	sst s9;
	s0 =	simm.s32 @!p0 $0x0  }
0x12: {  	s1 =	sld [smem:$0x3F8C];
	s0 =	simm.s32 @p0 $0x1  }
0x13: {  	[smem:$0x3FA7] =	sst s0;
	s0 =	simm.s32 @!p1 $0x0  }
0x14: {  	s2 =	sld [smem:$0x3F8B];
	s0 =	simm.s32 @p1 $0x1  }
0x15: {  	[smem:$0x3FA8] =	sst s0;
	s0 =	simm.s32 @!p2 $0x0  }
0x16: {  	s3 =	sld [smem:$0x3FDB];
	s0 =	simm.s32 @p2 $0x1  }
0x17: {  	s4 =	simm.s32 $0x1BF5;
	[smem:$0x3FAA] =	sst s0  }
0x18: {  	s0 =	sld [smem:$0x3F8D];
	_ =	swait.ge [sflag:s4], $0x0  }
0x19: {  	s7 =	sld [smem:$0x3F8E]  }
0x1a: {  	s8 =	sadd.s32 $0xFFFFE003, lr  }
0x1b: {  	s9 =	sadd.s32 $0xFFFFFEF7, lr;
	s5 =	simm.s32 $0xFFFFFFFF;
	p2 =	slt.u32 s8, $0xFFFFF086  }
0x1c: {  	p1 =	slt.u32 s9, $0xF7A;
	s5 =	simm.s32 @!p2 $0x0  }
0x1d: {  	s5 =	simm.s32 @p1 $0x1;
	p0 =	seq.s32 s7, s2  }
0x1e: {  	s7 =	smul.u32 @!p0 $0xF7A, s2;
	p2 =	seq.s32 @!p0 s5, $0x0  }
0x1f: {  	s9 =	smul.u32 $0xF7A, s1;
	s8 =	simm.s32 @!p0 $0x1BF5;
	p2 =	por !p2, p0  }
0x20: {  	[sflag:s8] =	ssyncset.s32 @!p0 $0xFFFFF086;
	s6 =	sadd.s32 @!p0 s3, s7;
	s7 =	simm.s32 @!p0 $0x108  }
0x21: {  	s3 =	sadd.s32 s3, s9;
	s6 =	sadd.s32 @!p0 $0x88, s6;
	s7 =	simm.s32 @p2 $0x1082  }
0x22: {  	[simem:s7], [sflag:s8] =	dma.local @!p0 [hbm:s6], $0xF7A  }
0x23: {  	s9 =	sor.u32 $0xD0000000, s2;
	s6 =	simm.s32 $0x108;
	_ =	swait.ge @!p0 [sflag:s8], $0x0  }
0x24: {  	s3 =	sadd.s32 $0x88, s3;
	s6 =	simm.s32 @!p1 $0x1082;
	[sflag:s4] =	ssyncset.s32 $0xFFFFF086  }
0x25: {  	[simem:s6], [sflag:s4] =	dma.local [hbm:s3], $0xF7A  }
0x26: {  	[smem:$0x3F8E] =	sst s1;
	(tag) =	ssettag s2;
	_ =	strace s9  }
0x27: {  	s1 =	sld [smem:$0x3F9E]  }
0x28: {  	s2 =	sld [smem:$0x3F9F]  }
0x29: {  	s4 =	sld [smem:$0x3FA1]  }
0x2a: {  	p0 =	seq.s32 s5, $0x0;
	s5 =	sld [smem:$0x3FA2]  }
0x2b: {  	s6 =	sld [smem:$0x3FA3]  }
0x2c: {  	s7 =	sld [smem:$0x3FA4]  }
0x2d: {  	s3 =	simm.s32 $0x108;
	s8 =	sld [smem:$0x3FA5]  }
0x2e: {  	s3 =	simm.s32 @!p0 $0x1082;
	s9 =	sld [smem:$0x3FA6]  }
0x2f: {  	lr =	sadd.s32 s0, s3;
	s0 =	sld [smem:$0x3F9D]  }
0x30: {  	s3 =	sld [smem:$0x3FA0]  }
0x31: {  	[smem:$0x3FA9] =	sst s10  }
0x32: {  	s10 =	sld [smem:$0x3FA7];
	_ =	sdelay $0x3  }
0x33: {  	p0 =	seq.s32 s10, $0x1;
	s10 =	sld [smem:$0x3FA9];
	_ =	sdelay $0x3  }
0x34: {  	[smem:$0x3FA9] =	sst s10  }
0x35: {  	s10 =	sld [smem:$0x3FA8];
	_ =	sdelay $0x3  }
0x36: {  	p1 =	seq.s32 s10, $0x1;
	s10 =	sld [smem:$0x3FA9];
	_ =	sdelay $0x3  }
0x37: {  	[smem:$0x3FA9] =	sst s10  }
0x38: {  	s10 =	sld [smem:$0x3FAA]  }
0x39: {  	_ = 	snop;
	(pc) =	sbr.ind lr, $3  }
0x3a: {  	_ = 	snop  }
0x3b: {  	_ = 	snop  }
0x3c: {  	p2 =	seq.s32 s10, $0x1;
	s10 =	sld [smem:$0x3FA9]  }
0x3d: {  	_ =	shalt  }
0x3e: {  	_ =	shalt  }
0x3f: {  	_ =	shalt  }
0x40: {  	_ =	shalt  }
0x41: {  	_ =	shalt  }
0x42: {  	_ =	shalt  }
0x43: {  	_ =	shalt  }
0x44: {  	_ =	shalt  }
0x45: {  	_ =	shalt  }
0x46: {  	_ =	shalt  }
0x47: {  	_ =	shalt  }
0x48: {  	_ =	shalt  }
0x49: {  	_ =	shalt  }
0x4a: {  	_ =	shalt  }
0x4b: {  	_ =	shalt  }
0x4c: {  	_ =	shalt  }
0x4d: {  	_ =	shalt  }
0x4e: {  	_ =	shalt  }
0x4f: {  	_ =	shalt  }
0x50: {  	_ =	shalt  }
0x51: {  	_ =	shalt  }
0x52: {  	_ =	shalt  }
0x53: {  	_ =	shalt  }
0x54: {  	_ =	shalt  }
0x55: {  	_ =	shalt  }
0x56: {  	_ =	shalt  }
0x57: {  	_ =	shalt  }
0x58: {  	_ =	shalt  }
0x59: {  	_ =	shalt  }
0x5a: {  	_ =	shalt  }
0x5b: {  	_ =	shalt  }
0x5c: {  	_ =	shalt  }
0x5d: {  	_ =	shalt  }
0x5e: {  	_ =	shalt  }
0x5f: {  	_ =	shalt  }
0x60: {  	_ =	shalt  }
0x61: {  	_ =	shalt  }
0x62: {  	_ =	shalt  }
0x63: {  	_ =	shalt  }
0x64: {  	_ =	shalt  }
0x65: {  	_ =	shalt  }
0x66: {  	_ =	shalt  }
0x67: {  	_ =	shalt  }
0x68: {  	_ =	shalt  }
0x69: {  	_ =	shalt  }
0x6a: {  	_ =	shalt  }
0x6b: {  	_ =	shalt  }
0x6c: {  	_ =	shalt  }
0x6d: {  	_ =	shalt  }
0x6e: {  	_ =	shalt  }
0x6f: {  	_ =	shalt  }
0x70: {  	_ =	shalt  }
0x71: {  	_ =	shalt  }
0x72: {  	_ =	shalt  }
0x73: {  	_ =	shalt  }
0x74: {  	_ =	shalt  }
0x75: {  	_ =	shalt  }
0x76: {  	_ =	shalt  }
0x77: {  	_ =	shalt  }
0x78: {  	_ =	shalt  }
0x79: {  	_ =	shalt  }
0x7a: {  	_ =	shalt  }
0x7b: {  	_ =	shalt  }
0x7c: {  	_ =	shalt  }
0x7d: {  	_ =	shalt  }
0x7e: {  	_ =	shalt  }
0x7f: {  	_ =	shalt  }
0x80: {  	_ =	shalt  }
0x81: {  	_ =	shalt  }
0x82: {  	_ =	shalt  }
0x83: {  	_ =	shalt  }
0x84: {  	_ =	shalt  }
0x85: {  	_ =	shalt  }
0x86: {  	_ =	shalt  }
0x87: {  	_ =	shalt  }
.Lfunc_end0:
.L_simem_size_0:
called_computation.2_lowered:
.L_overlay_start_0:
0x88: {  	s2 =	sld [smem:$0x3FD9]  }
0x89: {  	s3 =	sld [smem:$0x3FFE];
	_ =	sdelay $0x1  }
0x8a: {  	s1 =	srdreg.scid  }
0x8b: {  	s0 =	sand.u32 $0x1, s1  }
0x8c: {  	s17 =	sshll.u32 s0, $0xA;
	s2 =	sadd.s32 s3, s2  }
0x8d: {  	s2 =	sadd.s32 s2, s17  }
0x8e: {  	[smem:$0x3FB5] =	sst s2  }
0x8f: {  	_ = 	snop  }
0x90: {  	s2 =	sld [smem:$0x3FD0];
	(tm) =	ssettm $0x1  }
0x91: {  	s18 =	sld [smem:$0x3FFB];
	_ =	sdelay $0x3  }
0x92: {  	_ =	strace s18  }
0x93: {  	s3 =	sld [smem:$0x3FFC];
	_ =	sdelay $0x3  }
0x94: {  	_ =	strace s3  }
0x95: {  	s3 =	sld [smem:$0x3FFD];
	_ =	sdelay $0x3  }
0x96: {  	_ =	strace s3  }
0x97: {  	_ =	strace $0x8FFFFFFF  }
0x98: {  	s19 =	sld [smem:$0x3FDB];
	_ =	sdelay $0x1  }
0x99: {  	s4 =	simm.s32 $_scs_section_size  }
0x9a: {  	s5 =	simm.s32 $_size__tile_overlayer_lowered;
	s6 =	simm.s32 $_tile_overlayer_lowered  }
0x9b: {  	s22 =	simm.s32 $0x1BFF;
	s21 =	sshll.u32 s6, $0x1;
	s3 =	sadd.s32 s4, s19  }
0x9c: {  	s7 =	simm.s32 $0x0;
	s20 =	sshll.u32 s5, $0x1;
	s5 =	sadd.s32 s21, s3  }
0x9d: {  	[timem:s7], [sflag:s22] =	dma.local [hbm:s5], s20  }
0x9e: {  	_ =	swait.ge [sflag:s22], s20  }
0x9f: {  	s4 =	ssub.s32 $0x0, s20;
	[sflag:s22] =	ssyncset.done $0x0  }
0xa0: {  	[sflag:s22] =	ssyncadd.s32 s4;
	_ =	sdelay $0x1  }
0xa1: {  	s23 =	simm.s32 $0x1B8B  }
0xa2: {  	_ =	swait.ge [sflag:s23], $0x1  }
0xa3: {  	[sflag:s23] =	ssyncset.done $0x0  }
0xa4: {  	s25 =	simm.s32 $0x1B8E;
	s24 =	sld [smem:$0x3FFE];
	[sflag:s23] =	ssyncadd.s32 $0xFFFFFFFF  }
0xa5: {  	s26 =	simm.s32 $execute0_lowered;
	[smem:$0x3FD2] =	sst s25  }
0xa6: {  	s5 =	sshll.u32 s26, $0x1;
	_ =	strace $0x8000004C;
	[dreg:$0x1] =	wrdreg $0xFFFFFFFF  }
0xa7: {  	s28 =	simm.s32 $_size_execute0_lowered;
	s3 =	sadd.s32 s3, s5;
	[dreg:$0x0] =	wrdreg $0x0  }
0xa8: {  	s5 =	sshll.u32 s28, $0x1;
	[dreg:$0x2] =	wrdreg s3  }
0xa9: {  	[dreg:$0x3] =	wrdreg s5  }
0xaa: {  	[dreg:$0x4] =	wrdreg $0xC0  }
0xab: {  	_ =	task [dreg:s7], $0x5FFFF  }
0xac: {  	[dreg:$0x1] =	wrdreg $0xFFFFFFFF  }
0xad: {  	[dreg:$0x0] =	wrdreg $0x60  }
0xae: {  	[dreg:$0x2] =	wrdreg s24  }
0xaf: {  	[dreg:$0x3] =	wrdreg s2  }
0xb0: {  	[dreg:$0x4] =	wrdreg $0xAB000  }
0xb1: {  	[dreg:$0x5] =	wrdreg $0x9  }
0xb2: {  	_ =	task.clear_ibuf [dreg:s7], $0x6FFFF;
	_ =	strace $0x9000004C  }
0xb3: {  	s29 =	simm.s32 $0x9;
	_ =	strace $0x8000004E  }
0xb4: {  	_ =	swait.ge [sflag:s29], $0x1  }
0xb5: {  	[sflag:s29] =	ssyncadd.s32 $0xFFFFFFFF  }
0xb6: {  	_ =	strace $0x9000004E  }
0xb7: {  	_ =	sfence  }
0xb8: {  	s30 =	sld [smem:$0x0];
	_ =	sdelay $0x2  }
0xb9: {  	s31 =	sshll.u32 s1, $0xD;
	s1 =	sshrl.u32 s1, $0x2  }
0xba: {  	s3 =	sand.u32 $0x4000, s31;
	s1 =	sadd.s32 s1, s30  }
0xbb: {  	s0 =	sor.u32 s3, s0;
	s1 =	sshll.u32 s1, $0x11  }
0xbc: {  	s0 =	sor.u32 s1, s0  }
0xbd: {  	s0 =	sadd.s32 $0x8F2B, s0  }
0xbe: {  	[sflag:s0] =	ssyncadd.remote.s32 $0x1  }
0xbf: {  	_ =	sfence.sel $0xFFFF  }
0xc0: {  	[dreg:$0x0] =	wrdreg $0xFFFFFFFF;
	(pc) =	sbr.abs _section_cstart, $3  }
0xc1: {  	[dreg:$0x1] =	wrdreg $0xFFFFFFFF  }
0xc2: {  	_ =	task.clear_ibuf [dreg:s7], $0x2FFFF;
	_ =	strace $0x9FFFFFFF  }
0xc3: {  	(tm) =	ssettm $0x7FFFFFFF  }
tec
execute0_lowered:
.L_overlay_start_1:
0x0: {  	(tag) =	ssettag $0x1  }
0x1: {  	s0 =	rddreg [dreg:$0x0]  }
0x2: {  	s3 =	rddreg [dreg:$0x1]  }
0x3: {  	s1 =	rddreg [dreg:$0x2];
	s2 =	simm.s32 $0x0  }
0x4: {  	s5 =	srdreg.scid;
	s11 =	stileid.u32;
	s28 =	simm.s32 $0x1  }
0x5: {  	s30 =	simm.s32 $0x6E00;
	[smem:$0x7FF] =	sst s2;
	s4 =	sadd.s32 $0x17800, s0  }
0x6: {  	s12 =	sadd.s32 $0xDA00, s0;
	s5 =	sand.u32 $0x1, s5;
	s6 =	smul.u32 $0x4F000, s11  }
0x7: {  	s13 =	sadd.s32 $0x3C00, s0;
	s9 =	smul.u32 $0x2780, s11;
	s0 =	sadd.s32 $0x3EA00, s0  }
0x8: {  	s22 =	smul.u32 $0x13C00, s11;
	p0 =	seq.s32 s11, $0xF;
	_ =	strace $0x8000004D  }
0x9: {  	s7 =	sshll.u32 s5, $0x4;
	s8 =	ssub.s32 $0x2, s5;
	s20 =	smul.u32 $0x138800, s5  }
0xa: {  	s24 =	smul.u32 $0x27100, s5;
	s7 =	sor.u32 s11, s7;
	s10 =	sshrl.u32 s8, $0x1  }
0xb: {  	s6 =	sshrl.u32 s6, $0x2;
	s29 =	sadd.s32 s3, s9;
	s3 =	sadd.s32 $0x25080, s3  }
0xc: {  	s9 =	simm.s32 $0x8;
	s7 =	smul.u32 $0x2710, s7;
	[dreg:$0x5] =	wrdreg s29  }
0xd: {  	s8 =	ssub.s32 s8, s10;
	s6 =	sadd.s32 s6, s1;
	[dreg:$0x6] =	wrdreg s3  }
0xe: {  	s29 =	smul.u32 $0x2710, s11;
	s10 =	sshrl.u32 s20, $0x3;
	s31 =	sshrl.u32 s7, $0x3  }
0xf: {  	[dreg:$0x4] =	wrdreg s6;
	s14 =	sadd.s32 $0x68, s7;
	s15 =	sadd.s32 s12, s31  }
0x10: {  	s16 =	sshrl.u32 s14, $0x3;
	s17 =	sadd.s32 s13, s31;
	[dreg:$0x7] =	wrdreg s15  }
0x11: {  	s7 =	sadd.s32 $0x138, s7;
	[dreg:$0x8] =	wrdreg s17;
	s18 =	sadd.s32 s12, s16  }
0x12: {  	s19 =	sadd.s32 $0x1A, s31;
	s3 =	sadd.s32 s13, s16;
	[dreg:$0x9] =	wrdreg s18  }
0x13: {  	s7 =	sshrl.u32 s7, $0x3;
	s21 =	sadd.s32 s12, s19;
	[dreg:$0xa] =	wrdreg s3  }
0x14: {  	s11 =	simm.s32 $0x4;
	s23 =	sadd.s32 s12, s7;
	[dreg:$0xb] =	wrdreg s21  }
0x15: {  	s26 =	sadd.s32 $0x4E0, s31;
	s25 =	sadd.s32 s13, s7;
	[dreg:$0xd] =	wrdreg s23  }
0x16: {  	s31 =	sadd.s32 s12, s26;
	s5 =	sadd.s32 s13, s26;
	[dreg:$0xe] =	wrdreg s25  }
0x17: {  	s7 =	sadd.s32 s22, s20;
	s15 =	smax.u32 s8, $0x1;
	[dreg:$0xf] =	wrdreg s31  }
0x18: {  	s8 =	simm.s32 $0x200;
	s3 =	sadd.s32 s13, s19;
	[dreg:$0x10] =	wrdreg s5  }
0x19: {  	s5 =	sshrl.u32 s7, $0x3;
	[dreg:$0x13] =	wrdreg s15;
	s7 =	smov.u32 s13  }
0x1a: {  	s31 =	sadd.s32 $0x128400, s1;
	s15 =	simm.s32 $0x480;
	[dreg:$0xc] =	wrdreg s3  }
0x1b: {  	s3 =	sadd.s32 s29, s24;
	s5 =	sadd.s32 s0, s5;
	[dreg:$0x1f] =	wrdreg s31  }
0x1c: {  	s0 =	sadd.s32 s0, s10;
	s10 =	simm.s32 $0xA;
	[dreg:$0x11] =	wrdreg s5  }
0x1d: {  	s14 =	sadd.s32 $0x3A8, s3;
	s0 =	sadd.s32 $0x25080, s0;
	s17 =	sadd.s32 $0x340, s3  }
0x1e: {  	s6 =	sadd.s32 $0x2D8, s3;
	s23 =	sadd.s32 $0x208, s3;
	s24 =	sadd.s32 $0x1A0, s3  }
0x1f: {  	s3 =	sadd.s32 $0x270, s3;
	[dreg:$0x12] =	wrdreg s0;
	s16 =	sshrl.u32 s14, $0x3  }
0x20: {  	s18 =	sshrl.u32 s17, $0x3;
	s19 =	sshrl.u32 s6, $0x3;
	[dreg:$0x1a] =	wrdreg s3  }
0x21: {  	s3 =	smov.u32 s12;
	s14 =	simm.s32 $0x180;
	s5 =	sadd.s32 s16, s13  }
0x22: {  	s17 =	simm.s32 $0x68;
	s0 =	sadd.s32 s16, s12;
	[dreg:$0x14] =	wrdreg s5  }
0x23: {  	s6 =	simm.s32 $0x5;
	s20 =	sadd.s32 s18, s13;
	[dreg:$0x15] =	wrdreg s0  }
0x24: {  	s21 =	sadd.s32 s19, s13;
	s22 =	sadd.s32 s19, s12;
	[dreg:$0x16] =	wrdreg s20  }
0x25: {  	s19 =	simm.s32 $0x2;
	s16 =	simm.s32 $0x9;
	[dreg:$0x18] =	wrdreg s21  }
0x26: {  	s0 =	sadd.s32 s18, s12;
	[dreg:$0x19] =	wrdreg s22;
	s5 =	sshrl.u32 s24, $0x3  }
0x27: {  	s18 =	simm.s32 $0x600;
	s20 =	simm.s32 $0x3A00;
	s21 =	simm.s32 $0x7  }
0x28: {  	s22 =	simm.s32 $0x3;
	s24 =	simm.s32 $0x6;
	[dreg:$0x17] =	wrdreg s0  }
.Ltmp0:
0x29: {  	s0 =	sshrl.u32 s23, $0x3;
	s26 =	sadd.s32 s5, s13;
	(pc) =	sbr.rel .LBB2_1-.Ltmp0, $4  }
0x2a: {  	s29 =	sadd.s32 s5, s12;
	s5 =	simm.s32 $0xB;
	[dreg:$0x1d] =	wrdreg s26  }
0x2b: {  	s23 =	simm.s32 $0xC;
	s25 =	sadd.s32 s0, s13;
	[dreg:$0x1e] =	wrdreg s29  }
0x2c: {  	s0 =	sadd.s32 s0, s12;
	s12 =	simm.s32 $0x280;
	[dreg:$0x1b] =	wrdreg s25  }
0x2d: {  	s13 =	simm.s32 $0x580;
	s26 =	simm.s32 $0x0;
	[dreg:$0x1c] =	wrdreg s0  }
.LBB2_4:
0x2e: {  	_ =	swait.ge [sflag:s23], $0x3400  }
0x2f: {  	s25 =	simm.s32 $0xA200;
	[sflag:s23] =	ssyncset.done $0x0  }
0x30: {  	s26 =	simm.s32 $0xD;
	s0 =	rddreg [dreg:$0xf];
	[sflag:s23] =	ssyncadd.s32 $0xFFFFCC00  }
0x31: {  	[tilespmem:s25], [sflag:$0xD] =	stream.linear.gather [hbm4b:s0+s2], $0x10, $0x38;
	[tilespmem:$0x1E380] =	vst v63  }
0x32: {  	_ =	swait.ge [sflag:s26], $0x10  }
0x33: {  	[sflag:s26] =	ssyncset.done $0x0  }
0x34: {  	s29 =	simm.s32 $0xA280;
	s31 =	rddreg [dreg:$0x10];
	[sflag:s26] =	ssyncadd.s32 $0xFFFFFFF0  }
0x35: {  	[tilespmem:s29], [sflag:$0xD] =	stream.linear.gather [hbm4b:s31+s2], $0x10, $0x38;
	[tilespmem:$0x1E380] =	vst v63  }
0x36: {  	_ =	swait.ge [sflag:s26], $0x10  }
0x37: {  	s28 =	simm.s32 $0x1;
	[sflag:s26] =	ssyncset.done $0x0  }
0x38: {  	s0 =	simm.s32 $0x10;
	s31 =	simm.s32 $0xA300;
	[sflag:s26] =	ssyncadd.s32 $0xFFFFFFF0  }
0x39: {  	[tilespmem:s31], [sflag:$0x1] =	stream.indirect.gather [hbm4b:s4+s0], $0x80, s25, s0, $0xb8;
	[tilespmem:$0x1E380] =	vst v63  }
0x3a: {  	_ =	swait.ge [sflag:s28], $0x800  }
0x3b: {  	[sflag:s28] =	ssyncset.done $0x0  }
0x3c: {  	[sflag:s28] =	ssyncadd.s32 $0xFFFFF800  }
0x3d: {  	[spmem:s1] =	stream.indirect.scatter.add.f32 [tilespmem:s31], [sflag:$0xD], $0x80, s29, s0, $0xb8;
	[tilespmem:$0x1E380] =	vst v63  }
0x3e: {  	_ =	swait.ge [sflag:s26], $0x800  }
0x3f: {  	[sflag:s26] =	ssyncset.done $0x0  }
0x40: {  	[sflag:s26] =	ssyncadd.s32 $0xFFFFF800  }
0x41: {  	[bflag:$0x0] =	sbarrier.arrive $0xFFFF  }
0x42: {  	s26 =	sld [smem:$0x7FB];
	_ =	sdelay $0x1  }
0x43: {  	s0 =	simm.s32 @p0 $0x1FCD;
	s25 =	rddreg [dreg:$0x12]  }
0x44: {  	[hbm:s25], [sflag:s0] =	dma.local @p0 [spmem:s26], $0x2080  }
0x45: {  	s0 =	simm.s32 @p0 $0xD  }
0x46: {  	_ =	swait.ge @p0 [sflag:s0], $0x2080  }
0x47: {  	[sflag:s0] =	ssyncset.done @p0 $0x0  }
0x48: {  	[sflag:s0] =	ssyncadd.s32 @p0 $0xFFFFDF80;
	s0 =	sld [smem:$0x7FC]  }
0x49: {  	s26 =	sld [smem:$0x7FD];
	_ =	sdelay $0x1  }
0x4a: {  	s25 =	rddreg [dreg:$0x11];
	s0 =	sor.u32 @!p0 $0x1C0D, s0  }
0x4b: {  	[hbm:s25], [sflag:s0] =	dma.local @!p0 [spmem:s26], $0x2780  }
0x4c: {  	s0 =	simm.s32 @!p0 $0xD  }
0x4d: {  	_ =	swait.ge @!p0 [sflag:s0], $0x2780  }
0x4e: {  	s29 =	sld [smem:$0x7FA];
	_ =	sdelay $0x2  }
0x4f: {  	s31 =	rddreg [dreg:$0x13];
	s26 =	sadd.s32 $0x1, s29  }
0x50: {  	p1 =	sne.s32 s26, s31  }
.Ltmp1:
0x51: {  	_ = 	snop;
	(pc) =	sbr.rel @!p1 .LBB2_5-.Ltmp1, $3  }
0x52: {  	_ =	sdelay $0x1  }
0x53: {  	[sflag:s0] =	ssyncset.done @!p0 $0x0  }
0x54: {  	[sflag:s0] =	ssyncadd.s32 @!p0 $0xFFFFD880  }
.LBB2_1:
0x55: {  	[smem:$0x7FA] =	sst s26  }
0x56: {  	s0 =	rddreg [dreg:$0x1f]  }
0x57: {  	s26 =	sshrl.u32 @p0 s0, $0x3;
	s0 =	rddreg [dreg:$0x6]  }
0x58: {  	s25 =	simm.s32 @p0 $0x1FCA;
	[smem:$0x7FB] =	sst s26  }
0x59: {  	[spmem:s26], [sflag:s25] =	dma.local @p0 [hbm:s0], $0x2080  }
0x5a: {  	s0 =	stileid.u32  }
0x5b: {  	s0 =	sshll.u32 @!p0 s0, $0x6  }
0x5c: {  	[smem:$0x7FC] =	sst s0  }
0x5d: {  	s25 =	sor.u32 @!p0 $0x1C0A, s0;
	s0 =	rddreg [dreg:$0x4]  }
0x5e: {  	s26 =	sshrl.u32 @!p0 s0, $0x3;
	s0 =	rddreg [dreg:$0x5]  }
0x5f: {  	[smem:$0x7FD] =	sst s26  }
0x60: {  	[spmem:s26], [sflag:s25] =	dma.local @!p0 [hbm:s0], $0x2780  }
0x61: {  	s0 =	rddreg [dreg:$0x7]  }
0x62: {  	[tilespmem:s2], [sflag:$0x1] =	stream.linear.gather [hbm4b:s0+s2], $0x68, $0x38;
	[tilespmem:$0x1E380] =	vst v63  }
0x63: {  	s31 =	simm.s32 $0x300;
	s29 =	rddreg [dreg:$0x8]  }
0x64: {  	[tilespmem:s31], [sflag:$0x1] =	stream.linear.gather [hbm4b:s29+s2], $0x68, $0x38;
	[tilespmem:$0x1E380] =	vst v63  }
0x65: {  	s25 =	simm.s32 $0x80;
	s26 =	rddreg [dreg:$0x9]  }
0x66: {  	[tilespmem:s25], [sflag:$0x2] =	stream.linear.gather [hbm4b:s26+s2], $0x68, $0x38;
	[tilespmem:$0x1E380] =	vst v63  }
0x67: {  	s29 =	rddreg [dreg:$0xa];
	s31 =	simm.s32 $0x380  }
0x68: {  	[tilespmem:s31], [sflag:$0x2] =	stream.linear.gather [hbm4b:s29+s2], $0x68, $0x38;
	[tilespmem:$0x1E380] =	vst v63  }
0x69: {  	s29 =	rddreg [dreg:$0xb];
	s31 =	simm.s32 $0x100  }
0x6a: {  	[tilespmem:s31], [sflag:$0x3] =	stream.linear.gather [hbm4b:s29+s2], $0x68, $0x38;
	[tilespmem:$0x1E380] =	vst v63  }
0x6b: {  	s29 =	rddreg [dreg:$0xc];
	s31 =	simm.s32 $0x400  }
0x6c: {  	[tilespmem:s31], [sflag:$0x3] =	stream.linear.gather [hbm4b:s29+s2], $0x68, $0x38;
	[tilespmem:$0x1E380] =	vst v63  }
0x6d: {  	s29 =	rddreg [dreg:$0xd]  }
0x6e: {  	[tilespmem:s14], [sflag:$0x4] =	stream.linear.gather [hbm4b:s29+s2], $0x68, $0x38;
	[tilespmem:$0x1E380] =	vst v63  }
0x6f: {  	s31 =	rddreg [dreg:$0xe]  }
0x70: {  	[tilespmem:s15], [sflag:$0x4] =	stream.linear.gather [hbm4b:s31+s2], $0x68, $0x38;
	[tilespmem:$0x1E380] =	vst v63  }
0x71: {  	_ =	swait.ge [sflag:s28], $0x68  }
0x72: {  	[sflag:s28] =	ssyncset.done $0x0  }
0x73: {  	[sflag:s28] =	ssyncadd.s32 $0xFFFFFF98  }
0x74: {  	_ =	swait.ge [sflag:s28], $0x68  }
0x75: {  	[sflag:s28] =	ssyncset.done $0x0  }
0x76: {  	[sflag:s28] =	ssyncadd.s32 $0xFFFFFF98  }
0x77: {  	[tilespmem:s18], [sflag:$0x7] =	stream.indirect.gather [hbm4b:s4+s17], $0x80, s2, s17, $0xb8;
	[tilespmem:$0x1E380] =	vst v63  }
0x78: {  	_ =	swait.ge [sflag:s19], $0x68  }
0x79: {  	[sflag:s19] =	ssyncset.done $0x0  }
0x7a: {  	[sflag:s19] =	ssyncadd.s32 $0xFFFFFF98  }
0x7b: {  	_ =	swait.ge [sflag:s19], $0x68  }
0x7c: {  	[sflag:s19] =	ssyncset.done $0x0  }
0x7d: {  	[sflag:s19] =	ssyncadd.s32 $0xFFFFFF98  }
0x7e: {  	[tilespmem:s20], [sflag:$0x8] =	stream.indirect.gather [hbm4b:s4+s17], $0x80, s25, s17, $0xb8;
	[tilespmem:$0x1E380] =	vst v63  }
0x7f: {  	s25 =	simm.s32 @p0 $0xA  }
0x80: {  	_ =	swait.ge @p0 [sflag:s25], $0x2080  }
0x81: {  	[sflag:s25] =	ssyncset.done @p0 $0x0  }
0x82: {  	[sflag:s25] =	ssyncadd.s32 @p0 $0xFFFFDF80;
	s25 =	simm.s32 @!p0 $0xA  }
0x83: {  	_ =	swait.ge @!p0 [sflag:s25], $0x2780  }
0x84: {  	[sflag:s25] =	ssyncset.done @!p0 $0x0  }
0x85: {  	[sflag:s25] =	ssyncadd.s32 @!p0 $0xFFFFD880  }
0x86: {  	[bflag:$0x0] =	sbarrier.arrive $0xFFFF  }
0x87: {  	s26 =	simm.s32 $0x0;
	s25 =	rddreg [dreg:$0x1a]  }
.LBB2_2:
0x88: {  	_ =	swait.ge [sflag:s21], $0x3400  }
0x89: {  	p1 =	seq.s32 s26, $0x0;
	[sflag:s21] =	ssyncset.done $0x0  }
0x8a: {  	s0 =	simm.s32 $0x300;
	s28 =	simm.s32 @!p1 $0xC;
	[sflag:s21] =	ssyncadd.s32 $0xFFFFCC00  }
0x8b: {  	[spmem:s1] =	stream.indirect.scatter.add.f32 [tilespmem:s18], [sflag:$0xA], $0x80, s0, s17, $0xb8;
	[tilespmem:$0x1E380] =	vst v63  }
0x8c: {  	_ =	swait.ge @!p1 [sflag:s28], $0x3400  }
0x8d: {  	[sflag:s28] =	ssyncset.done @!p1 $0x0  }
0x8e: {  	[sflag:s28] =	ssyncadd.s32 @!p1 $0xFFFFCC00  }
0x8f: {  	_ =	swait.ge [sflag:s22], $0x68  }
0x90: {  	[sflag:s22] =	ssyncset.done $0x0  }
0x91: {  	[sflag:s22] =	ssyncadd.s32 $0xFFFFFF98  }
0x92: {  	_ =	swait.ge [sflag:s22], $0x68  }
0x93: {  	[sflag:s22] =	ssyncset.done $0x0  }
0x94: {  	s29 =	simm.s32 $0x100;
	s31 =	rddreg [dreg:$0x1e];
	[sflag:s22] =	ssyncadd.s32 $0xFFFFFF98  }
0x95: {  	[tilespmem:s30], [sflag:$0x9] =	stream.indirect.gather [hbm4b:s4+s17], $0x80, s29, s17, $0xb8;
	[tilespmem:$0x1E380] =	vst v63  }
0x96: {  	s28 =	rddreg [dreg:$0x1d];
	s0 =	sadd.s32 s26, s31  }
0x97: {  	[tilespmem:s8], [sflag:$0x5] =	stream.linear.gather [hbm4b:s0+s2], $0x68, $0x38;
	[tilespmem:$0x1E380] =	vst v63  }
0x98: {  	s31 =	simm.s32 $0x500;
	s29 =	sadd.s32 s26, s28  }
0x99: {  	[tilespmem:s31], [sflag:$0x5] =	stream.linear.gather [hbm4b:s29+s2], $0x68, $0x38;
	[tilespmem:$0x1E380] =	vst v63  }
0x9a: {  	_ =	swait.ge [sflag:s9], $0x3400  }
0x9b: {  	[sflag:s9] =	ssyncset.done $0x0  }
0x9c: {  	s29 =	simm.s32 $0x380;
	[sflag:s9] =	ssyncadd.s32 $0xFFFFCC00  }
0x9d: {  	[spmem:s1] =	stream.indirect.scatter.add.f32 [tilespmem:s20], [sflag:$0xB], $0x80, s29, s17, $0xb8;
	[tilespmem:$0x1E380] =	vst v63  }
0x9e: {  	_ =	swait.ge [sflag:s10], $0x3400  }
0x9f: {  	[sflag:s10] =	ssyncset.done $0x0  }
0xa0: {  	[sflag:s10] =	ssyncadd.s32 $0xFFFFCC00  }
0xa1: {  	_ =	swait.ge [sflag:s11], $0x68  }
0xa2: {  	[sflag:s11] =	ssyncset.done $0x0  }
0xa3: {  	[sflag:s11] =	ssyncadd.s32 $0xFFFFFF98  }
0xa4: {  	_ =	swait.ge [sflag:s11], $0x68  }
0xa5: {  	[sflag:s11] =	ssyncset.done $0x0  }
0xa6: {  	s31 =	rddreg [dreg:$0x1c];
	[sflag:s11] =	ssyncadd.s32 $0xFFFFFF98  }
0xa7: {  	[tilespmem:s18], [sflag:$0x7] =	stream.indirect.gather [hbm4b:s4+s17], $0x80, s14, s17, $0xb8;
	[tilespmem:$0x1E380] =	vst v63  }
0xa8: {  	s28 =	rddreg [dreg:$0x1b];
	s0 =	sadd.s32 s26, s31  }
0xa9: {  	[tilespmem:s12], [sflag:$0x6] =	stream.linear.gather [hbm4b:s0+s2], $0x68, $0x38;
	[tilespmem:$0x1E380] =	vst v63  }
0xaa: {  	s29 =	sadd.s32 s26, s28  }
0xab: {  	[tilespmem:s13], [sflag:$0x6] =	stream.linear.gather [hbm4b:s29+s2], $0x68, $0x38;
	[tilespmem:$0x1E380] =	vst v63  }
0xac: {  	_ =	swait.ge [sflag:s16], $0x3400  }
0xad: {  	[sflag:s16] =	ssyncset.done $0x0  }
0xae: {  	s31 =	simm.s32 $0x400;
	[sflag:s16] =	ssyncadd.s32 $0xFFFFCC00  }
0xaf: {  	[spmem:s1] =	stream.indirect.scatter.add.f32 [tilespmem:s30], [sflag:$0xC], $0x80, s31, s17, $0xb8;
	[tilespmem:$0x1E380] =	vst v63  }
0xb0: {  	_ =	swait.ge [sflag:s5], $0x3400  }
0xb1: {  	[sflag:s5] =	ssyncset.done $0x0  }
0xb2: {  	[sflag:s5] =	ssyncadd.s32 $0xFFFFCC00  }
0xb3: {  	_ =	swait.ge [sflag:s6], $0x68  }
0xb4: {  	[sflag:s6] =	ssyncset.done $0x0  }
0xb5: {  	[sflag:s6] =	ssyncadd.s32 $0xFFFFFF98  }
0xb6: {  	_ =	swait.ge [sflag:s6], $0x68  }
0xb7: {  	p1 =	seq.s32 s26, $0x492;
	[sflag:s6] =	ssyncset.done $0x0  }
0xb8: {  	s29 =	sshrl.u32 @!p1 s25, $0x3;
	[sflag:s6] =	ssyncadd.s32 $0xFFFFFF98  }
0xb9: {  	[tilespmem:s20], [sflag:$0x8] =	stream.indirect.gather [hbm4b:s4+s17], $0x80, s8, s17, $0xb8;
	[tilespmem:$0x1E380] =	vst v63  }
0xba: {  	s28 =	simm.s32 @!p1 $0x0;
	s31 =	sadd.s32 @!p1 s3, s29  }
0xbb: {  	[tilespmem:s28], [sflag:$0x1] =	stream.linear.gather @!p1 [hbm4b:s31+s28], $0x68, $0x38;
	[tilespmem:$0x1E380] =	vst v63  }
0xbc: {  	s29 =	sadd.s32 @!p1 s7, s29;
	s31 =	simm.s32 @!p1 $0x300  }
0xbd: {  	[tilespmem:s31], [sflag:$0x1] =	stream.linear.gather @!p1 [hbm4b:s29+s28], $0x68, $0x38;
	[tilespmem:$0x1E380] =	vst v63  }
0xbe: {  	_ =	swait.ge [sflag:s21], $0x3400  }
0xbf: {  	[sflag:s21] =	ssyncset.done $0x0  }
0xc0: {  	[sflag:s21] =	ssyncadd.s32 $0xFFFFCC00  }
0xc1: {  	[spmem:s1] =	stream.indirect.scatter.add.f32 [tilespmem:s18], [sflag:$0xA], $0x80, s15, s17, $0xb8;
	[tilespmem:$0x1E380] =	vst v63  }
0xc2: {  	_ =	swait.ge [sflag:s23], $0x3400  }
0xc3: {  	[sflag:s23] =	ssyncset.done $0x0  }
0xc4: {  	[sflag:s23] =	ssyncadd.s32 $0xFFFFCC00  }
0xc5: {  	_ =	swait.ge [sflag:s24], $0x68  }
0xc6: {  	[sflag:s24] =	ssyncset.done $0x0  }
0xc7: {  	[sflag:s24] =	ssyncadd.s32 $0xFFFFFF98  }
0xc8: {  	_ =	swait.ge [sflag:s24], $0x68  }
0xc9: {  	[sflag:s24] =	ssyncset.done $0x0  }
0xca: {  	s29 =	simm.s32 @p1 $0x8;
	[sflag:s24] =	ssyncadd.s32 $0xFFFFFF98  }
0xcb: {  	[tilespmem:s30], [sflag:$0x9] =	stream.indirect.gather [hbm4b:s4+s17], $0x80, s12, s17, $0xb8;
	[tilespmem:$0x1E380] =	vst v63  }
0xcc: {  	_ =	swait.ge @p1 [sflag:s29], $0x3400  }
0xcd: {  	s0 =	simm.s32 @p1 $0x3A00;
	[sflag:s29] =	ssyncset.done @p1 $0x0  }
0xce: {  	s31 =	simm.s32 @p1 $0x500;
	[sflag:s29] =	ssyncadd.s32 @p1 $0xFFFFCC00;
	s29 =	simm.s32 @p1 $0x68  }
0xcf: {  	[spmem:s1] =	stream.indirect.scatter.add.f32 @p1 [tilespmem:s0], [sflag:$0xB], $0x80, s31, s29, $0xb8;
	[tilespmem:$0x1E380] =	vst v63  }
0xd0: {  	s0 =	simm.s32 @p1 $0xA  }
0xd1: {  	_ =	swait.ge @p1 [sflag:s0], $0x3400  }
0xd2: {  	[sflag:s0] =	ssyncset.done @p1 $0x0  }
0xd3: {  	[sflag:s0] =	ssyncadd.s32 @p1 $0xFFFFCC00;
	s0 =	rddreg [dreg:$0x19]  }
0xd4: {  	s29 =	simm.s32 @!p1 $0x80;
	s0 =	sadd.s32 @!p1 s26, s0  }
0xd5: {  	[tilespmem:s29], [sflag:$0x2] =	stream.linear.gather @!p1 [hbm4b:s0+s28], $0x68, $0x38;
	[tilespmem:$0x1E380] =	vst v63  }
0xd6: {  	s0 =	rddreg [dreg:$0x18]  }
0xd7: {  	s29 =	simm.s32 @!p1 $0x380;
	s0 =	sadd.s32 @!p1 s26, s0  }
0xd8: {  	[tilespmem:s29], [sflag:$0x2] =	stream.linear.gather @!p1 [hbm4b:s0+s28], $0x68, $0x38;
	[tilespmem:$0x1E380] =	vst v63  }
0xd9: {  	s0 =	simm.s32 @!p1 $0x8  }
0xda: {  	_ =	swait.ge @!p1 [sflag:s0], $0x3400  }
0xdb: {  	s31 =	simm.s32 @!p1 $0x3A00;
	[sflag:s0] =	ssyncset.done @!p1 $0x0  }
0xdc: {  	s29 =	simm.s32 @!p1 $0x500;
	[sflag:s0] =	ssyncadd.s32 @!p1 $0xFFFFCC00;
	s0 =	simm.s32 @!p1 $0x68  }
0xdd: {  	[spmem:s1] =	stream.indirect.scatter.add.f32 @!p1 [tilespmem:s31], [sflag:$0xB], $0x80, s29, s0, $0xb8;
	[tilespmem:$0x1E380] =	vst v63  }
0xde: {  	s29 =	simm.s32 @!p1 $0xA  }
0xdf: {  	_ =	swait.ge @!p1 [sflag:s29], $0x3400  }
0xe0: {  	[sflag:s29] =	ssyncset.done @!p1 $0x0  }
0xe1: {  	[sflag:s29] =	ssyncadd.s32 @!p1 $0xFFFFCC00;
	s29 =	simm.s32 @!p1 $0x1  }
0xe2: {  	_ =	swait.ge @!p1 [sflag:s29], $0x68  }
0xe3: {  	[sflag:s29] =	ssyncset.done @!p1 $0x0  }
0xe4: {  	[sflag:s29] =	ssyncadd.s32 @!p1 $0xFFFFFF98  }
0xe5: {  	_ =	swait.ge @!p1 [sflag:s29], $0x68  }
0xe6: {  	[sflag:s29] =	ssyncset.done @!p1 $0x0  }
0xe7: {  	[sflag:s29] =	ssyncadd.s32 @!p1 $0xFFFFFF98;
	s29 =	simm.s32 @!p1 $0x600  }
0xe8: {  	[tilespmem:s29], [sflag:$0x7] =	stream.indirect.gather @!p1 [hbm4b:s4+s0], $0x80, s28, s0, $0xb8;
	[tilespmem:$0x1E380] =	vst v63  }
0xe9: {  	s0 =	rddreg [dreg:$0x17]  }
0xea: {  	s29 =	simm.s32 @!p1 $0x100;
	s0 =	sadd.s32 @!p1 s26, s0  }
0xeb: {  	[tilespmem:s29], [sflag:$0x3] =	stream.linear.gather @!p1 [hbm4b:s0+s28], $0x68, $0x38;
	[tilespmem:$0x1E380] =	vst v63  }
0xec: {  	s0 =	rddreg [dreg:$0x16]  }
0xed: {  	s29 =	simm.s32 @!p1 $0x400;
	s0 =	sadd.s32 @!p1 s26, s0  }
0xee: {  	[tilespmem:s29], [sflag:$0x3] =	stream.linear.gather @!p1 [hbm4b:s0+s28], $0x68, $0x38;
	[tilespmem:$0x1E380] =	vst v63  }
0xef: {  	_ =	swait.ge [sflag:s16], $0x3400  }
0xf0: {  	[sflag:s16] =	ssyncset.done $0x0  }
.Ltmp2:
0xf1: {  	[sflag:s16] =	ssyncadd.s32 $0xFFFFCC00;
	(pc) =	sbr.rel @p1 .LBB2_4-.Ltmp2, $4  }
0xf2: {  	[spmem:s1] =	stream.indirect.scatter.add.f32 [tilespmem:s30], [sflag:$0xC], $0x80, s13, s17, $0xb8;
	[tilespmem:$0x1E380] =	vst v63  }
0xf3: {  	_ =	swait.ge [sflag:s5], $0x3400  }
0xf4: {  	[sflag:s5] =	ssyncset.done $0x0  }
0xf5: {  	[sflag:s5] =	ssyncadd.s32 $0xFFFFCC00  }
0xf6: {  	_ =	swait.ge [sflag:s19], $0x68  }
0xf7: {  	[sflag:s19] =	ssyncset.done $0x0  }
0xf8: {  	[sflag:s19] =	ssyncadd.s32 $0xFFFFFF98  }
0xf9: {  	_ =	swait.ge [sflag:s19], $0x68  }
0xfa: {  	[sflag:s19] =	ssyncset.done $0x0  }
0xfb: {  	s0 =	simm.s32 $0x80;
	[sflag:s19] =	ssyncadd.s32 $0xFFFFFF98  }
0xfc: {  	[tilespmem:s20], [sflag:$0x8] =	stream.indirect.gather [hbm4b:s4+s17], $0x80, s0, s17, $0xb8;
	[tilespmem:$0x1E380] =	vst v63  }
.Ltmp3:
0xfd: {  	s29 =	rddreg [dreg:$0x15];
	(pc) =	sbr.rel .LBB2_2-.Ltmp3, $4  }
0xfe: {  	s31 =	rddreg [dreg:$0x14];
	s0 =	sadd.s32 s26, s29  }
0xff: {  	[tilespmem:s14], [sflag:$0x4] =	stream.linear.gather [hbm4b:s0+s2], $0x68, $0x38;
	[tilespmem:$0x1E380] =	vst v63  }
0x100: {  	s25 =	sadd.s32 $0x270, s25;
	s0 =	sadd.s32 s26, s31;
	s26 =	sadd.s32 $0x4E, s26  }
0x101: {  	[tilespmem:s15], [sflag:$0x4] =	stream.linear.gather [hbm4b:s0+s2], $0x68, $0x38;
	[tilespmem:$0x1E380] =	vst v63  }
.LBB2_5:
0x102: {  	_ =	sfence.sel $0x180000  }
0x103: {  	[bflag:$0x0] =	sbarrier.arrive $0xFFFF  }
0x104: {  	_ =	strace $0x9000004D  }
0x105: {  	s0 =	stileid.u32;
	[bflag:$0x2] =	sbarrier.arrive $0xFFFF  }
0x106: {  	p0 =	sne.s32 s0, $0x0;
	s0 =	rddreg [dreg:$0x3]  }
0x107: {  	s0 =	sadd.s32 @!p0 $0x100000, s0  }
0x108: {  	[sflag:s0] =	ssyncadd.tile.s32 @!p0 $0x1;
	_ =	shalt  }
.Lfunc_end2:
_tile_overlayer_lowered:
.L_overlay_start_2:
0x109: {  	(tag) =	ssettag $0x2  }
0x10a: {  	s0 =	rddreg [dreg:$0x0];
	s2 =	stileid.u32  }
0x10b: {  	s1 =	rddreg [dreg:$0x1];
	p0 =	sne.s32 s2, $0x0  }
0x10c: {  	s3 =	rddreg [dreg:$0x2];
	[bflag:$0x3] =	sbarrier.arrive $0xFFFF;
	s2 =	simm.s32 @!p0 $0x1C0D  }
0x10d: {  	[timem:s3], [sflag:s2] =	dma.local @!p0 [hbm:s0], s1  }
0x10e: {  	s0 =	simm.s32 @!p0 $0xD  }
0x10f: {  	_ =	swait.ge @!p0 [sflag:s0], s1  }
0x110: {  	s1 =	ssub.s32 @!p0 $0x0, s1;
	[sflag:s0] =	ssyncset.done @!p0 $0x0  }
0x111: {  	[sflag:s0] =	ssyncadd.s32 @!p0 s1  }
0x112: {  	[bflag:$0x3] =	sbarrier.arrive $0xFFFF  }
0x113: {  	_ =	shalt  }

</sc_bundles>
